<compile_context>
chip_gen: v7x
topology: tpu7x:2x2x1
jax: 0.10.2.dev20260603
libtpu: 0.0.44.dev20260713+nightly
codegen_flags: <defaults>
</compile_context>

<pallas_src>
import functools

import jax
import jax.numpy as jnp
from jax import lax
from jax.experimental import pallas as pl
from jax.experimental.pallas import tpu as pltpu
from jax.experimental.pallas import tpu_sc as plsc

_STORAGE_SIZE = 100000
_CAMS = 8
_FEATS = 7
_BATCH = 16384

_NW = 32
_FRAMES_W = _BATCH // _NW
_LOOK_W = _FRAMES_W * _CAMS
_CHUNK = 128
_NCHUNK = _LOOK_W // _CHUNK
_L = 16
_PROWS = _STORAGE_SIZE * _CAMS // 8


def _sc_body(frame_hbm, p0_hbm, p1_hbm, p2_hbm, p3_hbm, p4_hbm, p5_hbm,
             p6_hbm, rot_hbm, trans_hbm, focal_hbm,
             fidx_v, idx2d, s_st, rows7a, rows7b, rot_st, trans_st, focal_st,
             sema, semb):
    wid = lax.axis_index("s") * 2 + lax.axis_index("c")
    planes = (p0_hbm, p1_hbm, p2_hbm, p3_hbm, p4_hbm, p5_hbm, p6_hbm)

    iota = lax.iota(jnp.int32, _L)
    sel = lax.shift_right_logical(iota, 3)
    camoff = (iota & 7) * _STORAGE_SIZE

    pltpu.sync_copy(frame_hbm.at[pl.ds(wid * _FRAMES_W, _FRAMES_W)], fidx_v)

    def build(c, carry):
        for u in range(8):
            p0 = c * _CHUNK + u * _L
            frames = lax.shift_right_logical(p0, 3) + sel
            fvals = plsc.load_gather(fidx_v, [frames])
            r = fvals + camoff
            s_st[pl.ds(p0, _L)] = r & 7
            idx2d[c, pl.ds(u * _L, _L)] = lax.shift_right_logical(r, 3)
        return carry

    lax.fori_loop(0, _NCHUNK, build, 0)

    def fire(c, buf, sem):
        for j in range(_FEATS):
            pltpu.async_copy(planes[j].at[idx2d.at[c]], buf.at[j], sem)

    def drain(c, buf, sem):
        for j in range(_FEATS):
            pltpu.make_async_copy(
                planes[j].at[idx2d.at[c]], buf.at[j], sem).wait()

    def split(c, rows7):
        c16 = c * 16
        cbase = c * _CHUNK
        for k in range(24):
            q = k * _L + iota
            l = lax.shift_right_logical(q * 171, 9)
            jv = q - l * 3
            sv = plsc.load_gather(s_st, [cbase + l])
            fl = lax.shift_right_logical(l, 3) + c16
            fhi = lax.shift_right_logical(fl, 7)
            flo = fl & 127
            i1 = l & 7
            rotv = plsc.load_gather(rows7, [jv, l, sv])
            plsc.store_scatter(rot_st, [jv, fhi, i1, flo], rotv)
            transv = plsc.load_gather(rows7, [jv + 3, l, sv]) * 10.0
            plsc.store_scatter(trans_st, [jv, fhi, i1, flo], transv)
        col6 = (iota & 0) + 6
        for k in range(8):
            q = k * _L + iota
            sv = plsc.load_gather(s_st, [cbase + q])
            focv = plsc.load_gather(rows7, [col6, q, sv]) * 1000.0
            fl = lax.shift_right_logical(q, 3) + c16
            plsc.store_scatter(
                focal_st,
                [lax.shift_right_logical(fl, 7), q & 7, fl & 127], focv)

    fire(0, rows7a, sema)

    def pair(i, carry):
        ca = 2 * i
        fire(ca + 1, rows7b, semb)
        drain(ca, rows7a, sema)
        split(ca, rows7a)

        @pl.when(i < _NCHUNK // 2 - 1)
        def _():
            fire(ca + 2, rows7a, sema)

        drain(ca + 1, rows7b, semb)
        split(ca + 1, rows7b)
        return carry

    lax.fori_loop(0, _NCHUNK // 2, pair, 0)

    b0 = wid * (_FRAMES_W // 128)
    for j in range(3):
        pltpu.sync_copy(rot_st.at[j], rot_hbm.at[j, pl.ds(b0, 4)])
        pltpu.sync_copy(trans_st.at[j], trans_hbm.at[j, pl.ds(b0, 4)])
    pltpu.sync_copy(focal_st, focal_hbm.at[pl.ds(b0, 4)])


@jax.jit
def _sc_call(frame_indexes, storage):
    mesh = plsc.VectorSubcoreMesh(core_axis_name="c", subcore_axis_name="s")
    f = functools.partial(
        pl.kernel,
        mesh=mesh,
        out_type=[
            jax.ShapeDtypeStruct((3, _BATCH // 128, _CAMS, 128), jnp.float32),
            jax.ShapeDtypeStruct((3, _BATCH // 128, _CAMS, 128), jnp.float32),
            jax.ShapeDtypeStruct((_BATCH // 128, _CAMS, 128), jnp.float32),
        ],
        scratch_types=[
            pltpu.VMEM((_FRAMES_W,), jnp.int32),
            pltpu.VMEM((_NCHUNK, _CHUNK), jnp.int32),
            pltpu.VMEM((_LOOK_W,), jnp.int32),
            pltpu.VMEM((_FEATS, _CHUNK, 8), jnp.float32),
            pltpu.VMEM((_FEATS, _CHUNK, 8), jnp.float32),
            pltpu.VMEM((3, _FRAMES_W // 128, _CAMS, 128), jnp.float32),
            pltpu.VMEM((3, _FRAMES_W // 128, _CAMS, 128), jnp.float32),
            pltpu.VMEM((_FRAMES_W // 128, _CAMS, 128), jnp.float32),
            pltpu.SemaphoreType.DMA,
            pltpu.SemaphoreType.DMA,
        ],
        compiler_params=pltpu.CompilerParams(
            use_tc_tiling_on_sc=False, needs_layout_passes=False),
    )(_sc_body)
    planes = [storage[:, j].reshape(_PROWS, 8) for j in range(_FEATS)]
    return f(frame_indexes, *planes)


def kernel(frame_indexes, storage):
    rot4, trans4, focal3 = _sc_call(frame_indexes, storage)
    rot = rot4.transpose(1, 3, 2, 0).reshape(_BATCH, _CAMS, 3)
    trans = trans4.transpose(1, 3, 2, 0).reshape(_BATCH, _CAMS, 3)
    focal = focal3.transpose(0, 2, 1).reshape(_BATCH, _CAMS)
    return (rot, trans, focal)

# --- scband reference (transcript-rebuilt; emitter-appended) ---
"""Pipeline reference for scband-camera-parameters-storage-61400852464047 (READ-ONLY COPY).

The authoritative reference and input builder live on the scoring server;
editing this copy changes nothing except your own understanding.
"""

import jax, jax.numpy as jnp
import numpy as np

STORAGE_SIZE = 100000
CAMERAS_COUNT = 8
FEATURES = 7
BATCH = 16384


def setup_inputs(seed: int = 0) -> dict:
    key = jax.random.key(seed)
    k1, k2 = jax.random.split(key)
    frame_indexes = jax.random.randint(k1, (BATCH,), 0, STORAGE_SIZE, dtype=jnp.int32)
    # Learned parameter: IndexedStorage table of shape [storage_size*cameras_count, 7].
    # Original inits to zero; use small random values so the lookup is numerically nontrivial.
    storage = jax.random.normal(k2, (STORAGE_SIZE * CAMERAS_COUNT, FEATURES), dtype=jnp.float32) * 0.01
    return {"frame_indexes": frame_indexes, "storage": storage}


def reference(frame_indexes, storage):
    # Build camera-adjusted indices: (..., cameras_count)
    camera_adjusted = jnp.stack(
        [frame_indexes + camera_idx * STORAGE_SIZE for camera_idx in range(CAMERAS_COUNT)],
        axis=-1,
    )
    # Training-mode path: gather rows from the storage table (embedding lookup)
    outputs = jnp.take(storage, camera_adjusted, axis=0)  # (..., cameras_count, 7)
    rotation_offsets = outputs[..., :3]
    translation_offsets = outputs[..., 3:6]
    focal_offsets = jnp.squeeze(outputs[..., 6:], axis=-1)
    translation_offsets = translation_offsets * 10
    focal_offsets = focal_offsets * 1000
    return (rotation_offsets, translation_offsets, focal_offsets)

if __name__ == "__main__":
    import jax
    _d = setup_inputs()
    print(jax.jit(kernel)(*tuple(_d.values())))

</pallas_src>

<mosaic_0001>
#map = affine_map<(d0, d1) -> (0)>
#map1 = affine_map<(d0, d1) -> (0, 0)>
#map2 = affine_map<(d0, d1) -> (0, 0, 0, 0)>
#map3 = affine_map<(d0, d1) -> (0, 0, 0)>
module attributes {stable_mosaic.version = 14 : i64} {
  func.func @_sc_body(%arg0: i32, %arg1: i32, %arg2: memref<16384xi32, #tpu.memory_space<hbm>>, %arg3: memref<100000x8xf32, #tpu.memory_space<hbm>>, %arg4: memref<100000x8xf32, #tpu.memory_space<hbm>>, %arg5: memref<100000x8xf32, #tpu.memory_space<hbm>>, %arg6: memref<100000x8xf32, #tpu.memory_space<hbm>>, %arg7: memref<100000x8xf32, #tpu.memory_space<hbm>>, %arg8: memref<100000x8xf32, #tpu.memory_space<hbm>>, %arg9: memref<100000x8xf32, #tpu.memory_space<hbm>>, %arg10: memref<3x128x8x128xf32, #tpu.memory_space<hbm>>, %arg11: memref<3x128x8x128xf32, #tpu.memory_space<hbm>>, %arg12: memref<128x8x128xf32, #tpu.memory_space<hbm>>, %arg13: memref<512xi32, #tpu.memory_space<vmem>>, %arg14: memref<32x128xi32, #tpu.memory_space<vmem>>, %arg15: memref<4096xi32, #tpu.memory_space<vmem>>, %arg16: memref<7x128x8xf32, #tpu.memory_space<vmem>>, %arg17: memref<7x128x8xf32, #tpu.memory_space<vmem>>, %arg18: memref<3x4x8x128xf32, #tpu.memory_space<vmem>>, %arg19: memref<3x4x8x128xf32, #tpu.memory_space<vmem>>, %arg20: memref<4x8x128xf32, #tpu.memory_space<vmem>>, %arg21: memref<!tpu.dma_semaphore, #tpu.memory_space<semaphore_mem>>, %arg22: memref<!tpu.dma_semaphore, #tpu.memory_space<semaphore_mem>>) attributes {dimension_semantics = [#tpu.dimension_semantics<core_parallel>, #tpu.dimension_semantics<subcore_parallel>], iteration_bounds = array<i64: 2, 16>, scalar_prefetch = 0 : i64, scratch_operands = 10 : i64, tpu.core_type = #tpu.core_type<sc_vector_subcore>, window_params = [{transform_indices = #map}, {transform_indices = #map1}, {transform_indices = #map1}, {transform_indices = #map1}, {transform_indices = #map1}, {transform_indices = #map1}, {transform_indices = #map1}, {transform_indices = #map1}, {transform_indices = #map2}, {transform_indices = #map2}, {transform_indices = #map3}]} {
    %mul3A = arith.constant 2 : i32
    %mul3A_0 = arith.muli %arg1, %mul3A : i32
    %add3A = arith.addi %mul3A_0, %arg0 : i32
    %iota3A = tpu.iota {dimensions = array<i32: 0>} : vector<16xi32>
    %shift_right_logical3A = arith.constant 3 : i32
    %shift_right_logical3A_1 = vector.broadcast %shift_right_logical3A : i32 to vector<16xi32>
    %shift_right_logical3A_2 = arith.shrui %iota3A, %shift_right_logical3A_1 : vector<16xi32>
    %and3A = arith.constant 7 : i32
    %and3A_3 = vector.broadcast %and3A : i32 to vector<16xi32>
    %and3A_4 = arith.andi %iota3A, %and3A_3 : vector<16xi32>
    %mul3A_5 = arith.constant 100000 : i32
    %mul3A_6 = vector.broadcast %mul3A_5 : i32 to vector<16xi32>
    %mul3A_7 = arith.muli %and3A_4, %mul3A_6 : vector<16xi32>
    %mul3A_8 = arith.constant 512 : i32
    %mul3A_9 = arith.muli %add3A, %mul3A_8 : i32
    "tpu.region"() ({
      %run_scoped3A_117 = tpu.sem_alloc : memref<!tpu.dma_semaphore, #tpu.memory_space<semaphore_mem>>
      %dma_start3A_118 = tpu.memref_slice %arg2[%mul3A_9] : memref<16384xi32, #tpu.memory_space<hbm>> -> memref<512xi32, #tpu.memory_space<hbm>>
      %dma_start3A_119 = tpu.memref_slice %arg2[%mul3A_9] : memref<16384xi32, #tpu.memory_space<hbm>> -> memref<512xi32, #tpu.memory_space<hbm>>
      tpu.enqueue_dma source(%dma_start3A_119 : memref<512xi32, #tpu.memory_space<hbm>>) target(%arg13 : memref<512xi32, #tpu.memory_space<vmem>>) target_semaphore(%run_scoped3A_117 : memref<!tpu.dma_semaphore, #tpu.memory_space<semaphore_mem>>)
      %dma_wait3A = tpu.memref_slice %arg2[%mul3A_9] : memref<16384xi32, #tpu.memory_space<hbm>> -> memref<512xi32, #tpu.memory_space<hbm>>
      %dma_wait3A_120 = tpu.memref_slice %arg2[%mul3A_9] : memref<16384xi32, #tpu.memory_space<hbm>> -> memref<512xi32, #tpu.memory_space<hbm>>
      tpu.wait_dma2 semaphore(%run_scoped3A_117 : memref<!tpu.dma_semaphore, #tpu.memory_space<semaphore_mem>>) src(%dma_wait3A_120 : memref<512xi32, #tpu.memory_space<hbm>>) dst(%arg13 : memref<512xi32, #tpu.memory_space<vmem>>)
      tpu.yield
    }) : () -> ()
    %scan3A = arith.constant 0 : i32
    %scan3A_10 = arith.constant 0 : i32
    %scan3A_11 = arith.constant 32 : i32
    %scan3A_12 = arith.addi %scan3A_10, %scan3A_11 : i32
    %scan3A_13 = arith.constant 1 : i32
    scf.for %scan3A_117 = %scan3A_10 to %scan3A_12 step %scan3A_13  : i32 {
      %mul3A_118 = arith.constant 128 : i32
      %mul3A_119 = arith.muli %scan3A_117, %mul3A_118 : i32
      %add3A_120 = arith.constant 0 : i32
      %add3A_121 = arith.addi %mul3A_119, %add3A_120 : i32
      %shift_right_logical3A_122 = arith.constant 3 : i32
      %shift_right_logical3A_123 = arith.shrui %add3A_121, %shift_right_logical3A_122 : i32
      %add3A_124 = vector.broadcast %shift_right_logical3A_123 : i32 to vector<16xi32>
      %add3A_125 = arith.addi %add3A_124, %shift_right_logical3A_2 : vector<16xi32>
      %gather3A = tpu.vector_load_idx %arg13[%add3A_125] : memref<512xi32, #tpu.memory_space<vmem>>[vector<16xi32>], vector<16xi32>,
      %add3A_126 = arith.addi %gather3A, %mul3A_7 : vector<16xi32>
      %and3A_127 = arith.constant 7 : i32
      %and3A_128 = vector.broadcast %and3A_127 : i32 to vector<16xi32>
      %and3A_129 = arith.andi %add3A_126, %and3A_128 : vector<16xi32>
      %swap3A = arith.index_cast %add3A_121 : i32 to index
      %swap3A_130 = tpu.vector_load %arg15[%swap3A] {strides = array<i32>} : memref<4096xi32, #tpu.memory_space<vmem>>, vector<16xi32>,
      tpu.vector_store %arg15[%swap3A], %and3A_129 {strides = array<i32>} : memref<4096xi32, #tpu.memory_space<vmem>>, vector<16xi32>,
      %shift_right_logical3A_131 = arith.constant 3 : i32
      %shift_right_logical3A_132 = vector.broadcast %shift_right_logical3A_131 : i32 to vector<16xi32>
      %shift_right_logical3A_133 = arith.shrui %add3A_126, %shift_right_logical3A_132 : vector<16xi32>
      %swap3A_134 = arith.index_cast %scan3A_117 : i32 to index
      %swap3A_135 = arith.constant 0 : index
      %swap3A_136 = tpu.vector_load %arg14[%swap3A_134, %swap3A_135] {strides = array<i32>} : memref<32x128xi32, #tpu.memory_space<vmem>>, vector<16xi32>,
      tpu.vector_store %arg14[%swap3A_134, %swap3A_135], %shift_right_logical3A_133 {strides = array<i32>} : memref<32x128xi32, #tpu.memory_space<vmem>>, vector<16xi32>,
      %mul3A_137 = arith.constant 128 : i32
      %mul3A_138 = arith.muli %scan3A_117, %mul3A_137 : i32
      %add3A_139 = arith.constant 16 : i32
      %add3A_140 = arith.addi %mul3A_138, %add3A_139 : i32
      %shift_right_logical3A_141 = arith.constant 3 : i32
      %shift_right_logical3A_142 = arith.shrui %add3A_140, %shift_right_logical3A_141 : i32
      %add3A_143 = vector.broadcast %shift_right_logical3A_142 : i32 to vector<16xi32>
      %add3A_144 = arith.addi %add3A_143, %shift_right_logical3A_2 : vector<16xi32>
      %gather3A_145 = tpu.vector_load_idx %arg13[%add3A_144] : memref<512xi32, #tpu.memory_space<vmem>>[vector<16xi32>], vector<16xi32>,
      %add3A_146 = arith.addi %gather3A_145, %mul3A_7 : vector<16xi32>
      %and3A_147 = arith.constant 7 : i32
      %and3A_148 = vector.broadcast %and3A_147 : i32 to vector<16xi32>
      %and3A_149 = arith.andi %add3A_146, %and3A_148 : vector<16xi32>
      %swap3A_150 = arith.index_cast %add3A_140 : i32 to index
      %swap3A_151 = tpu.vector_load %arg15[%swap3A_150] {strides = array<i32>} : memref<4096xi32, #tpu.memory_space<vmem>>, vector<16xi32>,
      tpu.vector_store %arg15[%swap3A_150], %and3A_149 {strides = array<i32>} : memref<4096xi32, #tpu.memory_space<vmem>>, vector<16xi32>,
      %shift_right_logical3A_152 = arith.constant 3 : i32
      %shift_right_logical3A_153 = vector.broadcast %shift_right_logical3A_152 : i32 to vector<16xi32>
      %shift_right_logical3A_154 = arith.shrui %add3A_146, %shift_right_logical3A_153 : vector<16xi32>
      %swap3A_155 = arith.index_cast %scan3A_117 : i32 to index
      %swap3A_156 = arith.constant 16 : index
      %swap3A_157 = tpu.vector_load %arg14[%swap3A_155, %swap3A_156] {strides = array<i32>} : memref<32x128xi32, #tpu.memory_space<vmem>>, vector<16xi32>,
      tpu.vector_store %arg14[%swap3A_155, %swap3A_156], %shift_right_logical3A_154 {strides = array<i32>} : memref<32x128xi32, #tpu.memory_space<vmem>>, vector<16xi32>,
      %mul3A_158 = arith.constant 128 : i32
      %mul3A_159 = arith.muli %scan3A_117, %mul3A_158 : i32
      %add3A_160 = arith.constant 32 : i32
      %add3A_161 = arith.addi %mul3A_159, %add3A_160 : i32
      %shift_right_logical3A_162 = arith.constant 3 : i32
      %shift_right_logical3A_163 = arith.shrui %add3A_161, %shift_right_logical3A_162 : i32
      %add3A_164 = vector.broadcast %shift_right_logical3A_163 : i32 to vector<16xi32>
      %add3A_165 = arith.addi %add3A_164, %shift_right_logical3A_2 : vector<16xi32>
      %gather3A_166 = tpu.vector_load_idx %arg13[%add3A_165] : memref<512xi32, #tpu.memory_space<vmem>>[vector<16xi32>], vector<16xi32>,
      %add3A_167 = arith.addi %gather3A_166, %mul3A_7 : vector<16xi32>
      %and3A_168 = arith.constant 7 : i32
      %and3A_169 = vector.broadcast %and3A_168 : i32 to vector<16xi32>
      %and3A_170 = arith.andi %add3A_167, %and3A_169 : vector<16xi32>
      %swap3A_171 = arith.index_cast %add3A_161 : i32 to index
      %swap3A_172 = tpu.vector_load %arg15[%swap3A_171] {strides = array<i32>} : memref<4096xi32, #tpu.memory_space<vmem>>, vector<16xi32>,
      tpu.vector_store %arg15[%swap3A_171], %and3A_170 {strides = array<i32>} : memref<4096xi32, #tpu.memory_space<vmem>>, vector<16xi32>,
      %shift_right_logical3A_173 = arith.constant 3 : i32
      %shift_right_logical3A_174 = vector.broadcast %shift_right_logical3A_173 : i32 to vector<16xi32>
      %shift_right_logical3A_175 = arith.shrui %add3A_167, %shift_right_logical3A_174 : vector<16xi32>
      %swap3A_176 = arith.index_cast %scan3A_117 : i32 to index
      %swap3A_177 = arith.constant 32 : index
      %swap3A_178 = tpu.vector_load %arg14[%swap3A_176, %swap3A_177] {strides = array<i32>} : memref<32x128xi32, #tpu.memory_space<vmem>>, vector<16xi32>,
      tpu.vector_store %arg14[%swap3A_176, %swap3A_177], %shift_right_logical3A_175 {strides = array<i32>} : memref<32x128xi32, #tpu.memory_space<vmem>>, vector<16xi32>,
      %mul3A_179 = arith.constant 128 : i32
      %mul3A_180 = arith.muli %scan3A_117, %mul3A_179 : i32
      %add3A_181 = arith.constant 48 : i32
      %add3A_182 = arith.addi %mul3A_180, %add3A_181 : i32
      %shift_right_logical3A_183 = arith.constant 3 : i32
      %shift_right_logical3A_184 = arith.shrui %add3A_182, %shift_right_logical3A_183 : i32
      %add3A_185 = vector.broadcast %shift_right_logical3A_184 : i32 to vector<16xi32>
      %add3A_186 = arith.addi %add3A_185, %shift_right_logical3A_2 : vector<16xi32>
      %gather3A_187 = tpu.vector_load_idx %arg13[%add3A_186] : memref<512xi32, #tpu.memory_space<vmem>>[vector<16xi32>], vector<16xi32>,
      %add3A_188 = arith.addi %gather3A_187, %mul3A_7 : vector<16xi32>
      %and3A_189 = arith.constant 7 : i32
      %and3A_190 = vector.broadcast %and3A_189 : i32 to vector<16xi32>
      %and3A_191 = arith.andi %add3A_188, %and3A_190 : vector<16xi32>
      %swap3A_192 = arith.index_cast %add3A_182 : i32 to index
      %swap3A_193 = tpu.vector_load %arg15[%swap3A_192] {strides = array<i32>} : memref<4096xi32, #tpu.memory_space<vmem>>, vector<16xi32>,
      tpu.vector_store %arg15[%swap3A_192], %and3A_191 {strides = array<i32>} : memref<4096xi32, #tpu.memory_space<vmem>>, vector<16xi32>,
      %shift_right_logical3A_194 = arith.constant 3 : i32
      %shift_right_logical3A_195 = vector.broadcast %shift_right_logical3A_194 : i32 to vector<16xi32>
      %shift_right_logical3A_196 = arith.shrui %add3A_188, %shift_right_logical3A_195 : vector<16xi32>
      %swap3A_197 = arith.index_cast %scan3A_117 : i32 to index
      %swap3A_198 = arith.constant 48 : index
      %swap3A_199 = tpu.vector_load %arg14[%swap3A_197, %swap3A_198] {strides = array<i32>} : memref<32x128xi32, #tpu.memory_space<vmem>>, vector<16xi32>,
      tpu.vector_store %arg14[%swap3A_197, %swap3A_198], %shift_right_logical3A_196 {strides = array<i32>} : memref<32x128xi32, #tpu.memory_space<vmem>>, vector<16xi32>,
      %mul3A_200 = arith.constant 128 : i32
      %mul3A_201 = arith.muli %scan3A_117, %mul3A_200 : i32
      %add3A_202 = arith.constant 64 : i32
      %add3A_203 = arith.addi %mul3A_201, %add3A_202 : i32
      %shift_right_logical3A_204 = arith.constant 3 : i32
      %shift_right_logical3A_205 = arith.shrui %add3A_203, %shift_right_logical3A_204 : i32
      %add3A_206 = vector.broadcast %shift_right_logical3A_205 : i32 to vector<16xi32>
      %add3A_207 = arith.addi %add3A_206, %shift_right_logical3A_2 : vector<16xi32>
      %gather3A_208 = tpu.vector_load_idx %arg13[%add3A_207] : memref<512xi32, #tpu.memory_space<vmem>>[vector<16xi32>], vector<16xi32>,
      %add3A_209 = arith.addi %gather3A_208, %mul3A_7 : vector<16xi32>
      %and3A_210 = arith.constant 7 : i32
      %and3A_211 = vector.broadcast %and3A_210 : i32 to vector<16xi32>
      %and3A_212 = arith.andi %add3A_209, %and3A_211 : vector<16xi32>
      %swap3A_213 = arith.index_cast %add3A_203 : i32 to index
      %swap3A_214 = tpu.vector_load %arg15[%swap3A_213] {strides = array<i32>} : memref<4096xi32, #tpu.memory_space<vmem>>, vector<16xi32>,
      tpu.vector_store %arg15[%swap3A_213], %and3A_212 {strides = array<i32>} : memref<4096xi32, #tpu.memory_space<vmem>>, vector<16xi32>,
      %shift_right_logical3A_215 = arith.constant 3 : i32
      %shift_right_logical3A_216 = vector.broadcast %shift_right_logical3A_215 : i32 to vector<16xi32>
      %shift_right_logical3A_217 = arith.shrui %add3A_209, %shift_right_logical3A_216 : vector<16xi32>
      %swap3A_218 = arith.index_cast %scan3A_117 : i32 to index
      %swap3A_219 = arith.constant 64 : index
      %swap3A_220 = tpu.vector_load %arg14[%swap3A_218, %swap3A_219] {strides = array<i32>} : memref<32x128xi32, #tpu.memory_space<vmem>>, vector<16xi32>,
      tpu.vector_store %arg14[%swap3A_218, %swap3A_219], %shift_right_logical3A_217 {strides = array<i32>} : memref<32x128xi32, #tpu.memory_space<vmem>>, vector<16xi32>,
      %mul3A_221 = arith.constant 128 : i32
      %mul3A_222 = arith.muli %scan3A_117, %mul3A_221 : i32
      %add3A_223 = arith.constant 80 : i32
      %add3A_224 = arith.addi %mul3A_222, %add3A_223 : i32
      %shift_right_logical3A_225 = arith.constant 3 : i32
      %shift_right_logical3A_226 = arith.shrui %add3A_224, %shift_right_logical3A_225 : i32
      %add3A_227 = vector.broadcast %shift_right_logical3A_226 : i32 to vector<16xi32>
      %add3A_228 = arith.addi %add3A_227, %shift_right_logical3A_2 : vector<16xi32>
      %gather3A_229 = tpu.vector_load_idx %arg13[%add3A_228] : memref<512xi32, #tpu.memory_space<vmem>>[vector<16xi32>], vector<16xi32>,
      %add3A_230 = arith.addi %gather3A_229, %mul3A_7 : vector<16xi32>
      %and3A_231 = arith.constant 7 : i32
      %and3A_232 = vector.broadcast %and3A_231 : i32 to vector<16xi32>
      %and3A_233 = arith.andi %add3A_230, %and3A_232 : vector<16xi32>
      %swap3A_234 = arith.index_cast %add3A_224 : i32 to index
      %swap3A_235 = tpu.vector_load %arg15[%swap3A_234] {strides = array<i32>} : memref<4096xi32, #tpu.memory_space<vmem>>, vector<16xi32>,
      tpu.vector_store %arg15[%swap3A_234], %and3A_233 {strides = array<i32>} : memref<4096xi32, #tpu.memory_space<vmem>>, vector<16xi32>,
      %shift_right_logical3A_236 = arith.constant 3 : i32
      %shift_right_logical3A_237 = vector.broadcast %shift_right_logical3A_236 : i32 to vector<16xi32>
      %shift_right_logical3A_238 = arith.shrui %add3A_230, %shift_right_logical3A_237 : vector<16xi32>
      %swap3A_239 = arith.index_cast %scan3A_117 : i32 to index
      %swap3A_240 = arith.constant 80 : index
      %swap3A_241 = tpu.vector_load %arg14[%swap3A_239, %swap3A_240] {strides = array<i32>} : memref<32x128xi32, #tpu.memory_space<vmem>>, vector<16xi32>,
      tpu.vector_store %arg14[%swap3A_239, %swap3A_240], %shift_right_logical3A_238 {strides = array<i32>} : memref<32x128xi32, #tpu.memory_space<vmem>>, vector<16xi32>,
      %mul3A_242 = arith.constant 128 : i32
      %mul3A_243 = arith.muli %scan3A_117, %mul3A_242 : i32
      %add3A_244 = arith.constant 96 : i32
      %add3A_245 = arith.addi %mul3A_243, %add3A_244 : i32
      %shift_right_logical3A_246 = arith.constant 3 : i32
      %shift_right_logical3A_247 = arith.shrui %add3A_245, %shift_right_logical3A_246 : i32
      %add3A_248 = vector.broadcast %shift_right_logical3A_247 : i32 to vector<16xi32>
      %add3A_249 = arith.addi %add3A_248, %shift_right_logical3A_2 : vector<16xi32>
      %gather3A_250 = tpu.vector_load_idx %arg13[%add3A_249] : memref<512xi32, #tpu.memory_space<vmem>>[vector<16xi32>], vector<16xi32>,
      %add3A_251 = arith.addi %gather3A_250, %mul3A_7 : vector<16xi32>
      %and3A_252 = arith.constant 7 : i32
      %and3A_253 = vector.broadcast %and3A_252 : i32 to vector<16xi32>
      %and3A_254 = arith.andi %add3A_251, %and3A_253 : vector<16xi32>
      %swap3A_255 = arith.index_cast %add3A_245 : i32 to index
      %swap3A_256 = tpu.vector_load %arg15[%swap3A_255] {strides = array<i32>} : memref<4096xi32, #tpu.memory_space<vmem>>, vector<16xi32>,
      tpu.vector_store %arg15[%swap3A_255], %and3A_254 {strides = array<i32>} : memref<4096xi32, #tpu.memory_space<vmem>>, vector<16xi32>,
      %shift_right_logical3A_257 = arith.constant 3 : i32
      %shift_right_logical3A_258 = vector.broadcast %shift_right_logical3A_257 : i32 to vector<16xi32>
      %shift_right_logical3A_259 = arith.shrui %add3A_251, %shift_right_logical3A_258 : vector<16xi32>
      %swap3A_260 = arith.index_cast %scan3A_117 : i32 to index
      %swap3A_261 = arith.constant 96 : index
      %swap3A_262 = tpu.vector_load %arg14[%swap3A_260, %swap3A_261] {strides = array<i32>} : memref<32x128xi32, #tpu.memory_space<vmem>>, vector<16xi32>,
      tpu.vector_store %arg14[%swap3A_260, %swap3A_261], %shift_right_logical3A_259 {strides = array<i32>} : memref<32x128xi32, #tpu.memory_space<vmem>>, vector<16xi32>,
      %mul3A_263 = arith.constant 128 : i32
      %mul3A_264 = arith.muli %scan3A_117, %mul3A_263 : i32
      %add3A_265 = arith.constant 112 : i32
      %add3A_266 = arith.addi %mul3A_264, %add3A_265 : i32
      %shift_right_logical3A_267 = arith.constant 3 : i32
      %shift_right_logical3A_268 = arith.shrui %add3A_266, %shift_right_logical3A_267 : i32
      %add3A_269 = vector.broadcast %shift_right_logical3A_268 : i32 to vector<16xi32>
      %add3A_270 = arith.addi %add3A_269, %shift_right_logical3A_2 : vector<16xi32>
      %gather3A_271 = tpu.vector_load_idx %arg13[%add3A_270] : memref<512xi32, #tpu.memory_space<vmem>>[vector<16xi32>], vector<16xi32>,
      %add3A_272 = arith.addi %gather3A_271, %mul3A_7 : vector<16xi32>
      %and3A_273 = arith.constant 7 : i32
      %and3A_274 = vector.broadcast %and3A_273 : i32 to vector<16xi32>
      %and3A_275 = arith.andi %add3A_272, %and3A_274 : vector<16xi32>
      %swap3A_276 = arith.index_cast %add3A_266 : i32 to index
      %swap3A_277 = tpu.vector_load %arg15[%swap3A_276] {strides = array<i32>} : memref<4096xi32, #tpu.memory_space<vmem>>, vector<16xi32>,
      tpu.vector_store %arg15[%swap3A_276], %and3A_275 {strides = array<i32>} : memref<4096xi32, #tpu.memory_space<vmem>>, vector<16xi32>,
      %shift_right_logical3A_278 = arith.constant 3 : i32
      %shift_right_logical3A_279 = vector.broadcast %shift_right_logical3A_278 : i32 to vector<16xi32>
      %shift_right_logical3A_280 = arith.shrui %add3A_272, %shift_right_logical3A_279 : vector<16xi32>
      %swap3A_281 = arith.index_cast %scan3A_117 : i32 to index
      %swap3A_282 = arith.constant 112 : index
      %swap3A_283 = tpu.vector_load %arg14[%swap3A_281, %swap3A_282] {strides = array<i32>} : memref<32x128xi32, #tpu.memory_space<vmem>>, vector<16xi32>,
      tpu.vector_store %arg14[%swap3A_281, %swap3A_282], %shift_right_logical3A_280 {strides = array<i32>} : memref<32x128xi32, #tpu.memory_space<vmem>>, vector<16xi32>,
    }
    %scan3A_14 = arith.constant 32 : i32
    %dma_start3A = arith.constant 0 : i32
    %dma_start3A_15 = arith.constant 0 : i32
    %dma_start3A_16 = arith.constant 0 : i32
    %dma_start3A_17 = arith.constant 0 : i32
    %dma_start3A_18 = tpu.memref_slice %arg16[%dma_start3A_15, %dma_start3A_16, %dma_start3A_17] : memref<7x128x8xf32, #tpu.memory_space<vmem>> -> memref<1x128x8xf32, #tpu.memory_space<vmem>>
    %dma_start3A_19 = tpu.memref_squeeze %dma_start3A_18 : memref<1x128x8xf32, #tpu.memory_space<vmem>> -> memref<128x8xf32, #tpu.memory_space<vmem>>
    %dma_start3A_20 = arith.constant 0 : i32
    %dma_start3A_21 = tpu.memref_slice %arg14[%dma_start3A, %dma_start3A_20] : memref<32x128xi32, #tpu.memory_space<vmem>> -> memref<1x128xi32, #tpu.memory_space<vmem>>
    %dma_start3A_22 = tpu.memref_squeeze %dma_start3A_21 : memref<1x128xi32, #tpu.memory_space<vmem>> -> memref<128xi32, #tpu.memory_space<vmem>>
    %dma_start3A_23 = arith.constant 0 : i32
    %dma_start3A_24 = arith.constant 0 : i32
    %dma_start3A_25 = tpu.memref_slice %arg3[%dma_start3A_23, %dma_start3A_24] : memref<100000x8xf32, #tpu.memory_space<hbm>> -> memref<100000x8xf32, #tpu.memory_space<hbm>>
    tpu.enqueue_indirect_dma source(%dma_start3A_25 : memref<100000x8xf32, #tpu.memory_space<hbm>>) target(%dma_start3A_19 : memref<128x8xf32, #tpu.memory_space<vmem>>) offsets(%dma_start3A_22 : memref<128xi32, #tpu.memory_space<vmem>>) semaphore(%arg21 : memref<!tpu.dma_semaphore, #tpu.memory_space<semaphore_mem>>)
    %dma_start3A_26 = arith.constant 0 : i32
    %dma_start3A_27 = arith.constant 1 : i32
    %dma_start3A_28 = arith.constant 0 : i32
    %dma_start3A_29 = arith.constant 0 : i32
    %dma_start3A_30 = tpu.memref_slice %arg16[%dma_start3A_27, %dma_start3A_28, %dma_start3A_29] : memref<7x128x8xf32, #tpu.memory_space<vmem>> -> memref<1x128x8xf32, #tpu.memory_space<vmem>>
    %dma_start3A_31 = tpu.memref_squeeze %dma_start3A_30 : memref<1x128x8xf32, #tpu.memory_space<vmem>> -> memref<128x8xf32, #tpu.memory_space<vmem>>
    %dma_start3A_32 = arith.constant 0 : i32
    %dma_start3A_33 = tpu.memref_slice %arg14[%dma_start3A_26, %dma_start3A_32] : memref<32x128xi32, #tpu.memory_space<vmem>> -> memref<1x128xi32, #tpu.memory_space<vmem>>
    %dma_start3A_34 = tpu.memref_squeeze %dma_start3A_33 : memref<1x128xi32, #tpu.memory_space<vmem>> -> memref<128xi32, #tpu.memory_space<vmem>>
    %dma_start3A_35 = arith.constant 0 : i32
    %dma_start3A_36 = arith.constant 0 : i32
    %dma_start3A_37 = tpu.memref_slice %arg4[%dma_start3A_35, %dma_start3A_36] : memref<100000x8xf32, #tpu.memory_space<hbm>> -> memref<100000x8xf32, #tpu.memory_space<hbm>>
    tpu.enqueue_indirect_dma source(%dma_start3A_37 : memref<100000x8xf32, #tpu.memory_space<hbm>>) target(%dma_start3A_31 : memref<128x8xf32, #tpu.memory_space<vmem>>) offsets(%dma_start3A_34 : memref<128xi32, #tpu.memory_space<vmem>>) semaphore(%arg21 : memref<!tpu.dma_semaphore, #tpu.memory_space<semaphore_mem>>)
    %dma_start3A_38 = arith.constant 0 : i32
    %dma_start3A_39 = arith.constant 2 : i32
    %dma_start3A_40 = arith.constant 0 : i32
    %dma_start3A_41 = arith.constant 0 : i32
    %dma_start3A_42 = tpu.memref_slice %arg16[%dma_start3A_39, %dma_start3A_40, %dma_start3A_41] : memref<7x128x8xf32, #tpu.memory_space<vmem>> -> memref<1x128x8xf32, #tpu.memory_space<vmem>>
    %dma_start3A_43 = tpu.memref_squeeze %dma_start3A_42 : memref<1x128x8xf32, #tpu.memory_space<vmem>> -> memref<128x8xf32, #tpu.memory_space<vmem>>
    %dma_start3A_44 = arith.constant 0 : i32
    %dma_start3A_45 = tpu.memref_slice %arg14[%dma_start3A_38, %dma_start3A_44] : memref<32x128xi32, #tpu.memory_space<vmem>> -> memref<1x128xi32, #tpu.memory_space<vmem>>
    %dma_start3A_46 = tpu.memref_squeeze %dma_start3A_45 : memref<1x128xi32, #tpu.memory_space<vmem>> -> memref<128xi32, #tpu.memory_space<vmem>>
    %dma_start3A_47 = arith.constant 0 : i32
    %dma_start3A_48 = arith.constant 0 : i32
    %dma_start3A_49 = tpu.memref_slice %arg5[%dma_start3A_47, %dma_start3A_48] : memref<100000x8xf32, #tpu.memory_space<hbm>> -> memref<100000x8xf32, #tpu.memory_space<hbm>>
    tpu.enqueue_indirect_dma source(%dma_start3A_49 : memref<100000x8xf32, #tpu.memory_space<hbm>>) target(%dma_start3A_43 : memref<128x8xf32, #tpu.memory_space<vmem>>) offsets(%dma_start3A_46 : memref<128xi32, #tpu.memory_space<vmem>>) semaphore(%arg21 : memref<!tpu.dma_semaphore, #tpu.memory_space<semaphore_mem>>)
    %dma_start3A_50 = arith.constant 0 : i32
    %dma_start3A_51 = arith.constant 3 : i32
    %dma_start3A_52 = arith.constant 0 : i32
    %dma_start3A_53 = arith.constant 0 : i32
    %dma_start3A_54 = tpu.memref_slice %arg16[%dma_start3A_51, %dma_start3A_52, %dma_start3A_53] : memref<7x128x8xf32, #tpu.memory_space<vmem>> -> memref<1x128x8xf32, #tpu.memory_space<vmem>>
    %dma_start3A_55 = tpu.memref_squeeze %dma_start3A_54 : memref<1x128x8xf32, #tpu.memory_space<vmem>> -> memref<128x8xf32, #tpu.memory_space<vmem>>
    %dma_start3A_56 = arith.constant 0 : i32
    %dma_start3A_57 = tpu.memref_slice %arg14[%dma_start3A_50, %dma_start3A_56] : memref<32x128xi32, #tpu.memory_space<vmem>> -> memref<1x128xi32, #tpu.memory_space<vmem>>
    %dma_start3A_58 = tpu.memref_squeeze %dma_start3A_57 : memref<1x128xi32, #tpu.memory_space<vmem>> -> memref<128xi32, #tpu.memory_space<vmem>>
    %dma_start3A_59 = arith.constant 0 : i32
    %dma_start3A_60 = arith.constant 0 : i32
    %dma_start3A_61 = tpu.memref_slice %arg6[%dma_start3A_59, %dma_start3A_60] : memref<100000x8xf32, #tpu.memory_space<hbm>> -> memref<100000x8xf32, #tpu.memory_space<hbm>>
    tpu.enqueue_indirect_dma source(%dma_start3A_61 : memref<100000x8xf32, #tpu.memory_space<hbm>>) target(%dma_start3A_55 : memref<128x8xf32, #tpu.memory_space<vmem>>) offsets(%dma_start3A_58 : memref<128xi32, #tpu.memory_space<vmem>>) semaphore(%arg21 : memref<!tpu.dma_semaphore, #tpu.memory_space<semaphore_mem>>)
    %dma_start3A_62 = arith.constant 0 : i32
    %dma_start3A_63 = arith.constant 4 : i32
    %dma_start3A_64 = arith.constant 0 : i32
    %dma_start3A_65 = arith.constant 0 : i32
    %dma_start3A_66 = tpu.memref_slice %arg16[%dma_start3A_63, %dma_start3A_64, %dma_start3A_65] : memref<7x128x8xf32, #tpu.memory_space<vmem>> -> memref<1x128x8xf32, #tpu.memory_space<vmem>>
    %dma_start3A_67 = tpu.memref_squeeze %dma_start3A_66 : memref<1x128x8xf32, #tpu.memory_space<vmem>> -> memref<128x8xf32, #tpu.memory_space<vmem>>
    %dma_start3A_68 = arith.constant 0 : i32
    %dma_start3A_69 = tpu.memref_slice %arg14[%dma_start3A_62, %dma_start3A_68] : memref<32x128xi32, #tpu.memory_space<vmem>> -> memref<1x128xi32, #tpu.memory_space<vmem>>
    %dma_start3A_70 = tpu.memref_squeeze %dma_start3A_69 : memref<1x128xi32, #tpu.memory_space<vmem>> -> memref<128xi32, #tpu.memory_space<vmem>>
    %dma_start3A_71 = arith.constant 0 : i32
    %dma_start3A_72 = arith.constant 0 : i32
    %dma_start3A_73 = tpu.memref_slice %arg7[%dma_start3A_71, %dma_start3A_72] : memref<100000x8xf32, #tpu.memory_space<hbm>> -> memref<100000x8xf32, #tpu.memory_space<hbm>>
    tpu.enqueue_indirect_dma source(%dma_start3A_73 : memref<100000x8xf32, #tpu.memory_space<hbm>>) target(%dma_start3A_67 : memref<128x8xf32, #tpu.memory_space<vmem>>) offsets(%dma_start3A_70 : memref<128xi32, #tpu.memory_space<vmem>>) semaphore(%arg21 : memref<!tpu.dma_semaphore, #tpu.memory_space<semaphore_mem>>)
    %dma_start3A_74 = arith.constant 0 : i32
    %dma_start3A_75 = arith.constant 5 : i32
    %dma_start3A_76 = arith.constant 0 : i32
    %dma_start3A_77 = arith.constant 0 : i32
    %dma_start3A_78 = tpu.memref_slice %arg16[%dma_start3A_75, %dma_start3A_76, %dma_start3A_77] : memref<7x128x8xf32, #tpu.memory_space<vmem>> -> memref<1x128x8xf32, #tpu.memory_space<vmem>>
    %dma_start3A_79 = tpu.memref_squeeze %dma_start3A_78 : memref<1x128x8xf32, #tpu.memory_space<vmem>> -> memref<128x8xf32, #tpu.memory_space<vmem>>
    %dma_start3A_80 = arith.constant 0 : i32
    %dma_start3A_81 = tpu.memref_slice %arg14[%dma_start3A_74, %dma_start3A_80] : memref<32x128xi32, #tpu.memory_space<vmem>> -> memref<1x128xi32, #tpu.memory_space<vmem>>
    %dma_start3A_82 = tpu.memref_squeeze %dma_start3A_81 : memref<1x128xi32, #tpu.memory_space<vmem>> -> memref<128xi32, #tpu.memory_space<vmem>>
    %dma_start3A_83 = arith.constant 0 : i32
    %dma_start3A_84 = arith.constant 0 : i32
    %dma_start3A_85 = tpu.memref_slice %arg8[%dma_start3A_83, %dma_start3A_84] : memref<100000x8xf32, #tpu.memory_space<hbm>> -> memref<100000x8xf32, #tpu.memory_space<hbm>>
    tpu.enqueue_indirect_dma source(%dma_start3A_85 : memref<100000x8xf32, #tpu.memory_space<hbm>>) target(%dma_start3A_79 : memref<128x8xf32, #tpu.memory_space<vmem>>) offsets(%dma_start3A_82 : memref<128xi32, #tpu.memory_space<vmem>>) semaphore(%arg21 : memref<!tpu.dma_semaphore, #tpu.memory_space<semaphore_mem>>)
    %dma_start3A_86 = arith.constant 0 : i32
    %dma_start3A_87 = arith.constant 6 : i32
    %dma_start3A_88 = arith.constant 0 : i32
    %dma_start3A_89 = arith.constant 0 : i32
    %dma_start3A_90 = tpu.memref_slice %arg16[%dma_start3A_87, %dma_start3A_88, %dma_start3A_89] : memref<7x128x8xf32, #tpu.memory_space<vmem>> -> memref<1x128x8xf32, #tpu.memory_space<vmem>>
    %dma_start3A_91 = tpu.memref_squeeze %dma_start3A_90 : memref<1x128x8xf32, #tpu.memory_space<vmem>> -> memref<128x8xf32, #tpu.memory_space<vmem>>
    %dma_start3A_92 = arith.constant 0 : i32
    %dma_start3A_93 = tpu.memref_slice %arg14[%dma_start3A_86, %dma_start3A_92] : memref<32x128xi32, #tpu.memory_space<vmem>> -> memref<1x128xi32, #tpu.memory_space<vmem>>
    %dma_start3A_94 = tpu.memref_squeeze %dma_start3A_93 : memref<1x128xi32, #tpu.memory_space<vmem>> -> memref<128xi32, #tpu.memory_space<vmem>>
    %dma_start3A_95 = arith.constant 0 : i32
    %dma_start3A_96 = arith.constant 0 : i32
    %dma_start3A_97 = tpu.memref_slice %arg9[%dma_start3A_95, %dma_start3A_96] : memref<100000x8xf32, #tpu.memory_space<hbm>> -> memref<100000x8xf32, #tpu.memory_space<hbm>>
    tpu.enqueue_indirect_dma source(%dma_start3A_97 : memref<100000x8xf32, #tpu.memory_space<hbm>>) target(%dma_start3A_91 : memref<128x8xf32, #tpu.memory_space<vmem>>) offsets(%dma_start3A_94 : memref<128xi32, #tpu.memory_space<vmem>>) semaphore(%arg21 : memref<!tpu.dma_semaphore, #tpu.memory_space<semaphore_mem>>)
    %scan3A_98 = arith.constant 0 : i32
    %scan3A_99 = arith.constant 0 : i32
    %scan3A_100 = arith.constant 16 : i32
    %scan3A_101 = arith.addi %scan3A_99, %scan3A_100 : i32
    %scan3A_102 = arith.constant 1 : i32
    scf.for %scan3A_117 = %scan3A_99 to %scan3A_101 step %scan3A_102  : i32 {
      %mul3A_118 = arith.constant 2 : i32
      %mul3A_119 = arith.muli %mul3A_118, %scan3A_117 : i32
      %add3A_120 = arith.constant 1 : i32
      %add3A_121 = arith.addi %mul3A_119, %add3A_120 : i32
      %dma_start3A_122 = arith.constant 0 : i32
      %dma_start3A_123 = arith.constant 0 : i32
      %dma_start3A_124 = arith.constant 0 : i32
      %dma_start3A_125 = tpu.memref_slice %arg17[%dma_start3A_122, %dma_start3A_123, %dma_start3A_124] : memref<7x128x8xf32, #tpu.memory_space<vmem>> -> memref<1x128x8xf32, #tpu.memory_space<vmem>>
      %dma_start3A_126 = tpu.memref_squeeze %dma_start3A_125 : memref<1x128x8xf32, #tpu.memory_space<vmem>> -> memref<128x8xf32, #tpu.memory_space<vmem>>
      %dma_start3A_127 = arith.constant 0 : i32
      %dma_start3A_128 = tpu.memref_slice %arg14[%add3A_121, %dma_start3A_127] : memref<32x128xi32, #tpu.memory_space<vmem>> -> memref<1x128xi32, #tpu.memory_space<vmem>>
      %dma_start3A_129 = tpu.memref_squeeze %dma_start3A_128 : memref<1x128xi32, #tpu.memory_space<vmem>> -> memref<128xi32, #tpu.memory_space<vmem>>
      %dma_start3A_130 = arith.constant 0 : i32
      %dma_start3A_131 = arith.constant 0 : i32
      %dma_start3A_132 = tpu.memref_slice %arg3[%dma_start3A_130, %dma_start3A_131] : memref<100000x8xf32, #tpu.memory_space<hbm>> -> memref<100000x8xf32, #tpu.memory_space<hbm>>
      tpu.enqueue_indirect_dma source(%dma_start3A_132 : memref<100000x8xf32, #tpu.memory_space<hbm>>) target(%dma_start3A_126 : memref<128x8xf32, #tpu.memory_space<vmem>>) offsets(%dma_start3A_129 : memref<128xi32, #tpu.memory_space<vmem>>) semaphore(%arg22 : memref<!tpu.dma_semaphore, #tpu.memory_space<semaphore_mem>>)
      %dma_start3A_133 = arith.constant 1 : i32
      %dma_start3A_134 = arith.constant 0 : i32
      %dma_start3A_135 = arith.constant 0 : i32
      %dma_start3A_136 = tpu.memref_slice %arg17[%dma_start3A_133, %dma_start3A_134, %dma_start3A_135] : memref<7x128x8xf32, #tpu.memory_space<vmem>> -> memref<1x128x8xf32, #tpu.memory_space<vmem>>
      %dma_start3A_137 = tpu.memref_squeeze %dma_start3A_136 : memref<1x128x8xf32, #tpu.memory_space<vmem>> -> memref<128x8xf32, #tpu.memory_space<vmem>>
      %dma_start3A_138 = arith.constant 0 : i32
      %dma_start3A_139 = tpu.memref_slice %arg14[%add3A_121, %dma_start3A_138] : memref<32x128xi32, #tpu.memory_space<vmem>> -> memref<1x128xi32, #tpu.memory_space<vmem>>
      %dma_start3A_140 = tpu.memref_squeeze %dma_start3A_139 : memref<1x128xi32, #tpu.memory_space<vmem>> -> memref<128xi32, #tpu.memory_space<vmem>>
      %dma_start3A_141 = arith.constant 0 : i32
      %dma_start3A_142 = arith.constant 0 : i32
      %dma_start3A_143 = tpu.memref_slice %arg4[%dma_start3A_141, %dma_start3A_142] : memref<100000x8xf32, #tpu.memory_space<hbm>> -> memref<100000x8xf32, #tpu.memory_space<hbm>>
      tpu.enqueue_indirect_dma source(%dma_start3A_143 : memref<100000x8xf32, #tpu.memory_space<hbm>>) target(%dma_start3A_137 : memref<128x8xf32, #tpu.memory_space<vmem>>) offsets(%dma_start3A_140 : memref<128xi32, #tpu.memory_space<vmem>>) semaphore(%arg22 : memref<!tpu.dma_semaphore, #tpu.memory_space<semaphore_mem>>)
      %dma_start3A_144 = arith.constant 2 : i32
      %dma_start3A_145 = arith.constant 0 : i32
      %dma_start3A_146 = arith.constant 0 : i32
      %dma_start3A_147 = tpu.memref_slice %arg17[%dma_start3A_144, %dma_start3A_145, %dma_start3A_146] : memref<7x128x8xf32, #tpu.memory_space<vmem>> -> memref<1x128x8xf32, #tpu.memory_space<vmem>>
      %dma_start3A_148 = tpu.memref_squeeze %dma_start3A_147 : memref<1x128x8xf32, #tpu.memory_space<vmem>> -> memref<128x8xf32, #tpu.memory_space<vmem>>
      %dma_start3A_149 = arith.constant 0 : i32
      %dma_start3A_150 = tpu.memref_slice %arg14[%add3A_121, %dma_start3A_149] : memref<32x128xi32, #tpu.memory_space<vmem>> -> memref<1x128xi32, #tpu.memory_space<vmem>>
      %dma_start3A_151 = tpu.memref_squeeze %dma_start3A_150 : memref<1x128xi32, #tpu.memory_space<vmem>> -> memref<128xi32, #tpu.memory_space<vmem>>
      %dma_start3A_152 = arith.constant 0 : i32
      %dma_start3A_153 = arith.constant 0 : i32
      %dma_start3A_154 = tpu.memref_slice %arg5[%dma_start3A_152, %dma_start3A_153] : memref<100000x8xf32, #tpu.memory_space<hbm>> -> memref<100000x8xf32, #tpu.memory_space<hbm>>
      tpu.enqueue_indirect_dma source(%dma_start3A_154 : memref<100000x8xf32, #tpu.memory_space<hbm>>) target(%dma_start3A_148 : memref<128x8xf32, #tpu.memory_space<vmem>>) offsets(%dma_start3A_151 : memref<128xi32, #tpu.memory_space<vmem>>) semaphore(%arg22 : memref<!tpu.dma_semaphore, #tpu.memory_space<semaphore_mem>>)
      %dma_start3A_155 = arith.constant 3 : i32
      %dma_start3A_156 = arith.constant 0 : i32
      %dma_start3A_157 = arith.constant 0 : i32
      %dma_start3A_158 = tpu.memref_slice %arg17[%dma_start3A_155, %dma_start3A_156, %dma_start3A_157] : memref<7x128x8xf32, #tpu.memory_space<vmem>> -> memref<1x128x8xf32, #tpu.memory_space<vmem>>
      %dma_start3A_159 = tpu.memref_squeeze %dma_start3A_158 : memref<1x128x8xf32, #tpu.memory_space<vmem>> -> memref<128x8xf32, #tpu.memory_space<vmem>>
      %dma_start3A_160 = arith.constant 0 : i32
      %dma_start3A_161 = tpu.memref_slice %arg14[%add3A_121, %dma_start3A_160] : memref<32x128xi32, #tpu.memory_space<vmem>> -> memref<1x128xi32, #tpu.memory_space<vmem>>
      %dma_start3A_162 = tpu.memref_squeeze %dma_start3A_161 : memref<1x128xi32, #tpu.memory_space<vmem>> -> memref<128xi32, #tpu.memory_space<vmem>>
      %dma_start3A_163 = arith.constant 0 : i32
      %dma_start3A_164 = arith.constant 0 : i32
      %dma_start3A_165 = tpu.memref_slice %arg6[%dma_start3A_163, %dma_start3A_164] : memref<100000x8xf32, #tpu.memory_space<hbm>> -> memref<100000x8xf32, #tpu.memory_space<hbm>>
      tpu.enqueue_indirect_dma source(%dma_start3A_165 : memref<100000x8xf32, #tpu.memory_space<hbm>>) target(%dma_start3A_159 : memref<128x8xf32, #tpu.memory_space<vmem>>) offsets(%dma_start3A_162 : memref<128xi32, #tpu.memory_space<vmem>>) semaphore(%arg22 : memref<!tpu.dma_semaphore, #tpu.memory_space<semaphore_mem>>)
      %dma_start3A_166 = arith.constant 4 : i32
      %dma_start3A_167 = arith.constant 0 : i32
      %dma_start3A_168 = arith.constant 0 : i32
      %dma_start3A_169 = tpu.memref_slice %arg17[%dma_start3A_166, %dma_start3A_167, %dma_start3A_168] : memref<7x128x8xf32, #tpu.memory_space<vmem>> -> memref<1x128x8xf32, #tpu.memory_space<vmem>>
      %dma_start3A_170 = tpu.memref_squeeze %dma_start3A_169 : memref<1x128x8xf32, #tpu.memory_space<vmem>> -> memref<128x8xf32, #tpu.memory_space<vmem>>
      %dma_start3A_171 = arith.constant 0 : i32
      %dma_start3A_172 = tpu.memref_slice %arg14[%add3A_121, %dma_start3A_171] : memref<32x128xi32, #tpu.memory_space<vmem>> -> memref<1x128xi32, #tpu.memory_space<vmem>>
      %dma_start3A_173 = tpu.memref_squeeze %dma_start3A_172 : memref<1x128xi32, #tpu.memory_space<vmem>> -> memref<128xi32, #tpu.memory_space<vmem>>
      %dma_start3A_174 = arith.constant 0 : i32
      %dma_start3A_175 = arith.constant 0 : i32
      %dma_start3A_176 = tpu.memref_slice %arg7[%dma_start3A_174, %dma_start3A_175] : memref<100000x8xf32, #tpu.memory_space<hbm>> -> memref<100000x8xf32, #tpu.memory_space<hbm>>
      tpu.enqueue_indirect_dma source(%dma_start3A_176 : memref<100000x8xf32, #tpu.memory_space<hbm>>) target(%dma_start3A_170 : memref<128x8xf32, #tpu.memory_space<vmem>>) offsets(%dma_start3A_173 : memref<128xi32, #tpu.memory_space<vmem>>) semaphore(%arg22 : memref<!tpu.dma_semaphore, #tpu.memory_space<semaphore_mem>>)
      %dma_start3A_177 = arith.constant 5 : i32
      %dma_start3A_178 = arith.constant 0 : i32
      %dma_start3A_179 = arith.constant 0 : i32
      %dma_start3A_180 = tpu.memref_slice %arg17[%dma_start3A_177, %dma_start3A_178, %dma_start3A_179] : memref<7x128x8xf32, #tpu.memory_space<vmem>> -> memref<1x128x8xf32, #tpu.memory_space<vmem>>
      %dma_start3A_181 = tpu.memref_squeeze %dma_start3A_180 : memref<1x128x8xf32, #tpu.memory_space<vmem>> -> memref<128x8xf32, #tpu.memory_space<vmem>>
      %dma_start3A_182 = arith.constant 0 : i32
      %dma_start3A_183 = tpu.memref_slice %arg14[%add3A_121, %dma_start3A_182] : memref<32x128xi32, #tpu.memory_space<vmem>> -> memref<1x128xi32, #tpu.memory_space<vmem>>
      %dma_start3A_184 = tpu.memref_squeeze %dma_start3A_183 : memref<1x128xi32, #tpu.memory_space<vmem>> -> memref<128xi32, #tpu.memory_space<vmem>>
      %dma_start3A_185 = arith.constant 0 : i32
      %dma_start3A_186 = arith.constant 0 : i32
      %dma_start3A_187 = tpu.memref_slice %arg8[%dma_start3A_185, %dma_start3A_186] : memref<100000x8xf32, #tpu.memory_space<hbm>> -> memref<100000x8xf32, #tpu.memory_space<hbm>>
      tpu.enqueue_indirect_dma source(%dma_start3A_187 : memref<100000x8xf32, #tpu.memory_space<hbm>>) target(%dma_start3A_181 : memref<128x8xf32, #tpu.memory_space<vmem>>) offsets(%dma_start3A_184 : memref<128xi32, #tpu.memory_space<vmem>>) semaphore(%arg22 : memref<!tpu.dma_semaphore, #tpu.memory_space<semaphore_mem>>)
      %dma_start3A_188 = arith.constant 6 : i32
      %dma_start3A_189 = arith.constant 0 : i32
      %dma_start3A_190 = arith.constant 0 : i32
      %dma_start3A_191 = tpu.memref_slice %arg17[%dma_start3A_188, %dma_start3A_189, %dma_start3A_190] : memref<7x128x8xf32, #tpu.memory_space<vmem>> -> memref<1x128x8xf32, #tpu.memory_space<vmem>>
      %dma_start3A_192 = tpu.memref_squeeze %dma_start3A_191 : memref<1x128x8xf32, #tpu.memory_space<vmem>> -> memref<128x8xf32, #tpu.memory_space<vmem>>
      %dma_start3A_193 = arith.constant 0 : i32
      %dma_start3A_194 = tpu.memref_slice %arg14[%add3A_121, %dma_start3A_193] : memref<32x128xi32, #tpu.memory_space<vmem>> -> memref<1x128xi32, #tpu.memory_space<vmem>>
      %dma_start3A_195 = tpu.memref_squeeze %dma_start3A_194 : memref<1x128xi32, #tpu.memory_space<vmem>> -> memref<128xi32, #tpu.memory_space<vmem>>
      %dma_start3A_196 = arith.constant 0 : i32
      %dma_start3A_197 = arith.constant 0 : i32
      %dma_start3A_198 = tpu.memref_slice %arg9[%dma_start3A_196, %dma_start3A_197] : memref<100000x8xf32, #tpu.memory_space<hbm>> -> memref<100000x8xf32, #tpu.memory_space<hbm>>
      tpu.enqueue_indirect_dma source(%dma_start3A_198 : memref<100000x8xf32, #tpu.memory_space<hbm>>) target(%dma_start3A_192 : memref<128x8xf32, #tpu.memory_space<vmem>>) offsets(%dma_start3A_195 : memref<128xi32, #tpu.memory_space<vmem>>) semaphore(%arg22 : memref<!tpu.dma_semaphore, #tpu.memory_space<semaphore_mem>>)
      %dma_wait3A = arith.constant 0 : i32
      %dma_wait3A_199 = arith.constant 0 : i32
      %dma_wait3A_200 = arith.constant 0 : i32
      %dma_wait3A_201 = tpu.memref_slice %arg16[%dma_wait3A, %dma_wait3A_199, %dma_wait3A_200] : memref<7x128x8xf32, #tpu.memory_space<vmem>> -> memref<1x128x8xf32, #tpu.memory_space<vmem>>
      %dma_wait3A_202 = tpu.memref_squeeze %dma_wait3A_201 : memref<1x128x8xf32, #tpu.memory_space<vmem>> -> memref<128x8xf32, #tpu.memory_space<vmem>>
      %dma_wait3A_203 = arith.constant 0 : i32
      %dma_wait3A_204 = tpu.memref_slice %arg14[%mul3A_119, %dma_wait3A_203] : memref<32x128xi32, #tpu.memory_space<vmem>> -> memref<1x128xi32, #tpu.memory_space<vmem>>
      %dma_wait3A_205 = tpu.memref_squeeze %dma_wait3A_204 : memref<1x128xi32, #tpu.memory_space<vmem>> -> memref<128xi32, #tpu.memory_space<vmem>>
      %dma_wait3A_206 = arith.constant 0 : i32
      %dma_wait3A_207 = arith.constant 0 : i32
      %dma_wait3A_208 = tpu.memref_slice %arg3[%dma_wait3A_206, %dma_wait3A_207] : memref<100000x8xf32, #tpu.memory_space<hbm>> -> memref<100000x8xf32, #tpu.memory_space<hbm>>
      tpu.wait_indirect_dma semaphore(%arg21 : memref<!tpu.dma_semaphore, #tpu.memory_space<semaphore_mem>>) src(%dma_wait3A_208 : memref<100000x8xf32, #tpu.memory_space<hbm>>) dst(%dma_wait3A_202 : memref<128x8xf32, #tpu.memory_space<vmem>>)
      %dma_wait3A_209 = arith.constant 1 : i32
      %dma_wait3A_210 = arith.constant 0 : i32
      %dma_wait3A_211 = arith.constant 0 : i32
      %dma_wait3A_212 = tpu.memref_slice %arg16[%dma_wait3A_209, %dma_wait3A_210, %dma_wait3A_211] : memref<7x128x8xf32, #tpu.memory_space<vmem>> -> memref<1x128x8xf32, #tpu.memory_space<vmem>>
      %dma_wait3A_213 = tpu.memref_squeeze %dma_wait3A_212 : memref<1x128x8xf32, #tpu.memory_space<vmem>> -> memref<128x8xf32, #tpu.memory_space<vmem>>
      %dma_wait3A_214 = arith.constant 0 : i32
      %dma_wait3A_215 = tpu.memref_slice %arg14[%mul3A_119, %dma_wait3A_214] : memref<32x128xi32, #tpu.memory_space<vmem>> -> memref<1x128xi32, #tpu.memory_space<vmem>>
      %dma_wait3A_216 = tpu.memref_squeeze %dma_wait3A_215 : memref<1x128xi32, #tpu.memory_space<vmem>> -> memref<128xi32, #tpu.memory_space<vmem>>
      %dma_wait3A_217 = arith.constant 0 : i32
      %dma_wait3A_218 = arith.constant 0 : i32
      %dma_wait3A_219 = tpu.memref_slice %arg4[%dma_wait3A_217, %dma_wait3A_218] : memref<100000x8xf32, #tpu.memory_space<hbm>> -> memref<100000x8xf32, #tpu.memory_space<hbm>>
      tpu.wait_indirect_dma semaphore(%arg21 : memref<!tpu.dma_semaphore, #tpu.memory_space<semaphore_mem>>) src(%dma_wait3A_219 : memref<100000x8xf32, #tpu.memory_space<hbm>>) dst(%dma_wait3A_213 : memref<128x8xf32, #tpu.memory_space<vmem>>)
      %dma_wait3A_220 = arith.constant 2 : i32
      %dma_wait3A_221 = arith.constant 0 : i32
      %dma_wait3A_222 = arith.constant 0 : i32
      %dma_wait3A_223 = tpu.memref_slice %arg16[%dma_wait3A_220, %dma_wait3A_221, %dma_wait3A_222] : memref<7x128x8xf32, #tpu.memory_space<vmem>> -> memref<1x128x8xf32, #tpu.memory_space<vmem>>
      %dma_wait3A_224 = tpu.memref_squeeze %dma_wait3A_223 : memref<1x128x8xf32, #tpu.memory_space<vmem>> -> memref<128x8xf32, #tpu.memory_space<vmem>>
      %dma_wait3A_225 = arith.constant 0 : i32
      %dma_wait3A_226 = tpu.memref_slice %arg14[%mul3A_119, %dma_wait3A_225] : memref<32x128xi32, #tpu.memory_space<vmem>> -> memref<1x128xi32, #tpu.memory_space<vmem>>
      %dma_wait3A_227 = tpu.memref_squeeze %dma_wait3A_226 : memref<1x128xi32, #tpu.memory_space<vmem>> -> memref<128xi32, #tpu.memory_space<vmem>>
      %dma_wait3A_228 = arith.constant 0 : i32
      %dma_wait3A_229 = arith.constant 0 : i32
      %dma_wait3A_230 = tpu.memref_slice %arg5[%dma_wait3A_228, %dma_wait3A_229] : memref<100000x8xf32, #tpu.memory_space<hbm>> -> memref<100000x8xf32, #tpu.memory_space<hbm>>
      tpu.wait_indirect_dma semaphore(%arg21 : memref<!tpu.dma_semaphore, #tpu.memory_space<semaphore_mem>>) src(%dma_wait3A_230 : memref<100000x8xf32, #tpu.memory_space<hbm>>) dst(%dma_wait3A_224 : memref<128x8xf32, #tpu.memory_space<vmem>>)
      %dma_wait3A_231 = arith.constant 3 : i32
      %dma_wait3A_232 = arith.constant 0 : i32
      %dma_wait3A_233 = arith.constant 0 : i32
      %dma_wait3A_234 = tpu.memref_slice %arg16[%dma_wait3A_231, %dma_wait3A_232, %dma_wait3A_233] : memref<7x128x8xf32, #tpu.memory_space<vmem>> -> memref<1x128x8xf32, #tpu.memory_space<vmem>>
      %dma_wait3A_235 = tpu.memref_squeeze %dma_wait3A_234 : memref<1x128x8xf32, #tpu.memory_space<vmem>> -> memref<128x8xf32, #tpu.memory_space<vmem>>
      %dma_wait3A_236 = arith.constant 0 : i32
      %dma_wait3A_237 = tpu.memref_slice %arg14[%mul3A_119, %dma_wait3A_236] : memref<32x128xi32, #tpu.memory_space<vmem>> -> memref<1x128xi32, #tpu.memory_space<vmem>>
      %dma_wait3A_238 = tpu.memref_squeeze %dma_wait3A_237 : memref<1x128xi32, #tpu.memory_space<vmem>> -> memref<128xi32, #tpu.memory_space<vmem>>
      %dma_wait3A_239 = arith.constant 0 : i32
      %dma_wait3A_240 = arith.constant 0 : i32
      %dma_wait3A_241 = tpu.memref_slice %arg6[%dma_wait3A_239, %dma_wait3A_240] : memref<100000x8xf32, #tpu.memory_space<hbm>> -> memref<100000x8xf32, #tpu.memory_space<hbm>>
      tpu.wait_indirect_dma semaphore(%arg21 : memref<!tpu.dma_semaphore, #tpu.memory_space<semaphore_mem>>) src(%dma_wait3A_241 : memref<100000x8xf32, #tpu.memory_space<hbm>>) dst(%dma_wait3A_235 : memref<128x8xf32, #tpu.memory_space<vmem>>)
      %dma_wait3A_242 = arith.constant 4 : i32
      %dma_wait3A_243 = arith.constant 0 : i32
      %dma_wait3A_244 = arith.constant 0 : i32
      %dma_wait3A_245 = tpu.memref_slice %arg16[%dma_wait3A_242, %dma_wait3A_243, %dma_wait3A_244] : memref<7x128x8xf32, #tpu.memory_space<vmem>> -> memref<1x128x8xf32, #tpu.memory_space<vmem>>
      %dma_wait3A_246 = tpu.memref_squeeze %dma_wait3A_245 : memref<1x128x8xf32, #tpu.memory_space<vmem>> -> memref<128x8xf32, #tpu.memory_space<vmem>>
      %dma_wait3A_247 = arith.constant 0 : i32
      %dma_wait3A_248 = tpu.memref_slice %arg14[%mul3A_119, %dma_wait3A_247] : memref<32x128xi32, #tpu.memory_space<vmem>> -> memref<1x128xi32, #tpu.memory_space<vmem>>
      %dma_wait3A_249 = tpu.memref_squeeze %dma_wait3A_248 : memref<1x128xi32, #tpu.memory_space<vmem>> -> memref<128xi32, #tpu.memory_space<vmem>>
      %dma_wait3A_250 = arith.constant 0 : i32
      %dma_wait3A_251 = arith.constant 0 : i32
      %dma_wait3A_252 = tpu.memref_slice %arg7[%dma_wait3A_250, %dma_wait3A_251] : memref<100000x8xf32, #tpu.memory_space<hbm>> -> memref<100000x8xf32, #tpu.memory_space<hbm>>
      tpu.wait_indirect_dma semaphore(%arg21 : memref<!tpu.dma_semaphore, #tpu.memory_space<semaphore_mem>>) src(%dma_wait3A_252 : memref<100000x8xf32, #tpu.memory_space<hbm>>) dst(%dma_wait3A_246 : memref<128x8xf32, #tpu.memory_space<vmem>>)
      %dma_wait3A_253 = arith.constant 5 : i32
      %dma_wait3A_254 = arith.constant 0 : i32
      %dma_wait3A_255 = arith.constant 0 : i32
      %dma_wait3A_256 = tpu.memref_slice %arg16[%dma_wait3A_253, %dma_wait3A_254, %dma_wait3A_255] : memref<7x128x8xf32, #tpu.memory_space<vmem>> -> memref<1x128x8xf32, #tpu.memory_space<vmem>>
      %dma_wait3A_257 = tpu.memref_squeeze %dma_wait3A_256 : memref<1x128x8xf32, #tpu.memory_space<vmem>> -> memref<128x8xf32, #tpu.memory_space<vmem>>
      %dma_wait3A_258 = arith.constant 0 : i32
      %dma_wait3A_259 = tpu.memref_slice %arg14[%mul3A_119, %dma_wait3A_258] : memref<32x128xi32, #tpu.memory_space<vmem>> -> memref<1x128xi32, #tpu.memory_space<vmem>>
      %dma_wait3A_260 = tpu.memref_squeeze %dma_wait3A_259 : memref<1x128xi32, #tpu.memory_space<vmem>> -> memref<128xi32, #tpu.memory_space<vmem>>
      %dma_wait3A_261 = arith.constant 0 : i32
      %dma_wait3A_262 = arith.constant 0 : i32
      %dma_wait3A_263 = tpu.memref_slice %arg8[%dma_wait3A_261, %dma_wait3A_262] : memref<100000x8xf32, #tpu.memory_space<hbm>> -> memref<100000x8xf32, #tpu.memory_space<hbm>>
      tpu.wait_indirect_dma semaphore(%arg21 : memref<!tpu.dma_semaphore, #tpu.memory_space<semaphore_mem>>) src(%dma_wait3A_263 : memref<100000x8xf32, #tpu.memory_space<hbm>>) dst(%dma_wait3A_257 : memref<128x8xf32, #tpu.memory_space<vmem>>)
      %dma_wait3A_264 = arith.constant 6 : i32
      %dma_wait3A_265 = arith.constant 0 : i32
      %dma_wait3A_266 = arith.constant 0 : i32
      %dma_wait3A_267 = tpu.memref_slice %arg16[%dma_wait3A_264, %dma_wait3A_265, %dma_wait3A_266] : memref<7x128x8xf32, #tpu.memory_space<vmem>> -> memref<1x128x8xf32, #tpu.memory_space<vmem>>
      %dma_wait3A_268 = tpu.memref_squeeze %dma_wait3A_267 : memref<1x128x8xf32, #tpu.memory_space<vmem>> -> memref<128x8xf32, #tpu.memory_space<vmem>>
      %dma_wait3A_269 = arith.constant 0 : i32
      %dma_wait3A_270 = tpu.memref_slice %arg14[%mul3A_119, %dma_wait3A_269] : memref<32x128xi32, #tpu.memory_space<vmem>> -> memref<1x128xi32, #tpu.memory_space<vmem>>
      %dma_wait3A_271 = tpu.memref_squeeze %dma_wait3A_270 : memref<1x128xi32, #tpu.memory_space<vmem>> -> memref<128xi32, #tpu.memory_space<vmem>>
      %dma_wait3A_272 = arith.constant 0 : i32
      %dma_wait3A_273 = arith.constant 0 : i32
      %dma_wait3A_274 = tpu.memref_slice %arg9[%dma_wait3A_272, %dma_wait3A_273] : memref<100000x8xf32, #tpu.memory_space<hbm>> -> memref<100000x8xf32, #tpu.memory_space<hbm>>
      tpu.wait_indirect_dma semaphore(%arg21 : memref<!tpu.dma_semaphore, #tpu.memory_space<semaphore_mem>>) src(%dma_wait3A_274 : memref<100000x8xf32, #tpu.memory_space<hbm>>) dst(%dma_wait3A_268 : memref<128x8xf32, #tpu.memory_space<vmem>>)
      %mul3A_275 = arith.constant 16 : i32
      %mul3A_276 = arith.muli %mul3A_119, %mul3A_275 : i32
      %mul3A_277 = arith.constant 128 : i32
      %mul3A_278 = arith.muli %mul3A_119, %mul3A_277 : i32
      %add3A_279 = arith.constant 0 : i32
      %add3A_280 = vector.broadcast %add3A_279 : i32 to vector<16xi32>
      %add3A_281 = arith.addi %add3A_280, %iota3A : vector<16xi32>
      %mul3A_282 = arith.constant 171 : i32
      %mul3A_283 = vector.broadcast %mul3A_282 : i32 to vector<16xi32>
      %mul3A_284 = arith.muli %add3A_281, %mul3A_283 : vector<16xi32>
      %shift_right_logical3A_285 = arith.constant 9 : i32
      %shift_right_logical3A_286 = vector.broadcast %shift_right_logical3A_285 : i32 to vector<16xi32>
      %shift_right_logical3A_287 = arith.shrui %mul3A_284, %shift_right_logical3A_286 : vector<16xi32>
      %mul3A_288 = arith.constant 3 : i32
      %mul3A_289 = vector.broadcast %mul3A_288 : i32 to vector<16xi32>
      %mul3A_290 = arith.muli %shift_right_logical3A_287, %mul3A_289 : vector<16xi32>
      %sub3A = arith.subi %add3A_281, %mul3A_290 : vector<16xi32>
      %add3A_291 = vector.broadcast %mul3A_278 : i32 to vector<16xi32>
      %add3A_292 = arith.addi %add3A_291, %shift_right_logical3A_287 : vector<16xi32>
      %gather3A = tpu.vector_load_idx %arg15[%add3A_292] : memref<4096xi32, #tpu.memory_space<vmem>>[vector<16xi32>], vector<16xi32>,
      %shift_right_logical3A_293 = arith.constant 3 : i32
      %shift_right_logical3A_294 = vector.broadcast %shift_right_logical3A_293 : i32 to vector<16xi32>
      %shift_right_logical3A_295 = arith.shrui %shift_right_logical3A_287, %shift_right_logical3A_294 : vector<16xi32>
      %add3A_296 = vector.broadcast %mul3A_276 : i32 to vector<16xi32>
      %add3A_297 = arith.addi %shift_right_logical3A_295, %add3A_296 : vector<16xi32>
      %shift_right_logical3A_298 = arith.constant 7 : i32
      %shift_right_logical3A_299 = vector.broadcast %shift_right_logical3A_298 : i32 to vector<16xi32>
      %shift_right_logical3A_300 = arith.shrui %add3A_297, %shift_right_logical3A_299 : vector<16xi32>
      %and3A_301 = arith.constant 127 : i32
      %and3A_302 = vector.broadcast %and3A_301 : i32 to vector<16xi32>
      %and3A_303 = arith.andi %add3A_297, %and3A_302 : vector<16xi32>
      %and3A_304 = arith.constant 7 : i32
      %and3A_305 = vector.broadcast %and3A_304 : i32 to vector<16xi32>
      %and3A_306 = arith.andi %shift_right_logical3A_287, %and3A_305 : vector<16xi32>
      %gather3A_307 = tpu.vector_load_idx %arg16[%sub3A, %shift_right_logical3A_287, %gather3A] : memref<7x128x8xf32, #tpu.memory_space<vmem>>[vector<16xi32>, vector<16xi32>, vector<16xi32>], vector<16xf32>,
      tpu.vector_store_idx %arg18[%sub3A, %shift_right_logical3A_300, %and3A_306, %and3A_303], %gather3A_307 : memref<3x4x8x128xf32, #tpu.memory_space<vmem>>[vector<16xi32>, vector<16xi32>, vector<16xi32>, vector<16xi32>], vector<16xf32>,
      %add3A_308 = arith.constant 3 : i32
      %add3A_309 = vector.broadcast %add3A_308 : i32 to vector<16xi32>
      %add3A_310 = arith.addi %sub3A, %add3A_309 : vector<16xi32>
      %gather3A_311 = tpu.vector_load_idx %arg16[%add3A_310, %shift_right_logical3A_287, %gather3A] : memref<7x128x8xf32, #tpu.memory_space<vmem>>[vector<16xi32>, vector<16xi32>, vector<16xi32>], vector<16xf32>,
      %mul3A_312 = arith.constant 1.000000e+01 : f32
      %mul3A_313 = vector.broadcast %mul3A_312 : f32 to vector<16xf32>
      %mul3A_314 = arith.mulf %gather3A_311, %mul3A_313 : vector<16xf32>
      tpu.vector_store_idx %arg19[%sub3A, %shift_right_logical3A_300, %and3A_306, %and3A_303], %mul3A_314 : memref<3x4x8x128xf32, #tpu.memory_space<vmem>>[vector<16xi32>, vector<16xi32>, vector<16xi32>, vector<16xi32>], vector<16xf32>,
      %add3A_315 = arith.constant 16 : i32
      %add3A_316 = vector.broadcast %add3A_315 : i32 to vector<16xi32>
      %add3A_317 = arith.addi %add3A_316, %iota3A : vector<16xi32>
      %mul3A_318 = arith.constant 171 : i32
      %mul3A_319 = vector.broadcast %mul3A_318 : i32 to vector<16xi32>
      %mul3A_320 = arith.muli %add3A_317, %mul3A_319 : vector<16xi32>
      %shift_right_logical3A_321 = arith.constant 9 : i32
      %shift_right_logical3A_322 = vector.broadcast %shift_right_logical3A_321 : i32 to vector<16xi32>
      %shift_right_logical3A_323 = arith.shrui %mul3A_320, %shift_right_logical3A_322 : vector<16xi32>
      %mul3A_324 = arith.constant 3 : i32
      %mul3A_325 = vector.broadcast %mul3A_324 : i32 to vector<16xi32>
      %mul3A_326 = arith.muli %shift_right_logical3A_323, %mul3A_325 : vector<16xi32>
      %sub3A_327 = arith.subi %add3A_317, %mul3A_326 : vector<16xi32>
      %add3A_328 = vector.broadcast %mul3A_278 : i32 to vector<16xi32>
      %add3A_329 = arith.addi %add3A_328, %shift_right_logical3A_323 : vector<16xi32>
      %gather3A_330 = tpu.vector_load_idx %arg15[%add3A_329] : memref<4096xi32, #tpu.memory_space<vmem>>[vector<16xi32>], vector<16xi32>,
      %shift_right_logical3A_331 = arith.constant 3 : i32
      %shift_right_logical3A_332 = vector.broadcast %shift_right_logical3A_331 : i32 to vector<16xi32>
      %shift_right_logical3A_333 = arith.shrui %shift_right_logical3A_323, %shift_right_logical3A_332 : vector<16xi32>
      %add3A_334 = vector.broadcast %mul3A_276 : i32 to vector<16xi32>
      %add3A_335 = arith.addi %shift_right_logical3A_333, %add3A_334 : vector<16xi32>
      %shift_right_logical3A_336 = arith.constant 7 : i32
      %shift_right_logical3A_337 = vector.broadcast %shift_right_logical3A_336 : i32 to vector<16xi32>
      %shift_right_logical3A_338 = arith.shrui %add3A_335, %shift_right_logical3A_337 : vector<16xi32>
      %and3A_339 = arith.constant 127 : i32
      %and3A_340 = vector.broadcast %and3A_339 : i32 to vector<16xi32>
      %and3A_341 = arith.andi %add3A_335, %and3A_340 : vector<16xi32>
      %and3A_342 = arith.constant 7 : i32
      %and3A_343 = vector.broadcast %and3A_342 : i32 to vector<16xi32>
      %and3A_344 = arith.andi %shift_right_logical3A_323, %and3A_343 : vector<16xi32>
      %gather3A_345 = tpu.vector_load_idx %arg16[%sub3A_327, %shift_right_logical3A_323, %gather3A_330] : memref<7x128x8xf32, #tpu.memory_space<vmem>>[vector<16xi32>, vector<16xi32>, vector<16xi32>], vector<16xf32>,
      tpu.vector_store_idx %arg18[%sub3A_327, %shift_right_logical3A_338, %and3A_344, %and3A_341], %gather3A_345 : memref<3x4x8x128xf32, #tpu.memory_space<vmem>>[vector<16xi32>, vector<16xi32>, vector<16xi32>, vector<16xi32>], vector<16xf32>,
      %add3A_346 = arith.constant 3 : i32
      %add3A_347 = vector.broadcast %add3A_346 : i32 to vector<16xi32>
      %add3A_348 = arith.addi %sub3A_327, %add3A_347 : vector<16xi32>
      %gather3A_349 = tpu.vector_load_idx %arg16[%add3A_348, %shift_right_logical3A_323, %gather3A_330] : memref<7x128x8xf32, #tpu.memory_space<vmem>>[vector<16xi32>, vector<16xi32>, vector<16xi32>], vector<16xf32>,
      %mul3A_350 = arith.constant 1.000000e+01 : f32
      %mul3A_351 = vector.broadcast %mul3A_350 : f32 to vector<16xf32>
      %mul3A_352 = arith.mulf %gather3A_349, %mul3A_351 : vector<16xf32>
      tpu.vector_store_idx %arg19[%sub3A_327, %shift_right_logical3A_338, %and3A_344, %and3A_341], %mul3A_352 : memref<3x4x8x128xf32, #tpu.memory_space<vmem>>[vector<16xi32>, vector<16xi32>, vector<16xi32>, vector<16xi32>], vector<16xf32>,
      %add3A_353 = arith.constant 32 : i32
      %add3A_354 = vector.broadcast %add3A_353 : i32 to vector<16xi32>
      %add3A_355 = arith.addi %add3A_354, %iota3A : vector<16xi32>
      %mul3A_356 = arith.constant 171 : i32
      %mul3A_357 = vector.broadcast %mul3A_356 : i32 to vector<16xi32>
      %mul3A_358 = arith.muli %add3A_355, %mul3A_357 : vector<16xi32>
      %shift_right_logical3A_359 = arith.constant 9 : i32
      %shift_right_logical3A_360 = vector.broadcast %shift_right_logical3A_359 : i32 to vector<16xi32>
      %shift_right_logical3A_361 = arith.shrui %mul3A_358, %shift_right_logical3A_360 : vector<16xi32>
      %mul3A_362 = arith.constant 3 : i32
      %mul3A_363 = vector.broadcast %mul3A_362 : i32 to vector<16xi32>
      %mul3A_364 = arith.muli %shift_right_logical3A_361, %mul3A_363 : vector<16xi32>
      %sub3A_365 = arith.subi %add3A_355, %mul3A_364 : vector<16xi32>
      %add3A_366 = vector.broadcast %mul3A_278 : i32 to vector<16xi32>
      %add3A_367 = arith.addi %add3A_366, %shift_right_logical3A_361 : vector<16xi32>
      %gather3A_368 = tpu.vector_load_idx %arg15[%add3A_367] : memref<4096xi32, #tpu.memory_space<vmem>>[vector<16xi32>], vector<16xi32>,
      %shift_right_logical3A_369 = arith.constant 3 : i32
      %shift_right_logical3A_370 = vector.broadcast %shift_right_logical3A_369 : i32 to vector<16xi32>
      %shift_right_logical3A_371 = arith.shrui %shift_right_logical3A_361, %shift_right_logical3A_370 : vector<16xi32>
      %add3A_372 = vector.broadcast %mul3A_276 : i32 to vector<16xi32>
      %add3A_373 = arith.addi %shift_right_logical3A_371, %add3A_372 : vector<16xi32>
      %shift_right_logical3A_374 = arith.constant 7 : i32
      %shift_right_logical3A_375 = vector.broadcast %shift_right_logical3A_374 : i32 to vector<16xi32>
      %shift_right_logical3A_376 = arith.shrui %add3A_373, %shift_right_logical3A_375 : vector<16xi32>
      %and3A_377 = arith.constant 127 : i32
      %and3A_378 = vector.broadcast %and3A_377 : i32 to vector<16xi32>
      %and3A_379 = arith.andi %add3A_373, %and3A_378 : vector<16xi32>
      %and3A_380 = arith.constant 7 : i32
      %and3A_381 = vector.broadcast %and3A_380 : i32 to vector<16xi32>
      %and3A_382 = arith.andi %shift_right_logical3A_361, %and3A_381 : vector<16xi32>
      %gather3A_383 = tpu.vector_load_idx %arg16[%sub3A_365, %shift_right_logical3A_361, %gather3A_368] : memref<7x128x8xf32, #tpu.memory_space<vmem>>[vector<16xi32>, vector<16xi32>, vector<16xi32>], vector<16xf32>,
      tpu.vector_store_idx %arg18[%sub3A_365, %shift_right_logical3A_376, %and3A_382, %and3A_379], %gather3A_383 : memref<3x4x8x128xf32, #tpu.memory_space<vmem>>[vector<16xi32>, vector<16xi32>, vector<16xi32>, vector<16xi32>], vector<16xf32>,
      %add3A_384 = arith.constant 3 : i32
      %add3A_385 = vector.broadcast %add3A_384 : i32 to vector<16xi32>
      %add3A_386 = arith.addi %sub3A_365, %add3A_385 : vector<16xi32>
      %gather3A_387 = tpu.vector_load_idx %arg16[%add3A_386, %shift_right_logical3A_361, %gather3A_368] : memref<7x128x8xf32, #tpu.memory_space<vmem>>[vector<16xi32>, vector<16xi32>, vector<16xi32>], vector<16xf32>,
      %mul3A_388 = arith.constant 1.000000e+01 : f32
      %mul3A_389 = vector.broadcast %mul3A_388 : f32 to vector<16xf32>
      %mul3A_390 = arith.mulf %gather3A_387, %mul3A_389 : vector<16xf32>
      tpu.vector_store_idx %arg19[%sub3A_365, %shift_right_logical3A_376, %and3A_382, %and3A_379], %mul3A_390 : memref<3x4x8x128xf32, #tpu.memory_space<vmem>>[vector<16xi32>, vector<16xi32>, vector<16xi32>, vector<16xi32>], vector<16xf32>,
      %add3A_391 = arith.constant 48 : i32
      %add3A_392 = vector.broadcast %add3A_391 : i32 to vector<16xi32>
      %add3A_393 = arith.addi %add3A_392, %iota3A : vector<16xi32>
      %mul3A_394 = arith.constant 171 : i32
      %mul3A_395 = vector.broadcast %mul3A_394 : i32 to vector<16xi32>
      %mul3A_396 = arith.muli %add3A_393, %mul3A_395 : vector<16xi32>
      %shift_right_logical3A_397 = arith.constant 9 : i32
      %shift_right_logical3A_398 = vector.broadcast %shift_right_logical3A_397 : i32 to vector<16xi32>
      %shift_right_logical3A_399 = arith.shrui %mul3A_396, %shift_right_logical3A_398 : vector<16xi32>
      %mul3A_400 = arith.constant 3 : i32
      %mul3A_401 = vector.broadcast %mul3A_400 : i32 to vector<16xi32>
      %mul3A_402 = arith.muli %shift_right_logical3A_399, %mul3A_401 : vector<16xi32>
      %sub3A_403 = arith.subi %add3A_393, %mul3A_402 : vector<16xi32>
      %add3A_404 = vector.broadcast %mul3A_278 : i32 to vector<16xi32>
      %add3A_405 = arith.addi %add3A_404, %shift_right_logical3A_399 : vector<16xi32>
      %gather3A_406 = tpu.vector_load_idx %arg15[%add3A_405] : memref<4096xi32, #tpu.memory_space<vmem>>[vector<16xi32>], vector<16xi32>,
      %shift_right_logical3A_407 = arith.constant 3 : i32
      %shift_right_logical3A_408 = vector.broadcast %shift_right_logical3A_407 : i32 to vector<16xi32>
      %shift_right_logical3A_409 = arith.shrui %shift_right_logical3A_399, %shift_right_logical3A_408 : vector<16xi32>
      %add3A_410 = vector.broadcast %mul3A_276 : i32 to vector<16xi32>
      %add3A_411 = arith.addi %shift_right_logical3A_409, %add3A_410 : vector<16xi32>
      %shift_right_logical3A_412 = arith.constant 7 : i32
      %shift_right_logical3A_413 = vector.broadcast %shift_right_logical3A_412 : i32 to vector<16xi32>
      %shift_right_logical3A_414 = arith.shrui %add3A_411, %shift_right_logical3A_413 : vector<16xi32>
      %and3A_415 = arith.constant 127 : i32
      %and3A_416 = vector.broadcast %and3A_415 : i32 to vector<16xi32>
      %and3A_417 = arith.andi %add3A_411, %and3A_416 : vector<16xi32>
      %and3A_418 = arith.constant 7 : i32
      %and3A_419 = vector.broadcast %and3A_418 : i32 to vector<16xi32>
      %and3A_420 = arith.andi %shift_right_logical3A_399, %and3A_419 : vector<16xi32>
      %gather3A_421 = tpu.vector_load_idx %arg16[%sub3A_403, %shift_right_logical3A_399, %gather3A_406] : memref<7x128x8xf32, #tpu.memory_space<vmem>>[vector<16xi32>, vector<16xi32>, vector<16xi32>], vector<16xf32>,
      tpu.vector_store_idx %arg18[%sub3A_403, %shift_right_logical3A_414, %and3A_420, %and3A_417], %gather3A_421 : memref<3x4x8x128xf32, #tpu.memory_space<vmem>>[vector<16xi32>, vector<16xi32>, vector<16xi32>, vector<16xi32>], vector<16xf32>,
      %add3A_422 = arith.constant 3 : i32
      %add3A_423 = vector.broadcast %add3A_422 : i32 to vector<16xi32>
      %add3A_424 = arith.addi %sub3A_403, %add3A_423 : vector<16xi32>
      %gather3A_425 = tpu.vector_load_idx %arg16[%add3A_424, %shift_right_logical3A_399, %gather3A_406] : memref<7x128x8xf32, #tpu.memory_space<vmem>>[vector<16xi32>, vector<16xi32>, vector<16xi32>], vector<16xf32>,
      %mul3A_426 = arith.constant 1.000000e+01 : f32
      %mul3A_427 = vector.broadcast %mul3A_426 : f32 to vector<16xf32>
      %mul3A_428 = arith.mulf %gather3A_425, %mul3A_427 : vector<16xf32>
      tpu.vector_store_idx %arg19[%sub3A_403, %shift_right_logical3A_414, %and3A_420, %and3A_417], %mul3A_428 : memref<3x4x8x128xf32, #tpu.memory_space<vmem>>[vector<16xi32>, vector<16xi32>, vector<16xi32>, vector<16xi32>], vector<16xf32>,
      %add3A_429 = arith.constant 64 : i32
      %add3A_430 = vector.broadcast %add3A_429 : i32 to vector<16xi32>
      %add3A_431 = arith.addi %add3A_430, %iota3A : vector<16xi32>
      %mul3A_432 = arith.constant 171 : i32
      %mul3A_433 = vector.broadcast %mul3A_432 : i32 to vector<16xi32>
      %mul3A_434 = arith.muli %add3A_431, %mul3A_433 : vector<16xi32>
      %shift_right_logical3A_435 = arith.constant 9 : i32
      %shift_right_logical3A_436 = vector.broadcast %shift_right_logical3A_435 : i32 to vector<16xi32>
      %shift_right_logical3A_437 = arith.shrui %mul3A_434, %shift_right_logical3A_436 : vector<16xi32>
      %mul3A_438 = arith.constant 3 : i32
      %mul3A_439 = vector.broadcast %mul3A_438 : i32 to vector<16xi32>
      %mul3A_440 = arith.muli %shift_right_logical3A_437, %mul3A_439 : vector<16xi32>
      %sub3A_441 = arith.subi %add3A_431, %mul3A_440 : vector<16xi32>
      %add3A_442 = vector.broadcast %mul3A_278 : i32 to vector<16xi32>
      %add3A_443 = arith.addi %add3A_442, %shift_right_logical3A_437 : vector<16xi32>
      %gather3A_444 = tpu.vector_load_idx %arg15[%add3A_443] : memref<4096xi32, #tpu.memory_space<vmem>>[vector<16xi32>], vector<16xi32>,
      %shift_right_logical3A_445 = arith.constant 3 : i32
      %shift_right_logical3A_446 = vector.broadcast %shift_right_logical3A_445 : i32 to vector<16xi32>
      %shift_right_logical3A_447 = arith.shrui %shift_right_logical3A_437, %shift_right_logical3A_446 : vector<16xi32>
      %add3A_448 = vector.broadcast %mul3A_276 : i32 to vector<16xi32>
      %add3A_449 = arith.addi %shift_right_logical3A_447, %add3A_448 : vector<16xi32>
      %shift_right_logical3A_450 = arith.constant 7 : i32
      %shift_right_logical3A_451 = vector.broadcast %shift_right_logical3A_450 : i32 to vector<16xi32>
      %shift_right_logical3A_452 = arith.shrui %add3A_449, %shift_right_logical3A_451 : vector<16xi32>
      %and3A_453 = arith.constant 127 : i32
      %and3A_454 = vector.broadcast %and3A_453 : i32 to vector<16xi32>
      %and3A_455 = arith.andi %add3A_449, %and3A_454 : vector<16xi32>
      %and3A_456 = arith.constant 7 : i32
      %and3A_457 = vector.broadcast %and3A_456 : i32 to vector<16xi32>
      %and3A_458 = arith.andi %shift_right_logical3A_437, %and3A_457 : vector<16xi32>
      %gather3A_459 = tpu.vector_load_idx %arg16[%sub3A_441, %shift_right_logical3A_437, %gather3A_444] : memref<7x128x8xf32, #tpu.memory_space<vmem>>[vector<16xi32>, vector<16xi32>, vector<16xi32>], vector<16xf32>,
      tpu.vector_store_idx %arg18[%sub3A_441, %shift_right_logical3A_452, %and3A_458, %and3A_455], %gather3A_459 : memref<3x4x8x128xf32, #tpu.memory_space<vmem>>[vector<16xi32>, vector<16xi32>, vector<16xi32>, vector<16xi32>], vector<16xf32>,
      %add3A_460 = arith.constant 3 : i32
      %add3A_461 = vector.broadcast %add3A_460 : i32 to vector<16xi32>
      %add3A_462 = arith.addi %sub3A_441, %add3A_461 : vector<16xi32>
      %gather3A_463 = tpu.vector_load_idx %arg16[%add3A_462, %shift_right_logical3A_437, %gather3A_444] : memref<7x128x8xf32, #tpu.memory_space<vmem>>[vector<16xi32>, vector<16xi32>, vector<16xi32>], vector<16xf32>,
      %mul3A_464 = arith.constant 1.000000e+01 : f32
      %mul3A_465 = vector.broadcast %mul3A_464 : f32 to vector<16xf32>
      %mul3A_466 = arith.mulf %gather3A_463, %mul3A_465 : vector<16xf32>
      tpu.vector_store_idx %arg19[%sub3A_441, %shift_right_logical3A_452, %and3A_458, %and3A_455], %mul3A_466 : memref<3x4x8x128xf32, #tpu.memory_space<vmem>>[vector<16xi32>, vector<16xi32>, vector<16xi32>, vector<16xi32>], vector<16xf32>,
      %add3A_467 = arith.constant 80 : i32
      %add3A_468 = vector.broadcast %add3A_467 : i32 to vector<16xi32>
      %add3A_469 = arith.addi %add3A_468, %iota3A : vector<16xi32>
      %mul3A_470 = arith.constant 171 : i32
      %mul3A_471 = vector.broadcast %mul3A_470 : i32 to vector<16xi32>
      %mul3A_472 = arith.muli %add3A_469, %mul3A_471 : vector<16xi32>
      %shift_right_logical3A_473 = arith.constant 9 : i32
      %shift_right_logical3A_474 = vector.broadcast %shift_right_logical3A_473 : i32 to vector<16xi32>
      %shift_right_logical3A_475 = arith.shrui %mul3A_472, %shift_right_logical3A_474 : vector<16xi32>
      %mul3A_476 = arith.constant 3 : i32
      %mul3A_477 = vector.broadcast %mul3A_476 : i32 to vector<16xi32>
      %mul3A_478 = arith.muli %shift_right_logical3A_475, %mul3A_477 : vector<16xi32>
      %sub3A_479 = arith.subi %add3A_469, %mul3A_478 : vector<16xi32>
      %add3A_480 = vector.broadcast %mul3A_278 : i32 to vector<16xi32>
      %add3A_481 = arith.addi %add3A_480, %shift_right_logical3A_475 : vector<16xi32>
      %gather3A_482 = tpu.vector_load_idx %arg15[%add3A_481] : memref<4096xi32, #tpu.memory_space<vmem>>[vector<16xi32>], vector<16xi32>,
      %shift_right_logical3A_483 = arith.constant 3 : i32
      %shift_right_logical3A_484 = vector.broadcast %shift_right_logical3A_483 : i32 to vector<16xi32>
      %shift_right_logical3A_485 = arith.shrui %shift_right_logical3A_475, %shift_right_logical3A_484 : vector<16xi32>
      %add3A_486 = vector.broadcast %mul3A_276 : i32 to vector<16xi32>
      %add3A_487 = arith.addi %shift_right_logical3A_485, %add3A_486 : vector<16xi32>
      %shift_right_logical3A_488 = arith.constant 7 : i32
      %shift_right_logical3A_489 = vector.broadcast %shift_right_logical3A_488 : i32 to vector<16xi32>
      %shift_right_logical3A_490 = arith.shrui %add3A_487, %shift_right_logical3A_489 : vector<16xi32>
      %and3A_491 = arith.constant 127 : i32
      %and3A_492 = vector.broadcast %and3A_491 : i32 to vector<16xi32>
      %and3A_493 = arith.andi %add3A_487, %and3A_492 : vector<16xi32>
      %and3A_494 = arith.constant 7 : i32
      %and3A_495 = vector.broadcast %and3A_494 : i32 to vector<16xi32>
      %and3A_496 = arith.andi %shift_right_logical3A_475, %and3A_495 : vector<16xi32>
      %gather3A_497 = tpu.vector_load_idx %arg16[%sub3A_479, %shift_right_logical3A_475, %gather3A_482] : memref<7x128x8xf32, #tpu.memory_space<vmem>>[vector<16xi32>, vector<16xi32>, vector<16xi32>], vector<16xf32>,
      tpu.vector_store_idx %arg18[%sub3A_479, %shift_right_logical3A_490, %and3A_496, %and3A_493], %gather3A_497 : memref<3x4x8x128xf32, #tpu.memory_space<vmem>>[vector<16xi32>, vector<16xi32>, vector<16xi32>, vector<16xi32>], vector<16xf32>,
      %add3A_498 = arith.constant 3 : i32
      %add3A_499 = vector.broadcast %add3A_498 : i32 to vector<16xi32>
      %add3A_500 = arith.addi %sub3A_479, %add3A_499 : vector<16xi32>
      %gather3A_501 = tpu.vector_load_idx %arg16[%add3A_500, %shift_right_logical3A_475, %gather3A_482] : memref<7x128x8xf32, #tpu.memory_space<vmem>>[vector<16xi32>, vector<16xi32>, vector<16xi32>], vector<16xf32>,
      %mul3A_502 = arith.constant 1.000000e+01 : f32
      %mul3A_503 = vector.broadcast %mul3A_502 : f32 to vector<16xf32>
      %mul3A_504 = arith.mulf %gather3A_501, %mul3A_503 : vector<16xf32>
      tpu.vector_store_idx %arg19[%sub3A_479, %shift_right_logical3A_490, %and3A_496, %and3A_493], %mul3A_504 : memref<3x4x8x128xf32, #tpu.memory_space<vmem>>[vector<16xi32>, vector<16xi32>, vector<16xi32>, vector<16xi32>], vector<16xf32>,
      %add3A_505 = arith.constant 96 : i32
      %add3A_506 = vector.broadcast %add3A_505 : i32 to vector<16xi32>
      %add3A_507 = arith.addi %add3A_506, %iota3A : vector<16xi32>
      %mul3A_508 = arith.constant 171 : i32
      %mul3A_509 = vector.broadcast %mul3A_508 : i32 to vector<16xi32>
      %mul3A_510 = arith.muli %add3A_507, %mul3A_509 : vector<16xi32>
      %shift_right_logical3A_511 = arith.constant 9 : i32
      %shift_right_logical3A_512 = vector.broadcast %shift_right_logical3A_511 : i32 to vector<16xi32>
      %shift_right_logical3A_513 = arith.shrui %mul3A_510, %shift_right_logical3A_512 : vector<16xi32>
      %mul3A_514 = arith.constant 3 : i32
      %mul3A_515 = vector.broadcast %mul3A_514 : i32 to vector<16xi32>
      %mul3A_516 = arith.muli %shift_right_logical3A_513, %mul3A_515 : vector<16xi32>
      %sub3A_517 = arith.subi %add3A_507, %mul3A_516 : vector<16xi32>
      %add3A_518 = vector.broadcast %mul3A_278 : i32 to vector<16xi32>
      %add3A_519 = arith.addi %add3A_518, %shift_right_logical3A_513 : vector<16xi32>
      %gather3A_520 = tpu.vector_load_idx %arg15[%add3A_519] : memref<4096xi32, #tpu.memory_space<vmem>>[vector<16xi32>], vector<16xi32>,
      %shift_right_logical3A_521 = arith.constant 3 : i32
      %shift_right_logical3A_522 = vector.broadcast %shift_right_logical3A_521 : i32 to vector<16xi32>
      %shift_right_logical3A_523 = arith.shrui %shift_right_logical3A_513, %shift_right_logical3A_522 : vector<16xi32>
      %add3A_524 = vector.broadcast %mul3A_276 : i32 to vector<16xi32>
      %add3A_525 = arith.addi %shift_right_logical3A_523, %add3A_524 : vector<16xi32>
      %shift_right_logical3A_526 = arith.constant 7 : i32
      %shift_right_logical3A_527 = vector.broadcast %shift_right_logical3A_526 : i32 to vector<16xi32>
      %shift_right_logical3A_528 = arith.shrui %add3A_525, %shift_right_logical3A_527 : vector<16xi32>
      %and3A_529 = arith.constant 127 : i32
      %and3A_530 = vector.broadcast %and3A_529 : i32 to vector<16xi32>
      %and3A_531 = arith.andi %add3A_525, %and3A_530 : vector<16xi32>
      %and3A_532 = arith.constant 7 : i32
      %and3A_533 = vector.broadcast %and3A_532 : i32 to vector<16xi32>
      %and3A_534 = arith.andi %shift_right_logical3A_513, %and3A_533 : vector<16xi32>
      %gather3A_535 = tpu.vector_load_idx %arg16[%sub3A_517, %shift_right_logical3A_513, %gather3A_520] : memref<7x128x8xf32, #tpu.memory_space<vmem>>[vector<16xi32>, vector<16xi32>, vector<16xi32>], vector<16xf32>,
      tpu.vector_store_idx %arg18[%sub3A_517, %shift_right_logical3A_528, %and3A_534, %and3A_531], %gather3A_535 : memref<3x4x8x128xf32, #tpu.memory_space<vmem>>[vector<16xi32>, vector<16xi32>, vector<16xi32>, vector<16xi32>], vector<16xf32>,
      %add3A_536 = arith.constant 3 : i32
      %add3A_537 = vector.broadcast %add3A_536 : i32 to vector<16xi32>
      %add3A_538 = arith.addi %sub3A_517, %add3A_537 : vector<16xi32>
      %gather3A_539 = tpu.vector_load_idx %arg16[%add3A_538, %shift_right_logical3A_513, %gather3A_520] : memref<7x128x8xf32, #tpu.memory_space<vmem>>[vector<16xi32>, vector<16xi32>, vector<16xi32>], vector<16xf32>,
      %mul3A_540 = arith.constant 1.000000e+01 : f32
      %mul3A_541 = vector.broadcast %mul3A_540 : f32 to vector<16xf32>
      %mul3A_542 = arith.mulf %gather3A_539, %mul3A_541 : vector<16xf32>
      tpu.vector_store_idx %arg19[%sub3A_517, %shift_right_logical3A_528, %and3A_534, %and3A_531], %mul3A_542 : memref<3x4x8x128xf32, #tpu.memory_space<vmem>>[vector<16xi32>, vector<16xi32>, vector<16xi32>, vector<16xi32>], vector<16xf32>,
      %add3A_543 = arith.constant 112 : i32
      %add3A_544 = vector.broadcast %add3A_543 : i32 to vector<16xi32>
      %add3A_545 = arith.addi %add3A_544, %iota3A : vector<16xi32>
      %mul3A_546 = arith.constant 171 : i32
      %mul3A_547 = vector.broadcast %mul3A_546 : i32 to vector<16xi32>
      %mul3A_548 = arith.muli %add3A_545, %mul3A_547 : vector<16xi32>
      %shift_right_logical3A_549 = arith.constant 9 : i32
      %shift_right_logical3A_550 = vector.broadcast %shift_right_logical3A_549 : i32 to vector<16xi32>
      %shift_right_logical3A_551 = arith.shrui %mul3A_548, %shift_right_logical3A_550 : vector<16xi32>
      %mul3A_552 = arith.constant 3 : i32
      %mul3A_553 = vector.broadcast %mul3A_552 : i32 to vector<16xi32>
      %mul3A_554 = arith.muli %shift_right_logical3A_551, %mul3A_553 : vector<16xi32>
      %sub3A_555 = arith.subi %add3A_545, %mul3A_554 : vector<16xi32>
      %add3A_556 = vector.broadcast %mul3A_278 : i32 to vector<16xi32>
      %add3A_557 = arith.addi %add3A_556, %shift_right_logical3A_551 : vector<16xi32>
      %gather3A_558 = tpu.vector_load_idx %arg15[%add3A_557] : memref<4096xi32, #tpu.memory_space<vmem>>[vector<16xi32>], vector<16xi32>,
      %shift_right_logical3A_559 = arith.constant 3 : i32
      %shift_right_logical3A_560 = vector.broadcast %shift_right_logical3A_559 : i32 to vector<16xi32>
      %shift_right_logical3A_561 = arith.shrui %shift_right_logical3A_551, %shift_right_logical3A_560 : vector<16xi32>
      %add3A_562 = vector.broadcast %mul3A_276 : i32 to vector<16xi32>
      %add3A_563 = arith.addi %shift_right_logical3A_561, %add3A_562 : vector<16xi32>
      %shift_right_logical3A_564 = arith.constant 7 : i32
      %shift_right_logical3A_565 = vector.broadcast %shift_right_logical3A_564 : i32 to vector<16xi32>
      %shift_right_logical3A_566 = arith.shrui %add3A_563, %shift_right_logical3A_565 : vector<16xi32>
      %and3A_567 = arith.constant 127 : i32
      %and3A_568 = vector.broadcast %and3A_567 : i32 to vector<16xi32>
      %and3A_569 = arith.andi %add3A_563, %and3A_568 : vector<16xi32>
      %and3A_570 = arith.constant 7 : i32
      %and3A_571 = vector.broadcast %and3A_570 : i32 to vector<16xi32>
      %and3A_572 = arith.andi %shift_right_logical3A_551, %and3A_571 : vector<16xi32>
      %gather3A_573 = tpu.vector_load_idx %arg16[%sub3A_555, %shift_right_logical3A_551, %gather3A_558] : memref<7x128x8xf32, #tpu.memory_space<vmem>>[vector<16xi32>, vector<16xi32>, vector<16xi32>], vector<16xf32>,
      tpu.vector_store_idx %arg18[%sub3A_555, %shift_right_logical3A_566, %and3A_572, %and3A_569], %gather3A_573 : memref<3x4x8x128xf32, #tpu.memory_space<vmem>>[vector<16xi32>, vector<16xi32>, vector<16xi32>, vector<16xi32>], vector<16xf32>,
      %add3A_574 = arith.constant 3 : i32
      %add3A_575 = vector.broadcast %add3A_574 : i32 to vector<16xi32>
      %add3A_576 = arith.addi %sub3A_555, %add3A_575 : vector<16xi32>
      %gather3A_577 = tpu.vector_load_idx %arg16[%add3A_576, %shift_right_logical3A_551, %gather3A_558] : memref<7x128x8xf32, #tpu.memory_space<vmem>>[vector<16xi32>, vector<16xi32>, vector<16xi32>], vector<16xf32>,
      %mul3A_578 = arith.constant 1.000000e+01 : f32
      %mul3A_579 = vector.broadcast %mul3A_578 : f32 to vector<16xf32>
      %mul3A_580 = arith.mulf %gather3A_577, %mul3A_579 : vector<16xf32>
      tpu.vector_store_idx %arg19[%sub3A_555, %shift_right_logical3A_566, %and3A_572, %and3A_569], %mul3A_580 : memref<3x4x8x128xf32, #tpu.memory_space<vmem>>[vector<16xi32>, vector<16xi32>, vector<16xi32>, vector<16xi32>], vector<16xf32>,
      %add3A_581 = arith.constant 128 : i32
      %add3A_582 = vector.broadcast %add3A_581 : i32 to vector<16xi32>
      %add3A_583 = arith.addi %add3A_582, %iota3A : vector<16xi32>
      %mul3A_584 = arith.constant 171 : i32
      %mul3A_585 = vector.broadcast %mul3A_584 : i32 to vector<16xi32>
      %mul3A_586 = arith.muli %add3A_583, %mul3A_585 : vector<16xi32>
      %shift_right_logical3A_587 = arith.constant 9 : i32
      %shift_right_logical3A_588 = vector.broadcast %shift_right_logical3A_587 : i32 to vector<16xi32>
      %shift_right_logical3A_589 = arith.shrui %mul3A_586, %shift_right_logical3A_588 : vector<16xi32>
      %mul3A_590 = arith.constant 3 : i32
      %mul3A_591 = vector.broadcast %mul3A_590 : i32 to vector<16xi32>
      %mul3A_592 = arith.muli %shift_right_logical3A_589, %mul3A_591 : vector<16xi32>
      %sub3A_593 = arith.subi %add3A_583, %mul3A_592 : vector<16xi32>
      %add3A_594 = vector.broadcast %mul3A_278 : i32 to vector<16xi32>
      %add3A_595 = arith.addi %add3A_594, %shift_right_logical3A_589 : vector<16xi32>
      %gather3A_596 = tpu.vector_load_idx %arg15[%add3A_595] : memref<4096xi32, #tpu.memory_space<vmem>>[vector<16xi32>], vector<16xi32>,
      %shift_right_logical3A_597 = arith.constant 3 : i32
      %shift_right_logical3A_598 = vector.broadcast %shift_right_logical3A_597 : i32 to vector<16xi32>
      %shift_right_logical3A_599 = arith.shrui %shift_right_logical3A_589, %shift_right_logical3A_598 : vector<16xi32>
      %add3A_600 = vector.broadcast %mul3A_276 : i32 to vector<16xi32>
      %add3A_601 = arith.addi %shift_right_logical3A_599, %add3A_600 : vector<16xi32>
      %shift_right_logical3A_602 = arith.constant 7 : i32
      %shift_right_logical3A_603 = vector.broadcast %shift_right_logical3A_602 : i32 to vector<16xi32>
      %shift_right_logical3A_604 = arith.shrui %add3A_601, %shift_right_logical3A_603 : vector<16xi32>
      %and3A_605 = arith.constant 127 : i32
      %and3A_606 = vector.broadcast %and3A_605 : i32 to vector<16xi32>
      %and3A_607 = arith.andi %add3A_601, %and3A_606 : vector<16xi32>
      %and3A_608 = arith.constant 7 : i32
      %and3A_609 = vector.broadcast %and3A_608 : i32 to vector<16xi32>
      %and3A_610 = arith.andi %shift_right_logical3A_589, %and3A_609 : vector<16xi32>
      %gather3A_611 = tpu.vector_load_idx %arg16[%sub3A_593, %shift_right_logical3A_589, %gather3A_596] : memref<7x128x8xf32, #tpu.memory_space<vmem>>[vector<16xi32>, vector<16xi32>, vector<16xi32>], vector<16xf32>,
      tpu.vector_store_idx %arg18[%sub3A_593, %shift_right_logical3A_604, %and3A_610, %and3A_607], %gather3A_611 : memref<3x4x8x128xf32, #tpu.memory_space<vmem>>[vector<16xi32>, vector<16xi32>, vector<16xi32>, vector<16xi32>], vector<16xf32>,
      %add3A_612 = arith.constant 3 : i32
      %add3A_613 = vector.broadcast %add3A_612 : i32 to vector<16xi32>
      %add3A_614 = arith.addi %sub3A_593, %add3A_613 : vector<16xi32>
      %gather3A_615 = tpu.vector_load_idx %arg16[%add3A_614, %shift_right_logical3A_589, %gather3A_596] : memref<7x128x8xf32, #tpu.memory_space<vmem>>[vector<16xi32>, vector<16xi32>, vector<16xi32>], vector<16xf32>,
      %mul3A_616 = arith.constant 1.000000e+01 : f32
      %mul3A_617 = vector.broadcast %mul3A_616 : f32 to vector<16xf32>
      %mul3A_618 = arith.mulf %gather3A_615, %mul3A_617 : vector<16xf32>
      tpu.vector_store_idx %arg19[%sub3A_593, %shift_right_logical3A_604, %and3A_610, %and3A_607], %mul3A_618 : memref<3x4x8x128xf32, #tpu.memory_space<vmem>>[vector<16xi32>, vector<16xi32>, vector<16xi32>, vector<16xi32>], vector<16xf32>,
      %add3A_619 = arith.constant 144 : i32
      %add3A_620 = vector.broadcast %add3A_619 : i32 to vector<16xi32>
      %add3A_621 = arith.addi %add3A_620, %iota3A : vector<16xi32>
      %mul3A_622 = arith.constant 171 : i32
      %mul3A_623 = vector.broadcast %mul3A_622 : i32 to vector<16xi32>
      %mul3A_624 = arith.muli %add3A_621, %mul3A_623 : vector<16xi32>
      %shift_right_logical3A_625 = arith.constant 9 : i32
      %shift_right_logical3A_626 = vector.broadcast %shift_right_logical3A_625 : i32 to vector<16xi32>
      %shift_right_logical3A_627 = arith.shrui %mul3A_624, %shift_right_logical3A_626 : vector<16xi32>
      %mul3A_628 = arith.constant 3 : i32
      %mul3A_629 = vector.broadcast %mul3A_628 : i32 to vector<16xi32>
      %mul3A_630 = arith.muli %shift_right_logical3A_627, %mul3A_629 : vector<16xi32>
      %sub3A_631 = arith.subi %add3A_621, %mul3A_630 : vector<16xi32>
      %add3A_632 = vector.broadcast %mul3A_278 : i32 to vector<16xi32>
      %add3A_633 = arith.addi %add3A_632, %shift_right_logical3A_627 : vector<16xi32>
      %gather3A_634 = tpu.vector_load_idx %arg15[%add3A_633] : memref<4096xi32, #tpu.memory_space<vmem>>[vector<16xi32>], vector<16xi32>,
      %shift_right_logical3A_635 = arith.constant 3 : i32
      %shift_right_logical3A_636 = vector.broadcast %shift_right_logical3A_635 : i32 to vector<16xi32>
      %shift_right_logical3A_637 = arith.shrui %shift_right_logical3A_627, %shift_right_logical3A_636 : vector<16xi32>
      %add3A_638 = vector.broadcast %mul3A_276 : i32 to vector<16xi32>
      %add3A_639 = arith.addi %shift_right_logical3A_637, %add3A_638 : vector<16xi32>
      %shift_right_logical3A_640 = arith.constant 7 : i32
      %shift_right_logical3A_641 = vector.broadcast %shift_right_logical3A_640 : i32 to vector<16xi32>
      %shift_right_logical3A_642 = arith.shrui %add3A_639, %shift_right_logical3A_641 : vector<16xi32>
      %and3A_643 = arith.constant 127 : i32
      %and3A_644 = vector.broadcast %and3A_643 : i32 to vector<16xi32>
      %and3A_645 = arith.andi %add3A_639, %and3A_644 : vector<16xi32>
      %and3A_646 = arith.constant 7 : i32
      %and3A_647 = vector.broadcast %and3A_646 : i32 to vector<16xi32>
      %and3A_648 = arith.andi %shift_right_logical3A_627, %and3A_647 : vector<16xi32>
      %gather3A_649 = tpu.vector_load_idx %arg16[%sub3A_631, %shift_right_logical3A_627, %gather3A_634] : memref<7x128x8xf32, #tpu.memory_space<vmem>>[vector<16xi32>, vector<16xi32>, vector<16xi32>], vector<16xf32>,
      tpu.vector_store_idx %arg18[%sub3A_631, %shift_right_logical3A_642, %and3A_648, %and3A_645], %gather3A_649 : memref<3x4x8x128xf32, #tpu.memory_space<vmem>>[vector<16xi32>, vector<16xi32>, vector<16xi32>, vector<16xi32>], vector<16xf32>,
      %add3A_650 = arith.constant 3 : i32
      %add3A_651 = vector.broadcast %add3A_650 : i32 to vector<16xi32>
      %add3A_652 = arith.addi %sub3A_631, %add3A_651 : vector<16xi32>
      %gather3A_653 = tpu.vector_load_idx %arg16[%add3A_652, %shift_right_logical3A_627, %gather3A_634] : memref<7x128x8xf32, #tpu.memory_space<vmem>>[vector<16xi32>, vector<16xi32>, vector<16xi32>], vector<16xf32>,
      %mul3A_654 = arith.constant 1.000000e+01 : f32
      %mul3A_655 = vector.broadcast %mul3A_654 : f32 to vector<16xf32>
      %mul3A_656 = arith.mulf %gather3A_653, %mul3A_655 : vector<16xf32>
      tpu.vector_store_idx %arg19[%sub3A_631, %shift_right_logical3A_642, %and3A_648, %and3A_645], %mul3A_656 : memref<3x4x8x128xf32, #tpu.memory_space<vmem>>[vector<16xi32>, vector<16xi32>, vector<16xi32>, vector<16xi32>], vector<16xf32>,
      %add3A_657 = arith.constant 160 : i32
      %add3A_658 = vector.broadcast %add3A_657 : i32 to vector<16xi32>
      %add3A_659 = arith.addi %add3A_658, %iota3A : vector<16xi32>
      %mul3A_660 = arith.constant 171 : i32
      %mul3A_661 = vector.broadcast %mul3A_660 : i32 to vector<16xi32>
      %mul3A_662 = arith.muli %add3A_659, %mul3A_661 : vector<16xi32>
      %shift_right_logical3A_663 = arith.constant 9 : i32
      %shift_right_logical3A_664 = vector.broadcast %shift_right_logical3A_663 : i32 to vector<16xi32>
      %shift_right_logical3A_665 = arith.shrui %mul3A_662, %shift_right_logical3A_664 : vector<16xi32>
      %mul3A_666 = arith.constant 3 : i32
      %mul3A_667 = vector.broadcast %mul3A_666 : i32 to vector<16xi32>
      %mul3A_668 = arith.muli %shift_right_logical3A_665, %mul3A_667 : vector<16xi32>
      %sub3A_669 = arith.subi %add3A_659, %mul3A_668 : vector<16xi32>
      %add3A_670 = vector.broadcast %mul3A_278 : i32 to vector<16xi32>
      %add3A_671 = arith.addi %add3A_670, %shift_right_logical3A_665 : vector<16xi32>
      %gather3A_672 = tpu.vector_load_idx %arg15[%add3A_671] : memref<4096xi32, #tpu.memory_space<vmem>>[vector<16xi32>], vector<16xi32>,
      %shift_right_logical3A_673 = arith.constant 3 : i32
      %shift_right_logical3A_674 = vector.broadcast %shift_right_logical3A_673 : i32 to vector<16xi32>
      %shift_right_logical3A_675 = arith.shrui %shift_right_logical3A_665, %shift_right_logical3A_674 : vector<16xi32>
      %add3A_676 = vector.broadcast %mul3A_276 : i32 to vector<16xi32>
      %add3A_677 = arith.addi %shift_right_logical3A_675, %add3A_676 : vector<16xi32>
      %shift_right_logical3A_678 = arith.constant 7 : i32
      %shift_right_logical3A_679 = vector.broadcast %shift_right_logical3A_678 : i32 to vector<16xi32>
      %shift_right_logical3A_680 = arith.shrui %add3A_677, %shift_right_logical3A_679 : vector<16xi32>
      %and3A_681 = arith.constant 127 : i32
      %and3A_682 = vector.broadcast %and3A_681 : i32 to vector<16xi32>
      %and3A_683 = arith.andi %add3A_677, %and3A_682 : vector<16xi32>
      %and3A_684 = arith.constant 7 : i32
      %and3A_685 = vector.broadcast %and3A_684 : i32 to vector<16xi32>
      %and3A_686 = arith.andi %shift_right_logical3A_665, %and3A_685 : vector<16xi32>
      %gather3A_687 = tpu.vector_load_idx %arg16[%sub3A_669, %shift_right_logical3A_665, %gather3A_672] : memref<7x128x8xf32, #tpu.memory_space<vmem>>[vector<16xi32>, vector<16xi32>, vector<16xi32>], vector<16xf32>,
      tpu.vector_store_idx %arg18[%sub3A_669, %shift_right_logical3A_680, %and3A_686, %and3A_683], %gather3A_687 : memref<3x4x8x128xf32, #tpu.memory_space<vmem>>[vector<16xi32>, vector<16xi32>, vector<16xi32>, vector<16xi32>], vector<16xf32>,
      %add3A_688 = arith.constant 3 : i32
      %add3A_689 = vector.broadcast %add3A_688 : i32 to vector<16xi32>
      %add3A_690 = arith.addi %sub3A_669, %add3A_689 : vector<16xi32>
      %gather3A_691 = tpu.vector_load_idx %arg16[%add3A_690, %shift_right_logical3A_665, %gather3A_672] : memref<7x128x8xf32, #tpu.memory_space<vmem>>[vector<16xi32>, vector<16xi32>, vector<16xi32>], vector<16xf32>,
      %mul3A_692 = arith.constant 1.000000e+01 : f32
      %mul3A_693 = vector.broadcast %mul3A_692 : f32 to vector<16xf32>
      %mul3A_694 = arith.mulf %gather3A_691, %mul3A_693 : vector<16xf32>
      tpu.vector_store_idx %arg19[%sub3A_669, %shift_right_logical3A_680, %and3A_686, %and3A_683], %mul3A_694 : memref<3x4x8x128xf32, #tpu.memory_space<vmem>>[vector<16xi32>, vector<16xi32>, vector<16xi32>, vector<16xi32>], vector<16xf32>,
      %add3A_695 = arith.constant 176 : i32
      %add3A_696 = vector.broadcast %add3A_695 : i32 to vector<16xi32>
      %add3A_697 = arith.addi %add3A_696, %iota3A : vector<16xi32>
      %mul3A_698 = arith.constant 171 : i32
      %mul3A_699 = vector.broadcast %mul3A_698 : i32 to vector<16xi32>
      %mul3A_700 = arith.muli %add3A_697, %mul3A_699 : vector<16xi32>
      %shift_right_logical3A_701 = arith.constant 9 : i32
      %shift_right_logical3A_702 = vector.broadcast %shift_right_logical3A_701 : i32 to vector<16xi32>
      %shift_right_logical3A_703 = arith.shrui %mul3A_700, %shift_right_logical3A_702 : vector<16xi32>
      %mul3A_704 = arith.constant 3 : i32
      %mul3A_705 = vector.broadcast %mul3A_704 : i32 to vector<16xi32>
      %mul3A_706 = arith.muli %shift_right_logical3A_703, %mul3A_705 : vector<16xi32>
      %sub3A_707 = arith.subi %add3A_697, %mul3A_706 : vector<16xi32>
      %add3A_708 = vector.broadcast %mul3A_278 : i32 to vector<16xi32>
      %add3A_709 = arith.addi %add3A_708, %shift_right_logical3A_703 : vector<16xi32>
      %gather3A_710 = tpu.vector_load_idx %arg15[%add3A_709] : memref<4096xi32, #tpu.memory_space<vmem>>[vector<16xi32>], vector<16xi32>,
      %shift_right_logical3A_711 = arith.constant 3 : i32
      %shift_right_logical3A_712 = vector.broadcast %shift_right_logical3A_711 : i32 to vector<16xi32>
      %shift_right_logical3A_713 = arith.shrui %shift_right_logical3A_703, %shift_right_logical3A_712 : vector<16xi32>
      %add3A_714 = vector.broadcast %mul3A_276 : i32 to vector<16xi32>
      %add3A_715 = arith.addi %shift_right_logical3A_713, %add3A_714 : vector<16xi32>
      %shift_right_logical3A_716 = arith.constant 7 : i32
      %shift_right_logical3A_717 = vector.broadcast %shift_right_logical3A_716 : i32 to vector<16xi32>
      %shift_right_logical3A_718 = arith.shrui %add3A_715, %shift_right_logical3A_717 : vector<16xi32>
      %and3A_719 = arith.constant 127 : i32
      %and3A_720 = vector.broadcast %and3A_719 : i32 to vector<16xi32>
      %and3A_721 = arith.andi %add3A_715, %and3A_720 : vector<16xi32>
      %and3A_722 = arith.constant 7 : i32
      %and3A_723 = vector.broadcast %and3A_722 : i32 to vector<16xi32>
      %and3A_724 = arith.andi %shift_right_logical3A_703, %and3A_723 : vector<16xi32>
      %gather3A_725 = tpu.vector_load_idx %arg16[%sub3A_707, %shift_right_logical3A_703, %gather3A_710] : memref<7x128x8xf32, #tpu.memory_space<vmem>>[vector<16xi32>, vector<16xi32>, vector<16xi32>], vector<16xf32>,
      tpu.vector_store_idx %arg18[%sub3A_707, %shift_right_logical3A_718, %and3A_724, %and3A_721], %gather3A_725 : memref<3x4x8x128xf32, #tpu.memory_space<vmem>>[vector<16xi32>, vector<16xi32>, vector<16xi32>, vector<16xi32>], vector<16xf32>,
      %add3A_726 = arith.constant 3 : i32
      %add3A_727 = vector.broadcast %add3A_726 : i32 to vector<16xi32>
      %add3A_728 = arith.addi %sub3A_707, %add3A_727 : vector<16xi32>
      %gather3A_729 = tpu.vector_load_idx %arg16[%add3A_728, %shift_right_logical3A_703, %gather3A_710] : memref<7x128x8xf32, #tpu.memory_space<vmem>>[vector<16xi32>, vector<16xi32>, vector<16xi32>], vector<16xf32>,
      %mul3A_730 = arith.constant 1.000000e+01 : f32
      %mul3A_731 = vector.broadcast %mul3A_730 : f32 to vector<16xf32>
      %mul3A_732 = arith.mulf %gather3A_729, %mul3A_731 : vector<16xf32>
      tpu.vector_store_idx %arg19[%sub3A_707, %shift_right_logical3A_718, %and3A_724, %and3A_721], %mul3A_732 : memref<3x4x8x128xf32, #tpu.memory_space<vmem>>[vector<16xi32>, vector<16xi32>, vector<16xi32>, vector<16xi32>], vector<16xf32>,
      %add3A_733 = arith.constant 192 : i32
      %add3A_734 = vector.broadcast %add3A_733 : i32 to vector<16xi32>
      %add3A_735 = arith.addi %add3A_734, %iota3A : vector<16xi32>
      %mul3A_736 = arith.constant 171 : i32
      %mul3A_737 = vector.broadcast %mul3A_736 : i32 to vector<16xi32>
      %mul3A_738 = arith.muli %add3A_735, %mul3A_737 : vector<16xi32>
      %shift_right_logical3A_739 = arith.constant 9 : i32
      %shift_right_logical3A_740 = vector.broadcast %shift_right_logical3A_739 : i32 to vector<16xi32>
      %shift_right_logical3A_741 = arith.shrui %mul3A_738, %shift_right_logical3A_740 : vector<16xi32>
      %mul3A_742 = arith.constant 3 : i32
      %mul3A_743 = vector.broadcast %mul3A_742 : i32 to vector<16xi32>
      %mul3A_744 = arith.muli %shift_right_logical3A_741, %mul3A_743 : vector<16xi32>
      %sub3A_745 = arith.subi %add3A_735, %mul3A_744 : vector<16xi32>
      %add3A_746 = vector.broadcast %mul3A_278 : i32 to vector<16xi32>
      %add3A_747 = arith.addi %add3A_746, %shift_right_logical3A_741 : vector<16xi32>
      %gather3A_748 = tpu.vector_load_idx %arg15[%add3A_747] : memref<4096xi32, #tpu.memory_space<vmem>>[vector<16xi32>], vector<16xi32>,
      %shift_right_logical3A_749 = arith.constant 3 : i32
      %shift_right_logical3A_750 = vector.broadcast %shift_right_logical3A_749 : i32 to vector<16xi32>
      %shift_right_logical3A_751 = arith.shrui %shift_right_logical3A_741, %shift_right_logical3A_750 : vector<16xi32>
      %add3A_752 = vector.broadcast %mul3A_276 : i32 to vector<16xi32>
      %add3A_753 = arith.addi %shift_right_logical3A_751, %add3A_752 : vector<16xi32>
      %shift_right_logical3A_754 = arith.constant 7 : i32
      %shift_right_logical3A_755 = vector.broadcast %shift_right_logical3A_754 : i32 to vector<16xi32>
      %shift_right_logical3A_756 = arith.shrui %add3A_753, %shift_right_logical3A_755 : vector<16xi32>
      %and3A_757 = arith.constant 127 : i32
      %and3A_758 = vector.broadcast %and3A_757 : i32 to vector<16xi32>
      %and3A_759 = arith.andi %add3A_753, %and3A_758 : vector<16xi32>
      %and3A_760 = arith.constant 7 : i32
      %and3A_761 = vector.broadcast %and3A_760 : i32 to vector<16xi32>
      %and3A_762 = arith.andi %shift_right_logical3A_741, %and3A_761 : vector<16xi32>
      %gather3A_763 = tpu.vector_load_idx %arg16[%sub3A_745, %shift_right_logical3A_741, %gather3A_748] : memref<7x128x8xf32, #tpu.memory_space<vmem>>[vector<16xi32>, vector<16xi32>, vector<16xi32>], vector<16xf32>,
      tpu.vector_store_idx %arg18[%sub3A_745, %shift_right_logical3A_756, %and3A_762, %and3A_759], %gather3A_763 : memref<3x4x8x128xf32, #tpu.memory_space<vmem>>[vector<16xi32>, vector<16xi32>, vector<16xi32>, vector<16xi32>], vector<16xf32>,
      %add3A_764 = arith.constant 3 : i32
      %add3A_765 = vector.broadcast %add3A_764 : i32 to vector<16xi32>
      %add3A_766 = arith.addi %sub3A_745, %add3A_765 : vector<16xi32>
      %gather3A_767 = tpu.vector_load_idx %arg16[%add3A_766, %shift_right_logical3A_741, %gather3A_748] : memref<7x128x8xf32, #tpu.memory_space<vmem>>[vector<16xi32>, vector<16xi32>, vector<16xi32>], vector<16xf32>,
      %mul3A_768 = arith.constant 1.000000e+01 : f32
      %mul3A_769 = vector.broadcast %mul3A_768 : f32 to vector<16xf32>
      %mul3A_770 = arith.mulf %gather3A_767, %mul3A_769 : vector<16xf32>
      tpu.vector_store_idx %arg19[%sub3A_745, %shift_right_logical3A_756, %and3A_762, %and3A_759], %mul3A_770 : memref<3x4x8x128xf32, #tpu.memory_space<vmem>>[vector<16xi32>, vector<16xi32>, vector<16xi32>, vector<16xi32>], vector<16xf32>,
      %add3A_771 = arith.constant 208 : i32
      %add3A_772 = vector.broadcast %add3A_771 : i32 to vector<16xi32>
      %add3A_773 = arith.addi %add3A_772, %iota3A : vector<16xi32>
      %mul3A_774 = arith.constant 171 : i32
      %mul3A_775 = vector.broadcast %mul3A_774 : i32 to vector<16xi32>
      %mul3A_776 = arith.muli %add3A_773, %mul3A_775 : vector<16xi32>
      %shift_right_logical3A_777 = arith.constant 9 : i32
      %shift_right_logical3A_778 = vector.broadcast %shift_right_logical3A_777 : i32 to vector<16xi32>
      %shift_right_logical3A_779 = arith.shrui %mul3A_776, %shift_right_logical3A_778 : vector<16xi32>
      %mul3A_780 = arith.constant 3 : i32
      %mul3A_781 = vector.broadcast %mul3A_780 : i32 to vector<16xi32>
      %mul3A_782 = arith.muli %shift_right_logical3A_779, %mul3A_781 : vector<16xi32>
      %sub3A_783 = arith.subi %add3A_773, %mul3A_782 : vector<16xi32>
      %add3A_784 = vector.broadcast %mul3A_278 : i32 to vector<16xi32>
      %add3A_785 = arith.addi %add3A_784, %shift_right_logical3A_779 : vector<16xi32>
      %gather3A_786 = tpu.vector_load_idx %arg15[%add3A_785] : memref<4096xi32, #tpu.memory_space<vmem>>[vector<16xi32>], vector<16xi32>,
      %shift_right_logical3A_787 = arith.constant 3 : i32
      %shift_right_logical3A_788 = vector.broadcast %shift_right_logical3A_787 : i32 to vector<16xi32>
      %shift_right_logical3A_789 = arith.shrui %shift_right_logical3A_779, %shift_right_logical3A_788 : vector<16xi32>
      %add3A_790 = vector.broadcast %mul3A_276 : i32 to vector<16xi32>
      %add3A_791 = arith.addi %shift_right_logical3A_789, %add3A_790 : vector<16xi32>
      %shift_right_logical3A_792 = arith.constant 7 : i32
      %shift_right_logical3A_793 = vector.broadcast %shift_right_logical3A_792 : i32 to vector<16xi32>
      %shift_right_logical3A_794 = arith.shrui %add3A_791, %shift_right_logical3A_793 : vector<16xi32>
      %and3A_795 = arith.constant 127 : i32
      %and3A_796 = vector.broadcast %and3A_795 : i32 to vector<16xi32>
      %and3A_797 = arith.andi %add3A_791, %and3A_796 : vector<16xi32>
      %and3A_798 = arith.constant 7 : i32
      %and3A_799 = vector.broadcast %and3A_798 : i32 to vector<16xi32>
      %and3A_800 = arith.andi %shift_right_logical3A_779, %and3A_799 : vector<16xi32>
      %gather3A_801 = tpu.vector_load_idx %arg16[%sub3A_783, %shift_right_logical3A_779, %gather3A_786] : memref<7x128x8xf32, #tpu.memory_space<vmem>>[vector<16xi32>, vector<16xi32>, vector<16xi32>], vector<16xf32>,
      tpu.vector_store_idx %arg18[%sub3A_783, %shift_right_logical3A_794, %and3A_800, %and3A_797], %gather3A_801 : memref<3x4x8x128xf32, #tpu.memory_space<vmem>>[vector<16xi32>, vector<16xi32>, vector<16xi32>, vector<16xi32>], vector<16xf32>,
      %add3A_802 = arith.constant 3 : i32
      %add3A_803 = vector.broadcast %add3A_802 : i32 to vector<16xi32>
      %add3A_804 = arith.addi %sub3A_783, %add3A_803 : vector<16xi32>
      %gather3A_805 = tpu.vector_load_idx %arg16[%add3A_804, %shift_right_logical3A_779, %gather3A_786] : memref<7x128x8xf32, #tpu.memory_space<vmem>>[vector<16xi32>, vector<16xi32>, vector<16xi32>], vector<16xf32>,
      %mul3A_806 = arith.constant 1.000000e+01 : f32
      %mul3A_807 = vector.broadcast %mul3A_806 : f32 to vector<16xf32>
      %mul3A_808 = arith.mulf %gather3A_805, %mul3A_807 : vector<16xf32>
      tpu.vector_store_idx %arg19[%sub3A_783, %shift_right_logical3A_794, %and3A_800, %and3A_797], %mul3A_808 : memref<3x4x8x128xf32, #tpu.memory_space<vmem>>[vector<16xi32>, vector<16xi32>, vector<16xi32>, vector<16xi32>], vector<16xf32>,
      %add3A_809 = arith.constant 224 : i32
      %add3A_810 = vector.broadcast %add3A_809 : i32 to vector<16xi32>
      %add3A_811 = arith.addi %add3A_810, %iota3A : vector<16xi32>
      %mul3A_812 = arith.constant 171 : i32
      %mul3A_813 = vector.broadcast %mul3A_812 : i32 to vector<16xi32>
      %mul3A_814 = arith.muli %add3A_811, %mul3A_813 : vector<16xi32>
      %shift_right_logical3A_815 = arith.constant 9 : i32
      %shift_right_logical3A_816 = vector.broadcast %shift_right_logical3A_815 : i32 to vector<16xi32>
      %shift_right_logical3A_817 = arith.shrui %mul3A_814, %shift_right_logical3A_816 : vector<16xi32>
      %mul3A_818 = arith.constant 3 : i32
      %mul3A_819 = vector.broadcast %mul3A_818 : i32 to vector<16xi32>
      %mul3A_820 = arith.muli %shift_right_logical3A_817, %mul3A_819 : vector<16xi32>
      %sub3A_821 = arith.subi %add3A_811, %mul3A_820 : vector<16xi32>
      %add3A_822 = vector.broadcast %mul3A_278 : i32 to vector<16xi32>
      %add3A_823 = arith.addi %add3A_822, %shift_right_logical3A_817 : vector<16xi32>
      %gather3A_824 = tpu.vector_load_idx %arg15[%add3A_823] : memref<4096xi32, #tpu.memory_space<vmem>>[vector<16xi32>], vector<16xi32>,
      %shift_right_logical3A_825 = arith.constant 3 : i32
      %shift_right_logical3A_826 = vector.broadcast %shift_right_logical3A_825 : i32 to vector<16xi32>
      %shift_right_logical3A_827 = arith.shrui %shift_right_logical3A_817, %shift_right_logical3A_826 : vector<16xi32>
      %add3A_828 = vector.broadcast %mul3A_276 : i32 to vector<16xi32>
      %add3A_829 = arith.addi %shift_right_logical3A_827, %add3A_828 : vector<16xi32>
      %shift_right_logical3A_830 = arith.constant 7 : i32
      %shift_right_logical3A_831 = vector.broadcast %shift_right_logical3A_830 : i32 to vector<16xi32>
      %shift_right_logical3A_832 = arith.shrui %add3A_829, %shift_right_logical3A_831 : vector<16xi32>
      %and3A_833 = arith.constant 127 : i32
      %and3A_834 = vector.broadcast %and3A_833 : i32 to vector<16xi32>
      %and3A_835 = arith.andi %add3A_829, %and3A_834 : vector<16xi32>
      %and3A_836 = arith.constant 7 : i32
      %and3A_837 = vector.broadcast %and3A_836 : i32 to vector<16xi32>
      %and3A_838 = arith.andi %shift_right_logical3A_817, %and3A_837 : vector<16xi32>
      %gather3A_839 = tpu.vector_load_idx %arg16[%sub3A_821, %shift_right_logical3A_817, %gather3A_824] : memref<7x128x8xf32, #tpu.memory_space<vmem>>[vector<16xi32>, vector<16xi32>, vector<16xi32>], vector<16xf32>,
      tpu.vector_store_idx %arg18[%sub3A_821, %shift_right_logical3A_832, %and3A_838, %and3A_835], %gather3A_839 : memref<3x4x8x128xf32, #tpu.memory_space<vmem>>[vector<16xi32>, vector<16xi32>, vector<16xi32>, vector<16xi32>], vector<16xf32>,
      %add3A_840 = arith.constant 3 : i32
      %add3A_841 = vector.broadcast %add3A_840 : i32 to vector<16xi32>
      %add3A_842 = arith.addi %sub3A_821, %add3A_841 : vector<16xi32>
      %gather3A_843 = tpu.vector_load_idx %arg16[%add3A_842, %shift_right_logical3A_817, %gather3A_824] : memref<7x128x8xf32, #tpu.memory_space<vmem>>[vector<16xi32>, vector<16xi32>, vector<16xi32>], vector<16xf32>,
      %mul3A_844 = arith.constant 1.000000e+01 : f32
      %mul3A_845 = vector.broadcast %mul3A_844 : f32 to vector<16xf32>
      %mul3A_846 = arith.mulf %gather3A_843, %mul3A_845 : vector<16xf32>
      tpu.vector_store_idx %arg19[%sub3A_821, %shift_right_logical3A_832, %and3A_838, %and3A_835], %mul3A_846 : memref<3x4x8x128xf32, #tpu.memory_space<vmem>>[vector<16xi32>, vector<16xi32>, vector<16xi32>, vector<16xi32>], vector<16xf32>,
      %add3A_847 = arith.constant 240 : i32
      %add3A_848 = vector.broadcast %add3A_847 : i32 to vector<16xi32>
      %add3A_849 = arith.addi %add3A_848, %iota3A : vector<16xi32>
      %mul3A_850 = arith.constant 171 : i32
      %mul3A_851 = vector.broadcast %mul3A_850 : i32 to vector<16xi32>
      %mul3A_852 = arith.muli %add3A_849, %mul3A_851 : vector<16xi32>
      %shift_right_logical3A_853 = arith.constant 9 : i32
      %shift_right_logical3A_854 = vector.broadcast %shift_right_logical3A_853 : i32 to vector<16xi32>
      %shift_right_logical3A_855 = arith.shrui %mul3A_852, %shift_right_logical3A_854 : vector<16xi32>
      %mul3A_856 = arith.constant 3 : i32
      %mul3A_857 = vector.broadcast %mul3A_856 : i32 to vector<16xi32>
      %mul3A_858 = arith.muli %shift_right_logical3A_855, %mul3A_857 : vector<16xi32>
      %sub3A_859 = arith.subi %add3A_849, %mul3A_858 : vector<16xi32>
      %add3A_860 = vector.broadcast %mul3A_278 : i32 to vector<16xi32>
      %add3A_861 = arith.addi %add3A_860, %shift_right_logical3A_855 : vector<16xi32>
      %gather3A_862 = tpu.vector_load_idx %arg15[%add3A_861] : memref<4096xi32, #tpu.memory_space<vmem>>[vector<16xi32>], vector<16xi32>,
      %shift_right_logical3A_863 = arith.constant 3 : i32
      %shift_right_logical3A_864 = vector.broadcast %shift_right_logical3A_863 : i32 to vector<16xi32>
      %shift_right_logical3A_865 = arith.shrui %shift_right_logical3A_855, %shift_right_logical3A_864 : vector<16xi32>
      %add3A_866 = vector.broadcast %mul3A_276 : i32 to vector<16xi32>
      %add3A_867 = arith.addi %shift_right_logical3A_865, %add3A_866 : vector<16xi32>
      %shift_right_logical3A_868 = arith.constant 7 : i32
      %shift_right_logical3A_869 = vector.broadcast %shift_right_logical3A_868 : i32 to vector<16xi32>
      %shift_right_logical3A_870 = arith.shrui %add3A_867, %shift_right_logical3A_869 : vector<16xi32>
      %and3A_871 = arith.constant 127 : i32
      %and3A_872 = vector.broadcast %and3A_871 : i32 to vector<16xi32>
      %and3A_873 = arith.andi %add3A_867, %and3A_872 : vector<16xi32>
      %and3A_874 = arith.constant 7 : i32
      %and3A_875 = vector.broadcast %and3A_874 : i32 to vector<16xi32>
      %and3A_876 = arith.andi %shift_right_logical3A_855, %and3A_875 : vector<16xi32>
      %gather3A_877 = tpu.vector_load_idx %arg16[%sub3A_859, %shift_right_logical3A_855, %gather3A_862] : memref<7x128x8xf32, #tpu.memory_space<vmem>>[vector<16xi32>, vector<16xi32>, vector<16xi32>], vector<16xf32>,
      tpu.vector_store_idx %arg18[%sub3A_859, %shift_right_logical3A_870, %and3A_876, %and3A_873], %gather3A_877 : memref<3x4x8x128xf32, #tpu.memory_space<vmem>>[vector<16xi32>, vector<16xi32>, vector<16xi32>, vector<16xi32>], vector<16xf32>,
      %add3A_878 = arith.constant 3 : i32
      %add3A_879 = vector.broadcast %add3A_878 : i32 to vector<16xi32>
      %add3A_880 = arith.addi %sub3A_859, %add3A_879 : vector<16xi32>
      %gather3A_881 = tpu.vector_load_idx %arg16[%add3A_880, %shift_right_logical3A_855, %gather3A_862] : memref<7x128x8xf32, #tpu.memory_space<vmem>>[vector<16xi32>, vector<16xi32>, vector<16xi32>], vector<16xf32>,
      %mul3A_882 = arith.constant 1.000000e+01 : f32
      %mul3A_883 = vector.broadcast %mul3A_882 : f32 to vector<16xf32>
      %mul3A_884 = arith.mulf %gather3A_881, %mul3A_883 : vector<16xf32>
      tpu.vector_store_idx %arg19[%sub3A_859, %shift_right_logical3A_870, %and3A_876, %and3A_873], %mul3A_884 : memref<3x4x8x128xf32, #tpu.memory_space<vmem>>[vector<16xi32>, vector<16xi32>, vector<16xi32>, vector<16xi32>], vector<16xf32>,
      %add3A_885 = arith.constant 256 : i32
      %add3A_886 = vector.broadcast %add3A_885 : i32 to vector<16xi32>
      %add3A_887 = arith.addi %add3A_886, %iota3A : vector<16xi32>
      %mul3A_888 = arith.constant 171 : i32
      %mul3A_889 = vector.broadcast %mul3A_888 : i32 to vector<16xi32>
      %mul3A_890 = arith.muli %add3A_887, %mul3A_889 : vector<16xi32>
      %shift_right_logical3A_891 = arith.constant 9 : i32
      %shift_right_logical3A_892 = vector.broadcast %shift_right_logical3A_891 : i32 to vector<16xi32>
      %shift_right_logical3A_893 = arith.shrui %mul3A_890, %shift_right_logical3A_892 : vector<16xi32>
      %mul3A_894 = arith.constant 3 : i32
      %mul3A_895 = vector.broadcast %mul3A_894 : i32 to vector<16xi32>
      %mul3A_896 = arith.muli %shift_right_logical3A_893, %mul3A_895 : vector<16xi32>
      %sub3A_897 = arith.subi %add3A_887, %mul3A_896 : vector<16xi32>
      %add3A_898 = vector.broadcast %mul3A_278 : i32 to vector<16xi32>
      %add3A_899 = arith.addi %add3A_898, %shift_right_logical3A_893 : vector<16xi32>
      %gather3A_900 = tpu.vector_load_idx %arg15[%add3A_899] : memref<4096xi32, #tpu.memory_space<vmem>>[vector<16xi32>], vector<16xi32>,
      %shift_right_logical3A_901 = arith.constant 3 : i32
      %shift_right_logical3A_902 = vector.broadcast %shift_right_logical3A_901 : i32 to vector<16xi32>
      %shift_right_logical3A_903 = arith.shrui %shift_right_logical3A_893, %shift_right_logical3A_902 : vector<16xi32>
      %add3A_904 = vector.broadcast %mul3A_276 : i32 to vector<16xi32>
      %add3A_905 = arith.addi %shift_right_logical3A_903, %add3A_904 : vector<16xi32>
      %shift_right_logical3A_906 = arith.constant 7 : i32
      %shift_right_logical3A_907 = vector.broadcast %shift_right_logical3A_906 : i32 to vector<16xi32>
      %shift_right_logical3A_908 = arith.shrui %add3A_905, %shift_right_logical3A_907 : vector<16xi32>
      %and3A_909 = arith.constant 127 : i32
      %and3A_910 = vector.broadcast %and3A_909 : i32 to vector<16xi32>
      %and3A_911 = arith.andi %add3A_905, %and3A_910 : vector<16xi32>
      %and3A_912 = arith.constant 7 : i32
      %and3A_913 = vector.broadcast %and3A_912 : i32 to vector<16xi32>
      %and3A_914 = arith.andi %shift_right_logical3A_893, %and3A_913 : vector<16xi32>
      %gather3A_915 = tpu.vector_load_idx %arg16[%sub3A_897, %shift_right_logical3A_893, %gather3A_900] : memref<7x128x8xf32, #tpu.memory_space<vmem>>[vector<16xi32>, vector<16xi32>, vector<16xi32>], vector<16xf32>,
      tpu.vector_store_idx %arg18[%sub3A_897, %shift_right_logical3A_908, %and3A_914, %and3A_911], %gather3A_915 : memref<3x4x8x128xf32, #tpu.memory_space<vmem>>[vector<16xi32>, vector<16xi32>, vector<16xi32>, vector<16xi32>], vector<16xf32>,
      %add3A_916 = arith.constant 3 : i32
      %add3A_917 = vector.broadcast %add3A_916 : i32 to vector<16xi32>
      %add3A_918 = arith.addi %sub3A_897, %add3A_917 : vector<16xi32>
      %gather3A_919 = tpu.vector_load_idx %arg16[%add3A_918, %shift_right_logical3A_893, %gather3A_900] : memref<7x128x8xf32, #tpu.memory_space<vmem>>[vector<16xi32>, vector<16xi32>, vector<16xi32>], vector<16xf32>,
      %mul3A_920 = arith.constant 1.000000e+01 : f32
      %mul3A_921 = vector.broadcast %mul3A_920 : f32 to vector<16xf32>
      %mul3A_922 = arith.mulf %gather3A_919, %mul3A_921 : vector<16xf32>
      tpu.vector_store_idx %arg19[%sub3A_897, %shift_right_logical3A_908, %and3A_914, %and3A_911], %mul3A_922 : memref<3x4x8x128xf32, #tpu.memory_space<vmem>>[vector<16xi32>, vector<16xi32>, vector<16xi32>, vector<16xi32>], vector<16xf32>,
      %add3A_923 = arith.constant 272 : i32
      %add3A_924 = vector.broadcast %add3A_923 : i32 to vector<16xi32>
      %add3A_925 = arith.addi %add3A_924, %iota3A : vector<16xi32>
      %mul3A_926 = arith.constant 171 : i32
      %mul3A_927 = vector.broadcast %mul3A_926 : i32 to vector<16xi32>
      %mul3A_928 = arith.muli %add3A_925, %mul3A_927 : vector<16xi32>
      %shift_right_logical3A_929 = arith.constant 9 : i32
      %shift_right_logical3A_930 = vector.broadcast %shift_right_logical3A_929 : i32 to vector<16xi32>
      %shift_right_logical3A_931 = arith.shrui %mul3A_928, %shift_right_logical3A_930 : vector<16xi32>
      %mul3A_932 = arith.constant 3 : i32
      %mul3A_933 = vector.broadcast %mul3A_932 : i32 to vector<16xi32>
      %mul3A_934 = arith.muli %shift_right_logical3A_931, %mul3A_933 : vector<16xi32>
      %sub3A_935 = arith.subi %add3A_925, %mul3A_934 : vector<16xi32>
      %add3A_936 = vector.broadcast %mul3A_278 : i32 to vector<16xi32>
      %add3A_937 = arith.addi %add3A_936, %shift_right_logical3A_931 : vector<16xi32>
      %gather3A_938 = tpu.vector_load_idx %arg15[%add3A_937] : memref<4096xi32, #tpu.memory_space<vmem>>[vector<16xi32>], vector<16xi32>,
      %shift_right_logical3A_939 = arith.constant 3 : i32
      %shift_right_logical3A_940 = vector.broadcast %shift_right_logical3A_939 : i32 to vector<16xi32>
      %shift_right_logical3A_941 = arith.shrui %shift_right_logical3A_931, %shift_right_logical3A_940 : vector<16xi32>
      %add3A_942 = vector.broadcast %mul3A_276 : i32 to vector<16xi32>
      %add3A_943 = arith.addi %shift_right_logical3A_941, %add3A_942 : vector<16xi32>
      %shift_right_logical3A_944 = arith.constant 7 : i32
      %shift_right_logical3A_945 = vector.broadcast %shift_right_logical3A_944 : i32 to vector<16xi32>
      %shift_right_logical3A_946 = arith.shrui %add3A_943, %shift_right_logical3A_945 : vector<16xi32>
      %and3A_947 = arith.constant 127 : i32
      %and3A_948 = vector.broadcast %and3A_947 : i32 to vector<16xi32>
      %and3A_949 = arith.andi %add3A_943, %and3A_948 : vector<16xi32>
      %and3A_950 = arith.constant 7 : i32
      %and3A_951 = vector.broadcast %and3A_950 : i32 to vector<16xi32>
      %and3A_952 = arith.andi %shift_right_logical3A_931, %and3A_951 : vector<16xi32>
      %gather3A_953 = tpu.vector_load_idx %arg16[%sub3A_935, %shift_right_logical3A_931, %gather3A_938] : memref<7x128x8xf32, #tpu.memory_space<vmem>>[vector<16xi32>, vector<16xi32>, vector<16xi32>], vector<16xf32>,
      tpu.vector_store_idx %arg18[%sub3A_935, %shift_right_logical3A_946, %and3A_952, %and3A_949], %gather3A_953 : memref<3x4x8x128xf32, #tpu.memory_space<vmem>>[vector<16xi32>, vector<16xi32>, vector<16xi32>, vector<16xi32>], vector<16xf32>,
      %add3A_954 = arith.constant 3 : i32
      %add3A_955 = vector.broadcast %add3A_954 : i32 to vector<16xi32>
      %add3A_956 = arith.addi %sub3A_935, %add3A_955 : vector<16xi32>
      %gather3A_957 = tpu.vector_load_idx %arg16[%add3A_956, %shift_right_logical3A_931, %gather3A_938] : memref<7x128x8xf32, #tpu.memory_space<vmem>>[vector<16xi32>, vector<16xi32>, vector<16xi32>], vector<16xf32>,
      %mul3A_958 = arith.constant 1.000000e+01 : f32
      %mul3A_959 = vector.broadcast %mul3A_958 : f32 to vector<16xf32>
      %mul3A_960 = arith.mulf %gather3A_957, %mul3A_959 : vector<16xf32>
      tpu.vector_store_idx %arg19[%sub3A_935, %shift_right_logical3A_946, %and3A_952, %and3A_949], %mul3A_960 : memref<3x4x8x128xf32, #tpu.memory_space<vmem>>[vector<16xi32>, vector<16xi32>, vector<16xi32>, vector<16xi32>], vector<16xf32>,
      %add3A_961 = arith.constant 288 : i32
      %add3A_962 = vector.broadcast %add3A_961 : i32 to vector<16xi32>
      %add3A_963 = arith.addi %add3A_962, %iota3A : vector<16xi32>
      %mul3A_964 = arith.constant 171 : i32
      %mul3A_965 = vector.broadcast %mul3A_964 : i32 to vector<16xi32>
      %mul3A_966 = arith.muli %add3A_963, %mul3A_965 : vector<16xi32>
      %shift_right_logical3A_967 = arith.constant 9 : i32
      %shift_right_logical3A_968 = vector.broadcast %shift_right_logical3A_967 : i32 to vector<16xi32>
      %shift_right_logical3A_969 = arith.shrui %mul3A_966, %shift_right_logical3A_968 : vector<16xi32>
      %mul3A_970 = arith.constant 3 : i32
      %mul3A_971 = vector.broadcast %mul3A_970 : i32 to vector<16xi32>
      %mul3A_972 = arith.muli %shift_right_logical3A_969, %mul3A_971 : vector<16xi32>
      %sub3A_973 = arith.subi %add3A_963, %mul3A_972 : vector<16xi32>
      %add3A_974 = vector.broadcast %mul3A_278 : i32 to vector<16xi32>
      %add3A_975 = arith.addi %add3A_974, %shift_right_logical3A_969 : vector<16xi32>
      %gather3A_976 = tpu.vector_load_idx %arg15[%add3A_975] : memref<4096xi32, #tpu.memory_space<vmem>>[vector<16xi32>], vector<16xi32>,
      %shift_right_logical3A_977 = arith.constant 3 : i32
      %shift_right_logical3A_978 = vector.broadcast %shift_right_logical3A_977 : i32 to vector<16xi32>
      %shift_right_logical3A_979 = arith.shrui %shift_right_logical3A_969, %shift_right_logical3A_978 : vector<16xi32>
      %add3A_980 = vector.broadcast %mul3A_276 : i32 to vector<16xi32>
      %add3A_981 = arith.addi %shift_right_logical3A_979, %add3A_980 : vector<16xi32>
      %shift_right_logical3A_982 = arith.constant 7 : i32
      %shift_right_logical3A_983 = vector.broadcast %shift_right_logical3A_982 : i32 to vector<16xi32>
      %shift_right_logical3A_984 = arith.shrui %add3A_981, %shift_right_logical3A_983 : vector<16xi32>
      %and3A_985 = arith.constant 127 : i32
      %and3A_986 = vector.broadcast %and3A_985 : i32 to vector<16xi32>
      %and3A_987 = arith.andi %add3A_981, %and3A_986 : vector<16xi32>
      %and3A_988 = arith.constant 7 : i32
      %and3A_989 = vector.broadcast %and3A_988 : i32 to vector<16xi32>
      %and3A_990 = arith.andi %shift_right_logical3A_969, %and3A_989 : vector<16xi32>
      %gather3A_991 = tpu.vector_load_idx %arg16[%sub3A_973, %shift_right_logical3A_969, %gather3A_976] : memref<7x128x8xf32, #tpu.memory_space<vmem>>[vector<16xi32>, vector<16xi32>, vector<16xi32>], vector<16xf32>,
      tpu.vector_store_idx %arg18[%sub3A_973, %shift_right_logical3A_984, %and3A_990, %and3A_987], %gather3A_991 : memref<3x4x8x128xf32, #tpu.memory_space<vmem>>[vector<16xi32>, vector<16xi32>, vector<16xi32>, vector<16xi32>], vector<16xf32>,
      %add3A_992 = arith.constant 3 : i32
      %add3A_993 = vector.broadcast %add3A_992 : i32 to vector<16xi32>
      %add3A_994 = arith.addi %sub3A_973, %add3A_993 : vector<16xi32>
      %gather3A_995 = tpu.vector_load_idx %arg16[%add3A_994, %shift_right_logical3A_969, %gather3A_976] : memref<7x128x8xf32, #tpu.memory_space<vmem>>[vector<16xi32>, vector<16xi32>, vector<16xi32>], vector<16xf32>,
      %mul3A_996 = arith.constant 1.000000e+01 : f32
      %mul3A_997 = vector.broadcast %mul3A_996 : f32 to vector<16xf32>
      %mul3A_998 = arith.mulf %gather3A_995, %mul3A_997 : vector<16xf32>
      tpu.vector_store_idx %arg19[%sub3A_973, %shift_right_logical3A_984, %and3A_990, %and3A_987], %mul3A_998 : memref<3x4x8x128xf32, #tpu.memory_space<vmem>>[vector<16xi32>, vector<16xi32>, vector<16xi32>, vector<16xi32>], vector<16xf32>,
      %add3A_999 = arith.constant 304 : i32
      %add3A_1000 = vector.broadcast %add3A_999 : i32 to vector<16xi32>
      %add3A_1001 = arith.addi %add3A_1000, %iota3A : vector<16xi32>
      %mul3A_1002 = arith.constant 171 : i32
      %mul3A_1003 = vector.broadcast %mul3A_1002 : i32 to vector<16xi32>
      %mul3A_1004 = arith.muli %add3A_1001, %mul3A_1003 : vector<16xi32>
      %shift_right_logical3A_1005 = arith.constant 9 : i32
      %shift_right_logical3A_1006 = vector.broadcast %shift_right_logical3A_1005 : i32 to vector<16xi32>
      %shift_right_logical3A_1007 = arith.shrui %mul3A_1004, %shift_right_logical3A_1006 : vector<16xi32>
      %mul3A_1008 = arith.constant 3 : i32
      %mul3A_1009 = vector.broadcast %mul3A_1008 : i32 to vector<16xi32>
      %mul3A_1010 = arith.muli %shift_right_logical3A_1007, %mul3A_1009 : vector<16xi32>
      %sub3A_1011 = arith.subi %add3A_1001, %mul3A_1010 : vector<16xi32>
      %add3A_1012 = vector.broadcast %mul3A_278 : i32 to vector<16xi32>
      %add3A_1013 = arith.addi %add3A_1012, %shift_right_logical3A_1007 : vector<16xi32>
      %gather3A_1014 = tpu.vector_load_idx %arg15[%add3A_1013] : memref<4096xi32, #tpu.memory_space<vmem>>[vector<16xi32>], vector<16xi32>,
      %shift_right_logical3A_1015 = arith.constant 3 : i32
      %shift_right_logical3A_1016 = vector.broadcast %shift_right_logical3A_1015 : i32 to vector<16xi32>
      %shift_right_logical3A_1017 = arith.shrui %shift_right_logical3A_1007, %shift_right_logical3A_1016 : vector<16xi32>
      %add3A_1018 = vector.broadcast %mul3A_276 : i32 to vector<16xi32>
      %add3A_1019 = arith.addi %shift_right_logical3A_1017, %add3A_1018 : vector<16xi32>
      %shift_right_logical3A_1020 = arith.constant 7 : i32
      %shift_right_logical3A_1021 = vector.broadcast %shift_right_logical3A_1020 : i32 to vector<16xi32>
      %shift_right_logical3A_1022 = arith.shrui %add3A_1019, %shift_right_logical3A_1021 : vector<16xi32>
      %and3A_1023 = arith.constant 127 : i32
      %and3A_1024 = vector.broadcast %and3A_1023 : i32 to vector<16xi32>
      %and3A_1025 = arith.andi %add3A_1019, %and3A_1024 : vector<16xi32>
      %and3A_1026 = arith.constant 7 : i32
      %and3A_1027 = vector.broadcast %and3A_1026 : i32 to vector<16xi32>
      %and3A_1028 = arith.andi %shift_right_logical3A_1007, %and3A_1027 : vector<16xi32>
      %gather3A_1029 = tpu.vector_load_idx %arg16[%sub3A_1011, %shift_right_logical3A_1007, %gather3A_1014] : memref<7x128x8xf32, #tpu.memory_space<vmem>>[vector<16xi32>, vector<16xi32>, vector<16xi32>], vector<16xf32>,
      tpu.vector_store_idx %arg18[%sub3A_1011, %shift_right_logical3A_1022, %and3A_1028, %and3A_1025], %gather3A_1029 : memref<3x4x8x128xf32, #tpu.memory_space<vmem>>[vector<16xi32>, vector<16xi32>, vector<16xi32>, vector<16xi32>], vector<16xf32>,
      %add3A_1030 = arith.constant 3 : i32
      %add3A_1031 = vector.broadcast %add3A_1030 : i32 to vector<16xi32>
      %add3A_1032 = arith.addi %sub3A_1011, %add3A_1031 : vector<16xi32>
      %gather3A_1033 = tpu.vector_load_idx %arg16[%add3A_1032, %shift_right_logical3A_1007, %gather3A_1014] : memref<7x128x8xf32, #tpu.memory_space<vmem>>[vector<16xi32>, vector<16xi32>, vector<16xi32>], vector<16xf32>,
      %mul3A_1034 = arith.constant 1.000000e+01 : f32
      %mul3A_1035 = vector.broadcast %mul3A_1034 : f32 to vector<16xf32>
      %mul3A_1036 = arith.mulf %gather3A_1033, %mul3A_1035 : vector<16xf32>
      tpu.vector_store_idx %arg19[%sub3A_1011, %shift_right_logical3A_1022, %and3A_1028, %and3A_1025], %mul3A_1036 : memref<3x4x8x128xf32, #tpu.memory_space<vmem>>[vector<16xi32>, vector<16xi32>, vector<16xi32>, vector<16xi32>], vector<16xf32>,
      %add3A_1037 = arith.constant 320 : i32
      %add3A_1038 = vector.broadcast %add3A_1037 : i32 to vector<16xi32>
      %add3A_1039 = arith.addi %add3A_1038, %iota3A : vector<16xi32>
      %mul3A_1040 = arith.constant 171 : i32
      %mul3A_1041 = vector.broadcast %mul3A_1040 : i32 to vector<16xi32>
      %mul3A_1042 = arith.muli %add3A_1039, %mul3A_1041 : vector<16xi32>
      %shift_right_logical3A_1043 = arith.constant 9 : i32
      %shift_right_logical3A_1044 = vector.broadcast %shift_right_logical3A_1043 : i32 to vector<16xi32>
      %shift_right_logical3A_1045 = arith.shrui %mul3A_1042, %shift_right_logical3A_1044 : vector<16xi32>
      %mul3A_1046 = arith.constant 3 : i32
      %mul3A_1047 = vector.broadcast %mul3A_1046 : i32 to vector<16xi32>
      %mul3A_1048 = arith.muli %shift_right_logical3A_1045, %mul3A_1047 : vector<16xi32>
      %sub3A_1049 = arith.subi %add3A_1039, %mul3A_1048 : vector<16xi32>
      %add3A_1050 = vector.broadcast %mul3A_278 : i32 to vector<16xi32>
      %add3A_1051 = arith.addi %add3A_1050, %shift_right_logical3A_1045 : vector<16xi32>
      %gather3A_1052 = tpu.vector_load_idx %arg15[%add3A_1051] : memref<4096xi32, #tpu.memory_space<vmem>>[vector<16xi32>], vector<16xi32>,
      %shift_right_logical3A_1053 = arith.constant 3 : i32
      %shift_right_logical3A_1054 = vector.broadcast %shift_right_logical3A_1053 : i32 to vector<16xi32>
      %shift_right_logical3A_1055 = arith.shrui %shift_right_logical3A_1045, %shift_right_logical3A_1054 : vector<16xi32>
      %add3A_1056 = vector.broadcast %mul3A_276 : i32 to vector<16xi32>
      %add3A_1057 = arith.addi %shift_right_logical3A_1055, %add3A_1056 : vector<16xi32>
      %shift_right_logical3A_1058 = arith.constant 7 : i32
      %shift_right_logical3A_1059 = vector.broadcast %shift_right_logical3A_1058 : i32 to vector<16xi32>
      %shift_right_logical3A_1060 = arith.shrui %add3A_1057, %shift_right_logical3A_1059 : vector<16xi32>
      %and3A_1061 = arith.constant 127 : i32
      %and3A_1062 = vector.broadcast %and3A_1061 : i32 to vector<16xi32>
      %and3A_1063 = arith.andi %add3A_1057, %and3A_1062 : vector<16xi32>
      %and3A_1064 = arith.constant 7 : i32
      %and3A_1065 = vector.broadcast %and3A_1064 : i32 to vector<16xi32>
      %and3A_1066 = arith.andi %shift_right_logical3A_1045, %and3A_1065 : vector<16xi32>
      %gather3A_1067 = tpu.vector_load_idx %arg16[%sub3A_1049, %shift_right_logical3A_1045, %gather3A_1052] : memref<7x128x8xf32, #tpu.memory_space<vmem>>[vector<16xi32>, vector<16xi32>, vector<16xi32>], vector<16xf32>,
      tpu.vector_store_idx %arg18[%sub3A_1049, %shift_right_logical3A_1060, %and3A_1066, %and3A_1063], %gather3A_1067 : memref<3x4x8x128xf32, #tpu.memory_space<vmem>>[vector<16xi32>, vector<16xi32>, vector<16xi32>, vector<16xi32>], vector<16xf32>,
      %add3A_1068 = arith.constant 3 : i32
      %add3A_1069 = vector.broadcast %add3A_1068 : i32 to vector<16xi32>
      %add3A_1070 = arith.addi %sub3A_1049, %add3A_1069 : vector<16xi32>
      %gather3A_1071 = tpu.vector_load_idx %arg16[%add3A_1070, %shift_right_logical3A_1045, %gather3A_1052] : memref<7x128x8xf32, #tpu.memory_space<vmem>>[vector<16xi32>, vector<16xi32>, vector<16xi32>], vector<16xf32>,
      %mul3A_1072 = arith.constant 1.000000e+01 : f32
      %mul3A_1073 = vector.broadcast %mul3A_1072 : f32 to vector<16xf32>
      %mul3A_1074 = arith.mulf %gather3A_1071, %mul3A_1073 : vector<16xf32>
      tpu.vector_store_idx %arg19[%sub3A_1049, %shift_right_logical3A_1060, %and3A_1066, %and3A_1063], %mul3A_1074 : memref<3x4x8x128xf32, #tpu.memory_space<vmem>>[vector<16xi32>, vector<16xi32>, vector<16xi32>, vector<16xi32>], vector<16xf32>,
      %add3A_1075 = arith.constant 336 : i32
      %add3A_1076 = vector.broadcast %add3A_1075 : i32 to vector<16xi32>
      %add3A_1077 = arith.addi %add3A_1076, %iota3A : vector<16xi32>
      %mul3A_1078 = arith.constant 171 : i32
      %mul3A_1079 = vector.broadcast %mul3A_1078 : i32 to vector<16xi32>
      %mul3A_1080 = arith.muli %add3A_1077, %mul3A_1079 : vector<16xi32>
      %shift_right_logical3A_1081 = arith.constant 9 : i32
      %shift_right_logical3A_1082 = vector.broadcast %shift_right_logical3A_1081 : i32 to vector<16xi32>
      %shift_right_logical3A_1083 = arith.shrui %mul3A_1080, %shift_right_logical3A_1082 : vector<16xi32>
      %mul3A_1084 = arith.constant 3 : i32
      %mul3A_1085 = vector.broadcast %mul3A_1084 : i32 to vector<16xi32>
      %mul3A_1086 = arith.muli %shift_right_logical3A_1083, %mul3A_1085 : vector<16xi32>
      %sub3A_1087 = arith.subi %add3A_1077, %mul3A_1086 : vector<16xi32>
      %add3A_1088 = vector.broadcast %mul3A_278 : i32 to vector<16xi32>
      %add3A_1089 = arith.addi %add3A_1088, %shift_right_logical3A_1083 : vector<16xi32>
      %gather3A_1090 = tpu.vector_load_idx %arg15[%add3A_1089] : memref<4096xi32, #tpu.memory_space<vmem>>[vector<16xi32>], vector<16xi32>,
      %shift_right_logical3A_1091 = arith.constant 3 : i32
      %shift_right_logical3A_1092 = vector.broadcast %shift_right_logical3A_1091 : i32 to vector<16xi32>
      %shift_right_logical3A_1093 = arith.shrui %shift_right_logical3A_1083, %shift_right_logical3A_1092 : vector<16xi32>
      %add3A_1094 = vector.broadcast %mul3A_276 : i32 to vector<16xi32>
      %add3A_1095 = arith.addi %shift_right_logical3A_1093, %add3A_1094 : vector<16xi32>
      %shift_right_logical3A_1096 = arith.constant 7 : i32
      %shift_right_logical3A_1097 = vector.broadcast %shift_right_logical3A_1096 : i32 to vector<16xi32>
      %shift_right_logical3A_1098 = arith.shrui %add3A_1095, %shift_right_logical3A_1097 : vector<16xi32>
      %and3A_1099 = arith.constant 127 : i32
      %and3A_1100 = vector.broadcast %and3A_1099 : i32 to vector<16xi32>
      %and3A_1101 = arith.andi %add3A_1095, %and3A_1100 : vector<16xi32>
      %and3A_1102 = arith.constant 7 : i32
      %and3A_1103 = vector.broadcast %and3A_1102 : i32 to vector<16xi32>
      %and3A_1104 = arith.andi %shift_right_logical3A_1083, %and3A_1103 : vector<16xi32>
      %gather3A_1105 = tpu.vector_load_idx %arg16[%sub3A_1087, %shift_right_logical3A_1083, %gather3A_1090] : memref<7x128x8xf32, #tpu.memory_space<vmem>>[vector<16xi32>, vector<16xi32>, vector<16xi32>], vector<16xf32>,
      tpu.vector_store_idx %arg18[%sub3A_1087, %shift_right_logical3A_1098, %and3A_1104, %and3A_1101], %gather3A_1105 : memref<3x4x8x128xf32, #tpu.memory_space<vmem>>[vector<16xi32>, vector<16xi32>, vector<16xi32>, vector<16xi32>], vector<16xf32>,
      %add3A_1106 = arith.constant 3 : i32
      %add3A_1107 = vector.broadcast %add3A_1106 : i32 to vector<16xi32>
      %add3A_1108 = arith.addi %sub3A_1087, %add3A_1107 : vector<16xi32>
      %gather3A_1109 = tpu.vector_load_idx %arg16[%add3A_1108, %shift_right_logical3A_1083, %gather3A_1090] : memref<7x128x8xf32, #tpu.memory_space<vmem>>[vector<16xi32>, vector<16xi32>, vector<16xi32>], vector<16xf32>,
      %mul3A_1110 = arith.constant 1.000000e+01 : f32
      %mul3A_1111 = vector.broadcast %mul3A_1110 : f32 to vector<16xf32>
      %mul3A_1112 = arith.mulf %gather3A_1109, %mul3A_1111 : vector<16xf32>
      tpu.vector_store_idx %arg19[%sub3A_1087, %shift_right_logical3A_1098, %and3A_1104, %and3A_1101], %mul3A_1112 : memref<3x4x8x128xf32, #tpu.memory_space<vmem>>[vector<16xi32>, vector<16xi32>, vector<16xi32>, vector<16xi32>], vector<16xf32>,
      %add3A_1113 = arith.constant 352 : i32
      %add3A_1114 = vector.broadcast %add3A_1113 : i32 to vector<16xi32>
      %add3A_1115 = arith.addi %add3A_1114, %iota3A : vector<16xi32>
      %mul3A_1116 = arith.constant 171 : i32
      %mul3A_1117 = vector.broadcast %mul3A_1116 : i32 to vector<16xi32>
      %mul3A_1118 = arith.muli %add3A_1115, %mul3A_1117 : vector<16xi32>
      %shift_right_logical3A_1119 = arith.constant 9 : i32
      %shift_right_logical3A_1120 = vector.broadcast %shift_right_logical3A_1119 : i32 to vector<16xi32>
      %shift_right_logical3A_1121 = arith.shrui %mul3A_1118, %shift_right_logical3A_1120 : vector<16xi32>
      %mul3A_1122 = arith.constant 3 : i32
      %mul3A_1123 = vector.broadcast %mul3A_1122 : i32 to vector<16xi32>
      %mul3A_1124 = arith.muli %shift_right_logical3A_1121, %mul3A_1123 : vector<16xi32>
      %sub3A_1125 = arith.subi %add3A_1115, %mul3A_1124 : vector<16xi32>
      %add3A_1126 = vector.broadcast %mul3A_278 : i32 to vector<16xi32>
      %add3A_1127 = arith.addi %add3A_1126, %shift_right_logical3A_1121 : vector<16xi32>
      %gather3A_1128 = tpu.vector_load_idx %arg15[%add3A_1127] : memref<4096xi32, #tpu.memory_space<vmem>>[vector<16xi32>], vector<16xi32>,
      %shift_right_logical3A_1129 = arith.constant 3 : i32
      %shift_right_logical3A_1130 = vector.broadcast %shift_right_logical3A_1129 : i32 to vector<16xi32>
      %shift_right_logical3A_1131 = arith.shrui %shift_right_logical3A_1121, %shift_right_logical3A_1130 : vector<16xi32>
      %add3A_1132 = vector.broadcast %mul3A_276 : i32 to vector<16xi32>
      %add3A_1133 = arith.addi %shift_right_logical3A_1131, %add3A_1132 : vector<16xi32>
      %shift_right_logical3A_1134 = arith.constant 7 : i32
      %shift_right_logical3A_1135 = vector.broadcast %shift_right_logical3A_1134 : i32 to vector<16xi32>
      %shift_right_logical3A_1136 = arith.shrui %add3A_1133, %shift_right_logical3A_1135 : vector<16xi32>
      %and3A_1137 = arith.constant 127 : i32
      %and3A_1138 = vector.broadcast %and3A_1137 : i32 to vector<16xi32>
      %and3A_1139 = arith.andi %add3A_1133, %and3A_1138 : vector<16xi32>
      %and3A_1140 = arith.constant 7 : i32
      %and3A_1141 = vector.broadcast %and3A_1140 : i32 to vector<16xi32>
      %and3A_1142 = arith.andi %shift_right_logical3A_1121, %and3A_1141 : vector<16xi32>
      %gather3A_1143 = tpu.vector_load_idx %arg16[%sub3A_1125, %shift_right_logical3A_1121, %gather3A_1128] : memref<7x128x8xf32, #tpu.memory_space<vmem>>[vector<16xi32>, vector<16xi32>, vector<16xi32>], vector<16xf32>,
      tpu.vector_store_idx %arg18[%sub3A_1125, %shift_right_logical3A_1136, %and3A_1142, %and3A_1139], %gather3A_1143 : memref<3x4x8x128xf32, #tpu.memory_space<vmem>>[vector<16xi32>, vector<16xi32>, vector<16xi32>, vector<16xi32>], vector<16xf32>,
      %add3A_1144 = arith.constant 3 : i32
      %add3A_1145 = vector.broadcast %add3A_1144 : i32 to vector<16xi32>
      %add3A_1146 = arith.addi %sub3A_1125, %add3A_1145 : vector<16xi32>
      %gather3A_1147 = tpu.vector_load_idx %arg16[%add3A_1146, %shift_right_logical3A_1121, %gather3A_1128] : memref<7x128x8xf32, #tpu.memory_space<vmem>>[vector<16xi32>, vector<16xi32>, vector<16xi32>], vector<16xf32>,
      %mul3A_1148 = arith.constant 1.000000e+01 : f32
      %mul3A_1149 = vector.broadcast %mul3A_1148 : f32 to vector<16xf32>
      %mul3A_1150 = arith.mulf %gather3A_1147, %mul3A_1149 : vector<16xf32>
      tpu.vector_store_idx %arg19[%sub3A_1125, %shift_right_logical3A_1136, %and3A_1142, %and3A_1139], %mul3A_1150 : memref<3x4x8x128xf32, #tpu.memory_space<vmem>>[vector<16xi32>, vector<16xi32>, vector<16xi32>, vector<16xi32>], vector<16xf32>,
      %add3A_1151 = arith.constant 368 : i32
      %add3A_1152 = vector.broadcast %add3A_1151 : i32 to vector<16xi32>
      %add3A_1153 = arith.addi %add3A_1152, %iota3A : vector<16xi32>
      %mul3A_1154 = arith.constant 171 : i32
      %mul3A_1155 = vector.broadcast %mul3A_1154 : i32 to vector<16xi32>
      %mul3A_1156 = arith.muli %add3A_1153, %mul3A_1155 : vector<16xi32>
      %shift_right_logical3A_1157 = arith.constant 9 : i32
      %shift_right_logical3A_1158 = vector.broadcast %shift_right_logical3A_1157 : i32 to vector<16xi32>
      %shift_right_logical3A_1159 = arith.shrui %mul3A_1156, %shift_right_logical3A_1158 : vector<16xi32>
      %mul3A_1160 = arith.constant 3 : i32
      %mul3A_1161 = vector.broadcast %mul3A_1160 : i32 to vector<16xi32>
      %mul3A_1162 = arith.muli %shift_right_logical3A_1159, %mul3A_1161 : vector<16xi32>
      %sub3A_1163 = arith.subi %add3A_1153, %mul3A_1162 : vector<16xi32>
      %add3A_1164 = vector.broadcast %mul3A_278 : i32 to vector<16xi32>
      %add3A_1165 = arith.addi %add3A_1164, %shift_right_logical3A_1159 : vector<16xi32>
      %gather3A_1166 = tpu.vector_load_idx %arg15[%add3A_1165] : memref<4096xi32, #tpu.memory_space<vmem>>[vector<16xi32>], vector<16xi32>,
      %shift_right_logical3A_1167 = arith.constant 3 : i32
      %shift_right_logical3A_1168 = vector.broadcast %shift_right_logical3A_1167 : i32 to vector<16xi32>
      %shift_right_logical3A_1169 = arith.shrui %shift_right_logical3A_1159, %shift_right_logical3A_1168 : vector<16xi32>
      %add3A_1170 = vector.broadcast %mul3A_276 : i32 to vector<16xi32>
      %add3A_1171 = arith.addi %shift_right_logical3A_1169, %add3A_1170 : vector<16xi32>
      %shift_right_logical3A_1172 = arith.constant 7 : i32
      %shift_right_logical3A_1173 = vector.broadcast %shift_right_logical3A_1172 : i32 to vector<16xi32>
      %shift_right_logical3A_1174 = arith.shrui %add3A_1171, %shift_right_logical3A_1173 : vector<16xi32>
      %and3A_1175 = arith.constant 127 : i32
      %and3A_1176 = vector.broadcast %and3A_1175 : i32 to vector<16xi32>
      %and3A_1177 = arith.andi %add3A_1171, %and3A_1176 : vector<16xi32>
      %and3A_1178 = arith.constant 7 : i32
      %and3A_1179 = vector.broadcast %and3A_1178 : i32 to vector<16xi32>
      %and3A_1180 = arith.andi %shift_right_logical3A_1159, %and3A_1179 : vector<16xi32>
      %gather3A_1181 = tpu.vector_load_idx %arg16[%sub3A_1163, %shift_right_logical3A_1159, %gather3A_1166] : memref<7x128x8xf32, #tpu.memory_space<vmem>>[vector<16xi32>, vector<16xi32>, vector<16xi32>], vector<16xf32>,
      tpu.vector_store_idx %arg18[%sub3A_1163, %shift_right_logical3A_1174, %and3A_1180, %and3A_1177], %gather3A_1181 : memref<3x4x8x128xf32, #tpu.memory_space<vmem>>[vector<16xi32>, vector<16xi32>, vector<16xi32>, vector<16xi32>], vector<16xf32>,
      %add3A_1182 = arith.constant 3 : i32
      %add3A_1183 = vector.broadcast %add3A_1182 : i32 to vector<16xi32>
      %add3A_1184 = arith.addi %sub3A_1163, %add3A_1183 : vector<16xi32>
      %gather3A_1185 = tpu.vector_load_idx %arg16[%add3A_1184, %shift_right_logical3A_1159, %gather3A_1166] : memref<7x128x8xf32, #tpu.memory_space<vmem>>[vector<16xi32>, vector<16xi32>, vector<16xi32>], vector<16xf32>,
      %mul3A_1186 = arith.constant 1.000000e+01 : f32
      %mul3A_1187 = vector.broadcast %mul3A_1186 : f32 to vector<16xf32>
      %mul3A_1188 = arith.mulf %gather3A_1185, %mul3A_1187 : vector<16xf32>
      tpu.vector_store_idx %arg19[%sub3A_1163, %shift_right_logical3A_1174, %and3A_1180, %and3A_1177], %mul3A_1188 : memref<3x4x8x128xf32, #tpu.memory_space<vmem>>[vector<16xi32>, vector<16xi32>, vector<16xi32>, vector<16xi32>], vector<16xf32>,
      %and3A_1189 = arith.constant 0 : i32
      %and3A_1190 = vector.broadcast %and3A_1189 : i32 to vector<16xi32>
      %and3A_1191 = arith.andi %iota3A, %and3A_1190 : vector<16xi32>
      %add3A_1192 = arith.constant 6 : i32
      %add3A_1193 = vector.broadcast %add3A_1192 : i32 to vector<16xi32>
      %add3A_1194 = arith.addi %and3A_1191, %add3A_1193 : vector<16xi32>
      %add3A_1195 = arith.constant 0 : i32
      %add3A_1196 = vector.broadcast %add3A_1195 : i32 to vector<16xi32>
      %add3A_1197 = arith.addi %add3A_1196, %iota3A : vector<16xi32>
      %add3A_1198 = vector.broadcast %mul3A_278 : i32 to vector<16xi32>
      %add3A_1199 = arith.addi %add3A_1198, %add3A_1197 : vector<16xi32>
      %gather3A_1200 = tpu.vector_load_idx %arg15[%add3A_1199] : memref<4096xi32, #tpu.memory_space<vmem>>[vector<16xi32>], vector<16xi32>,
      %gather3A_1201 = tpu.vector_load_idx %arg16[%add3A_1194, %add3A_1197, %gather3A_1200] : memref<7x128x8xf32, #tpu.memory_space<vmem>>[vector<16xi32>, vector<16xi32>, vector<16xi32>], vector<16xf32>,
      %mul3A_1202 = arith.constant 1.000000e+03 : f32
      %mul3A_1203 = vector.broadcast %mul3A_1202 : f32 to vector<16xf32>
      %mul3A_1204 = arith.mulf %gather3A_1201, %mul3A_1203 : vector<16xf32>
      %shift_right_logical3A_1205 = arith.constant 3 : i32
      %shift_right_logical3A_1206 = vector.broadcast %shift_right_logical3A_1205 : i32 to vector<16xi32>
      %shift_right_logical3A_1207 = arith.shrui %add3A_1197, %shift_right_logical3A_1206 : vector<16xi32>
      %add3A_1208 = vector.broadcast %mul3A_276 : i32 to vector<16xi32>
      %add3A_1209 = arith.addi %shift_right_logical3A_1207, %add3A_1208 : vector<16xi32>
      %shift_right_logical3A_1210 = arith.constant 7 : i32
      %shift_right_logical3A_1211 = vector.broadcast %shift_right_logical3A_1210 : i32 to vector<16xi32>
      %shift_right_logical3A_1212 = arith.shrui %add3A_1209, %shift_right_logical3A_1211 : vector<16xi32>
      %and3A_1213 = arith.constant 7 : i32
      %and3A_1214 = vector.broadcast %and3A_1213 : i32 to vector<16xi32>
      %and3A_1215 = arith.andi %add3A_1197, %and3A_1214 : vector<16xi32>
      %and3A_1216 = arith.constant 127 : i32
      %and3A_1217 = vector.broadcast %and3A_1216 : i32 to vector<16xi32>
      %and3A_1218 = arith.andi %add3A_1209, %and3A_1217 : vector<16xi32>
      tpu.vector_store_idx %arg20[%shift_right_logical3A_1212, %and3A_1215, %and3A_1218], %mul3A_1204 : memref<4x8x128xf32, #tpu.memory_space<vmem>>[vector<16xi32>, vector<16xi32>, vector<16xi32>], vector<16xf32>,
      %add3A_1219 = arith.constant 16 : i32
      %add3A_1220 = vector.broadcast %add3A_1219 : i32 to vector<16xi32>
      %add3A_1221 = arith.addi %add3A_1220, %iota3A : vector<16xi32>
      %add3A_1222 = vector.broadcast %mul3A_278 : i32 to vector<16xi32>
      %add3A_1223 = arith.addi %add3A_1222, %add3A_1221 : vector<16xi32>
      %gather3A_1224 = tpu.vector_load_idx %arg15[%add3A_1223] : memref<4096xi32, #tpu.memory_space<vmem>>[vector<16xi32>], vector<16xi32>,
      %gather3A_1225 = tpu.vector_load_idx %arg16[%add3A_1194, %add3A_1221, %gather3A_1224] : memref<7x128x8xf32, #tpu.memory_space<vmem>>[vector<16xi32>, vector<16xi32>, vector<16xi32>], vector<16xf32>,
      %mul3A_1226 = arith.constant 1.000000e+03 : f32
      %mul3A_1227 = vector.broadcast %mul3A_1226 : f32 to vector<16xf32>
      %mul3A_1228 = arith.mulf %gather3A_1225, %mul3A_1227 : vector<16xf32>
      %shift_right_logical3A_1229 = arith.constant 3 : i32
      %shift_right_logical3A_1230 = vector.broadcast %shift_right_logical3A_1229 : i32 to vector<16xi32>
      %shift_right_logical3A_1231 = arith.shrui %add3A_1221, %shift_right_logical3A_1230 : vector<16xi32>
      %add3A_1232 = vector.broadcast %mul3A_276 : i32 to vector<16xi32>
      %add3A_1233 = arith.addi %shift_right_logical3A_1231, %add3A_1232 : vector<16xi32>
      %shift_right_logical3A_1234 = arith.constant 7 : i32
      %shift_right_logical3A_1235 = vector.broadcast %shift_right_logical3A_1234 : i32 to vector<16xi32>
      %shift_right_logical3A_1236 = arith.shrui %add3A_1233, %shift_right_logical3A_1235 : vector<16xi32>
      %and3A_1237 = arith.constant 7 : i32
      %and3A_1238 = vector.broadcast %and3A_1237 : i32 to vector<16xi32>
      %and3A_1239 = arith.andi %add3A_1221, %and3A_1238 : vector<16xi32>
      %and3A_1240 = arith.constant 127 : i32
      %and3A_1241 = vector.broadcast %and3A_1240 : i32 to vector<16xi32>
      %and3A_1242 = arith.andi %add3A_1233, %and3A_1241 : vector<16xi32>
      tpu.vector_store_idx %arg20[%shift_right_logical3A_1236, %and3A_1239, %and3A_1242], %mul3A_1228 : memref<4x8x128xf32, #tpu.memory_space<vmem>>[vector<16xi32>, vector<16xi32>, vector<16xi32>], vector<16xf32>,
      %add3A_1243 = arith.constant 32 : i32
      %add3A_1244 = vector.broadcast %add3A_1243 : i32 to vector<16xi32>
      %add3A_1245 = arith.addi %add3A_1244, %iota3A : vector<16xi32>
      %add3A_1246 = vector.broadcast %mul3A_278 : i32 to vector<16xi32>
      %add3A_1247 = arith.addi %add3A_1246, %add3A_1245 : vector<16xi32>
      %gather3A_1248 = tpu.vector_load_idx %arg15[%add3A_1247] : memref<4096xi32, #tpu.memory_space<vmem>>[vector<16xi32>], vector<16xi32>,
      %gather3A_1249 = tpu.vector_load_idx %arg16[%add3A_1194, %add3A_1245, %gather3A_1248] : memref<7x128x8xf32, #tpu.memory_space<vmem>>[vector<16xi32>, vector<16xi32>, vector<16xi32>], vector<16xf32>,
      %mul3A_1250 = arith.constant 1.000000e+03 : f32
      %mul3A_1251 = vector.broadcast %mul3A_1250 : f32 to vector<16xf32>
      %mul3A_1252 = arith.mulf %gather3A_1249, %mul3A_1251 : vector<16xf32>
      %shift_right_logical3A_1253 = arith.constant 3 : i32
      %shift_right_logical3A_1254 = vector.broadcast %shift_right_logical3A_1253 : i32 to vector<16xi32>
      %shift_right_logical3A_1255 = arith.shrui %add3A_1245, %shift_right_logical3A_1254 : vector<16xi32>
      %add3A_1256 = vector.broadcast %mul3A_276 : i32 to vector<16xi32>
      %add3A_1257 = arith.addi %shift_right_logical3A_1255, %add3A_1256 : vector<16xi32>
      %shift_right_logical3A_1258 = arith.constant 7 : i32
      %shift_right_logical3A_1259 = vector.broadcast %shift_right_logical3A_1258 : i32 to vector<16xi32>
      %shift_right_logical3A_1260 = arith.shrui %add3A_1257, %shift_right_logical3A_1259 : vector<16xi32>
      %and3A_1261 = arith.constant 7 : i32
      %and3A_1262 = vector.broadcast %and3A_1261 : i32 to vector<16xi32>
      %and3A_1263 = arith.andi %add3A_1245, %and3A_1262 : vector<16xi32>
      %and3A_1264 = arith.constant 127 : i32
      %and3A_1265 = vector.broadcast %and3A_1264 : i32 to vector<16xi32>
      %and3A_1266 = arith.andi %add3A_1257, %and3A_1265 : vector<16xi32>
      tpu.vector_store_idx %arg20[%shift_right_logical3A_1260, %and3A_1263, %and3A_1266], %mul3A_1252 : memref<4x8x128xf32, #tpu.memory_space<vmem>>[vector<16xi32>, vector<16xi32>, vector<16xi32>], vector<16xf32>,
      %add3A_1267 = arith.constant 48 : i32
      %add3A_1268 = vector.broadcast %add3A_1267 : i32 to vector<16xi32>
      %add3A_1269 = arith.addi %add3A_1268, %iota3A : vector<16xi32>
      %add3A_1270 = vector.broadcast %mul3A_278 : i32 to vector<16xi32>
      %add3A_1271 = arith.addi %add3A_1270, %add3A_1269 : vector<16xi32>
      %gather3A_1272 = tpu.vector_load_idx %arg15[%add3A_1271] : memref<4096xi32, #tpu.memory_space<vmem>>[vector<16xi32>], vector<16xi32>,
      %gather3A_1273 = tpu.vector_load_idx %arg16[%add3A_1194, %add3A_1269, %gather3A_1272] : memref<7x128x8xf32, #tpu.memory_space<vmem>>[vector<16xi32>, vector<16xi32>, vector<16xi32>], vector<16xf32>,
      %mul3A_1274 = arith.constant 1.000000e+03 : f32
      %mul3A_1275 = vector.broadcast %mul3A_1274 : f32 to vector<16xf32>
      %mul3A_1276 = arith.mulf %gather3A_1273, %mul3A_1275 : vector<16xf32>
      %shift_right_logical3A_1277 = arith.constant 3 : i32
      %shift_right_logical3A_1278 = vector.broadcast %shift_right_logical3A_1277 : i32 to vector<16xi32>
      %shift_right_logical3A_1279 = arith.shrui %add3A_1269, %shift_right_logical3A_1278 : vector<16xi32>
      %add3A_1280 = vector.broadcast %mul3A_276 : i32 to vector<16xi32>
      %add3A_1281 = arith.addi %shift_right_logical3A_1279, %add3A_1280 : vector<16xi32>
      %shift_right_logical3A_1282 = arith.constant 7 : i32
      %shift_right_logical3A_1283 = vector.broadcast %shift_right_logical3A_1282 : i32 to vector<16xi32>
      %shift_right_logical3A_1284 = arith.shrui %add3A_1281, %shift_right_logical3A_1283 : vector<16xi32>
      %and3A_1285 = arith.constant 7 : i32
      %and3A_1286 = vector.broadcast %and3A_1285 : i32 to vector<16xi32>
      %and3A_1287 = arith.andi %add3A_1269, %and3A_1286 : vector<16xi32>
      %and3A_1288 = arith.constant 127 : i32
      %and3A_1289 = vector.broadcast %and3A_1288 : i32 to vector<16xi32>
      %and3A_1290 = arith.andi %add3A_1281, %and3A_1289 : vector<16xi32>
      tpu.vector_store_idx %arg20[%shift_right_logical3A_1284, %and3A_1287, %and3A_1290], %mul3A_1276 : memref<4x8x128xf32, #tpu.memory_space<vmem>>[vector<16xi32>, vector<16xi32>, vector<16xi32>], vector<16xf32>,
      %add3A_1291 = arith.constant 64 : i32
      %add3A_1292 = vector.broadcast %add3A_1291 : i32 to vector<16xi32>
      %add3A_1293 = arith.addi %add3A_1292, %iota3A : vector<16xi32>
      %add3A_1294 = vector.broadcast %mul3A_278 : i32 to vector<16xi32>
      %add3A_1295 = arith.addi %add3A_1294, %add3A_1293 : vector<16xi32>
      %gather3A_1296 = tpu.vector_load_idx %arg15[%add3A_1295] : memref<4096xi32, #tpu.memory_space<vmem>>[vector<16xi32>], vector<16xi32>,
      %gather3A_1297 = tpu.vector_load_idx %arg16[%add3A_1194, %add3A_1293, %gather3A_1296] : memref<7x128x8xf32, #tpu.memory_space<vmem>>[vector<16xi32>, vector<16xi32>, vector<16xi32>], vector<16xf32>,
      %mul3A_1298 = arith.constant 1.000000e+03 : f32
      %mul3A_1299 = vector.broadcast %mul3A_1298 : f32 to vector<16xf32>
      %mul3A_1300 = arith.mulf %gather3A_1297, %mul3A_1299 : vector<16xf32>
      %shift_right_logical3A_1301 = arith.constant 3 : i32
      %shift_right_logical3A_1302 = vector.broadcast %shift_right_logical3A_1301 : i32 to vector<16xi32>
      %shift_right_logical3A_1303 = arith.shrui %add3A_1293, %shift_right_logical3A_1302 : vector<16xi32>
      %add3A_1304 = vector.broadcast %mul3A_276 : i32 to vector<16xi32>
      %add3A_1305 = arith.addi %shift_right_logical3A_1303, %add3A_1304 : vector<16xi32>
      %shift_right_logical3A_1306 = arith.constant 7 : i32
      %shift_right_logical3A_1307 = vector.broadcast %shift_right_logical3A_1306 : i32 to vector<16xi32>
      %shift_right_logical3A_1308 = arith.shrui %add3A_1305, %shift_right_logical3A_1307 : vector<16xi32>
      %and3A_1309 = arith.constant 7 : i32
      %and3A_1310 = vector.broadcast %and3A_1309 : i32 to vector<16xi32>
      %and3A_1311 = arith.andi %add3A_1293, %and3A_1310 : vector<16xi32>
      %and3A_1312 = arith.constant 127 : i32
      %and3A_1313 = vector.broadcast %and3A_1312 : i32 to vector<16xi32>
      %and3A_1314 = arith.andi %add3A_1305, %and3A_1313 : vector<16xi32>
      tpu.vector_store_idx %arg20[%shift_right_logical3A_1308, %and3A_1311, %and3A_1314], %mul3A_1300 : memref<4x8x128xf32, #tpu.memory_space<vmem>>[vector<16xi32>, vector<16xi32>, vector<16xi32>], vector<16xf32>,
      %add3A_1315 = arith.constant 80 : i32
      %add3A_1316 = vector.broadcast %add3A_1315 : i32 to vector<16xi32>
      %add3A_1317 = arith.addi %add3A_1316, %iota3A : vector<16xi32>
      %add3A_1318 = vector.broadcast %mul3A_278 : i32 to vector<16xi32>
      %add3A_1319 = arith.addi %add3A_1318, %add3A_1317 : vector<16xi32>
      %gather3A_1320 = tpu.vector_load_idx %arg15[%add3A_1319] : memref<4096xi32, #tpu.memory_space<vmem>>[vector<16xi32>], vector<16xi32>,
      %gather3A_1321 = tpu.vector_load_idx %arg16[%add3A_1194, %add3A_1317, %gather3A_1320] : memref<7x128x8xf32, #tpu.memory_space<vmem>>[vector<16xi32>, vector<16xi32>, vector<16xi32>], vector<16xf32>,
      %mul3A_1322 = arith.constant 1.000000e+03 : f32
      %mul3A_1323 = vector.broadcast %mul3A_1322 : f32 to vector<16xf32>
      %mul3A_1324 = arith.mulf %gather3A_1321, %mul3A_1323 : vector<16xf32>
      %shift_right_logical3A_1325 = arith.constant 3 : i32
      %shift_right_logical3A_1326 = vector.broadcast %shift_right_logical3A_1325 : i32 to vector<16xi32>
      %shift_right_logical3A_1327 = arith.shrui %add3A_1317, %shift_right_logical3A_1326 : vector<16xi32>
      %add3A_1328 = vector.broadcast %mul3A_276 : i32 to vector<16xi32>
      %add3A_1329 = arith.addi %shift_right_logical3A_1327, %add3A_1328 : vector<16xi32>
      %shift_right_logical3A_1330 = arith.constant 7 : i32
      %shift_right_logical3A_1331 = vector.broadcast %shift_right_logical3A_1330 : i32 to vector<16xi32>
      %shift_right_logical3A_1332 = arith.shrui %add3A_1329, %shift_right_logical3A_1331 : vector<16xi32>
      %and3A_1333 = arith.constant 7 : i32
      %and3A_1334 = vector.broadcast %and3A_1333 : i32 to vector<16xi32>
      %and3A_1335 = arith.andi %add3A_1317, %and3A_1334 : vector<16xi32>
      %and3A_1336 = arith.constant 127 : i32
      %and3A_1337 = vector.broadcast %and3A_1336 : i32 to vector<16xi32>
      %and3A_1338 = arith.andi %add3A_1329, %and3A_1337 : vector<16xi32>
      tpu.vector_store_idx %arg20[%shift_right_logical3A_1332, %and3A_1335, %and3A_1338], %mul3A_1324 : memref<4x8x128xf32, #tpu.memory_space<vmem>>[vector<16xi32>, vector<16xi32>, vector<16xi32>], vector<16xf32>,
      %add3A_1339 = arith.constant 96 : i32
      %add3A_1340 = vector.broadcast %add3A_1339 : i32 to vector<16xi32>
      %add3A_1341 = arith.addi %add3A_1340, %iota3A : vector<16xi32>
      %add3A_1342 = vector.broadcast %mul3A_278 : i32 to vector<16xi32>
      %add3A_1343 = arith.addi %add3A_1342, %add3A_1341 : vector<16xi32>
      %gather3A_1344 = tpu.vector_load_idx %arg15[%add3A_1343] : memref<4096xi32, #tpu.memory_space<vmem>>[vector<16xi32>], vector<16xi32>,
      %gather3A_1345 = tpu.vector_load_idx %arg16[%add3A_1194, %add3A_1341, %gather3A_1344] : memref<7x128x8xf32, #tpu.memory_space<vmem>>[vector<16xi32>, vector<16xi32>, vector<16xi32>], vector<16xf32>,
      %mul3A_1346 = arith.constant 1.000000e+03 : f32
      %mul3A_1347 = vector.broadcast %mul3A_1346 : f32 to vector<16xf32>
      %mul3A_1348 = arith.mulf %gather3A_1345, %mul3A_1347 : vector<16xf32>
      %shift_right_logical3A_1349 = arith.constant 3 : i32
      %shift_right_logical3A_1350 = vector.broadcast %shift_right_logical3A_1349 : i32 to vector<16xi32>
      %shift_right_logical3A_1351 = arith.shrui %add3A_1341, %shift_right_logical3A_1350 : vector<16xi32>
      %add3A_1352 = vector.broadcast %mul3A_276 : i32 to vector<16xi32>
      %add3A_1353 = arith.addi %shift_right_logical3A_1351, %add3A_1352 : vector<16xi32>
      %shift_right_logical3A_1354 = arith.constant 7 : i32
      %shift_right_logical3A_1355 = vector.broadcast %shift_right_logical3A_1354 : i32 to vector<16xi32>
      %shift_right_logical3A_1356 = arith.shrui %add3A_1353, %shift_right_logical3A_1355 : vector<16xi32>
      %and3A_1357 = arith.constant 7 : i32
      %and3A_1358 = vector.broadcast %and3A_1357 : i32 to vector<16xi32>
      %and3A_1359 = arith.andi %add3A_1341, %and3A_1358 : vector<16xi32>
      %and3A_1360 = arith.constant 127 : i32
      %and3A_1361 = vector.broadcast %and3A_1360 : i32 to vector<16xi32>
      %and3A_1362 = arith.andi %add3A_1353, %and3A_1361 : vector<16xi32>
      tpu.vector_store_idx %arg20[%shift_right_logical3A_1356, %and3A_1359, %and3A_1362], %mul3A_1348 : memref<4x8x128xf32, #tpu.memory_space<vmem>>[vector<16xi32>, vector<16xi32>, vector<16xi32>], vector<16xf32>,
      %add3A_1363 = arith.constant 112 : i32
      %add3A_1364 = vector.broadcast %add3A_1363 : i32 to vector<16xi32>
      %add3A_1365 = arith.addi %add3A_1364, %iota3A : vector<16xi32>
      %add3A_1366 = vector.broadcast %mul3A_278 : i32 to vector<16xi32>
      %add3A_1367 = arith.addi %add3A_1366, %add3A_1365 : vector<16xi32>
      %gather3A_1368 = tpu.vector_load_idx %arg15[%add3A_1367] : memref<4096xi32, #tpu.memory_space<vmem>>[vector<16xi32>], vector<16xi32>,
      %gather3A_1369 = tpu.vector_load_idx %arg16[%add3A_1194, %add3A_1365, %gather3A_1368] : memref<7x128x8xf32, #tpu.memory_space<vmem>>[vector<16xi32>, vector<16xi32>, vector<16xi32>], vector<16xf32>,
      %mul3A_1370 = arith.constant 1.000000e+03 : f32
      %mul3A_1371 = vector.broadcast %mul3A_1370 : f32 to vector<16xf32>
      %mul3A_1372 = arith.mulf %gather3A_1369, %mul3A_1371 : vector<16xf32>
      %shift_right_logical3A_1373 = arith.constant 3 : i32
      %shift_right_logical3A_1374 = vector.broadcast %shift_right_logical3A_1373 : i32 to vector<16xi32>
      %shift_right_logical3A_1375 = arith.shrui %add3A_1365, %shift_right_logical3A_1374 : vector<16xi32>
      %add3A_1376 = vector.broadcast %mul3A_276 : i32 to vector<16xi32>
      %add3A_1377 = arith.addi %shift_right_logical3A_1375, %add3A_1376 : vector<16xi32>
      %shift_right_logical3A_1378 = arith.constant 7 : i32
      %shift_right_logical3A_1379 = vector.broadcast %shift_right_logical3A_1378 : i32 to vector<16xi32>
      %shift_right_logical3A_1380 = arith.shrui %add3A_1377, %shift_right_logical3A_1379 : vector<16xi32>
      %and3A_1381 = arith.constant 7 : i32
      %and3A_1382 = vector.broadcast %and3A_1381 : i32 to vector<16xi32>
      %and3A_1383 = arith.andi %add3A_1365, %and3A_1382 : vector<16xi32>
      %and3A_1384 = arith.constant 127 : i32
      %and3A_1385 = vector.broadcast %and3A_1384 : i32 to vector<16xi32>
      %and3A_1386 = arith.andi %add3A_1377, %and3A_1385 : vector<16xi32>
      tpu.vector_store_idx %arg20[%shift_right_logical3A_1380, %and3A_1383, %and3A_1386], %mul3A_1372 : memref<4x8x128xf32, #tpu.memory_space<vmem>>[vector<16xi32>, vector<16xi32>, vector<16xi32>], vector<16xf32>,
      %lt3A = arith.constant 15 : i32
      %lt3A_1387 = arith.cmpi slt, %scan3A_117, %lt3A : i32
      %convert_element_type3A = arith.extui %lt3A_1387 : i1 to i32
      %cond3A = arith.constant 0 : i32
      %cond3A_1388 = arith.cmpi ne, %convert_element_type3A, %cond3A : i32
      scf.if %cond3A_1388 {
        %add3A_2584 = arith.constant 2 : i32
        %add3A_2585 = arith.addi %mul3A_119, %add3A_2584 : i32
        %dma_start3A_2586 = arith.constant 0 : i32
        %dma_start3A_2587 = arith.constant 0 : i32
        %dma_start3A_2588 = arith.constant 0 : i32
        %dma_start3A_2589 = tpu.memref_slice %arg16[%dma_start3A_2586, %dma_start3A_2587, %dma_start3A_2588] : memref<7x128x8xf32, #tpu.memory_space<vmem>> -> memref<1x128x8xf32, #tpu.memory_space<vmem>>
        %dma_start3A_2590 = tpu.memref_squeeze %dma_start3A_2589 : memref<1x128x8xf32, #tpu.memory_space<vmem>> -> memref<128x8xf32, #tpu.memory_space<vmem>>
        %dma_start3A_2591 = arith.constant 0 : i32
        %dma_start3A_2592 = tpu.memref_slice %arg14[%add3A_2585, %dma_start3A_2591] : memref<32x128xi32, #tpu.memory_space<vmem>> -> memref<1x128xi32, #tpu.memory_space<vmem>>
        %dma_start3A_2593 = tpu.memref_squeeze %dma_start3A_2592 : memref<1x128xi32, #tpu.memory_space<vmem>> -> memref<128xi32, #tpu.memory_space<vmem>>
        %dma_start3A_2594 = arith.constant 0 : i32
        %dma_start3A_2595 = arith.constant 0 : i32
        %dma_start3A_2596 = tpu.memref_slice %arg3[%dma_start3A_2594, %dma_start3A_2595] : memref<100000x8xf32, #tpu.memory_space<hbm>> -> memref<100000x8xf32, #tpu.memory_space<hbm>>
        tpu.enqueue_indirect_dma source(%dma_start3A_2596 : memref<100000x8xf32, #tpu.memory_space<hbm>>) target(%dma_start3A_2590 : memref<128x8xf32, #tpu.memory_space<vmem>>) offsets(%dma_start3A_2593 : memref<128xi32, #tpu.memory_space<vmem>>) semaphore(%arg21 : memref<!tpu.dma_semaphore, #tpu.memory_space<semaphore_mem>>)
        %dma_start3A_2597 = arith.constant 1 : i32
        %dma_start3A_2598 = arith.constant 0 : i32
        %dma_start3A_2599 = arith.constant 0 : i32
        %dma_start3A_2600 = tpu.memref_slice %arg16[%dma_start3A_2597, %dma_start3A_2598, %dma_start3A_2599] : memref<7x128x8xf32, #tpu.memory_space<vmem>> -> memref<1x128x8xf32, #tpu.memory_space<vmem>>
        %dma_start3A_2601 = tpu.memref_squeeze %dma_start3A_2600 : memref<1x128x8xf32, #tpu.memory_space<vmem>> -> memref<128x8xf32, #tpu.memory_space<vmem>>
        %dma_start3A_2602 = arith.constant 0 : i32
        %dma_start3A_2603 = tpu.memref_slice %arg14[%add3A_2585, %dma_start3A_2602] : memref<32x128xi32, #tpu.memory_space<vmem>> -> memref<1x128xi32, #tpu.memory_space<vmem>>
        %dma_start3A_2604 = tpu.memref_squeeze %dma_start3A_2603 : memref<1x128xi32, #tpu.memory_space<vmem>> -> memref<128xi32, #tpu.memory_space<vmem>>
        %dma_start3A_2605 = arith.constant 0 : i32
        %dma_start3A_2606 = arith.constant 0 : i32
        %dma_start3A_2607 = tpu.memref_slice %arg4[%dma_start3A_2605, %dma_start3A_2606] : memref<100000x8xf32, #tpu.memory_space<hbm>> -> memref<100000x8xf32, #tpu.memory_space<hbm>>
        tpu.enqueue_indirect_dma source(%dma_start3A_2607 : memref<100000x8xf32, #tpu.memory_space<hbm>>) target(%dma_start3A_2601 : memref<128x8xf32, #tpu.memory_space<vmem>>) offsets(%dma_start3A_2604 : memref<128xi32, #tpu.memory_space<vmem>>) semaphore(%arg21 : memref<!tpu.dma_semaphore, #tpu.memory_space<semaphore_mem>>)
        %dma_start3A_2608 = arith.constant 2 : i32
        %dma_start3A_2609 = arith.constant 0 : i32
        %dma_start3A_2610 = arith.constant 0 : i32
        %dma_start3A_2611 = tpu.memref_slice %arg16[%dma_start3A_2608, %dma_start3A_2609, %dma_start3A_2610] : memref<7x128x8xf32, #tpu.memory_space<vmem>> -> memref<1x128x8xf32, #tpu.memory_space<vmem>>
        %dma_start3A_2612 = tpu.memref_squeeze %dma_start3A_2611 : memref<1x128x8xf32, #tpu.memory_space<vmem>> -> memref<128x8xf32, #tpu.memory_space<vmem>>
        %dma_start3A_2613 = arith.constant 0 : i32
        %dma_start3A_2614 = tpu.memref_slice %arg14[%add3A_2585, %dma_start3A_2613] : memref<32x128xi32, #tpu.memory_space<vmem>> -> memref<1x128xi32, #tpu.memory_space<vmem>>
        %dma_start3A_2615 = tpu.memref_squeeze %dma_start3A_2614 : memref<1x128xi32, #tpu.memory_space<vmem>> -> memref<128xi32, #tpu.memory_space<vmem>>
        %dma_start3A_2616 = arith.constant 0 : i32
        %dma_start3A_2617 = arith.constant 0 : i32
        %dma_start3A_2618 = tpu.memref_slice %arg5[%dma_start3A_2616, %dma_start3A_2617] : memref<100000x8xf32, #tpu.memory_space<hbm>> -> memref<100000x8xf32, #tpu.memory_space<hbm>>
        tpu.enqueue_indirect_dma source(%dma_start3A_2618 : memref<100000x8xf32, #tpu.memory_space<hbm>>) target(%dma_start3A_2612 : memref<128x8xf32, #tpu.memory_space<vmem>>) offsets(%dma_start3A_2615 : memref<128xi32, #tpu.memory_space<vmem>>) semaphore(%arg21 : memref<!tpu.dma_semaphore, #tpu.memory_space<semaphore_mem>>)
        %dma_start3A_2619 = arith.constant 3 : i32
        %dma_start3A_2620 = arith.constant 0 : i32
        %dma_start3A_2621 = arith.constant 0 : i32
        %dma_start3A_2622 = tpu.memref_slice %arg16[%dma_start3A_2619, %dma_start3A_2620, %dma_start3A_2621] : memref<7x128x8xf32, #tpu.memory_space<vmem>> -> memref<1x128x8xf32, #tpu.memory_space<vmem>>
        %dma_start3A_2623 = tpu.memref_squeeze %dma_start3A_2622 : memref<1x128x8xf32, #tpu.memory_space<vmem>> -> memref<128x8xf32, #tpu.memory_space<vmem>>
        %dma_start3A_2624 = arith.constant 0 : i32
        %dma_start3A_2625 = tpu.memref_slice %arg14[%add3A_2585, %dma_start3A_2624] : memref<32x128xi32, #tpu.memory_space<vmem>> -> memref<1x128xi32, #tpu.memory_space<vmem>>
        %dma_start3A_2626 = tpu.memref_squeeze %dma_start3A_2625 : memref<1x128xi32, #tpu.memory_space<vmem>> -> memref<128xi32, #tpu.memory_space<vmem>>
        %dma_start3A_2627 = arith.constant 0 : i32
        %dma_start3A_2628 = arith.constant 0 : i32
        %dma_start3A_2629 = tpu.memref_slice %arg6[%dma_start3A_2627, %dma_start3A_2628] : memref<100000x8xf32, #tpu.memory_space<hbm>> -> memref<100000x8xf32, #tpu.memory_space<hbm>>
        tpu.enqueue_indirect_dma source(%dma_start3A_2629 : memref<100000x8xf32, #tpu.memory_space<hbm>>) target(%dma_start3A_2623 : memref<128x8xf32, #tpu.memory_space<vmem>>) offsets(%dma_start3A_2626 : memref<128xi32, #tpu.memory_space<vmem>>) semaphore(%arg21 : memref<!tpu.dma_semaphore, #tpu.memory_space<semaphore_mem>>)
        %dma_start3A_2630 = arith.constant 4 : i32
        %dma_start3A_2631 = arith.constant 0 : i32
        %dma_start3A_2632 = arith.constant 0 : i32
        %dma_start3A_2633 = tpu.memref_slice %arg16[%dma_start3A_2630, %dma_start3A_2631, %dma_start3A_2632] : memref<7x128x8xf32, #tpu.memory_space<vmem>> -> memref<1x128x8xf32, #tpu.memory_space<vmem>>
        %dma_start3A_2634 = tpu.memref_squeeze %dma_start3A_2633 : memref<1x128x8xf32, #tpu.memory_space<vmem>> -> memref<128x8xf32, #tpu.memory_space<vmem>>
        %dma_start3A_2635 = arith.constant 0 : i32
        %dma_start3A_2636 = tpu.memref_slice %arg14[%add3A_2585, %dma_start3A_2635] : memref<32x128xi32, #tpu.memory_space<vmem>> -> memref<1x128xi32, #tpu.memory_space<vmem>>
        %dma_start3A_2637 = tpu.memref_squeeze %dma_start3A_2636 : memref<1x128xi32, #tpu.memory_space<vmem>> -> memref<128xi32, #tpu.memory_space<vmem>>
        %dma_start3A_2638 = arith.constant 0 : i32
        %dma_start3A_2639 = arith.constant 0 : i32
        %dma_start3A_2640 = tpu.memref_slice %arg7[%dma_start3A_2638, %dma_start3A_2639] : memref<100000x8xf32, #tpu.memory_space<hbm>> -> memref<100000x8xf32, #tpu.memory_space<hbm>>
        tpu.enqueue_indirect_dma source(%dma_start3A_2640 : memref<100000x8xf32, #tpu.memory_space<hbm>>) target(%dma_start3A_2634 : memref<128x8xf32, #tpu.memory_space<vmem>>) offsets(%dma_start3A_2637 : memref<128xi32, #tpu.memory_space<vmem>>) semaphore(%arg21 : memref<!tpu.dma_semaphore, #tpu.memory_space<semaphore_mem>>)
        %dma_start3A_2641 = arith.constant 5 : i32
        %dma_start3A_2642 = arith.constant 0 : i32
        %dma_start3A_2643 = arith.constant 0 : i32
        %dma_start3A_2644 = tpu.memref_slice %arg16[%dma_start3A_2641, %dma_start3A_2642, %dma_start3A_2643] : memref<7x128x8xf32, #tpu.memory_space<vmem>> -> memref<1x128x8xf32, #tpu.memory_space<vmem>>
        %dma_start3A_2645 = tpu.memref_squeeze %dma_start3A_2644 : memref<1x128x8xf32, #tpu.memory_space<vmem>> -> memref<128x8xf32, #tpu.memory_space<vmem>>
        %dma_start3A_2646 = arith.constant 0 : i32
        %dma_start3A_2647 = tpu.memref_slice %arg14[%add3A_2585, %dma_start3A_2646] : memref<32x128xi32, #tpu.memory_space<vmem>> -> memref<1x128xi32, #tpu.memory_space<vmem>>
        %dma_start3A_2648 = tpu.memref_squeeze %dma_start3A_2647 : memref<1x128xi32, #tpu.memory_space<vmem>> -> memref<128xi32, #tpu.memory_space<vmem>>
        %dma_start3A_2649 = arith.constant 0 : i32
        %dma_start3A_2650 = arith.constant 0 : i32
        %dma_start3A_2651 = tpu.memref_slice %arg8[%dma_start3A_2649, %dma_start3A_2650] : memref<100000x8xf32, #tpu.memory_space<hbm>> -> memref<100000x8xf32, #tpu.memory_space<hbm>>
        tpu.enqueue_indirect_dma source(%dma_start3A_2651 : memref<100000x8xf32, #tpu.memory_space<hbm>>) target(%dma_start3A_2645 : memref<128x8xf32, #tpu.memory_space<vmem>>) offsets(%dma_start3A_2648 : memref<128xi32, #tpu.memory_space<vmem>>) semaphore(%arg21 : memref<!tpu.dma_semaphore, #tpu.memory_space<semaphore_mem>>)
        %dma_start3A_2652 = arith.constant 6 : i32
        %dma_start3A_2653 = arith.constant 0 : i32
        %dma_start3A_2654 = arith.constant 0 : i32
        %dma_start3A_2655 = tpu.memref_slice %arg16[%dma_start3A_2652, %dma_start3A_2653, %dma_start3A_2654] : memref<7x128x8xf32, #tpu.memory_space<vmem>> -> memref<1x128x8xf32, #tpu.memory_space<vmem>>
        %dma_start3A_2656 = tpu.memref_squeeze %dma_start3A_2655 : memref<1x128x8xf32, #tpu.memory_space<vmem>> -> memref<128x8xf32, #tpu.memory_space<vmem>>
        %dma_start3A_2657 = arith.constant 0 : i32
        %dma_start3A_2658 = tpu.memref_slice %arg14[%add3A_2585, %dma_start3A_2657] : memref<32x128xi32, #tpu.memory_space<vmem>> -> memref<1x128xi32, #tpu.memory_space<vmem>>
        %dma_start3A_2659 = tpu.memref_squeeze %dma_start3A_2658 : memref<1x128xi32, #tpu.memory_space<vmem>> -> memref<128xi32, #tpu.memory_space<vmem>>
        %dma_start3A_2660 = arith.constant 0 : i32
        %dma_start3A_2661 = arith.constant 0 : i32
        %dma_start3A_2662 = tpu.memref_slice %arg9[%dma_start3A_2660, %dma_start3A_2661] : memref<100000x8xf32, #tpu.memory_space<hbm>> -> memref<100000x8xf32, #tpu.memory_space<hbm>>
        tpu.enqueue_indirect_dma source(%dma_start3A_2662 : memref<100000x8xf32, #tpu.memory_space<hbm>>) target(%dma_start3A_2656 : memref<128x8xf32, #tpu.memory_space<vmem>>) offsets(%dma_start3A_2659 : memref<128xi32, #tpu.memory_space<vmem>>) semaphore(%arg21 : memref<!tpu.dma_semaphore, #tpu.memory_space<semaphore_mem>>)
      } else {
      }
      %add3A_1389 = arith.constant 1 : i32
      %add3A_1390 = arith.addi %mul3A_119, %add3A_1389 : i32
      %dma_wait3A_1391 = arith.constant 0 : i32
      %dma_wait3A_1392 = arith.constant 0 : i32
      %dma_wait3A_1393 = arith.constant 0 : i32
      %dma_wait3A_1394 = tpu.memref_slice %arg17[%dma_wait3A_1391, %dma_wait3A_1392, %dma_wait3A_1393] : memref<7x128x8xf32, #tpu.memory_space<vmem>> -> memref<1x128x8xf32, #tpu.memory_space<vmem>>
      %dma_wait3A_1395 = tpu.memref_squeeze %dma_wait3A_1394 : memref<1x128x8xf32, #tpu.memory_space<vmem>> -> memref<128x8xf32, #tpu.memory_space<vmem>>
      %dma_wait3A_1396 = arith.constant 0 : i32
      %dma_wait3A_1397 = tpu.memref_slice %arg14[%add3A_1390, %dma_wait3A_1396] : memref<32x128xi32, #tpu.memory_space<vmem>> -> memref<1x128xi32, #tpu.memory_space<vmem>>
      %dma_wait3A_1398 = tpu.memref_squeeze %dma_wait3A_1397 : memref<1x128xi32, #tpu.memory_space<vmem>> -> memref<128xi32, #tpu.memory_space<vmem>>
      %dma_wait3A_1399 = arith.constant 0 : i32
      %dma_wait3A_1400 = arith.constant 0 : i32
      %dma_wait3A_1401 = tpu.memref_slice %arg3[%dma_wait3A_1399, %dma_wait3A_1400] : memref<100000x8xf32, #tpu.memory_space<hbm>> -> memref<100000x8xf32, #tpu.memory_space<hbm>>
      tpu.wait_indirect_dma semaphore(%arg22 : memref<!tpu.dma_semaphore, #tpu.memory_space<semaphore_mem>>) src(%dma_wait3A_1401 : memref<100000x8xf32, #tpu.memory_space<hbm>>) dst(%dma_wait3A_1395 : memref<128x8xf32, #tpu.memory_space<vmem>>)
      %dma_wait3A_1402 = arith.constant 1 : i32
      %dma_wait3A_1403 = arith.constant 0 : i32
      %dma_wait3A_1404 = arith.constant 0 : i32
      %dma_wait3A_1405 = tpu.memref_slice %arg17[%dma_wait3A_1402, %dma_wait3A_1403, %dma_wait3A_1404] : memref<7x128x8xf32, #tpu.memory_space<vmem>> -> memref<1x128x8xf32, #tpu.memory_space<vmem>>
      %dma_wait3A_1406 = tpu.memref_squeeze %dma_wait3A_1405 : memref<1x128x8xf32, #tpu.memory_space<vmem>> -> memref<128x8xf32, #tpu.memory_space<vmem>>
      %dma_wait3A_1407 = arith.constant 0 : i32
      %dma_wait3A_1408 = tpu.memref_slice %arg14[%add3A_1390, %dma_wait3A_1407] : memref<32x128xi32, #tpu.memory_space<vmem>> -> memref<1x128xi32, #tpu.memory_space<vmem>>
      %dma_wait3A_1409 = tpu.memref_squeeze %dma_wait3A_1408 : memref<1x128xi32, #tpu.memory_space<vmem>> -> memref<128xi32, #tpu.memory_space<vmem>>
      %dma_wait3A_1410 = arith.constant 0 : i32
      %dma_wait3A_1411 = arith.constant 0 : i32
      %dma_wait3A_1412 = tpu.memref_slice %arg4[%dma_wait3A_1410, %dma_wait3A_1411] : memref<100000x8xf32, #tpu.memory_space<hbm>> -> memref<100000x8xf32, #tpu.memory_space<hbm>>
      tpu.wait_indirect_dma semaphore(%arg22 : memref<!tpu.dma_semaphore, #tpu.memory_space<semaphore_mem>>) src(%dma_wait3A_1412 : memref<100000x8xf32, #tpu.memory_space<hbm>>) dst(%dma_wait3A_1406 : memref<128x8xf32, #tpu.memory_space<vmem>>)
      %dma_wait3A_1413 = arith.constant 2 : i32
      %dma_wait3A_1414 = arith.constant 0 : i32
      %dma_wait3A_1415 = arith.constant 0 : i32
      %dma_wait3A_1416 = tpu.memref_slice %arg17[%dma_wait3A_1413, %dma_wait3A_1414, %dma_wait3A_1415] : memref<7x128x8xf32, #tpu.memory_space<vmem>> -> memref<1x128x8xf32, #tpu.memory_space<vmem>>
      %dma_wait3A_1417 = tpu.memref_squeeze %dma_wait3A_1416 : memref<1x128x8xf32, #tpu.memory_space<vmem>> -> memref<128x8xf32, #tpu.memory_space<vmem>>
      %dma_wait3A_1418 = arith.constant 0 : i32
      %dma_wait3A_1419 = tpu.memref_slice %arg14[%add3A_1390, %dma_wait3A_1418] : memref<32x128xi32, #tpu.memory_space<vmem>> -> memref<1x128xi32, #tpu.memory_space<vmem>>
      %dma_wait3A_1420 = tpu.memref_squeeze %dma_wait3A_1419 : memref<1x128xi32, #tpu.memory_space<vmem>> -> memref<128xi32, #tpu.memory_space<vmem>>
      %dma_wait3A_1421 = arith.constant 0 : i32
      %dma_wait3A_1422 = arith.constant 0 : i32
      %dma_wait3A_1423 = tpu.memref_slice %arg5[%dma_wait3A_1421, %dma_wait3A_1422] : memref<100000x8xf32, #tpu.memory_space<hbm>> -> memref<100000x8xf32, #tpu.memory_space<hbm>>
      tpu.wait_indirect_dma semaphore(%arg22 : memref<!tpu.dma_semaphore, #tpu.memory_space<semaphore_mem>>) src(%dma_wait3A_1423 : memref<100000x8xf32, #tpu.memory_space<hbm>>) dst(%dma_wait3A_1417 : memref<128x8xf32, #tpu.memory_space<vmem>>)
      %dma_wait3A_1424 = arith.constant 3 : i32
      %dma_wait3A_1425 = arith.constant 0 : i32
      %dma_wait3A_1426 = arith.constant 0 : i32
      %dma_wait3A_1427 = tpu.memref_slice %arg17[%dma_wait3A_1424, %dma_wait3A_1425, %dma_wait3A_1426] : memref<7x128x8xf32, #tpu.memory_space<vmem>> -> memref<1x128x8xf32, #tpu.memory_space<vmem>>
      %dma_wait3A_1428 = tpu.memref_squeeze %dma_wait3A_1427 : memref<1x128x8xf32, #tpu.memory_space<vmem>> -> memref<128x8xf32, #tpu.memory_space<vmem>>
      %dma_wait3A_1429 = arith.constant 0 : i32
      %dma_wait3A_1430 = tpu.memref_slice %arg14[%add3A_1390, %dma_wait3A_1429] : memref<32x128xi32, #tpu.memory_space<vmem>> -> memref<1x128xi32, #tpu.memory_space<vmem>>
      %dma_wait3A_1431 = tpu.memref_squeeze %dma_wait3A_1430 : memref<1x128xi32, #tpu.memory_space<vmem>> -> memref<128xi32, #tpu.memory_space<vmem>>
      %dma_wait3A_1432 = arith.constant 0 : i32
      %dma_wait3A_1433 = arith.constant 0 : i32
      %dma_wait3A_1434 = tpu.memref_slice %arg6[%dma_wait3A_1432, %dma_wait3A_1433] : memref<100000x8xf32, #tpu.memory_space<hbm>> -> memref<100000x8xf32, #tpu.memory_space<hbm>>
      tpu.wait_indirect_dma semaphore(%arg22 : memref<!tpu.dma_semaphore, #tpu.memory_space<semaphore_mem>>) src(%dma_wait3A_1434 : memref<100000x8xf32, #tpu.memory_space<hbm>>) dst(%dma_wait3A_1428 : memref<128x8xf32, #tpu.memory_space<vmem>>)
      %dma_wait3A_1435 = arith.constant 4 : i32
      %dma_wait3A_1436 = arith.constant 0 : i32
      %dma_wait3A_1437 = arith.constant 0 : i32
      %dma_wait3A_1438 = tpu.memref_slice %arg17[%dma_wait3A_1435, %dma_wait3A_1436, %dma_wait3A_1437] : memref<7x128x8xf32, #tpu.memory_space<vmem>> -> memref<1x128x8xf32, #tpu.memory_space<vmem>>
      %dma_wait3A_1439 = tpu.memref_squeeze %dma_wait3A_1438 : memref<1x128x8xf32, #tpu.memory_space<vmem>> -> memref<128x8xf32, #tpu.memory_space<vmem>>
      %dma_wait3A_1440 = arith.constant 0 : i32
      %dma_wait3A_1441 = tpu.memref_slice %arg14[%add3A_1390, %dma_wait3A_1440] : memref<32x128xi32, #tpu.memory_space<vmem>> -> memref<1x128xi32, #tpu.memory_space<vmem>>
      %dma_wait3A_1442 = tpu.memref_squeeze %dma_wait3A_1441 : memref<1x128xi32, #tpu.memory_space<vmem>> -> memref<128xi32, #tpu.memory_space<vmem>>
      %dma_wait3A_1443 = arith.constant 0 : i32
      %dma_wait3A_1444 = arith.constant 0 : i32
      %dma_wait3A_1445 = tpu.memref_slice %arg7[%dma_wait3A_1443, %dma_wait3A_1444] : memref<100000x8xf32, #tpu.memory_space<hbm>> -> memref<100000x8xf32, #tpu.memory_space<hbm>>
      tpu.wait_indirect_dma semaphore(%arg22 : memref<!tpu.dma_semaphore, #tpu.memory_space<semaphore_mem>>) src(%dma_wait3A_1445 : memref<100000x8xf32, #tpu.memory_space<hbm>>) dst(%dma_wait3A_1439 : memref<128x8xf32, #tpu.memory_space<vmem>>)
      %dma_wait3A_1446 = arith.constant 5 : i32
      %dma_wait3A_1447 = arith.constant 0 : i32
      %dma_wait3A_1448 = arith.constant 0 : i32
      %dma_wait3A_1449 = tpu.memref_slice %arg17[%dma_wait3A_1446, %dma_wait3A_1447, %dma_wait3A_1448] : memref<7x128x8xf32, #tpu.memory_space<vmem>> -> memref<1x128x8xf32, #tpu.memory_space<vmem>>
      %dma_wait3A_1450 = tpu.memref_squeeze %dma_wait3A_1449 : memref<1x128x8xf32, #tpu.memory_space<vmem>> -> memref<128x8xf32, #tpu.memory_space<vmem>>
      %dma_wait3A_1451 = arith.constant 0 : i32
      %dma_wait3A_1452 = tpu.memref_slice %arg14[%add3A_1390, %dma_wait3A_1451] : memref<32x128xi32, #tpu.memory_space<vmem>> -> memref<1x128xi32, #tpu.memory_space<vmem>>
      %dma_wait3A_1453 = tpu.memref_squeeze %dma_wait3A_1452 : memref<1x128xi32, #tpu.memory_space<vmem>> -> memref<128xi32, #tpu.memory_space<vmem>>
      %dma_wait3A_1454 = arith.constant 0 : i32
      %dma_wait3A_1455 = arith.constant 0 : i32
      %dma_wait3A_1456 = tpu.memref_slice %arg8[%dma_wait3A_1454, %dma_wait3A_1455] : memref<100000x8xf32, #tpu.memory_space<hbm>> -> memref<100000x8xf32, #tpu.memory_space<hbm>>
      tpu.wait_indirect_dma semaphore(%arg22 : memref<!tpu.dma_semaphore, #tpu.memory_space<semaphore_mem>>) src(%dma_wait3A_1456 : memref<100000x8xf32, #tpu.memory_space<hbm>>) dst(%dma_wait3A_1450 : memref<128x8xf32, #tpu.memory_space<vmem>>)
      %dma_wait3A_1457 = arith.constant 6 : i32
      %dma_wait3A_1458 = arith.constant 0 : i32
      %dma_wait3A_1459 = arith.constant 0 : i32
      %dma_wait3A_1460 = tpu.memref_slice %arg17[%dma_wait3A_1457, %dma_wait3A_1458, %dma_wait3A_1459] : memref<7x128x8xf32, #tpu.memory_space<vmem>> -> memref<1x128x8xf32, #tpu.memory_space<vmem>>
      %dma_wait3A_1461 = tpu.memref_squeeze %dma_wait3A_1460 : memref<1x128x8xf32, #tpu.memory_space<vmem>> -> memref<128x8xf32, #tpu.memory_space<vmem>>
      %dma_wait3A_1462 = arith.constant 0 : i32
      %dma_wait3A_1463 = tpu.memref_slice %arg14[%add3A_1390, %dma_wait3A_1462] : memref<32x128xi32, #tpu.memory_space<vmem>> -> memref<1x128xi32, #tpu.memory_space<vmem>>
      %dma_wait3A_1464 = tpu.memref_squeeze %dma_wait3A_1463 : memref<1x128xi32, #tpu.memory_space<vmem>> -> memref<128xi32, #tpu.memory_space<vmem>>
      %dma_wait3A_1465 = arith.constant 0 : i32
      %dma_wait3A_1466 = arith.constant 0 : i32
      %dma_wait3A_1467 = tpu.memref_slice %arg9[%dma_wait3A_1465, %dma_wait3A_1466] : memref<100000x8xf32, #tpu.memory_space<hbm>> -> memref<100000x8xf32, #tpu.memory_space<hbm>>
      tpu.wait_indirect_dma semaphore(%arg22 : memref<!tpu.dma_semaphore, #tpu.memory_space<semaphore_mem>>) src(%dma_wait3A_1467 : memref<100000x8xf32, #tpu.memory_space<hbm>>) dst(%dma_wait3A_1461 : memref<128x8xf32, #tpu.memory_space<vmem>>)
      %add3A_1468 = arith.constant 1 : i32
      %add3A_1469 = arith.addi %mul3A_119, %add3A_1468 : i32
      %mul3A_1470 = arith.constant 16 : i32
      %mul3A_1471 = arith.muli %add3A_1469, %mul3A_1470 : i32
      %mul3A_1472 = arith.constant 128 : i32
      %mul3A_1473 = arith.muli %add3A_1469, %mul3A_1472 : i32
      %add3A_1474 = arith.constant 0 : i32
      %add3A_1475 = vector.broadcast %add3A_1474 : i32 to vector<16xi32>
      %add3A_1476 = arith.addi %add3A_1475, %iota3A : vector<16xi32>
      %mul3A_1477 = arith.constant 171 : i32
      %mul3A_1478 = vector.broadcast %mul3A_1477 : i32 to vector<16xi32>
      %mul3A_1479 = arith.muli %add3A_1476, %mul3A_1478 : vector<16xi32>
      %shift_right_logical3A_1480 = arith.constant 9 : i32
      %shift_right_logical3A_1481 = vector.broadcast %shift_right_logical3A_1480 : i32 to vector<16xi32>
      %shift_right_logical3A_1482 = arith.shrui %mul3A_1479, %shift_right_logical3A_1481 : vector<16xi32>
      %mul3A_1483 = arith.constant 3 : i32
      %mul3A_1484 = vector.broadcast %mul3A_1483 : i32 to vector<16xi32>
      %mul3A_1485 = arith.muli %shift_right_logical3A_1482, %mul3A_1484 : vector<16xi32>
      %sub3A_1486 = arith.subi %add3A_1476, %mul3A_1485 : vector<16xi32>
      %add3A_1487 = vector.broadcast %mul3A_1473 : i32 to vector<16xi32>
      %add3A_1488 = arith.addi %add3A_1487, %shift_right_logical3A_1482 : vector<16xi32>
      %gather3A_1489 = tpu.vector_load_idx %arg15[%add3A_1488] : memref<4096xi32, #tpu.memory_space<vmem>>[vector<16xi32>], vector<16xi32>,
      %shift_right_logical3A_1490 = arith.constant 3 : i32
      %shift_right_logical3A_1491 = vector.broadcast %shift_right_logical3A_1490 : i32 to vector<16xi32>
      %shift_right_logical3A_1492 = arith.shrui %shift_right_logical3A_1482, %shift_right_logical3A_1491 : vector<16xi32>
      %add3A_1493 = vector.broadcast %mul3A_1471 : i32 to vector<16xi32>
      %add3A_1494 = arith.addi %shift_right_logical3A_1492, %add3A_1493 : vector<16xi32>
      %shift_right_logical3A_1495 = arith.constant 7 : i32
      %shift_right_logical3A_1496 = vector.broadcast %shift_right_logical3A_1495 : i32 to vector<16xi32>
      %shift_right_logical3A_1497 = arith.shrui %add3A_1494, %shift_right_logical3A_1496 : vector<16xi32>
      %and3A_1498 = arith.constant 127 : i32
      %and3A_1499 = vector.broadcast %and3A_1498 : i32 to vector<16xi32>
      %and3A_1500 = arith.andi %add3A_1494, %and3A_1499 : vector<16xi32>
      %and3A_1501 = arith.constant 7 : i32
      %and3A_1502 = vector.broadcast %and3A_1501 : i32 to vector<16xi32>
      %and3A_1503 = arith.andi %shift_right_logical3A_1482, %and3A_1502 : vector<16xi32>
      %gather3A_1504 = tpu.vector_load_idx %arg17[%sub3A_1486, %shift_right_logical3A_1482, %gather3A_1489] : memref<7x128x8xf32, #tpu.memory_space<vmem>>[vector<16xi32>, vector<16xi32>, vector<16xi32>], vector<16xf32>,
      tpu.vector_store_idx %arg18[%sub3A_1486, %shift_right_logical3A_1497, %and3A_1503, %and3A_1500], %gather3A_1504 : memref<3x4x8x128xf32, #tpu.memory_space<vmem>>[vector<16xi32>, vector<16xi32>, vector<16xi32>, vector<16xi32>], vector<16xf32>,
      %add3A_1505 = arith.constant 3 : i32
      %add3A_1506 = vector.broadcast %add3A_1505 : i32 to vector<16xi32>
      %add3A_1507 = arith.addi %sub3A_1486, %add3A_1506 : vector<16xi32>
      %gather3A_1508 = tpu.vector_load_idx %arg17[%add3A_1507, %shift_right_logical3A_1482, %gather3A_1489] : memref<7x128x8xf32, #tpu.memory_space<vmem>>[vector<16xi32>, vector<16xi32>, vector<16xi32>], vector<16xf32>,
      %mul3A_1509 = arith.constant 1.000000e+01 : f32
      %mul3A_1510 = vector.broadcast %mul3A_1509 : f32 to vector<16xf32>
      %mul3A_1511 = arith.mulf %gather3A_1508, %mul3A_1510 : vector<16xf32>
      tpu.vector_store_idx %arg19[%sub3A_1486, %shift_right_logical3A_1497, %and3A_1503, %and3A_1500], %mul3A_1511 : memref<3x4x8x128xf32, #tpu.memory_space<vmem>>[vector<16xi32>, vector<16xi32>, vector<16xi32>, vector<16xi32>], vector<16xf32>,
      %add3A_1512 = arith.constant 16 : i32
      %add3A_1513 = vector.broadcast %add3A_1512 : i32 to vector<16xi32>
      %add3A_1514 = arith.addi %add3A_1513, %iota3A : vector<16xi32>
      %mul3A_1515 = arith.constant 171 : i32
      %mul3A_1516 = vector.broadcast %mul3A_1515 : i32 to vector<16xi32>
      %mul3A_1517 = arith.muli %add3A_1514, %mul3A_1516 : vector<16xi32>
      %shift_right_logical3A_1518 = arith.constant 9 : i32
      %shift_right_logical3A_1519 = vector.broadcast %shift_right_logical3A_1518 : i32 to vector<16xi32>
      %shift_right_logical3A_1520 = arith.shrui %mul3A_1517, %shift_right_logical3A_1519 : vector<16xi32>
      %mul3A_1521 = arith.constant 3 : i32
      %mul3A_1522 = vector.broadcast %mul3A_1521 : i32 to vector<16xi32>
      %mul3A_1523 = arith.muli %shift_right_logical3A_1520, %mul3A_1522 : vector<16xi32>
      %sub3A_1524 = arith.subi %add3A_1514, %mul3A_1523 : vector<16xi32>
      %add3A_1525 = vector.broadcast %mul3A_1473 : i32 to vector<16xi32>
      %add3A_1526 = arith.addi %add3A_1525, %shift_right_logical3A_1520 : vector<16xi32>
      %gather3A_1527 = tpu.vector_load_idx %arg15[%add3A_1526] : memref<4096xi32, #tpu.memory_space<vmem>>[vector<16xi32>], vector<16xi32>,
      %shift_right_logical3A_1528 = arith.constant 3 : i32
      %shift_right_logical3A_1529 = vector.broadcast %shift_right_logical3A_1528 : i32 to vector<16xi32>
      %shift_right_logical3A_1530 = arith.shrui %shift_right_logical3A_1520, %shift_right_logical3A_1529 : vector<16xi32>
      %add3A_1531 = vector.broadcast %mul3A_1471 : i32 to vector<16xi32>
      %add3A_1532 = arith.addi %shift_right_logical3A_1530, %add3A_1531 : vector<16xi32>
      %shift_right_logical3A_1533 = arith.constant 7 : i32
      %shift_right_logical3A_1534 = vector.broadcast %shift_right_logical3A_1533 : i32 to vector<16xi32>
      %shift_right_logical3A_1535 = arith.shrui %add3A_1532, %shift_right_logical3A_1534 : vector<16xi32>
      %and3A_1536 = arith.constant 127 : i32
      %and3A_1537 = vector.broadcast %and3A_1536 : i32 to vector<16xi32>
      %and3A_1538 = arith.andi %add3A_1532, %and3A_1537 : vector<16xi32>
      %and3A_1539 = arith.constant 7 : i32
      %and3A_1540 = vector.broadcast %and3A_1539 : i32 to vector<16xi32>
      %and3A_1541 = arith.andi %shift_right_logical3A_1520, %and3A_1540 : vector<16xi32>
      %gather3A_1542 = tpu.vector_load_idx %arg17[%sub3A_1524, %shift_right_logical3A_1520, %gather3A_1527] : memref<7x128x8xf32, #tpu.memory_space<vmem>>[vector<16xi32>, vector<16xi32>, vector<16xi32>], vector<16xf32>,
      tpu.vector_store_idx %arg18[%sub3A_1524, %shift_right_logical3A_1535, %and3A_1541, %and3A_1538], %gather3A_1542 : memref<3x4x8x128xf32, #tpu.memory_space<vmem>>[vector<16xi32>, vector<16xi32>, vector<16xi32>, vector<16xi32>], vector<16xf32>,
      %add3A_1543 = arith.constant 3 : i32
      %add3A_1544 = vector.broadcast %add3A_1543 : i32 to vector<16xi32>
      %add3A_1545 = arith.addi %sub3A_1524, %add3A_1544 : vector<16xi32>
      %gather3A_1546 = tpu.vector_load_idx %arg17[%add3A_1545, %shift_right_logical3A_1520, %gather3A_1527] : memref<7x128x8xf32, #tpu.memory_space<vmem>>[vector<16xi32>, vector<16xi32>, vector<16xi32>], vector<16xf32>,
      %mul3A_1547 = arith.constant 1.000000e+01 : f32
      %mul3A_1548 = vector.broadcast %mul3A_1547 : f32 to vector<16xf32>
      %mul3A_1549 = arith.mulf %gather3A_1546, %mul3A_1548 : vector<16xf32>
      tpu.vector_store_idx %arg19[%sub3A_1524, %shift_right_logical3A_1535, %and3A_1541, %and3A_1538], %mul3A_1549 : memref<3x4x8x128xf32, #tpu.memory_space<vmem>>[vector<16xi32>, vector<16xi32>, vector<16xi32>, vector<16xi32>], vector<16xf32>,
      %add3A_1550 = arith.constant 32 : i32
      %add3A_1551 = vector.broadcast %add3A_1550 : i32 to vector<16xi32>
      %add3A_1552 = arith.addi %add3A_1551, %iota3A : vector<16xi32>
      %mul3A_1553 = arith.constant 171 : i32
      %mul3A_1554 = vector.broadcast %mul3A_1553 : i32 to vector<16xi32>
      %mul3A_1555 = arith.muli %add3A_1552, %mul3A_1554 : vector<16xi32>
      %shift_right_logical3A_1556 = arith.constant 9 : i32
      %shift_right_logical3A_1557 = vector.broadcast %shift_right_logical3A_1556 : i32 to vector<16xi32>
      %shift_right_logical3A_1558 = arith.shrui %mul3A_1555, %shift_right_logical3A_1557 : vector<16xi32>
      %mul3A_1559 = arith.constant 3 : i32
      %mul3A_1560 = vector.broadcast %mul3A_1559 : i32 to vector<16xi32>
      %mul3A_1561 = arith.muli %shift_right_logical3A_1558, %mul3A_1560 : vector<16xi32>
      %sub3A_1562 = arith.subi %add3A_1552, %mul3A_1561 : vector<16xi32>
      %add3A_1563 = vector.broadcast %mul3A_1473 : i32 to vector<16xi32>
      %add3A_1564 = arith.addi %add3A_1563, %shift_right_logical3A_1558 : vector<16xi32>
      %gather3A_1565 = tpu.vector_load_idx %arg15[%add3A_1564] : memref<4096xi32, #tpu.memory_space<vmem>>[vector<16xi32>], vector<16xi32>,
      %shift_right_logical3A_1566 = arith.constant 3 : i32
      %shift_right_logical3A_1567 = vector.broadcast %shift_right_logical3A_1566 : i32 to vector<16xi32>
      %shift_right_logical3A_1568 = arith.shrui %shift_right_logical3A_1558, %shift_right_logical3A_1567 : vector<16xi32>
      %add3A_1569 = vector.broadcast %mul3A_1471 : i32 to vector<16xi32>
      %add3A_1570 = arith.addi %shift_right_logical3A_1568, %add3A_1569 : vector<16xi32>
      %shift_right_logical3A_1571 = arith.constant 7 : i32
      %shift_right_logical3A_1572 = vector.broadcast %shift_right_logical3A_1571 : i32 to vector<16xi32>
      %shift_right_logical3A_1573 = arith.shrui %add3A_1570, %shift_right_logical3A_1572 : vector<16xi32>
      %and3A_1574 = arith.constant 127 : i32
      %and3A_1575 = vector.broadcast %and3A_1574 : i32 to vector<16xi32>
      %and3A_1576 = arith.andi %add3A_1570, %and3A_1575 : vector<16xi32>
      %and3A_1577 = arith.constant 7 : i32
      %and3A_1578 = vector.broadcast %and3A_1577 : i32 to vector<16xi32>
      %and3A_1579 = arith.andi %shift_right_logical3A_1558, %and3A_1578 : vector<16xi32>
      %gather3A_1580 = tpu.vector_load_idx %arg17[%sub3A_1562, %shift_right_logical3A_1558, %gather3A_1565] : memref<7x128x8xf32, #tpu.memory_space<vmem>>[vector<16xi32>, vector<16xi32>, vector<16xi32>], vector<16xf32>,
      tpu.vector_store_idx %arg18[%sub3A_1562, %shift_right_logical3A_1573, %and3A_1579, %and3A_1576], %gather3A_1580 : memref<3x4x8x128xf32, #tpu.memory_space<vmem>>[vector<16xi32>, vector<16xi32>, vector<16xi32>, vector<16xi32>], vector<16xf32>,
      %add3A_1581 = arith.constant 3 : i32
      %add3A_1582 = vector.broadcast %add3A_1581 : i32 to vector<16xi32>
      %add3A_1583 = arith.addi %sub3A_1562, %add3A_1582 : vector<16xi32>
      %gather3A_1584 = tpu.vector_load_idx %arg17[%add3A_1583, %shift_right_logical3A_1558, %gather3A_1565] : memref<7x128x8xf32, #tpu.memory_space<vmem>>[vector<16xi32>, vector<16xi32>, vector<16xi32>], vector<16xf32>,
      %mul3A_1585 = arith.constant 1.000000e+01 : f32
      %mul3A_1586 = vector.broadcast %mul3A_1585 : f32 to vector<16xf32>
      %mul3A_1587 = arith.mulf %gather3A_1584, %mul3A_1586 : vector<16xf32>
      tpu.vector_store_idx %arg19[%sub3A_1562, %shift_right_logical3A_1573, %and3A_1579, %and3A_1576], %mul3A_1587 : memref<3x4x8x128xf32, #tpu.memory_space<vmem>>[vector<16xi32>, vector<16xi32>, vector<16xi32>, vector<16xi32>], vector<16xf32>,
      %add3A_1588 = arith.constant 48 : i32
      %add3A_1589 = vector.broadcast %add3A_1588 : i32 to vector<16xi32>
      %add3A_1590 = arith.addi %add3A_1589, %iota3A : vector<16xi32>
      %mul3A_1591 = arith.constant 171 : i32
      %mul3A_1592 = vector.broadcast %mul3A_1591 : i32 to vector<16xi32>
      %mul3A_1593 = arith.muli %add3A_1590, %mul3A_1592 : vector<16xi32>
      %shift_right_logical3A_1594 = arith.constant 9 : i32
      %shift_right_logical3A_1595 = vector.broadcast %shift_right_logical3A_1594 : i32 to vector<16xi32>
      %shift_right_logical3A_1596 = arith.shrui %mul3A_1593, %shift_right_logical3A_1595 : vector<16xi32>
      %mul3A_1597 = arith.constant 3 : i32
      %mul3A_1598 = vector.broadcast %mul3A_1597 : i32 to vector<16xi32>
      %mul3A_1599 = arith.muli %shift_right_logical3A_1596, %mul3A_1598 : vector<16xi32>
      %sub3A_1600 = arith.subi %add3A_1590, %mul3A_1599 : vector<16xi32>
      %add3A_1601 = vector.broadcast %mul3A_1473 : i32 to vector<16xi32>
      %add3A_1602 = arith.addi %add3A_1601, %shift_right_logical3A_1596 : vector<16xi32>
      %gather3A_1603 = tpu.vector_load_idx %arg15[%add3A_1602] : memref<4096xi32, #tpu.memory_space<vmem>>[vector<16xi32>], vector<16xi32>,
      %shift_right_logical3A_1604 = arith.constant 3 : i32
      %shift_right_logical3A_1605 = vector.broadcast %shift_right_logical3A_1604 : i32 to vector<16xi32>
      %shift_right_logical3A_1606 = arith.shrui %shift_right_logical3A_1596, %shift_right_logical3A_1605 : vector<16xi32>
      %add3A_1607 = vector.broadcast %mul3A_1471 : i32 to vector<16xi32>
      %add3A_1608 = arith.addi %shift_right_logical3A_1606, %add3A_1607 : vector<16xi32>
      %shift_right_logical3A_1609 = arith.constant 7 : i32
      %shift_right_logical3A_1610 = vector.broadcast %shift_right_logical3A_1609 : i32 to vector<16xi32>
      %shift_right_logical3A_1611 = arith.shrui %add3A_1608, %shift_right_logical3A_1610 : vector<16xi32>
      %and3A_1612 = arith.constant 127 : i32
      %and3A_1613 = vector.broadcast %and3A_1612 : i32 to vector<16xi32>
      %and3A_1614 = arith.andi %add3A_1608, %and3A_1613 : vector<16xi32>
      %and3A_1615 = arith.constant 7 : i32
      %and3A_1616 = vector.broadcast %and3A_1615 : i32 to vector<16xi32>
      %and3A_1617 = arith.andi %shift_right_logical3A_1596, %and3A_1616 : vector<16xi32>
      %gather3A_1618 = tpu.vector_load_idx %arg17[%sub3A_1600, %shift_right_logical3A_1596, %gather3A_1603] : memref<7x128x8xf32, #tpu.memory_space<vmem>>[vector<16xi32>, vector<16xi32>, vector<16xi32>], vector<16xf32>,
      tpu.vector_store_idx %arg18[%sub3A_1600, %shift_right_logical3A_1611, %and3A_1617, %and3A_1614], %gather3A_1618 : memref<3x4x8x128xf32, #tpu.memory_space<vmem>>[vector<16xi32>, vector<16xi32>, vector<16xi32>, vector<16xi32>], vector<16xf32>,
      %add3A_1619 = arith.constant 3 : i32
      %add3A_1620 = vector.broadcast %add3A_1619 : i32 to vector<16xi32>
      %add3A_1621 = arith.addi %sub3A_1600, %add3A_1620 : vector<16xi32>
      %gather3A_1622 = tpu.vector_load_idx %arg17[%add3A_1621, %shift_right_logical3A_1596, %gather3A_1603] : memref<7x128x8xf32, #tpu.memory_space<vmem>>[vector<16xi32>, vector<16xi32>, vector<16xi32>], vector<16xf32>,
      %mul3A_1623 = arith.constant 1.000000e+01 : f32
      %mul3A_1624 = vector.broadcast %mul3A_1623 : f32 to vector<16xf32>
      %mul3A_1625 = arith.mulf %gather3A_1622, %mul3A_1624 : vector<16xf32>
      tpu.vector_store_idx %arg19[%sub3A_1600, %shift_right_logical3A_1611, %and3A_1617, %and3A_1614], %mul3A_1625 : memref<3x4x8x128xf32, #tpu.memory_space<vmem>>[vector<16xi32>, vector<16xi32>, vector<16xi32>, vector<16xi32>], vector<16xf32>,
      %add3A_1626 = arith.constant 64 : i32
      %add3A_1627 = vector.broadcast %add3A_1626 : i32 to vector<16xi32>
      %add3A_1628 = arith.addi %add3A_1627, %iota3A : vector<16xi32>
      %mul3A_1629 = arith.constant 171 : i32
      %mul3A_1630 = vector.broadcast %mul3A_1629 : i32 to vector<16xi32>
      %mul3A_1631 = arith.muli %add3A_1628, %mul3A_1630 : vector<16xi32>
      %shift_right_logical3A_1632 = arith.constant 9 : i32
      %shift_right_logical3A_1633 = vector.broadcast %shift_right_logical3A_1632 : i32 to vector<16xi32>
      %shift_right_logical3A_1634 = arith.shrui %mul3A_1631, %shift_right_logical3A_1633 : vector<16xi32>
      %mul3A_1635 = arith.constant 3 : i32
      %mul3A_1636 = vector.broadcast %mul3A_1635 : i32 to vector<16xi32>
      %mul3A_1637 = arith.muli %shift_right_logical3A_1634, %mul3A_1636 : vector<16xi32>
      %sub3A_1638 = arith.subi %add3A_1628, %mul3A_1637 : vector<16xi32>
      %add3A_1639 = vector.broadcast %mul3A_1473 : i32 to vector<16xi32>
      %add3A_1640 = arith.addi %add3A_1639, %shift_right_logical3A_1634 : vector<16xi32>
      %gather3A_1641 = tpu.vector_load_idx %arg15[%add3A_1640] : memref<4096xi32, #tpu.memory_space<vmem>>[vector<16xi32>], vector<16xi32>,
      %shift_right_logical3A_1642 = arith.constant 3 : i32
      %shift_right_logical3A_1643 = vector.broadcast %shift_right_logical3A_1642 : i32 to vector<16xi32>
      %shift_right_logical3A_1644 = arith.shrui %shift_right_logical3A_1634, %shift_right_logical3A_1643 : vector<16xi32>
      %add3A_1645 = vector.broadcast %mul3A_1471 : i32 to vector<16xi32>
      %add3A_1646 = arith.addi %shift_right_logical3A_1644, %add3A_1645 : vector<16xi32>
      %shift_right_logical3A_1647 = arith.constant 7 : i32
      %shift_right_logical3A_1648 = vector.broadcast %shift_right_logical3A_1647 : i32 to vector<16xi32>
      %shift_right_logical3A_1649 = arith.shrui %add3A_1646, %shift_right_logical3A_1648 : vector<16xi32>
      %and3A_1650 = arith.constant 127 : i32
      %and3A_1651 = vector.broadcast %and3A_1650 : i32 to vector<16xi32>
      %and3A_1652 = arith.andi %add3A_1646, %and3A_1651 : vector<16xi32>
      %and3A_1653 = arith.constant 7 : i32
      %and3A_1654 = vector.broadcast %and3A_1653 : i32 to vector<16xi32>
      %and3A_1655 = arith.andi %shift_right_logical3A_1634, %and3A_1654 : vector<16xi32>
      %gather3A_1656 = tpu.vector_load_idx %arg17[%sub3A_1638, %shift_right_logical3A_1634, %gather3A_1641] : memref<7x128x8xf32, #tpu.memory_space<vmem>>[vector<16xi32>, vector<16xi32>, vector<16xi32>], vector<16xf32>,
      tpu.vector_store_idx %arg18[%sub3A_1638, %shift_right_logical3A_1649, %and3A_1655, %and3A_1652], %gather3A_1656 : memref<3x4x8x128xf32, #tpu.memory_space<vmem>>[vector<16xi32>, vector<16xi32>, vector<16xi32>, vector<16xi32>], vector<16xf32>,
      %add3A_1657 = arith.constant 3 : i32
      %add3A_1658 = vector.broadcast %add3A_1657 : i32 to vector<16xi32>
      %add3A_1659 = arith.addi %sub3A_1638, %add3A_1658 : vector<16xi32>
      %gather3A_1660 = tpu.vector_load_idx %arg17[%add3A_1659, %shift_right_logical3A_1634, %gather3A_1641] : memref<7x128x8xf32, #tpu.memory_space<vmem>>[vector<16xi32>, vector<16xi32>, vector<16xi32>], vector<16xf32>,
      %mul3A_1661 = arith.constant 1.000000e+01 : f32
      %mul3A_1662 = vector.broadcast %mul3A_1661 : f32 to vector<16xf32>
      %mul3A_1663 = arith.mulf %gather3A_1660, %mul3A_1662 : vector<16xf32>
      tpu.vector_store_idx %arg19[%sub3A_1638, %shift_right_logical3A_1649, %and3A_1655, %and3A_1652], %mul3A_1663 : memref<3x4x8x128xf32, #tpu.memory_space<vmem>>[vector<16xi32>, vector<16xi32>, vector<16xi32>, vector<16xi32>], vector<16xf32>,
      %add3A_1664 = arith.constant 80 : i32
      %add3A_1665 = vector.broadcast %add3A_1664 : i32 to vector<16xi32>
      %add3A_1666 = arith.addi %add3A_1665, %iota3A : vector<16xi32>
      %mul3A_1667 = arith.constant 171 : i32
      %mul3A_1668 = vector.broadcast %mul3A_1667 : i32 to vector<16xi32>
      %mul3A_1669 = arith.muli %add3A_1666, %mul3A_1668 : vector<16xi32>
      %shift_right_logical3A_1670 = arith.constant 9 : i32
      %shift_right_logical3A_1671 = vector.broadcast %shift_right_logical3A_1670 : i32 to vector<16xi32>
      %shift_right_logical3A_1672 = arith.shrui %mul3A_1669, %shift_right_logical3A_1671 : vector<16xi32>
      %mul3A_1673 = arith.constant 3 : i32
      %mul3A_1674 = vector.broadcast %mul3A_1673 : i32 to vector<16xi32>
      %mul3A_1675 = arith.muli %shift_right_logical3A_1672, %mul3A_1674 : vector<16xi32>
      %sub3A_1676 = arith.subi %add3A_1666, %mul3A_1675 : vector<16xi32>
      %add3A_1677 = vector.broadcast %mul3A_1473 : i32 to vector<16xi32>
      %add3A_1678 = arith.addi %add3A_1677, %shift_right_logical3A_1672 : vector<16xi32>
      %gather3A_1679 = tpu.vector_load_idx %arg15[%add3A_1678] : memref<4096xi32, #tpu.memory_space<vmem>>[vector<16xi32>], vector<16xi32>,
      %shift_right_logical3A_1680 = arith.constant 3 : i32
      %shift_right_logical3A_1681 = vector.broadcast %shift_right_logical3A_1680 : i32 to vector<16xi32>
      %shift_right_logical3A_1682 = arith.shrui %shift_right_logical3A_1672, %shift_right_logical3A_1681 : vector<16xi32>
      %add3A_1683 = vector.broadcast %mul3A_1471 : i32 to vector<16xi32>
      %add3A_1684 = arith.addi %shift_right_logical3A_1682, %add3A_1683 : vector<16xi32>
      %shift_right_logical3A_1685 = arith.constant 7 : i32
      %shift_right_logical3A_1686 = vector.broadcast %shift_right_logical3A_1685 : i32 to vector<16xi32>
      %shift_right_logical3A_1687 = arith.shrui %add3A_1684, %shift_right_logical3A_1686 : vector<16xi32>
      %and3A_1688 = arith.constant 127 : i32
      %and3A_1689 = vector.broadcast %and3A_1688 : i32 to vector<16xi32>
      %and3A_1690 = arith.andi %add3A_1684, %and3A_1689 : vector<16xi32>
      %and3A_1691 = arith.constant 7 : i32
      %and3A_1692 = vector.broadcast %and3A_1691 : i32 to vector<16xi32>
      %and3A_1693 = arith.andi %shift_right_logical3A_1672, %and3A_1692 : vector<16xi32>
      %gather3A_1694 = tpu.vector_load_idx %arg17[%sub3A_1676, %shift_right_logical3A_1672, %gather3A_1679] : memref<7x128x8xf32, #tpu.memory_space<vmem>>[vector<16xi32>, vector<16xi32>, vector<16xi32>], vector<16xf32>,
      tpu.vector_store_idx %arg18[%sub3A_1676, %shift_right_logical3A_1687, %and3A_1693, %and3A_1690], %gather3A_1694 : memref<3x4x8x128xf32, #tpu.memory_space<vmem>>[vector<16xi32>, vector<16xi32>, vector<16xi32>, vector<16xi32>], vector<16xf32>,
      %add3A_1695 = arith.constant 3 : i32
      %add3A_1696 = vector.broadcast %add3A_1695 : i32 to vector<16xi32>
      %add3A_1697 = arith.addi %sub3A_1676, %add3A_1696 : vector<16xi32>
      %gather3A_1698 = tpu.vector_load_idx %arg17[%add3A_1697, %shift_right_logical3A_1672, %gather3A_1679] : memref<7x128x8xf32, #tpu.memory_space<vmem>>[vector<16xi32>, vector<16xi32>, vector<16xi32>], vector<16xf32>,
      %mul3A_1699 = arith.constant 1.000000e+01 : f32
      %mul3A_1700 = vector.broadcast %mul3A_1699 : f32 to vector<16xf32>
      %mul3A_1701 = arith.mulf %gather3A_1698, %mul3A_1700 : vector<16xf32>
      tpu.vector_store_idx %arg19[%sub3A_1676, %shift_right_logical3A_1687, %and3A_1693, %and3A_1690], %mul3A_1701 : memref<3x4x8x128xf32, #tpu.memory_space<vmem>>[vector<16xi32>, vector<16xi32>, vector<16xi32>, vector<16xi32>], vector<16xf32>,
      %add3A_1702 = arith.constant 96 : i32
      %add3A_1703 = vector.broadcast %add3A_1702 : i32 to vector<16xi32>
      %add3A_1704 = arith.addi %add3A_1703, %iota3A : vector<16xi32>
      %mul3A_1705 = arith.constant 171 : i32
      %mul3A_1706 = vector.broadcast %mul3A_1705 : i32 to vector<16xi32>
      %mul3A_1707 = arith.muli %add3A_1704, %mul3A_1706 : vector<16xi32>
      %shift_right_logical3A_1708 = arith.constant 9 : i32
      %shift_right_logical3A_1709 = vector.broadcast %shift_right_logical3A_1708 : i32 to vector<16xi32>
      %shift_right_logical3A_1710 = arith.shrui %mul3A_1707, %shift_right_logical3A_1709 : vector<16xi32>
      %mul3A_1711 = arith.constant 3 : i32
      %mul3A_1712 = vector.broadcast %mul3A_1711 : i32 to vector<16xi32>
      %mul3A_1713 = arith.muli %shift_right_logical3A_1710, %mul3A_1712 : vector<16xi32>
      %sub3A_1714 = arith.subi %add3A_1704, %mul3A_1713 : vector<16xi32>
      %add3A_1715 = vector.broadcast %mul3A_1473 : i32 to vector<16xi32>
      %add3A_1716 = arith.addi %add3A_1715, %shift_right_logical3A_1710 : vector<16xi32>
      %gather3A_1717 = tpu.vector_load_idx %arg15[%add3A_1716] : memref<4096xi32, #tpu.memory_space<vmem>>[vector<16xi32>], vector<16xi32>,
      %shift_right_logical3A_1718 = arith.constant 3 : i32
      %shift_right_logical3A_1719 = vector.broadcast %shift_right_logical3A_1718 : i32 to vector<16xi32>
      %shift_right_logical3A_1720 = arith.shrui %shift_right_logical3A_1710, %shift_right_logical3A_1719 : vector<16xi32>
      %add3A_1721 = vector.broadcast %mul3A_1471 : i32 to vector<16xi32>
      %add3A_1722 = arith.addi %shift_right_logical3A_1720, %add3A_1721 : vector<16xi32>
      %shift_right_logical3A_1723 = arith.constant 7 : i32
      %shift_right_logical3A_1724 = vector.broadcast %shift_right_logical3A_1723 : i32 to vector<16xi32>
      %shift_right_logical3A_1725 = arith.shrui %add3A_1722, %shift_right_logical3A_1724 : vector<16xi32>
      %and3A_1726 = arith.constant 127 : i32
      %and3A_1727 = vector.broadcast %and3A_1726 : i32 to vector<16xi32>
      %and3A_1728 = arith.andi %add3A_1722, %and3A_1727 : vector<16xi32>
      %and3A_1729 = arith.constant 7 : i32
      %and3A_1730 = vector.broadcast %and3A_1729 : i32 to vector<16xi32>
      %and3A_1731 = arith.andi %shift_right_logical3A_1710, %and3A_1730 : vector<16xi32>
      %gather3A_1732 = tpu.vector_load_idx %arg17[%sub3A_1714, %shift_right_logical3A_1710, %gather3A_1717] : memref<7x128x8xf32, #tpu.memory_space<vmem>>[vector<16xi32>, vector<16xi32>, vector<16xi32>], vector<16xf32>,
      tpu.vector_store_idx %arg18[%sub3A_1714, %shift_right_logical3A_1725, %and3A_1731, %and3A_1728], %gather3A_1732 : memref<3x4x8x128xf32, #tpu.memory_space<vmem>>[vector<16xi32>, vector<16xi32>, vector<16xi32>, vector<16xi32>], vector<16xf32>,
      %add3A_1733 = arith.constant 3 : i32
      %add3A_1734 = vector.broadcast %add3A_1733 : i32 to vector<16xi32>
      %add3A_1735 = arith.addi %sub3A_1714, %add3A_1734 : vector<16xi32>
      %gather3A_1736 = tpu.vector_load_idx %arg17[%add3A_1735, %shift_right_logical3A_1710, %gather3A_1717] : memref<7x128x8xf32, #tpu.memory_space<vmem>>[vector<16xi32>, vector<16xi32>, vector<16xi32>], vector<16xf32>,
      %mul3A_1737 = arith.constant 1.000000e+01 : f32
      %mul3A_1738 = vector.broadcast %mul3A_1737 : f32 to vector<16xf32>
      %mul3A_1739 = arith.mulf %gather3A_1736, %mul3A_1738 : vector<16xf32>
      tpu.vector_store_idx %arg19[%sub3A_1714, %shift_right_logical3A_1725, %and3A_1731, %and3A_1728], %mul3A_1739 : memref<3x4x8x128xf32, #tpu.memory_space<vmem>>[vector<16xi32>, vector<16xi32>, vector<16xi32>, vector<16xi32>], vector<16xf32>,
      %add3A_1740 = arith.constant 112 : i32
      %add3A_1741 = vector.broadcast %add3A_1740 : i32 to vector<16xi32>
      %add3A_1742 = arith.addi %add3A_1741, %iota3A : vector<16xi32>
      %mul3A_1743 = arith.constant 171 : i32
      %mul3A_1744 = vector.broadcast %mul3A_1743 : i32 to vector<16xi32>
      %mul3A_1745 = arith.muli %add3A_1742, %mul3A_1744 : vector<16xi32>
      %shift_right_logical3A_1746 = arith.constant 9 : i32
      %shift_right_logical3A_1747 = vector.broadcast %shift_right_logical3A_1746 : i32 to vector<16xi32>
      %shift_right_logical3A_1748 = arith.shrui %mul3A_1745, %shift_right_logical3A_1747 : vector<16xi32>
      %mul3A_1749 = arith.constant 3 : i32
      %mul3A_1750 = vector.broadcast %mul3A_1749 : i32 to vector<16xi32>
      %mul3A_1751 = arith.muli %shift_right_logical3A_1748, %mul3A_1750 : vector<16xi32>
      %sub3A_1752 = arith.subi %add3A_1742, %mul3A_1751 : vector<16xi32>
      %add3A_1753 = vector.broadcast %mul3A_1473 : i32 to vector<16xi32>
      %add3A_1754 = arith.addi %add3A_1753, %shift_right_logical3A_1748 : vector<16xi32>
      %gather3A_1755 = tpu.vector_load_idx %arg15[%add3A_1754] : memref<4096xi32, #tpu.memory_space<vmem>>[vector<16xi32>], vector<16xi32>,
      %shift_right_logical3A_1756 = arith.constant 3 : i32
      %shift_right_logical3A_1757 = vector.broadcast %shift_right_logical3A_1756 : i32 to vector<16xi32>
      %shift_right_logical3A_1758 = arith.shrui %shift_right_logical3A_1748, %shift_right_logical3A_1757 : vector<16xi32>
      %add3A_1759 = vector.broadcast %mul3A_1471 : i32 to vector<16xi32>
      %add3A_1760 = arith.addi %shift_right_logical3A_1758, %add3A_1759 : vector<16xi32>
      %shift_right_logical3A_1761 = arith.constant 7 : i32
      %shift_right_logical3A_1762 = vector.broadcast %shift_right_logical3A_1761 : i32 to vector<16xi32>
      %shift_right_logical3A_1763 = arith.shrui %add3A_1760, %shift_right_logical3A_1762 : vector<16xi32>
      %and3A_1764 = arith.constant 127 : i32
      %and3A_1765 = vector.broadcast %and3A_1764 : i32 to vector<16xi32>
      %and3A_1766 = arith.andi %add3A_1760, %and3A_1765 : vector<16xi32>
      %and3A_1767 = arith.constant 7 : i32
      %and3A_1768 = vector.broadcast %and3A_1767 : i32 to vector<16xi32>
      %and3A_1769 = arith.andi %shift_right_logical3A_1748, %and3A_1768 : vector<16xi32>
      %gather3A_1770 = tpu.vector_load_idx %arg17[%sub3A_1752, %shift_right_logical3A_1748, %gather3A_1755] : memref<7x128x8xf32, #tpu.memory_space<vmem>>[vector<16xi32>, vector<16xi32>, vector<16xi32>], vector<16xf32>,
      tpu.vector_store_idx %arg18[%sub3A_1752, %shift_right_logical3A_1763, %and3A_1769, %and3A_1766], %gather3A_1770 : memref<3x4x8x128xf32, #tpu.memory_space<vmem>>[vector<16xi32>, vector<16xi32>, vector<16xi32>, vector<16xi32>], vector<16xf32>,
      %add3A_1771 = arith.constant 3 : i32
      %add3A_1772 = vector.broadcast %add3A_1771 : i32 to vector<16xi32>
      %add3A_1773 = arith.addi %sub3A_1752, %add3A_1772 : vector<16xi32>
      %gather3A_1774 = tpu.vector_load_idx %arg17[%add3A_1773, %shift_right_logical3A_1748, %gather3A_1755] : memref<7x128x8xf32, #tpu.memory_space<vmem>>[vector<16xi32>, vector<16xi32>, vector<16xi32>], vector<16xf32>,
      %mul3A_1775 = arith.constant 1.000000e+01 : f32
      %mul3A_1776 = vector.broadcast %mul3A_1775 : f32 to vector<16xf32>
      %mul3A_1777 = arith.mulf %gather3A_1774, %mul3A_1776 : vector<16xf32>
      tpu.vector_store_idx %arg19[%sub3A_1752, %shift_right_logical3A_1763, %and3A_1769, %and3A_1766], %mul3A_1777 : memref<3x4x8x128xf32, #tpu.memory_space<vmem>>[vector<16xi32>, vector<16xi32>, vector<16xi32>, vector<16xi32>], vector<16xf32>,
      %add3A_1778 = arith.constant 128 : i32
      %add3A_1779 = vector.broadcast %add3A_1778 : i32 to vector<16xi32>
      %add3A_1780 = arith.addi %add3A_1779, %iota3A : vector<16xi32>
      %mul3A_1781 = arith.constant 171 : i32
      %mul3A_1782 = vector.broadcast %mul3A_1781 : i32 to vector<16xi32>
      %mul3A_1783 = arith.muli %add3A_1780, %mul3A_1782 : vector<16xi32>
      %shift_right_logical3A_1784 = arith.constant 9 : i32
      %shift_right_logical3A_1785 = vector.broadcast %shift_right_logical3A_1784 : i32 to vector<16xi32>
      %shift_right_logical3A_1786 = arith.shrui %mul3A_1783, %shift_right_logical3A_1785 : vector<16xi32>
      %mul3A_1787 = arith.constant 3 : i32
      %mul3A_1788 = vector.broadcast %mul3A_1787 : i32 to vector<16xi32>
      %mul3A_1789 = arith.muli %shift_right_logical3A_1786, %mul3A_1788 : vector<16xi32>
      %sub3A_1790 = arith.subi %add3A_1780, %mul3A_1789 : vector<16xi32>
      %add3A_1791 = vector.broadcast %mul3A_1473 : i32 to vector<16xi32>
      %add3A_1792 = arith.addi %add3A_1791, %shift_right_logical3A_1786 : vector<16xi32>
      %gather3A_1793 = tpu.vector_load_idx %arg15[%add3A_1792] : memref<4096xi32, #tpu.memory_space<vmem>>[vector<16xi32>], vector<16xi32>,
      %shift_right_logical3A_1794 = arith.constant 3 : i32
      %shift_right_logical3A_1795 = vector.broadcast %shift_right_logical3A_1794 : i32 to vector<16xi32>
      %shift_right_logical3A_1796 = arith.shrui %shift_right_logical3A_1786, %shift_right_logical3A_1795 : vector<16xi32>
      %add3A_1797 = vector.broadcast %mul3A_1471 : i32 to vector<16xi32>
      %add3A_1798 = arith.addi %shift_right_logical3A_1796, %add3A_1797 : vector<16xi32>
      %shift_right_logical3A_1799 = arith.constant 7 : i32
      %shift_right_logical3A_1800 = vector.broadcast %shift_right_logical3A_1799 : i32 to vector<16xi32>
      %shift_right_logical3A_1801 = arith.shrui %add3A_1798, %shift_right_logical3A_1800 : vector<16xi32>
      %and3A_1802 = arith.constant 127 : i32
      %and3A_1803 = vector.broadcast %and3A_1802 : i32 to vector<16xi32>
      %and3A_1804 = arith.andi %add3A_1798, %and3A_1803 : vector<16xi32>
      %and3A_1805 = arith.constant 7 : i32
      %and3A_1806 = vector.broadcast %and3A_1805 : i32 to vector<16xi32>
      %and3A_1807 = arith.andi %shift_right_logical3A_1786, %and3A_1806 : vector<16xi32>
      %gather3A_1808 = tpu.vector_load_idx %arg17[%sub3A_1790, %shift_right_logical3A_1786, %gather3A_1793] : memref<7x128x8xf32, #tpu.memory_space<vmem>>[vector<16xi32>, vector<16xi32>, vector<16xi32>], vector<16xf32>,
      tpu.vector_store_idx %arg18[%sub3A_1790, %shift_right_logical3A_1801, %and3A_1807, %and3A_1804], %gather3A_1808 : memref<3x4x8x128xf32, #tpu.memory_space<vmem>>[vector<16xi32>, vector<16xi32>, vector<16xi32>, vector<16xi32>], vector<16xf32>,
      %add3A_1809 = arith.constant 3 : i32
      %add3A_1810 = vector.broadcast %add3A_1809 : i32 to vector<16xi32>
      %add3A_1811 = arith.addi %sub3A_1790, %add3A_1810 : vector<16xi32>
      %gather3A_1812 = tpu.vector_load_idx %arg17[%add3A_1811, %shift_right_logical3A_1786, %gather3A_1793] : memref<7x128x8xf32, #tpu.memory_space<vmem>>[vector<16xi32>, vector<16xi32>, vector<16xi32>], vector<16xf32>,
      %mul3A_1813 = arith.constant 1.000000e+01 : f32
      %mul3A_1814 = vector.broadcast %mul3A_1813 : f32 to vector<16xf32>
      %mul3A_1815 = arith.mulf %gather3A_1812, %mul3A_1814 : vector<16xf32>
      tpu.vector_store_idx %arg19[%sub3A_1790, %shift_right_logical3A_1801, %and3A_1807, %and3A_1804], %mul3A_1815 : memref<3x4x8x128xf32, #tpu.memory_space<vmem>>[vector<16xi32>, vector<16xi32>, vector<16xi32>, vector<16xi32>], vector<16xf32>,
      %add3A_1816 = arith.constant 144 : i32
      %add3A_1817 = vector.broadcast %add3A_1816 : i32 to vector<16xi32>
      %add3A_1818 = arith.addi %add3A_1817, %iota3A : vector<16xi32>
      %mul3A_1819 = arith.constant 171 : i32
      %mul3A_1820 = vector.broadcast %mul3A_1819 : i32 to vector<16xi32>
      %mul3A_1821 = arith.muli %add3A_1818, %mul3A_1820 : vector<16xi32>
      %shift_right_logical3A_1822 = arith.constant 9 : i32
      %shift_right_logical3A_1823 = vector.broadcast %shift_right_logical3A_1822 : i32 to vector<16xi32>
      %shift_right_logical3A_1824 = arith.shrui %mul3A_1821, %shift_right_logical3A_1823 : vector<16xi32>
      %mul3A_1825 = arith.constant 3 : i32
      %mul3A_1826 = vector.broadcast %mul3A_1825 : i32 to vector<16xi32>
      %mul3A_1827 = arith.muli %shift_right_logical3A_1824, %mul3A_1826 : vector<16xi32>
      %sub3A_1828 = arith.subi %add3A_1818, %mul3A_1827 : vector<16xi32>
      %add3A_1829 = vector.broadcast %mul3A_1473 : i32 to vector<16xi32>
      %add3A_1830 = arith.addi %add3A_1829, %shift_right_logical3A_1824 : vector<16xi32>
      %gather3A_1831 = tpu.vector_load_idx %arg15[%add3A_1830] : memref<4096xi32, #tpu.memory_space<vmem>>[vector<16xi32>], vector<16xi32>,
      %shift_right_logical3A_1832 = arith.constant 3 : i32
      %shift_right_logical3A_1833 = vector.broadcast %shift_right_logical3A_1832 : i32 to vector<16xi32>
      %shift_right_logical3A_1834 = arith.shrui %shift_right_logical3A_1824, %shift_right_logical3A_1833 : vector<16xi32>
      %add3A_1835 = vector.broadcast %mul3A_1471 : i32 to vector<16xi32>
      %add3A_1836 = arith.addi %shift_right_logical3A_1834, %add3A_1835 : vector<16xi32>
      %shift_right_logical3A_1837 = arith.constant 7 : i32
      %shift_right_logical3A_1838 = vector.broadcast %shift_right_logical3A_1837 : i32 to vector<16xi32>
      %shift_right_logical3A_1839 = arith.shrui %add3A_1836, %shift_right_logical3A_1838 : vector<16xi32>
      %and3A_1840 = arith.constant 127 : i32
      %and3A_1841 = vector.broadcast %and3A_1840 : i32 to vector<16xi32>
      %and3A_1842 = arith.andi %add3A_1836, %and3A_1841 : vector<16xi32>
      %and3A_1843 = arith.constant 7 : i32
      %and3A_1844 = vector.broadcast %and3A_1843 : i32 to vector<16xi32>
      %and3A_1845 = arith.andi %shift_right_logical3A_1824, %and3A_1844 : vector<16xi32>
      %gather3A_1846 = tpu.vector_load_idx %arg17[%sub3A_1828, %shift_right_logical3A_1824, %gather3A_1831] : memref<7x128x8xf32, #tpu.memory_space<vmem>>[vector<16xi32>, vector<16xi32>, vector<16xi32>], vector<16xf32>,
      tpu.vector_store_idx %arg18[%sub3A_1828, %shift_right_logical3A_1839, %and3A_1845, %and3A_1842], %gather3A_1846 : memref<3x4x8x128xf32, #tpu.memory_space<vmem>>[vector<16xi32>, vector<16xi32>, vector<16xi32>, vector<16xi32>], vector<16xf32>,
      %add3A_1847 = arith.constant 3 : i32
      %add3A_1848 = vector.broadcast %add3A_1847 : i32 to vector<16xi32>
      %add3A_1849 = arith.addi %sub3A_1828, %add3A_1848 : vector<16xi32>
      %gather3A_1850 = tpu.vector_load_idx %arg17[%add3A_1849, %shift_right_logical3A_1824, %gather3A_1831] : memref<7x128x8xf32, #tpu.memory_space<vmem>>[vector<16xi32>, vector<16xi32>, vector<16xi32>], vector<16xf32>,
      %mul3A_1851 = arith.constant 1.000000e+01 : f32
      %mul3A_1852 = vector.broadcast %mul3A_1851 : f32 to vector<16xf32>
      %mul3A_1853 = arith.mulf %gather3A_1850, %mul3A_1852 : vector<16xf32>
      tpu.vector_store_idx %arg19[%sub3A_1828, %shift_right_logical3A_1839, %and3A_1845, %and3A_1842], %mul3A_1853 : memref<3x4x8x128xf32, #tpu.memory_space<vmem>>[vector<16xi32>, vector<16xi32>, vector<16xi32>, vector<16xi32>], vector<16xf32>,
      %add3A_1854 = arith.constant 160 : i32
      %add3A_1855 = vector.broadcast %add3A_1854 : i32 to vector<16xi32>
      %add3A_1856 = arith.addi %add3A_1855, %iota3A : vector<16xi32>
      %mul3A_1857 = arith.constant 171 : i32
      %mul3A_1858 = vector.broadcast %mul3A_1857 : i32 to vector<16xi32>
      %mul3A_1859 = arith.muli %add3A_1856, %mul3A_1858 : vector<16xi32>
      %shift_right_logical3A_1860 = arith.constant 9 : i32
      %shift_right_logical3A_1861 = vector.broadcast %shift_right_logical3A_1860 : i32 to vector<16xi32>
      %shift_right_logical3A_1862 = arith.shrui %mul3A_1859, %shift_right_logical3A_1861 : vector<16xi32>
      %mul3A_1863 = arith.constant 3 : i32
      %mul3A_1864 = vector.broadcast %mul3A_1863 : i32 to vector<16xi32>
      %mul3A_1865 = arith.muli %shift_right_logical3A_1862, %mul3A_1864 : vector<16xi32>
      %sub3A_1866 = arith.subi %add3A_1856, %mul3A_1865 : vector<16xi32>
      %add3A_1867 = vector.broadcast %mul3A_1473 : i32 to vector<16xi32>
      %add3A_1868 = arith.addi %add3A_1867, %shift_right_logical3A_1862 : vector<16xi32>
      %gather3A_1869 = tpu.vector_load_idx %arg15[%add3A_1868] : memref<4096xi32, #tpu.memory_space<vmem>>[vector<16xi32>], vector<16xi32>,
      %shift_right_logical3A_1870 = arith.constant 3 : i32
      %shift_right_logical3A_1871 = vector.broadcast %shift_right_logical3A_1870 : i32 to vector<16xi32>
      %shift_right_logical3A_1872 = arith.shrui %shift_right_logical3A_1862, %shift_right_logical3A_1871 : vector<16xi32>
      %add3A_1873 = vector.broadcast %mul3A_1471 : i32 to vector<16xi32>
      %add3A_1874 = arith.addi %shift_right_logical3A_1872, %add3A_1873 : vector<16xi32>
      %shift_right_logical3A_1875 = arith.constant 7 : i32
      %shift_right_logical3A_1876 = vector.broadcast %shift_right_logical3A_1875 : i32 to vector<16xi32>
      %shift_right_logical3A_1877 = arith.shrui %add3A_1874, %shift_right_logical3A_1876 : vector<16xi32>
      %and3A_1878 = arith.constant 127 : i32
      %and3A_1879 = vector.broadcast %and3A_1878 : i32 to vector<16xi32>
      %and3A_1880 = arith.andi %add3A_1874, %and3A_1879 : vector<16xi32>
      %and3A_1881 = arith.constant 7 : i32
      %and3A_1882 = vector.broadcast %and3A_1881 : i32 to vector<16xi32>
      %and3A_1883 = arith.andi %shift_right_logical3A_1862, %and3A_1882 : vector<16xi32>
      %gather3A_1884 = tpu.vector_load_idx %arg17[%sub3A_1866, %shift_right_logical3A_1862, %gather3A_1869] : memref<7x128x8xf32, #tpu.memory_space<vmem>>[vector<16xi32>, vector<16xi32>, vector<16xi32>], vector<16xf32>,
      tpu.vector_store_idx %arg18[%sub3A_1866, %shift_right_logical3A_1877, %and3A_1883, %and3A_1880], %gather3A_1884 : memref<3x4x8x128xf32, #tpu.memory_space<vmem>>[vector<16xi32>, vector<16xi32>, vector<16xi32>, vector<16xi32>], vector<16xf32>,
      %add3A_1885 = arith.constant 3 : i32
      %add3A_1886 = vector.broadcast %add3A_1885 : i32 to vector<16xi32>
      %add3A_1887 = arith.addi %sub3A_1866, %add3A_1886 : vector<16xi32>
      %gather3A_1888 = tpu.vector_load_idx %arg17[%add3A_1887, %shift_right_logical3A_1862, %gather3A_1869] : memref<7x128x8xf32, #tpu.memory_space<vmem>>[vector<16xi32>, vector<16xi32>, vector<16xi32>], vector<16xf32>,
      %mul3A_1889 = arith.constant 1.000000e+01 : f32
      %mul3A_1890 = vector.broadcast %mul3A_1889 : f32 to vector<16xf32>
      %mul3A_1891 = arith.mulf %gather3A_1888, %mul3A_1890 : vector<16xf32>
      tpu.vector_store_idx %arg19[%sub3A_1866, %shift_right_logical3A_1877, %and3A_1883, %and3A_1880], %mul3A_1891 : memref<3x4x8x128xf32, #tpu.memory_space<vmem>>[vector<16xi32>, vector<16xi32>, vector<16xi32>, vector<16xi32>], vector<16xf32>,
      %add3A_1892 = arith.constant 176 : i32
      %add3A_1893 = vector.broadcast %add3A_1892 : i32 to vector<16xi32>
      %add3A_1894 = arith.addi %add3A_1893, %iota3A : vector<16xi32>
      %mul3A_1895 = arith.constant 171 : i32
      %mul3A_1896 = vector.broadcast %mul3A_1895 : i32 to vector<16xi32>
      %mul3A_1897 = arith.muli %add3A_1894, %mul3A_1896 : vector<16xi32>
      %shift_right_logical3A_1898 = arith.constant 9 : i32
      %shift_right_logical3A_1899 = vector.broadcast %shift_right_logical3A_1898 : i32 to vector<16xi32>
      %shift_right_logical3A_1900 = arith.shrui %mul3A_1897, %shift_right_logical3A_1899 : vector<16xi32>
      %mul3A_1901 = arith.constant 3 : i32
      %mul3A_1902 = vector.broadcast %mul3A_1901 : i32 to vector<16xi32>
      %mul3A_1903 = arith.muli %shift_right_logical3A_1900, %mul3A_1902 : vector<16xi32>
      %sub3A_1904 = arith.subi %add3A_1894, %mul3A_1903 : vector<16xi32>
      %add3A_1905 = vector.broadcast %mul3A_1473 : i32 to vector<16xi32>
      %add3A_1906 = arith.addi %add3A_1905, %shift_right_logical3A_1900 : vector<16xi32>
      %gather3A_1907 = tpu.vector_load_idx %arg15[%add3A_1906] : memref<4096xi32, #tpu.memory_space<vmem>>[vector<16xi32>], vector<16xi32>,
      %shift_right_logical3A_1908 = arith.constant 3 : i32
      %shift_right_logical3A_1909 = vector.broadcast %shift_right_logical3A_1908 : i32 to vector<16xi32>
      %shift_right_logical3A_1910 = arith.shrui %shift_right_logical3A_1900, %shift_right_logical3A_1909 : vector<16xi32>
      %add3A_1911 = vector.broadcast %mul3A_1471 : i32 to vector<16xi32>
      %add3A_1912 = arith.addi %shift_right_logical3A_1910, %add3A_1911 : vector<16xi32>
      %shift_right_logical3A_1913 = arith.constant 7 : i32
      %shift_right_logical3A_1914 = vector.broadcast %shift_right_logical3A_1913 : i32 to vector<16xi32>
      %shift_right_logical3A_1915 = arith.shrui %add3A_1912, %shift_right_logical3A_1914 : vector<16xi32>
      %and3A_1916 = arith.constant 127 : i32
      %and3A_1917 = vector.broadcast %and3A_1916 : i32 to vector<16xi32>
      %and3A_1918 = arith.andi %add3A_1912, %and3A_1917 : vector<16xi32>
      %and3A_1919 = arith.constant 7 : i32
      %and3A_1920 = vector.broadcast %and3A_1919 : i32 to vector<16xi32>
      %and3A_1921 = arith.andi %shift_right_logical3A_1900, %and3A_1920 : vector<16xi32>
      %gather3A_1922 = tpu.vector_load_idx %arg17[%sub3A_1904, %shift_right_logical3A_1900, %gather3A_1907] : memref<7x128x8xf32, #tpu.memory_space<vmem>>[vector<16xi32>, vector<16xi32>, vector<16xi32>], vector<16xf32>,
      tpu.vector_store_idx %arg18[%sub3A_1904, %shift_right_logical3A_1915, %and3A_1921, %and3A_1918], %gather3A_1922 : memref<3x4x8x128xf32, #tpu.memory_space<vmem>>[vector<16xi32>, vector<16xi32>, vector<16xi32>, vector<16xi32>], vector<16xf32>,
      %add3A_1923 = arith.constant 3 : i32
      %add3A_1924 = vector.broadcast %add3A_1923 : i32 to vector<16xi32>
      %add3A_1925 = arith.addi %sub3A_1904, %add3A_1924 : vector<16xi32>
      %gather3A_1926 = tpu.vector_load_idx %arg17[%add3A_1925, %shift_right_logical3A_1900, %gather3A_1907] : memref<7x128x8xf32, #tpu.memory_space<vmem>>[vector<16xi32>, vector<16xi32>, vector<16xi32>], vector<16xf32>,
      %mul3A_1927 = arith.constant 1.000000e+01 : f32
      %mul3A_1928 = vector.broadcast %mul3A_1927 : f32 to vector<16xf32>
      %mul3A_1929 = arith.mulf %gather3A_1926, %mul3A_1928 : vector<16xf32>
      tpu.vector_store_idx %arg19[%sub3A_1904, %shift_right_logical3A_1915, %and3A_1921, %and3A_1918], %mul3A_1929 : memref<3x4x8x128xf32, #tpu.memory_space<vmem>>[vector<16xi32>, vector<16xi32>, vector<16xi32>, vector<16xi32>], vector<16xf32>,
      %add3A_1930 = arith.constant 192 : i32
      %add3A_1931 = vector.broadcast %add3A_1930 : i32 to vector<16xi32>
      %add3A_1932 = arith.addi %add3A_1931, %iota3A : vector<16xi32>
      %mul3A_1933 = arith.constant 171 : i32
      %mul3A_1934 = vector.broadcast %mul3A_1933 : i32 to vector<16xi32>
      %mul3A_1935 = arith.muli %add3A_1932, %mul3A_1934 : vector<16xi32>
      %shift_right_logical3A_1936 = arith.constant 9 : i32
      %shift_right_logical3A_1937 = vector.broadcast %shift_right_logical3A_1936 : i32 to vector<16xi32>
      %shift_right_logical3A_1938 = arith.shrui %mul3A_1935, %shift_right_logical3A_1937 : vector<16xi32>
      %mul3A_1939 = arith.constant 3 : i32
      %mul3A_1940 = vector.broadcast %mul3A_1939 : i32 to vector<16xi32>
      %mul3A_1941 = arith.muli %shift_right_logical3A_1938, %mul3A_1940 : vector<16xi32>
      %sub3A_1942 = arith.subi %add3A_1932, %mul3A_1941 : vector<16xi32>
      %add3A_1943 = vector.broadcast %mul3A_1473 : i32 to vector<16xi32>
      %add3A_1944 = arith.addi %add3A_1943, %shift_right_logical3A_1938 : vector<16xi32>
      %gather3A_1945 = tpu.vector_load_idx %arg15[%add3A_1944] : memref<4096xi32, #tpu.memory_space<vmem>>[vector<16xi32>], vector<16xi32>,
      %shift_right_logical3A_1946 = arith.constant 3 : i32
      %shift_right_logical3A_1947 = vector.broadcast %shift_right_logical3A_1946 : i32 to vector<16xi32>
      %shift_right_logical3A_1948 = arith.shrui %shift_right_logical3A_1938, %shift_right_logical3A_1947 : vector<16xi32>
      %add3A_1949 = vector.broadcast %mul3A_1471 : i32 to vector<16xi32>
      %add3A_1950 = arith.addi %shift_right_logical3A_1948, %add3A_1949 : vector<16xi32>
      %shift_right_logical3A_1951 = arith.constant 7 : i32
      %shift_right_logical3A_1952 = vector.broadcast %shift_right_logical3A_1951 : i32 to vector<16xi32>
      %shift_right_logical3A_1953 = arith.shrui %add3A_1950, %shift_right_logical3A_1952 : vector<16xi32>
      %and3A_1954 = arith.constant 127 : i32
      %and3A_1955 = vector.broadcast %and3A_1954 : i32 to vector<16xi32>
      %and3A_1956 = arith.andi %add3A_1950, %and3A_1955 : vector<16xi32>
      %and3A_1957 = arith.constant 7 : i32
      %and3A_1958 = vector.broadcast %and3A_1957 : i32 to vector<16xi32>
      %and3A_1959 = arith.andi %shift_right_logical3A_1938, %and3A_1958 : vector<16xi32>
      %gather3A_1960 = tpu.vector_load_idx %arg17[%sub3A_1942, %shift_right_logical3A_1938, %gather3A_1945] : memref<7x128x8xf32, #tpu.memory_space<vmem>>[vector<16xi32>, vector<16xi32>, vector<16xi32>], vector<16xf32>,
      tpu.vector_store_idx %arg18[%sub3A_1942, %shift_right_logical3A_1953, %and3A_1959, %and3A_1956], %gather3A_1960 : memref<3x4x8x128xf32, #tpu.memory_space<vmem>>[vector<16xi32>, vector<16xi32>, vector<16xi32>, vector<16xi32>], vector<16xf32>,
      %add3A_1961 = arith.constant 3 : i32
      %add3A_1962 = vector.broadcast %add3A_1961 : i32 to vector<16xi32>
      %add3A_1963 = arith.addi %sub3A_1942, %add3A_1962 : vector<16xi32>
      %gather3A_1964 = tpu.vector_load_idx %arg17[%add3A_1963, %shift_right_logical3A_1938, %gather3A_1945] : memref<7x128x8xf32, #tpu.memory_space<vmem>>[vector<16xi32>, vector<16xi32>, vector<16xi32>], vector<16xf32>,
      %mul3A_1965 = arith.constant 1.000000e+01 : f32
      %mul3A_1966 = vector.broadcast %mul3A_1965 : f32 to vector<16xf32>
      %mul3A_1967 = arith.mulf %gather3A_1964, %mul3A_1966 : vector<16xf32>
      tpu.vector_store_idx %arg19[%sub3A_1942, %shift_right_logical3A_1953, %and3A_1959, %and3A_1956], %mul3A_1967 : memref<3x4x8x128xf32, #tpu.memory_space<vmem>>[vector<16xi32>, vector<16xi32>, vector<16xi32>, vector<16xi32>], vector<16xf32>,
      %add3A_1968 = arith.constant 208 : i32
      %add3A_1969 = vector.broadcast %add3A_1968 : i32 to vector<16xi32>
      %add3A_1970 = arith.addi %add3A_1969, %iota3A : vector<16xi32>
      %mul3A_1971 = arith.constant 171 : i32
      %mul3A_1972 = vector.broadcast %mul3A_1971 : i32 to vector<16xi32>
      %mul3A_1973 = arith.muli %add3A_1970, %mul3A_1972 : vector<16xi32>
      %shift_right_logical3A_1974 = arith.constant 9 : i32
      %shift_right_logical3A_1975 = vector.broadcast %shift_right_logical3A_1974 : i32 to vector<16xi32>
      %shift_right_logical3A_1976 = arith.shrui %mul3A_1973, %shift_right_logical3A_1975 : vector<16xi32>
      %mul3A_1977 = arith.constant 3 : i32
      %mul3A_1978 = vector.broadcast %mul3A_1977 : i32 to vector<16xi32>
      %mul3A_1979 = arith.muli %shift_right_logical3A_1976, %mul3A_1978 : vector<16xi32>
      %sub3A_1980 = arith.subi %add3A_1970, %mul3A_1979 : vector<16xi32>
      %add3A_1981 = vector.broadcast %mul3A_1473 : i32 to vector<16xi32>
      %add3A_1982 = arith.addi %add3A_1981, %shift_right_logical3A_1976 : vector<16xi32>
      %gather3A_1983 = tpu.vector_load_idx %arg15[%add3A_1982] : memref<4096xi32, #tpu.memory_space<vmem>>[vector<16xi32>], vector<16xi32>,
      %shift_right_logical3A_1984 = arith.constant 3 : i32
      %shift_right_logical3A_1985 = vector.broadcast %shift_right_logical3A_1984 : i32 to vector<16xi32>
      %shift_right_logical3A_1986 = arith.shrui %shift_right_logical3A_1976, %shift_right_logical3A_1985 : vector<16xi32>
      %add3A_1987 = vector.broadcast %mul3A_1471 : i32 to vector<16xi32>
      %add3A_1988 = arith.addi %shift_right_logical3A_1986, %add3A_1987 : vector<16xi32>
      %shift_right_logical3A_1989 = arith.constant 7 : i32
      %shift_right_logical3A_1990 = vector.broadcast %shift_right_logical3A_1989 : i32 to vector<16xi32>
      %shift_right_logical3A_1991 = arith.shrui %add3A_1988, %shift_right_logical3A_1990 : vector<16xi32>
      %and3A_1992 = arith.constant 127 : i32
      %and3A_1993 = vector.broadcast %and3A_1992 : i32 to vector<16xi32>
      %and3A_1994 = arith.andi %add3A_1988, %and3A_1993 : vector<16xi32>
      %and3A_1995 = arith.constant 7 : i32
      %and3A_1996 = vector.broadcast %and3A_1995 : i32 to vector<16xi32>
      %and3A_1997 = arith.andi %shift_right_logical3A_1976, %and3A_1996 : vector<16xi32>
      %gather3A_1998 = tpu.vector_load_idx %arg17[%sub3A_1980, %shift_right_logical3A_1976, %gather3A_1983] : memref<7x128x8xf32, #tpu.memory_space<vmem>>[vector<16xi32>, vector<16xi32>, vector<16xi32>], vector<16xf32>,
      tpu.vector_store_idx %arg18[%sub3A_1980, %shift_right_logical3A_1991, %and3A_1997, %and3A_1994], %gather3A_1998 : memref<3x4x8x128xf32, #tpu.memory_space<vmem>>[vector<16xi32>, vector<16xi32>, vector<16xi32>, vector<16xi32>], vector<16xf32>,
      %add3A_1999 = arith.constant 3 : i32
      %add3A_2000 = vector.broadcast %add3A_1999 : i32 to vector<16xi32>
      %add3A_2001 = arith.addi %sub3A_1980, %add3A_2000 : vector<16xi32>
      %gather3A_2002 = tpu.vector_load_idx %arg17[%add3A_2001, %shift_right_logical3A_1976, %gather3A_1983] : memref<7x128x8xf32, #tpu.memory_space<vmem>>[vector<16xi32>, vector<16xi32>, vector<16xi32>], vector<16xf32>,
      %mul3A_2003 = arith.constant 1.000000e+01 : f32
      %mul3A_2004 = vector.broadcast %mul3A_2003 : f32 to vector<16xf32>
      %mul3A_2005 = arith.mulf %gather3A_2002, %mul3A_2004 : vector<16xf32>
      tpu.vector_store_idx %arg19[%sub3A_1980, %shift_right_logical3A_1991, %and3A_1997, %and3A_1994], %mul3A_2005 : memref<3x4x8x128xf32, #tpu.memory_space<vmem>>[vector<16xi32>, vector<16xi32>, vector<16xi32>, vector<16xi32>], vector<16xf32>,
      %add3A_2006 = arith.constant 224 : i32
      %add3A_2007 = vector.broadcast %add3A_2006 : i32 to vector<16xi32>
      %add3A_2008 = arith.addi %add3A_2007, %iota3A : vector<16xi32>
      %mul3A_2009 = arith.constant 171 : i32
      %mul3A_2010 = vector.broadcast %mul3A_2009 : i32 to vector<16xi32>
      %mul3A_2011 = arith.muli %add3A_2008, %mul3A_2010 : vector<16xi32>
      %shift_right_logical3A_2012 = arith.constant 9 : i32
      %shift_right_logical3A_2013 = vector.broadcast %shift_right_logical3A_2012 : i32 to vector<16xi32>
      %shift_right_logical3A_2014 = arith.shrui %mul3A_2011, %shift_right_logical3A_2013 : vector<16xi32>
      %mul3A_2015 = arith.constant 3 : i32
      %mul3A_2016 = vector.broadcast %mul3A_2015 : i32 to vector<16xi32>
      %mul3A_2017 = arith.muli %shift_right_logical3A_2014, %mul3A_2016 : vector<16xi32>
      %sub3A_2018 = arith.subi %add3A_2008, %mul3A_2017 : vector<16xi32>
      %add3A_2019 = vector.broadcast %mul3A_1473 : i32 to vector<16xi32>
      %add3A_2020 = arith.addi %add3A_2019, %shift_right_logical3A_2014 : vector<16xi32>
      %gather3A_2021 = tpu.vector_load_idx %arg15[%add3A_2020] : memref<4096xi32, #tpu.memory_space<vmem>>[vector<16xi32>], vector<16xi32>,
      %shift_right_logical3A_2022 = arith.constant 3 : i32
      %shift_right_logical3A_2023 = vector.broadcast %shift_right_logical3A_2022 : i32 to vector<16xi32>
      %shift_right_logical3A_2024 = arith.shrui %shift_right_logical3A_2014, %shift_right_logical3A_2023 : vector<16xi32>
      %add3A_2025 = vector.broadcast %mul3A_1471 : i32 to vector<16xi32>
      %add3A_2026 = arith.addi %shift_right_logical3A_2024, %add3A_2025 : vector<16xi32>
      %shift_right_logical3A_2027 = arith.constant 7 : i32
      %shift_right_logical3A_2028 = vector.broadcast %shift_right_logical3A_2027 : i32 to vector<16xi32>
      %shift_right_logical3A_2029 = arith.shrui %add3A_2026, %shift_right_logical3A_2028 : vector<16xi32>
      %and3A_2030 = arith.constant 127 : i32
      %and3A_2031 = vector.broadcast %and3A_2030 : i32 to vector<16xi32>
      %and3A_2032 = arith.andi %add3A_2026, %and3A_2031 : vector<16xi32>
      %and3A_2033 = arith.constant 7 : i32
      %and3A_2034 = vector.broadcast %and3A_2033 : i32 to vector<16xi32>
      %and3A_2035 = arith.andi %shift_right_logical3A_2014, %and3A_2034 : vector<16xi32>
      %gather3A_2036 = tpu.vector_load_idx %arg17[%sub3A_2018, %shift_right_logical3A_2014, %gather3A_2021] : memref<7x128x8xf32, #tpu.memory_space<vmem>>[vector<16xi32>, vector<16xi32>, vector<16xi32>], vector<16xf32>,
      tpu.vector_store_idx %arg18[%sub3A_2018, %shift_right_logical3A_2029, %and3A_2035, %and3A_2032], %gather3A_2036 : memref<3x4x8x128xf32, #tpu.memory_space<vmem>>[vector<16xi32>, vector<16xi32>, vector<16xi32>, vector<16xi32>], vector<16xf32>,
      %add3A_2037 = arith.constant 3 : i32
      %add3A_2038 = vector.broadcast %add3A_2037 : i32 to vector<16xi32>
      %add3A_2039 = arith.addi %sub3A_2018, %add3A_2038 : vector<16xi32>
      %gather3A_2040 = tpu.vector_load_idx %arg17[%add3A_2039, %shift_right_logical3A_2014, %gather3A_2021] : memref<7x128x8xf32, #tpu.memory_space<vmem>>[vector<16xi32>, vector<16xi32>, vector<16xi32>], vector<16xf32>,
      %mul3A_2041 = arith.constant 1.000000e+01 : f32
      %mul3A_2042 = vector.broadcast %mul3A_2041 : f32 to vector<16xf32>
      %mul3A_2043 = arith.mulf %gather3A_2040, %mul3A_2042 : vector<16xf32>
      tpu.vector_store_idx %arg19[%sub3A_2018, %shift_right_logical3A_2029, %and3A_2035, %and3A_2032], %mul3A_2043 : memref<3x4x8x128xf32, #tpu.memory_space<vmem>>[vector<16xi32>, vector<16xi32>, vector<16xi32>, vector<16xi32>], vector<16xf32>,
      %add3A_2044 = arith.constant 240 : i32
      %add3A_2045 = vector.broadcast %add3A_2044 : i32 to vector<16xi32>
      %add3A_2046 = arith.addi %add3A_2045, %iota3A : vector<16xi32>
      %mul3A_2047 = arith.constant 171 : i32
      %mul3A_2048 = vector.broadcast %mul3A_2047 : i32 to vector<16xi32>
      %mul3A_2049 = arith.muli %add3A_2046, %mul3A_2048 : vector<16xi32>
      %shift_right_logical3A_2050 = arith.constant 9 : i32
      %shift_right_logical3A_2051 = vector.broadcast %shift_right_logical3A_2050 : i32 to vector<16xi32>
      %shift_right_logical3A_2052 = arith.shrui %mul3A_2049, %shift_right_logical3A_2051 : vector<16xi32>
      %mul3A_2053 = arith.constant 3 : i32
      %mul3A_2054 = vector.broadcast %mul3A_2053 : i32 to vector<16xi32>
      %mul3A_2055 = arith.muli %shift_right_logical3A_2052, %mul3A_2054 : vector<16xi32>
      %sub3A_2056 = arith.subi %add3A_2046, %mul3A_2055 : vector<16xi32>
      %add3A_2057 = vector.broadcast %mul3A_1473 : i32 to vector<16xi32>
      %add3A_2058 = arith.addi %add3A_2057, %shift_right_logical3A_2052 : vector<16xi32>
      %gather3A_2059 = tpu.vector_load_idx %arg15[%add3A_2058] : memref<4096xi32, #tpu.memory_space<vmem>>[vector<16xi32>], vector<16xi32>,
      %shift_right_logical3A_2060 = arith.constant 3 : i32
      %shift_right_logical3A_2061 = vector.broadcast %shift_right_logical3A_2060 : i32 to vector<16xi32>
      %shift_right_logical3A_2062 = arith.shrui %shift_right_logical3A_2052, %shift_right_logical3A_2061 : vector<16xi32>
      %add3A_2063 = vector.broadcast %mul3A_1471 : i32 to vector<16xi32>
      %add3A_2064 = arith.addi %shift_right_logical3A_2062, %add3A_2063 : vector<16xi32>
      %shift_right_logical3A_2065 = arith.constant 7 : i32
      %shift_right_logical3A_2066 = vector.broadcast %shift_right_logical3A_2065 : i32 to vector<16xi32>
      %shift_right_logical3A_2067 = arith.shrui %add3A_2064, %shift_right_logical3A_2066 : vector<16xi32>
      %and3A_2068 = arith.constant 127 : i32
      %and3A_2069 = vector.broadcast %and3A_2068 : i32 to vector<16xi32>
      %and3A_2070 = arith.andi %add3A_2064, %and3A_2069 : vector<16xi32>
      %and3A_2071 = arith.constant 7 : i32
      %and3A_2072 = vector.broadcast %and3A_2071 : i32 to vector<16xi32>
      %and3A_2073 = arith.andi %shift_right_logical3A_2052, %and3A_2072 : vector<16xi32>
      %gather3A_2074 = tpu.vector_load_idx %arg17[%sub3A_2056, %shift_right_logical3A_2052, %gather3A_2059] : memref<7x128x8xf32, #tpu.memory_space<vmem>>[vector<16xi32>, vector<16xi32>, vector<16xi32>], vector<16xf32>,
      tpu.vector_store_idx %arg18[%sub3A_2056, %shift_right_logical3A_2067, %and3A_2073, %and3A_2070], %gather3A_2074 : memref<3x4x8x128xf32, #tpu.memory_space<vmem>>[vector<16xi32>, vector<16xi32>, vector<16xi32>, vector<16xi32>], vector<16xf32>,
      %add3A_2075 = arith.constant 3 : i32
      %add3A_2076 = vector.broadcast %add3A_2075 : i32 to vector<16xi32>
      %add3A_2077 = arith.addi %sub3A_2056, %add3A_2076 : vector<16xi32>
      %gather3A_2078 = tpu.vector_load_idx %arg17[%add3A_2077, %shift_right_logical3A_2052, %gather3A_2059] : memref<7x128x8xf32, #tpu.memory_space<vmem>>[vector<16xi32>, vector<16xi32>, vector<16xi32>], vector<16xf32>,
      %mul3A_2079 = arith.constant 1.000000e+01 : f32
      %mul3A_2080 = vector.broadcast %mul3A_2079 : f32 to vector<16xf32>
      %mul3A_2081 = arith.mulf %gather3A_2078, %mul3A_2080 : vector<16xf32>
      tpu.vector_store_idx %arg19[%sub3A_2056, %shift_right_logical3A_2067, %and3A_2073, %and3A_2070], %mul3A_2081 : memref<3x4x8x128xf32, #tpu.memory_space<vmem>>[vector<16xi32>, vector<16xi32>, vector<16xi32>, vector<16xi32>], vector<16xf32>,
      %add3A_2082 = arith.constant 256 : i32
      %add3A_2083 = vector.broadcast %add3A_2082 : i32 to vector<16xi32>
      %add3A_2084 = arith.addi %add3A_2083, %iota3A : vector<16xi32>
      %mul3A_2085 = arith.constant 171 : i32
      %mul3A_2086 = vector.broadcast %mul3A_2085 : i32 to vector<16xi32>
      %mul3A_2087 = arith.muli %add3A_2084, %mul3A_2086 : vector<16xi32>
      %shift_right_logical3A_2088 = arith.constant 9 : i32
      %shift_right_logical3A_2089 = vector.broadcast %shift_right_logical3A_2088 : i32 to vector<16xi32>
      %shift_right_logical3A_2090 = arith.shrui %mul3A_2087, %shift_right_logical3A_2089 : vector<16xi32>
      %mul3A_2091 = arith.constant 3 : i32
      %mul3A_2092 = vector.broadcast %mul3A_2091 : i32 to vector<16xi32>
      %mul3A_2093 = arith.muli %shift_right_logical3A_2090, %mul3A_2092 : vector<16xi32>
      %sub3A_2094 = arith.subi %add3A_2084, %mul3A_2093 : vector<16xi32>
      %add3A_2095 = vector.broadcast %mul3A_1473 : i32 to vector<16xi32>
      %add3A_2096 = arith.addi %add3A_2095, %shift_right_logical3A_2090 : vector<16xi32>
      %gather3A_2097 = tpu.vector_load_idx %arg15[%add3A_2096] : memref<4096xi32, #tpu.memory_space<vmem>>[vector<16xi32>], vector<16xi32>,
      %shift_right_logical3A_2098 = arith.constant 3 : i32
      %shift_right_logical3A_2099 = vector.broadcast %shift_right_logical3A_2098 : i32 to vector<16xi32>
      %shift_right_logical3A_2100 = arith.shrui %shift_right_logical3A_2090, %shift_right_logical3A_2099 : vector<16xi32>
      %add3A_2101 = vector.broadcast %mul3A_1471 : i32 to vector<16xi32>
      %add3A_2102 = arith.addi %shift_right_logical3A_2100, %add3A_2101 : vector<16xi32>
      %shift_right_logical3A_2103 = arith.constant 7 : i32
      %shift_right_logical3A_2104 = vector.broadcast %shift_right_logical3A_2103 : i32 to vector<16xi32>
      %shift_right_logical3A_2105 = arith.shrui %add3A_2102, %shift_right_logical3A_2104 : vector<16xi32>
      %and3A_2106 = arith.constant 127 : i32
      %and3A_2107 = vector.broadcast %and3A_2106 : i32 to vector<16xi32>
      %and3A_2108 = arith.andi %add3A_2102, %and3A_2107 : vector<16xi32>
      %and3A_2109 = arith.constant 7 : i32
      %and3A_2110 = vector.broadcast %and3A_2109 : i32 to vector<16xi32>
      %and3A_2111 = arith.andi %shift_right_logical3A_2090, %and3A_2110 : vector<16xi32>
      %gather3A_2112 = tpu.vector_load_idx %arg17[%sub3A_2094, %shift_right_logical3A_2090, %gather3A_2097] : memref<7x128x8xf32, #tpu.memory_space<vmem>>[vector<16xi32>, vector<16xi32>, vector<16xi32>], vector<16xf32>,
      tpu.vector_store_idx %arg18[%sub3A_2094, %shift_right_logical3A_2105, %and3A_2111, %and3A_2108], %gather3A_2112 : memref<3x4x8x128xf32, #tpu.memory_space<vmem>>[vector<16xi32>, vector<16xi32>, vector<16xi32>, vector<16xi32>], vector<16xf32>,
      %add3A_2113 = arith.constant 3 : i32
      %add3A_2114 = vector.broadcast %add3A_2113 : i32 to vector<16xi32>
      %add3A_2115 = arith.addi %sub3A_2094, %add3A_2114 : vector<16xi32>
      %gather3A_2116 = tpu.vector_load_idx %arg17[%add3A_2115, %shift_right_logical3A_2090, %gather3A_2097] : memref<7x128x8xf32, #tpu.memory_space<vmem>>[vector<16xi32>, vector<16xi32>, vector<16xi32>], vector<16xf32>,
      %mul3A_2117 = arith.constant 1.000000e+01 : f32
      %mul3A_2118 = vector.broadcast %mul3A_2117 : f32 to vector<16xf32>
      %mul3A_2119 = arith.mulf %gather3A_2116, %mul3A_2118 : vector<16xf32>
      tpu.vector_store_idx %arg19[%sub3A_2094, %shift_right_logical3A_2105, %and3A_2111, %and3A_2108], %mul3A_2119 : memref<3x4x8x128xf32, #tpu.memory_space<vmem>>[vector<16xi32>, vector<16xi32>, vector<16xi32>, vector<16xi32>], vector<16xf32>,
      %add3A_2120 = arith.constant 272 : i32
      %add3A_2121 = vector.broadcast %add3A_2120 : i32 to vector<16xi32>
      %add3A_2122 = arith.addi %add3A_2121, %iota3A : vector<16xi32>
      %mul3A_2123 = arith.constant 171 : i32
      %mul3A_2124 = vector.broadcast %mul3A_2123 : i32 to vector<16xi32>
      %mul3A_2125 = arith.muli %add3A_2122, %mul3A_2124 : vector<16xi32>
      %shift_right_logical3A_2126 = arith.constant 9 : i32
      %shift_right_logical3A_2127 = vector.broadcast %shift_right_logical3A_2126 : i32 to vector<16xi32>
      %shift_right_logical3A_2128 = arith.shrui %mul3A_2125, %shift_right_logical3A_2127 : vector<16xi32>
      %mul3A_2129 = arith.constant 3 : i32
      %mul3A_2130 = vector.broadcast %mul3A_2129 : i32 to vector<16xi32>
      %mul3A_2131 = arith.muli %shift_right_logical3A_2128, %mul3A_2130 : vector<16xi32>
      %sub3A_2132 = arith.subi %add3A_2122, %mul3A_2131 : vector<16xi32>
      %add3A_2133 = vector.broadcast %mul3A_1473 : i32 to vector<16xi32>
      %add3A_2134 = arith.addi %add3A_2133, %shift_right_logical3A_2128 : vector<16xi32>
      %gather3A_2135 = tpu.vector_load_idx %arg15[%add3A_2134] : memref<4096xi32, #tpu.memory_space<vmem>>[vector<16xi32>], vector<16xi32>,
      %shift_right_logical3A_2136 = arith.constant 3 : i32
      %shift_right_logical3A_2137 = vector.broadcast %shift_right_logical3A_2136 : i32 to vector<16xi32>
      %shift_right_logical3A_2138 = arith.shrui %shift_right_logical3A_2128, %shift_right_logical3A_2137 : vector<16xi32>
      %add3A_2139 = vector.broadcast %mul3A_1471 : i32 to vector<16xi32>
      %add3A_2140 = arith.addi %shift_right_logical3A_2138, %add3A_2139 : vector<16xi32>
      %shift_right_logical3A_2141 = arith.constant 7 : i32
      %shift_right_logical3A_2142 = vector.broadcast %shift_right_logical3A_2141 : i32 to vector<16xi32>
      %shift_right_logical3A_2143 = arith.shrui %add3A_2140, %shift_right_logical3A_2142 : vector<16xi32>
      %and3A_2144 = arith.constant 127 : i32
      %and3A_2145 = vector.broadcast %and3A_2144 : i32 to vector<16xi32>
      %and3A_2146 = arith.andi %add3A_2140, %and3A_2145 : vector<16xi32>
      %and3A_2147 = arith.constant 7 : i32
      %and3A_2148 = vector.broadcast %and3A_2147 : i32 to vector<16xi32>
      %and3A_2149 = arith.andi %shift_right_logical3A_2128, %and3A_2148 : vector<16xi32>
      %gather3A_2150 = tpu.vector_load_idx %arg17[%sub3A_2132, %shift_right_logical3A_2128, %gather3A_2135] : memref<7x128x8xf32, #tpu.memory_space<vmem>>[vector<16xi32>, vector<16xi32>, vector<16xi32>], vector<16xf32>,
      tpu.vector_store_idx %arg18[%sub3A_2132, %shift_right_logical3A_2143, %and3A_2149, %and3A_2146], %gather3A_2150 : memref<3x4x8x128xf32, #tpu.memory_space<vmem>>[vector<16xi32>, vector<16xi32>, vector<16xi32>, vector<16xi32>], vector<16xf32>,
      %add3A_2151 = arith.constant 3 : i32
      %add3A_2152 = vector.broadcast %add3A_2151 : i32 to vector<16xi32>
      %add3A_2153 = arith.addi %sub3A_2132, %add3A_2152 : vector<16xi32>
      %gather3A_2154 = tpu.vector_load_idx %arg17[%add3A_2153, %shift_right_logical3A_2128, %gather3A_2135] : memref<7x128x8xf32, #tpu.memory_space<vmem>>[vector<16xi32>, vector<16xi32>, vector<16xi32>], vector<16xf32>,
      %mul3A_2155 = arith.constant 1.000000e+01 : f32
      %mul3A_2156 = vector.broadcast %mul3A_2155 : f32 to vector<16xf32>
      %mul3A_2157 = arith.mulf %gather3A_2154, %mul3A_2156 : vector<16xf32>
      tpu.vector_store_idx %arg19[%sub3A_2132, %shift_right_logical3A_2143, %and3A_2149, %and3A_2146], %mul3A_2157 : memref<3x4x8x128xf32, #tpu.memory_space<vmem>>[vector<16xi32>, vector<16xi32>, vector<16xi32>, vector<16xi32>], vector<16xf32>,
      %add3A_2158 = arith.constant 288 : i32
      %add3A_2159 = vector.broadcast %add3A_2158 : i32 to vector<16xi32>
      %add3A_2160 = arith.addi %add3A_2159, %iota3A : vector<16xi32>
      %mul3A_2161 = arith.constant 171 : i32
      %mul3A_2162 = vector.broadcast %mul3A_2161 : i32 to vector<16xi32>
      %mul3A_2163 = arith.muli %add3A_2160, %mul3A_2162 : vector<16xi32>
      %shift_right_logical3A_2164 = arith.constant 9 : i32
      %shift_right_logical3A_2165 = vector.broadcast %shift_right_logical3A_2164 : i32 to vector<16xi32>
      %shift_right_logical3A_2166 = arith.shrui %mul3A_2163, %shift_right_logical3A_2165 : vector<16xi32>
      %mul3A_2167 = arith.constant 3 : i32
      %mul3A_2168 = vector.broadcast %mul3A_2167 : i32 to vector<16xi32>
      %mul3A_2169 = arith.muli %shift_right_logical3A_2166, %mul3A_2168 : vector<16xi32>
      %sub3A_2170 = arith.subi %add3A_2160, %mul3A_2169 : vector<16xi32>
      %add3A_2171 = vector.broadcast %mul3A_1473 : i32 to vector<16xi32>
      %add3A_2172 = arith.addi %add3A_2171, %shift_right_logical3A_2166 : vector<16xi32>
      %gather3A_2173 = tpu.vector_load_idx %arg15[%add3A_2172] : memref<4096xi32, #tpu.memory_space<vmem>>[vector<16xi32>], vector<16xi32>,
      %shift_right_logical3A_2174 = arith.constant 3 : i32
      %shift_right_logical3A_2175 = vector.broadcast %shift_right_logical3A_2174 : i32 to vector<16xi32>
      %shift_right_logical3A_2176 = arith.shrui %shift_right_logical3A_2166, %shift_right_logical3A_2175 : vector<16xi32>
      %add3A_2177 = vector.broadcast %mul3A_1471 : i32 to vector<16xi32>
      %add3A_2178 = arith.addi %shift_right_logical3A_2176, %add3A_2177 : vector<16xi32>
      %shift_right_logical3A_2179 = arith.constant 7 : i32
      %shift_right_logical3A_2180 = vector.broadcast %shift_right_logical3A_2179 : i32 to vector<16xi32>
      %shift_right_logical3A_2181 = arith.shrui %add3A_2178, %shift_right_logical3A_2180 : vector<16xi32>
      %and3A_2182 = arith.constant 127 : i32
      %and3A_2183 = vector.broadcast %and3A_2182 : i32 to vector<16xi32>
      %and3A_2184 = arith.andi %add3A_2178, %and3A_2183 : vector<16xi32>
      %and3A_2185 = arith.constant 7 : i32
      %and3A_2186 = vector.broadcast %and3A_2185 : i32 to vector<16xi32>
      %and3A_2187 = arith.andi %shift_right_logical3A_2166, %and3A_2186 : vector<16xi32>
      %gather3A_2188 = tpu.vector_load_idx %arg17[%sub3A_2170, %shift_right_logical3A_2166, %gather3A_2173] : memref<7x128x8xf32, #tpu.memory_space<vmem>>[vector<16xi32>, vector<16xi32>, vector<16xi32>], vector<16xf32>,
      tpu.vector_store_idx %arg18[%sub3A_2170, %shift_right_logical3A_2181, %and3A_2187, %and3A_2184], %gather3A_2188 : memref<3x4x8x128xf32, #tpu.memory_space<vmem>>[vector<16xi32>, vector<16xi32>, vector<16xi32>, vector<16xi32>], vector<16xf32>,
      %add3A_2189 = arith.constant 3 : i32
      %add3A_2190 = vector.broadcast %add3A_2189 : i32 to vector<16xi32>
      %add3A_2191 = arith.addi %sub3A_2170, %add3A_2190 : vector<16xi32>
      %gather3A_2192 = tpu.vector_load_idx %arg17[%add3A_2191, %shift_right_logical3A_2166, %gather3A_2173] : memref<7x128x8xf32, #tpu.memory_space<vmem>>[vector<16xi32>, vector<16xi32>, vector<16xi32>], vector<16xf32>,
      %mul3A_2193 = arith.constant 1.000000e+01 : f32
      %mul3A_2194 = vector.broadcast %mul3A_2193 : f32 to vector<16xf32>
      %mul3A_2195 = arith.mulf %gather3A_2192, %mul3A_2194 : vector<16xf32>
      tpu.vector_store_idx %arg19[%sub3A_2170, %shift_right_logical3A_2181, %and3A_2187, %and3A_2184], %mul3A_2195 : memref<3x4x8x128xf32, #tpu.memory_space<vmem>>[vector<16xi32>, vector<16xi32>, vector<16xi32>, vector<16xi32>], vector<16xf32>,
      %add3A_2196 = arith.constant 304 : i32
      %add3A_2197 = vector.broadcast %add3A_2196 : i32 to vector<16xi32>
      %add3A_2198 = arith.addi %add3A_2197, %iota3A : vector<16xi32>
      %mul3A_2199 = arith.constant 171 : i32
      %mul3A_2200 = vector.broadcast %mul3A_2199 : i32 to vector<16xi32>
      %mul3A_2201 = arith.muli %add3A_2198, %mul3A_2200 : vector<16xi32>
      %shift_right_logical3A_2202 = arith.constant 9 : i32
      %shift_right_logical3A_2203 = vector.broadcast %shift_right_logical3A_2202 : i32 to vector<16xi32>
      %shift_right_logical3A_2204 = arith.shrui %mul3A_2201, %shift_right_logical3A_2203 : vector<16xi32>
      %mul3A_2205 = arith.constant 3 : i32
      %mul3A_2206 = vector.broadcast %mul3A_2205 : i32 to vector<16xi32>
      %mul3A_2207 = arith.muli %shift_right_logical3A_2204, %mul3A_2206 : vector<16xi32>
      %sub3A_2208 = arith.subi %add3A_2198, %mul3A_2207 : vector<16xi32>
      %add3A_2209 = vector.broadcast %mul3A_1473 : i32 to vector<16xi32>
      %add3A_2210 = arith.addi %add3A_2209, %shift_right_logical3A_2204 : vector<16xi32>
      %gather3A_2211 = tpu.vector_load_idx %arg15[%add3A_2210] : memref<4096xi32, #tpu.memory_space<vmem>>[vector<16xi32>], vector<16xi32>,
      %shift_right_logical3A_2212 = arith.constant 3 : i32
      %shift_right_logical3A_2213 = vector.broadcast %shift_right_logical3A_2212 : i32 to vector<16xi32>
      %shift_right_logical3A_2214 = arith.shrui %shift_right_logical3A_2204, %shift_right_logical3A_2213 : vector<16xi32>
      %add3A_2215 = vector.broadcast %mul3A_1471 : i32 to vector<16xi32>
      %add3A_2216 = arith.addi %shift_right_logical3A_2214, %add3A_2215 : vector<16xi32>
      %shift_right_logical3A_2217 = arith.constant 7 : i32
      %shift_right_logical3A_2218 = vector.broadcast %shift_right_logical3A_2217 : i32 to vector<16xi32>
      %shift_right_logical3A_2219 = arith.shrui %add3A_2216, %shift_right_logical3A_2218 : vector<16xi32>
      %and3A_2220 = arith.constant 127 : i32
      %and3A_2221 = vector.broadcast %and3A_2220 : i32 to vector<16xi32>
      %and3A_2222 = arith.andi %add3A_2216, %and3A_2221 : vector<16xi32>
      %and3A_2223 = arith.constant 7 : i32
      %and3A_2224 = vector.broadcast %and3A_2223 : i32 to vector<16xi32>
      %and3A_2225 = arith.andi %shift_right_logical3A_2204, %and3A_2224 : vector<16xi32>
      %gather3A_2226 = tpu.vector_load_idx %arg17[%sub3A_2208, %shift_right_logical3A_2204, %gather3A_2211] : memref<7x128x8xf32, #tpu.memory_space<vmem>>[vector<16xi32>, vector<16xi32>, vector<16xi32>], vector<16xf32>,
      tpu.vector_store_idx %arg18[%sub3A_2208, %shift_right_logical3A_2219, %and3A_2225, %and3A_2222], %gather3A_2226 : memref<3x4x8x128xf32, #tpu.memory_space<vmem>>[vector<16xi32>, vector<16xi32>, vector<16xi32>, vector<16xi32>], vector<16xf32>,
      %add3A_2227 = arith.constant 3 : i32
      %add3A_2228 = vector.broadcast %add3A_2227 : i32 to vector<16xi32>
      %add3A_2229 = arith.addi %sub3A_2208, %add3A_2228 : vector<16xi32>
      %gather3A_2230 = tpu.vector_load_idx %arg17[%add3A_2229, %shift_right_logical3A_2204, %gather3A_2211] : memref<7x128x8xf32, #tpu.memory_space<vmem>>[vector<16xi32>, vector<16xi32>, vector<16xi32>], vector<16xf32>,
      %mul3A_2231 = arith.constant 1.000000e+01 : f32
      %mul3A_2232 = vector.broadcast %mul3A_2231 : f32 to vector<16xf32>
      %mul3A_2233 = arith.mulf %gather3A_2230, %mul3A_2232 : vector<16xf32>
      tpu.vector_store_idx %arg19[%sub3A_2208, %shift_right_logical3A_2219, %and3A_2225, %and3A_2222], %mul3A_2233 : memref<3x4x8x128xf32, #tpu.memory_space<vmem>>[vector<16xi32>, vector<16xi32>, vector<16xi32>, vector<16xi32>], vector<16xf32>,
      %add3A_2234 = arith.constant 320 : i32
      %add3A_2235 = vector.broadcast %add3A_2234 : i32 to vector<16xi32>
      %add3A_2236 = arith.addi %add3A_2235, %iota3A : vector<16xi32>
      %mul3A_2237 = arith.constant 171 : i32
      %mul3A_2238 = vector.broadcast %mul3A_2237 : i32 to vector<16xi32>
      %mul3A_2239 = arith.muli %add3A_2236, %mul3A_2238 : vector<16xi32>
      %shift_right_logical3A_2240 = arith.constant 9 : i32
      %shift_right_logical3A_2241 = vector.broadcast %shift_right_logical3A_2240 : i32 to vector<16xi32>
      %shift_right_logical3A_2242 = arith.shrui %mul3A_2239, %shift_right_logical3A_2241 : vector<16xi32>
      %mul3A_2243 = arith.constant 3 : i32
      %mul3A_2244 = vector.broadcast %mul3A_2243 : i32 to vector<16xi32>
      %mul3A_2245 = arith.muli %shift_right_logical3A_2242, %mul3A_2244 : vector<16xi32>
      %sub3A_2246 = arith.subi %add3A_2236, %mul3A_2245 : vector<16xi32>
      %add3A_2247 = vector.broadcast %mul3A_1473 : i32 to vector<16xi32>
      %add3A_2248 = arith.addi %add3A_2247, %shift_right_logical3A_2242 : vector<16xi32>
      %gather3A_2249 = tpu.vector_load_idx %arg15[%add3A_2248] : memref<4096xi32, #tpu.memory_space<vmem>>[vector<16xi32>], vector<16xi32>,
      %shift_right_logical3A_2250 = arith.constant 3 : i32
      %shift_right_logical3A_2251 = vector.broadcast %shift_right_logical3A_2250 : i32 to vector<16xi32>
      %shift_right_logical3A_2252 = arith.shrui %shift_right_logical3A_2242, %shift_right_logical3A_2251 : vector<16xi32>
      %add3A_2253 = vector.broadcast %mul3A_1471 : i32 to vector<16xi32>
      %add3A_2254 = arith.addi %shift_right_logical3A_2252, %add3A_2253 : vector<16xi32>
      %shift_right_logical3A_2255 = arith.constant 7 : i32
      %shift_right_logical3A_2256 = vector.broadcast %shift_right_logical3A_2255 : i32 to vector<16xi32>
      %shift_right_logical3A_2257 = arith.shrui %add3A_2254, %shift_right_logical3A_2256 : vector<16xi32>
      %and3A_2258 = arith.constant 127 : i32
      %and3A_2259 = vector.broadcast %and3A_2258 : i32 to vector<16xi32>
      %and3A_2260 = arith.andi %add3A_2254, %and3A_2259 : vector<16xi32>
      %and3A_2261 = arith.constant 7 : i32
      %and3A_2262 = vector.broadcast %and3A_2261 : i32 to vector<16xi32>
      %and3A_2263 = arith.andi %shift_right_logical3A_2242, %and3A_2262 : vector<16xi32>
      %gather3A_2264 = tpu.vector_load_idx %arg17[%sub3A_2246, %shift_right_logical3A_2242, %gather3A_2249] : memref<7x128x8xf32, #tpu.memory_space<vmem>>[vector<16xi32>, vector<16xi32>, vector<16xi32>], vector<16xf32>,
      tpu.vector_store_idx %arg18[%sub3A_2246, %shift_right_logical3A_2257, %and3A_2263, %and3A_2260], %gather3A_2264 : memref<3x4x8x128xf32, #tpu.memory_space<vmem>>[vector<16xi32>, vector<16xi32>, vector<16xi32>, vector<16xi32>], vector<16xf32>,
      %add3A_2265 = arith.constant 3 : i32
      %add3A_2266 = vector.broadcast %add3A_2265 : i32 to vector<16xi32>
      %add3A_2267 = arith.addi %sub3A_2246, %add3A_2266 : vector<16xi32>
      %gather3A_2268 = tpu.vector_load_idx %arg17[%add3A_2267, %shift_right_logical3A_2242, %gather3A_2249] : memref<7x128x8xf32, #tpu.memory_space<vmem>>[vector<16xi32>, vector<16xi32>, vector<16xi32>], vector<16xf32>,
      %mul3A_2269 = arith.constant 1.000000e+01 : f32
      %mul3A_2270 = vector.broadcast %mul3A_2269 : f32 to vector<16xf32>
      %mul3A_2271 = arith.mulf %gather3A_2268, %mul3A_2270 : vector<16xf32>
      tpu.vector_store_idx %arg19[%sub3A_2246, %shift_right_logical3A_2257, %and3A_2263, %and3A_2260], %mul3A_2271 : memref<3x4x8x128xf32, #tpu.memory_space<vmem>>[vector<16xi32>, vector<16xi32>, vector<16xi32>, vector<16xi32>], vector<16xf32>,
      %add3A_2272 = arith.constant 336 : i32
      %add3A_2273 = vector.broadcast %add3A_2272 : i32 to vector<16xi32>
      %add3A_2274 = arith.addi %add3A_2273, %iota3A : vector<16xi32>
      %mul3A_2275 = arith.constant 171 : i32
      %mul3A_2276 = vector.broadcast %mul3A_2275 : i32 to vector<16xi32>
      %mul3A_2277 = arith.muli %add3A_2274, %mul3A_2276 : vector<16xi32>
      %shift_right_logical3A_2278 = arith.constant 9 : i32
      %shift_right_logical3A_2279 = vector.broadcast %shift_right_logical3A_2278 : i32 to vector<16xi32>
      %shift_right_logical3A_2280 = arith.shrui %mul3A_2277, %shift_right_logical3A_2279 : vector<16xi32>
      %mul3A_2281 = arith.constant 3 : i32
      %mul3A_2282 = vector.broadcast %mul3A_2281 : i32 to vector<16xi32>
      %mul3A_2283 = arith.muli %shift_right_logical3A_2280, %mul3A_2282 : vector<16xi32>
      %sub3A_2284 = arith.subi %add3A_2274, %mul3A_2283 : vector<16xi32>
      %add3A_2285 = vector.broadcast %mul3A_1473 : i32 to vector<16xi32>
      %add3A_2286 = arith.addi %add3A_2285, %shift_right_logical3A_2280 : vector<16xi32>
      %gather3A_2287 = tpu.vector_load_idx %arg15[%add3A_2286] : memref<4096xi32, #tpu.memory_space<vmem>>[vector<16xi32>], vector<16xi32>,
      %shift_right_logical3A_2288 = arith.constant 3 : i32
      %shift_right_logical3A_2289 = vector.broadcast %shift_right_logical3A_2288 : i32 to vector<16xi32>
      %shift_right_logical3A_2290 = arith.shrui %shift_right_logical3A_2280, %shift_right_logical3A_2289 : vector<16xi32>
      %add3A_2291 = vector.broadcast %mul3A_1471 : i32 to vector<16xi32>
      %add3A_2292 = arith.addi %shift_right_logical3A_2290, %add3A_2291 : vector<16xi32>
      %shift_right_logical3A_2293 = arith.constant 7 : i32
      %shift_right_logical3A_2294 = vector.broadcast %shift_right_logical3A_2293 : i32 to vector<16xi32>
      %shift_right_logical3A_2295 = arith.shrui %add3A_2292, %shift_right_logical3A_2294 : vector<16xi32>
      %and3A_2296 = arith.constant 127 : i32
      %and3A_2297 = vector.broadcast %and3A_2296 : i32 to vector<16xi32>
      %and3A_2298 = arith.andi %add3A_2292, %and3A_2297 : vector<16xi32>
      %and3A_2299 = arith.constant 7 : i32
      %and3A_2300 = vector.broadcast %and3A_2299 : i32 to vector<16xi32>
      %and3A_2301 = arith.andi %shift_right_logical3A_2280, %and3A_2300 : vector<16xi32>
      %gather3A_2302 = tpu.vector_load_idx %arg17[%sub3A_2284, %shift_right_logical3A_2280, %gather3A_2287] : memref<7x128x8xf32, #tpu.memory_space<vmem>>[vector<16xi32>, vector<16xi32>, vector<16xi32>], vector<16xf32>,
      tpu.vector_store_idx %arg18[%sub3A_2284, %shift_right_logical3A_2295, %and3A_2301, %and3A_2298], %gather3A_2302 : memref<3x4x8x128xf32, #tpu.memory_space<vmem>>[vector<16xi32>, vector<16xi32>, vector<16xi32>, vector<16xi32>], vector<16xf32>,
      %add3A_2303 = arith.constant 3 : i32
      %add3A_2304 = vector.broadcast %add3A_2303 : i32 to vector<16xi32>
      %add3A_2305 = arith.addi %sub3A_2284, %add3A_2304 : vector<16xi32>
      %gather3A_2306 = tpu.vector_load_idx %arg17[%add3A_2305, %shift_right_logical3A_2280, %gather3A_2287] : memref<7x128x8xf32, #tpu.memory_space<vmem>>[vector<16xi32>, vector<16xi32>, vector<16xi32>], vector<16xf32>,
      %mul3A_2307 = arith.constant 1.000000e+01 : f32
      %mul3A_2308 = vector.broadcast %mul3A_2307 : f32 to vector<16xf32>
      %mul3A_2309 = arith.mulf %gather3A_2306, %mul3A_2308 : vector<16xf32>
      tpu.vector_store_idx %arg19[%sub3A_2284, %shift_right_logical3A_2295, %and3A_2301, %and3A_2298], %mul3A_2309 : memref<3x4x8x128xf32, #tpu.memory_space<vmem>>[vector<16xi32>, vector<16xi32>, vector<16xi32>, vector<16xi32>], vector<16xf32>,
      %add3A_2310 = arith.constant 352 : i32
      %add3A_2311 = vector.broadcast %add3A_2310 : i32 to vector<16xi32>
      %add3A_2312 = arith.addi %add3A_2311, %iota3A : vector<16xi32>
      %mul3A_2313 = arith.constant 171 : i32
      %mul3A_2314 = vector.broadcast %mul3A_2313 : i32 to vector<16xi32>
      %mul3A_2315 = arith.muli %add3A_2312, %mul3A_2314 : vector<16xi32>
      %shift_right_logical3A_2316 = arith.constant 9 : i32
      %shift_right_logical3A_2317 = vector.broadcast %shift_right_logical3A_2316 : i32 to vector<16xi32>
      %shift_right_logical3A_2318 = arith.shrui %mul3A_2315, %shift_right_logical3A_2317 : vector<16xi32>
      %mul3A_2319 = arith.constant 3 : i32
      %mul3A_2320 = vector.broadcast %mul3A_2319 : i32 to vector<16xi32>
      %mul3A_2321 = arith.muli %shift_right_logical3A_2318, %mul3A_2320 : vector<16xi32>
      %sub3A_2322 = arith.subi %add3A_2312, %mul3A_2321 : vector<16xi32>
      %add3A_2323 = vector.broadcast %mul3A_1473 : i32 to vector<16xi32>
      %add3A_2324 = arith.addi %add3A_2323, %shift_right_logical3A_2318 : vector<16xi32>
      %gather3A_2325 = tpu.vector_load_idx %arg15[%add3A_2324] : memref<4096xi32, #tpu.memory_space<vmem>>[vector<16xi32>], vector<16xi32>,
      %shift_right_logical3A_2326 = arith.constant 3 : i32
      %shift_right_logical3A_2327 = vector.broadcast %shift_right_logical3A_2326 : i32 to vector<16xi32>
      %shift_right_logical3A_2328 = arith.shrui %shift_right_logical3A_2318, %shift_right_logical3A_2327 : vector<16xi32>
      %add3A_2329 = vector.broadcast %mul3A_1471 : i32 to vector<16xi32>
      %add3A_2330 = arith.addi %shift_right_logical3A_2328, %add3A_2329 : vector<16xi32>
      %shift_right_logical3A_2331 = arith.constant 7 : i32
      %shift_right_logical3A_2332 = vector.broadcast %shift_right_logical3A_2331 : i32 to vector<16xi32>
      %shift_right_logical3A_2333 = arith.shrui %add3A_2330, %shift_right_logical3A_2332 : vector<16xi32>
      %and3A_2334 = arith.constant 127 : i32
      %and3A_2335 = vector.broadcast %and3A_2334 : i32 to vector<16xi32>
      %and3A_2336 = arith.andi %add3A_2330, %and3A_2335 : vector<16xi32>
      %and3A_2337 = arith.constant 7 : i32
      %and3A_2338 = vector.broadcast %and3A_2337 : i32 to vector<16xi32>
      %and3A_2339 = arith.andi %shift_right_logical3A_2318, %and3A_2338 : vector<16xi32>
      %gather3A_2340 = tpu.vector_load_idx %arg17[%sub3A_2322, %shift_right_logical3A_2318, %gather3A_2325] : memref<7x128x8xf32, #tpu.memory_space<vmem>>[vector<16xi32>, vector<16xi32>, vector<16xi32>], vector<16xf32>,
      tpu.vector_store_idx %arg18[%sub3A_2322, %shift_right_logical3A_2333, %and3A_2339, %and3A_2336], %gather3A_2340 : memref<3x4x8x128xf32, #tpu.memory_space<vmem>>[vector<16xi32>, vector<16xi32>, vector<16xi32>, vector<16xi32>], vector<16xf32>,
      %add3A_2341 = arith.constant 3 : i32
      %add3A_2342 = vector.broadcast %add3A_2341 : i32 to vector<16xi32>
      %add3A_2343 = arith.addi %sub3A_2322, %add3A_2342 : vector<16xi32>
      %gather3A_2344 = tpu.vector_load_idx %arg17[%add3A_2343, %shift_right_logical3A_2318, %gather3A_2325] : memref<7x128x8xf32, #tpu.memory_space<vmem>>[vector<16xi32>, vector<16xi32>, vector<16xi32>], vector<16xf32>,
      %mul3A_2345 = arith.constant 1.000000e+01 : f32
      %mul3A_2346 = vector.broadcast %mul3A_2345 : f32 to vector<16xf32>
      %mul3A_2347 = arith.mulf %gather3A_2344, %mul3A_2346 : vector<16xf32>
      tpu.vector_store_idx %arg19[%sub3A_2322, %shift_right_logical3A_2333, %and3A_2339, %and3A_2336], %mul3A_2347 : memref<3x4x8x128xf32, #tpu.memory_space<vmem>>[vector<16xi32>, vector<16xi32>, vector<16xi32>, vector<16xi32>], vector<16xf32>,
      %add3A_2348 = arith.constant 368 : i32
      %add3A_2349 = vector.broadcast %add3A_2348 : i32 to vector<16xi32>
      %add3A_2350 = arith.addi %add3A_2349, %iota3A : vector<16xi32>
      %mul3A_2351 = arith.constant 171 : i32
      %mul3A_2352 = vector.broadcast %mul3A_2351 : i32 to vector<16xi32>
      %mul3A_2353 = arith.muli %add3A_2350, %mul3A_2352 : vector<16xi32>
      %shift_right_logical3A_2354 = arith.constant 9 : i32
      %shift_right_logical3A_2355 = vector.broadcast %shift_right_logical3A_2354 : i32 to vector<16xi32>
      %shift_right_logical3A_2356 = arith.shrui %mul3A_2353, %shift_right_logical3A_2355 : vector<16xi32>
      %mul3A_2357 = arith.constant 3 : i32
      %mul3A_2358 = vector.broadcast %mul3A_2357 : i32 to vector<16xi32>
      %mul3A_2359 = arith.muli %shift_right_logical3A_2356, %mul3A_2358 : vector<16xi32>
      %sub3A_2360 = arith.subi %add3A_2350, %mul3A_2359 : vector<16xi32>
      %add3A_2361 = vector.broadcast %mul3A_1473 : i32 to vector<16xi32>
      %add3A_2362 = arith.addi %add3A_2361, %shift_right_logical3A_2356 : vector<16xi32>
      %gather3A_2363 = tpu.vector_load_idx %arg15[%add3A_2362] : memref<4096xi32, #tpu.memory_space<vmem>>[vector<16xi32>], vector<16xi32>,
      %shift_right_logical3A_2364 = arith.constant 3 : i32
      %shift_right_logical3A_2365 = vector.broadcast %shift_right_logical3A_2364 : i32 to vector<16xi32>
      %shift_right_logical3A_2366 = arith.shrui %shift_right_logical3A_2356, %shift_right_logical3A_2365 : vector<16xi32>
      %add3A_2367 = vector.broadcast %mul3A_1471 : i32 to vector<16xi32>
      %add3A_2368 = arith.addi %shift_right_logical3A_2366, %add3A_2367 : vector<16xi32>
      %shift_right_logical3A_2369 = arith.constant 7 : i32
      %shift_right_logical3A_2370 = vector.broadcast %shift_right_logical3A_2369 : i32 to vector<16xi32>
      %shift_right_logical3A_2371 = arith.shrui %add3A_2368, %shift_right_logical3A_2370 : vector<16xi32>
      %and3A_2372 = arith.constant 127 : i32
      %and3A_2373 = vector.broadcast %and3A_2372 : i32 to vector<16xi32>
      %and3A_2374 = arith.andi %add3A_2368, %and3A_2373 : vector<16xi32>
      %and3A_2375 = arith.constant 7 : i32
      %and3A_2376 = vector.broadcast %and3A_2375 : i32 to vector<16xi32>
      %and3A_2377 = arith.andi %shift_right_logical3A_2356, %and3A_2376 : vector<16xi32>
      %gather3A_2378 = tpu.vector_load_idx %arg17[%sub3A_2360, %shift_right_logical3A_2356, %gather3A_2363] : memref<7x128x8xf32, #tpu.memory_space<vmem>>[vector<16xi32>, vector<16xi32>, vector<16xi32>], vector<16xf32>,
      tpu.vector_store_idx %arg18[%sub3A_2360, %shift_right_logical3A_2371, %and3A_2377, %and3A_2374], %gather3A_2378 : memref<3x4x8x128xf32, #tpu.memory_space<vmem>>[vector<16xi32>, vector<16xi32>, vector<16xi32>, vector<16xi32>], vector<16xf32>,
      %add3A_2379 = arith.constant 3 : i32
      %add3A_2380 = vector.broadcast %add3A_2379 : i32 to vector<16xi32>
      %add3A_2381 = arith.addi %sub3A_2360, %add3A_2380 : vector<16xi32>
      %gather3A_2382 = tpu.vector_load_idx %arg17[%add3A_2381, %shift_right_logical3A_2356, %gather3A_2363] : memref<7x128x8xf32, #tpu.memory_space<vmem>>[vector<16xi32>, vector<16xi32>, vector<16xi32>], vector<16xf32>,
      %mul3A_2383 = arith.constant 1.000000e+01 : f32
      %mul3A_2384 = vector.broadcast %mul3A_2383 : f32 to vector<16xf32>
      %mul3A_2385 = arith.mulf %gather3A_2382, %mul3A_2384 : vector<16xf32>
      tpu.vector_store_idx %arg19[%sub3A_2360, %shift_right_logical3A_2371, %and3A_2377, %and3A_2374], %mul3A_2385 : memref<3x4x8x128xf32, #tpu.memory_space<vmem>>[vector<16xi32>, vector<16xi32>, vector<16xi32>, vector<16xi32>], vector<16xf32>,
      %and3A_2386 = arith.constant 0 : i32
      %and3A_2387 = vector.broadcast %and3A_2386 : i32 to vector<16xi32>
      %and3A_2388 = arith.andi %iota3A, %and3A_2387 : vector<16xi32>
      %add3A_2389 = arith.constant 6 : i32
      %add3A_2390 = vector.broadcast %add3A_2389 : i32 to vector<16xi32>
      %add3A_2391 = arith.addi %and3A_2388, %add3A_2390 : vector<16xi32>
      %add3A_2392 = arith.constant 0 : i32
      %add3A_2393 = vector.broadcast %add3A_2392 : i32 to vector<16xi32>
      %add3A_2394 = arith.addi %add3A_2393, %iota3A : vector<16xi32>
      %add3A_2395 = vector.broadcast %mul3A_1473 : i32 to vector<16xi32>
      %add3A_2396 = arith.addi %add3A_2395, %add3A_2394 : vector<16xi32>
      %gather3A_2397 = tpu.vector_load_idx %arg15[%add3A_2396] : memref<4096xi32, #tpu.memory_space<vmem>>[vector<16xi32>], vector<16xi32>,
      %gather3A_2398 = tpu.vector_load_idx %arg17[%add3A_2391, %add3A_2394, %gather3A_2397] : memref<7x128x8xf32, #tpu.memory_space<vmem>>[vector<16xi32>, vector<16xi32>, vector<16xi32>], vector<16xf32>,
      %mul3A_2399 = arith.constant 1.000000e+03 : f32
      %mul3A_2400 = vector.broadcast %mul3A_2399 : f32 to vector<16xf32>
      %mul3A_2401 = arith.mulf %gather3A_2398, %mul3A_2400 : vector<16xf32>
      %shift_right_logical3A_2402 = arith.constant 3 : i32
      %shift_right_logical3A_2403 = vector.broadcast %shift_right_logical3A_2402 : i32 to vector<16xi32>
      %shift_right_logical3A_2404 = arith.shrui %add3A_2394, %shift_right_logical3A_2403 : vector<16xi32>
      %add3A_2405 = vector.broadcast %mul3A_1471 : i32 to vector<16xi32>
      %add3A_2406 = arith.addi %shift_right_logical3A_2404, %add3A_2405 : vector<16xi32>
      %shift_right_logical3A_2407 = arith.constant 7 : i32
      %shift_right_logical3A_2408 = vector.broadcast %shift_right_logical3A_2407 : i32 to vector<16xi32>
      %shift_right_logical3A_2409 = arith.shrui %add3A_2406, %shift_right_logical3A_2408 : vector<16xi32>
      %and3A_2410 = arith.constant 7 : i32
      %and3A_2411 = vector.broadcast %and3A_2410 : i32 to vector<16xi32>
      %and3A_2412 = arith.andi %add3A_2394, %and3A_2411 : vector<16xi32>
      %and3A_2413 = arith.constant 127 : i32
      %and3A_2414 = vector.broadcast %and3A_2413 : i32 to vector<16xi32>
      %and3A_2415 = arith.andi %add3A_2406, %and3A_2414 : vector<16xi32>
      tpu.vector_store_idx %arg20[%shift_right_logical3A_2409, %and3A_2412, %and3A_2415], %mul3A_2401 : memref<4x8x128xf32, #tpu.memory_space<vmem>>[vector<16xi32>, vector<16xi32>, vector<16xi32>], vector<16xf32>,
      %add3A_2416 = arith.constant 16 : i32
      %add3A_2417 = vector.broadcast %add3A_2416 : i32 to vector<16xi32>
      %add3A_2418 = arith.addi %add3A_2417, %iota3A : vector<16xi32>
      %add3A_2419 = vector.broadcast %mul3A_1473 : i32 to vector<16xi32>
      %add3A_2420 = arith.addi %add3A_2419, %add3A_2418 : vector<16xi32>
      %gather3A_2421 = tpu.vector_load_idx %arg15[%add3A_2420] : memref<4096xi32, #tpu.memory_space<vmem>>[vector<16xi32>], vector<16xi32>,
      %gather3A_2422 = tpu.vector_load_idx %arg17[%add3A_2391, %add3A_2418, %gather3A_2421] : memref<7x128x8xf32, #tpu.memory_space<vmem>>[vector<16xi32>, vector<16xi32>, vector<16xi32>], vector<16xf32>,
      %mul3A_2423 = arith.constant 1.000000e+03 : f32
      %mul3A_2424 = vector.broadcast %mul3A_2423 : f32 to vector<16xf32>
      %mul3A_2425 = arith.mulf %gather3A_2422, %mul3A_2424 : vector<16xf32>
      %shift_right_logical3A_2426 = arith.constant 3 : i32
      %shift_right_logical3A_2427 = vector.broadcast %shift_right_logical3A_2426 : i32 to vector<16xi32>
      %shift_right_logical3A_2428 = arith.shrui %add3A_2418, %shift_right_logical3A_2427 : vector<16xi32>
      %add3A_2429 = vector.broadcast %mul3A_1471 : i32 to vector<16xi32>
      %add3A_2430 = arith.addi %shift_right_logical3A_2428, %add3A_2429 : vector<16xi32>
      %shift_right_logical3A_2431 = arith.constant 7 : i32
      %shift_right_logical3A_2432 = vector.broadcast %shift_right_logical3A_2431 : i32 to vector<16xi32>
      %shift_right_logical3A_2433 = arith.shrui %add3A_2430, %shift_right_logical3A_2432 : vector<16xi32>
      %and3A_2434 = arith.constant 7 : i32
      %and3A_2435 = vector.broadcast %and3A_2434 : i32 to vector<16xi32>
      %and3A_2436 = arith.andi %add3A_2418, %and3A_2435 : vector<16xi32>
      %and3A_2437 = arith.constant 127 : i32
      %and3A_2438 = vector.broadcast %and3A_2437 : i32 to vector<16xi32>
      %and3A_2439 = arith.andi %add3A_2430, %and3A_2438 : vector<16xi32>
      tpu.vector_store_idx %arg20[%shift_right_logical3A_2433, %and3A_2436, %and3A_2439], %mul3A_2425 : memref<4x8x128xf32, #tpu.memory_space<vmem>>[vector<16xi32>, vector<16xi32>, vector<16xi32>], vector<16xf32>,
      %add3A_2440 = arith.constant 32 : i32
      %add3A_2441 = vector.broadcast %add3A_2440 : i32 to vector<16xi32>
      %add3A_2442 = arith.addi %add3A_2441, %iota3A : vector<16xi32>
      %add3A_2443 = vector.broadcast %mul3A_1473 : i32 to vector<16xi32>
      %add3A_2444 = arith.addi %add3A_2443, %add3A_2442 : vector<16xi32>
      %gather3A_2445 = tpu.vector_load_idx %arg15[%add3A_2444] : memref<4096xi32, #tpu.memory_space<vmem>>[vector<16xi32>], vector<16xi32>,
      %gather3A_2446 = tpu.vector_load_idx %arg17[%add3A_2391, %add3A_2442, %gather3A_2445] : memref<7x128x8xf32, #tpu.memory_space<vmem>>[vector<16xi32>, vector<16xi32>, vector<16xi32>], vector<16xf32>,
      %mul3A_2447 = arith.constant 1.000000e+03 : f32
      %mul3A_2448 = vector.broadcast %mul3A_2447 : f32 to vector<16xf32>
      %mul3A_2449 = arith.mulf %gather3A_2446, %mul3A_2448 : vector<16xf32>
      %shift_right_logical3A_2450 = arith.constant 3 : i32
      %shift_right_logical3A_2451 = vector.broadcast %shift_right_logical3A_2450 : i32 to vector<16xi32>
      %shift_right_logical3A_2452 = arith.shrui %add3A_2442, %shift_right_logical3A_2451 : vector<16xi32>
      %add3A_2453 = vector.broadcast %mul3A_1471 : i32 to vector<16xi32>
      %add3A_2454 = arith.addi %shift_right_logical3A_2452, %add3A_2453 : vector<16xi32>
      %shift_right_logical3A_2455 = arith.constant 7 : i32
      %shift_right_logical3A_2456 = vector.broadcast %shift_right_logical3A_2455 : i32 to vector<16xi32>
      %shift_right_logical3A_2457 = arith.shrui %add3A_2454, %shift_right_logical3A_2456 : vector<16xi32>
      %and3A_2458 = arith.constant 7 : i32
      %and3A_2459 = vector.broadcast %and3A_2458 : i32 to vector<16xi32>
      %and3A_2460 = arith.andi %add3A_2442, %and3A_2459 : vector<16xi32>
      %and3A_2461 = arith.constant 127 : i32
      %and3A_2462 = vector.broadcast %and3A_2461 : i32 to vector<16xi32>
      %and3A_2463 = arith.andi %add3A_2454, %and3A_2462 : vector<16xi32>
      tpu.vector_store_idx %arg20[%shift_right_logical3A_2457, %and3A_2460, %and3A_2463], %mul3A_2449 : memref<4x8x128xf32, #tpu.memory_space<vmem>>[vector<16xi32>, vector<16xi32>, vector<16xi32>], vector<16xf32>,
      %add3A_2464 = arith.constant 48 : i32
      %add3A_2465 = vector.broadcast %add3A_2464 : i32 to vector<16xi32>
      %add3A_2466 = arith.addi %add3A_2465, %iota3A : vector<16xi32>
      %add3A_2467 = vector.broadcast %mul3A_1473 : i32 to vector<16xi32>
      %add3A_2468 = arith.addi %add3A_2467, %add3A_2466 : vector<16xi32>
      %gather3A_2469 = tpu.vector_load_idx %arg15[%add3A_2468] : memref<4096xi32, #tpu.memory_space<vmem>>[vector<16xi32>], vector<16xi32>,
      %gather3A_2470 = tpu.vector_load_idx %arg17[%add3A_2391, %add3A_2466, %gather3A_2469] : memref<7x128x8xf32, #tpu.memory_space<vmem>>[vector<16xi32>, vector<16xi32>, vector<16xi32>], vector<16xf32>,
      %mul3A_2471 = arith.constant 1.000000e+03 : f32
      %mul3A_2472 = vector.broadcast %mul3A_2471 : f32 to vector<16xf32>
      %mul3A_2473 = arith.mulf %gather3A_2470, %mul3A_2472 : vector<16xf32>
      %shift_right_logical3A_2474 = arith.constant 3 : i32
      %shift_right_logical3A_2475 = vector.broadcast %shift_right_logical3A_2474 : i32 to vector<16xi32>
      %shift_right_logical3A_2476 = arith.shrui %add3A_2466, %shift_right_logical3A_2475 : vector<16xi32>
      %add3A_2477 = vector.broadcast %mul3A_1471 : i32 to vector<16xi32>
      %add3A_2478 = arith.addi %shift_right_logical3A_2476, %add3A_2477 : vector<16xi32>
      %shift_right_logical3A_2479 = arith.constant 7 : i32
      %shift_right_logical3A_2480 = vector.broadcast %shift_right_logical3A_2479 : i32 to vector<16xi32>
      %shift_right_logical3A_2481 = arith.shrui %add3A_2478, %shift_right_logical3A_2480 : vector<16xi32>
      %and3A_2482 = arith.constant 7 : i32
      %and3A_2483 = vector.broadcast %and3A_2482 : i32 to vector<16xi32>
      %and3A_2484 = arith.andi %add3A_2466, %and3A_2483 : vector<16xi32>
      %and3A_2485 = arith.constant 127 : i32
      %and3A_2486 = vector.broadcast %and3A_2485 : i32 to vector<16xi32>
      %and3A_2487 = arith.andi %add3A_2478, %and3A_2486 : vector<16xi32>
      tpu.vector_store_idx %arg20[%shift_right_logical3A_2481, %and3A_2484, %and3A_2487], %mul3A_2473 : memref<4x8x128xf32, #tpu.memory_space<vmem>>[vector<16xi32>, vector<16xi32>, vector<16xi32>], vector<16xf32>,
      %add3A_2488 = arith.constant 64 : i32
      %add3A_2489 = vector.broadcast %add3A_2488 : i32 to vector<16xi32>
      %add3A_2490 = arith.addi %add3A_2489, %iota3A : vector<16xi32>
      %add3A_2491 = vector.broadcast %mul3A_1473 : i32 to vector<16xi32>
      %add3A_2492 = arith.addi %add3A_2491, %add3A_2490 : vector<16xi32>
      %gather3A_2493 = tpu.vector_load_idx %arg15[%add3A_2492] : memref<4096xi32, #tpu.memory_space<vmem>>[vector<16xi32>], vector<16xi32>,
      %gather3A_2494 = tpu.vector_load_idx %arg17[%add3A_2391, %add3A_2490, %gather3A_2493] : memref<7x128x8xf32, #tpu.memory_space<vmem>>[vector<16xi32>, vector<16xi32>, vector<16xi32>], vector<16xf32>,
      %mul3A_2495 = arith.constant 1.000000e+03 : f32
      %mul3A_2496 = vector.broadcast %mul3A_2495 : f32 to vector<16xf32>
      %mul3A_2497 = arith.mulf %gather3A_2494, %mul3A_2496 : vector<16xf32>
      %shift_right_logical3A_2498 = arith.constant 3 : i32
      %shift_right_logical3A_2499 = vector.broadcast %shift_right_logical3A_2498 : i32 to vector<16xi32>
      %shift_right_logical3A_2500 = arith.shrui %add3A_2490, %shift_right_logical3A_2499 : vector<16xi32>
      %add3A_2501 = vector.broadcast %mul3A_1471 : i32 to vector<16xi32>
      %add3A_2502 = arith.addi %shift_right_logical3A_2500, %add3A_2501 : vector<16xi32>
      %shift_right_logical3A_2503 = arith.constant 7 : i32
      %shift_right_logical3A_2504 = vector.broadcast %shift_right_logical3A_2503 : i32 to vector<16xi32>
      %shift_right_logical3A_2505 = arith.shrui %add3A_2502, %shift_right_logical3A_2504 : vector<16xi32>
      %and3A_2506 = arith.constant 7 : i32
      %and3A_2507 = vector.broadcast %and3A_2506 : i32 to vector<16xi32>
      %and3A_2508 = arith.andi %add3A_2490, %and3A_2507 : vector<16xi32>
      %and3A_2509 = arith.constant 127 : i32
      %and3A_2510 = vector.broadcast %and3A_2509 : i32 to vector<16xi32>
      %and3A_2511 = arith.andi %add3A_2502, %and3A_2510 : vector<16xi32>
      tpu.vector_store_idx %arg20[%shift_right_logical3A_2505, %and3A_2508, %and3A_2511], %mul3A_2497 : memref<4x8x128xf32, #tpu.memory_space<vmem>>[vector<16xi32>, vector<16xi32>, vector<16xi32>], vector<16xf32>,
      %add3A_2512 = arith.constant 80 : i32
      %add3A_2513 = vector.broadcast %add3A_2512 : i32 to vector<16xi32>
      %add3A_2514 = arith.addi %add3A_2513, %iota3A : vector<16xi32>
      %add3A_2515 = vector.broadcast %mul3A_1473 : i32 to vector<16xi32>
      %add3A_2516 = arith.addi %add3A_2515, %add3A_2514 : vector<16xi32>
      %gather3A_2517 = tpu.vector_load_idx %arg15[%add3A_2516] : memref<4096xi32, #tpu.memory_space<vmem>>[vector<16xi32>], vector<16xi32>,
      %gather3A_2518 = tpu.vector_load_idx %arg17[%add3A_2391, %add3A_2514, %gather3A_2517] : memref<7x128x8xf32, #tpu.memory_space<vmem>>[vector<16xi32>, vector<16xi32>, vector<16xi32>], vector<16xf32>,
      %mul3A_2519 = arith.constant 1.000000e+03 : f32
      %mul3A_2520 = vector.broadcast %mul3A_2519 : f32 to vector<16xf32>
      %mul3A_2521 = arith.mulf %gather3A_2518, %mul3A_2520 : vector<16xf32>
      %shift_right_logical3A_2522 = arith.constant 3 : i32
      %shift_right_logical3A_2523 = vector.broadcast %shift_right_logical3A_2522 : i32 to vector<16xi32>
      %shift_right_logical3A_2524 = arith.shrui %add3A_2514, %shift_right_logical3A_2523 : vector<16xi32>
      %add3A_2525 = vector.broadcast %mul3A_1471 : i32 to vector<16xi32>
      %add3A_2526 = arith.addi %shift_right_logical3A_2524, %add3A_2525 : vector<16xi32>
      %shift_right_logical3A_2527 = arith.constant 7 : i32
      %shift_right_logical3A_2528 = vector.broadcast %shift_right_logical3A_2527 : i32 to vector<16xi32>
      %shift_right_logical3A_2529 = arith.shrui %add3A_2526, %shift_right_logical3A_2528 : vector<16xi32>
      %and3A_2530 = arith.constant 7 : i32
      %and3A_2531 = vector.broadcast %and3A_2530 : i32 to vector<16xi32>
      %and3A_2532 = arith.andi %add3A_2514, %and3A_2531 : vector<16xi32>
      %and3A_2533 = arith.constant 127 : i32
      %and3A_2534 = vector.broadcast %and3A_2533 : i32 to vector<16xi32>
      %and3A_2535 = arith.andi %add3A_2526, %and3A_2534 : vector<16xi32>
      tpu.vector_store_idx %arg20[%shift_right_logical3A_2529, %and3A_2532, %and3A_2535], %mul3A_2521 : memref<4x8x128xf32, #tpu.memory_space<vmem>>[vector<16xi32>, vector<16xi32>, vector<16xi32>], vector<16xf32>,
      %add3A_2536 = arith.constant 96 : i32
      %add3A_2537 = vector.broadcast %add3A_2536 : i32 to vector<16xi32>
      %add3A_2538 = arith.addi %add3A_2537, %iota3A : vector<16xi32>
      %add3A_2539 = vector.broadcast %mul3A_1473 : i32 to vector<16xi32>
      %add3A_2540 = arith.addi %add3A_2539, %add3A_2538 : vector<16xi32>
      %gather3A_2541 = tpu.vector_load_idx %arg15[%add3A_2540] : memref<4096xi32, #tpu.memory_space<vmem>>[vector<16xi32>], vector<16xi32>,
      %gather3A_2542 = tpu.vector_load_idx %arg17[%add3A_2391, %add3A_2538, %gather3A_2541] : memref<7x128x8xf32, #tpu.memory_space<vmem>>[vector<16xi32>, vector<16xi32>, vector<16xi32>], vector<16xf32>,
      %mul3A_2543 = arith.constant 1.000000e+03 : f32
      %mul3A_2544 = vector.broadcast %mul3A_2543 : f32 to vector<16xf32>
      %mul3A_2545 = arith.mulf %gather3A_2542, %mul3A_2544 : vector<16xf32>
      %shift_right_logical3A_2546 = arith.constant 3 : i32
      %shift_right_logical3A_2547 = vector.broadcast %shift_right_logical3A_2546 : i32 to vector<16xi32>
      %shift_right_logical3A_2548 = arith.shrui %add3A_2538, %shift_right_logical3A_2547 : vector<16xi32>
      %add3A_2549 = vector.broadcast %mul3A_1471 : i32 to vector<16xi32>
      %add3A_2550 = arith.addi %shift_right_logical3A_2548, %add3A_2549 : vector<16xi32>
      %shift_right_logical3A_2551 = arith.constant 7 : i32
      %shift_right_logical3A_2552 = vector.broadcast %shift_right_logical3A_2551 : i32 to vector<16xi32>
      %shift_right_logical3A_2553 = arith.shrui %add3A_2550, %shift_right_logical3A_2552 : vector<16xi32>
      %and3A_2554 = arith.constant 7 : i32
      %and3A_2555 = vector.broadcast %and3A_2554 : i32 to vector<16xi32>
      %and3A_2556 = arith.andi %add3A_2538, %and3A_2555 : vector<16xi32>
      %and3A_2557 = arith.constant 127 : i32
      %and3A_2558 = vector.broadcast %and3A_2557 : i32 to vector<16xi32>
      %and3A_2559 = arith.andi %add3A_2550, %and3A_2558 : vector<16xi32>
      tpu.vector_store_idx %arg20[%shift_right_logical3A_2553, %and3A_2556, %and3A_2559], %mul3A_2545 : memref<4x8x128xf32, #tpu.memory_space<vmem>>[vector<16xi32>, vector<16xi32>, vector<16xi32>], vector<16xf32>,
      %add3A_2560 = arith.constant 112 : i32
      %add3A_2561 = vector.broadcast %add3A_2560 : i32 to vector<16xi32>
      %add3A_2562 = arith.addi %add3A_2561, %iota3A : vector<16xi32>
      %add3A_2563 = vector.broadcast %mul3A_1473 : i32 to vector<16xi32>
      %add3A_2564 = arith.addi %add3A_2563, %add3A_2562 : vector<16xi32>
      %gather3A_2565 = tpu.vector_load_idx %arg15[%add3A_2564] : memref<4096xi32, #tpu.memory_space<vmem>>[vector<16xi32>], vector<16xi32>,
      %gather3A_2566 = tpu.vector_load_idx %arg17[%add3A_2391, %add3A_2562, %gather3A_2565] : memref<7x128x8xf32, #tpu.memory_space<vmem>>[vector<16xi32>, vector<16xi32>, vector<16xi32>], vector<16xf32>,
      %mul3A_2567 = arith.constant 1.000000e+03 : f32
      %mul3A_2568 = vector.broadcast %mul3A_2567 : f32 to vector<16xf32>
      %mul3A_2569 = arith.mulf %gather3A_2566, %mul3A_2568 : vector<16xf32>
      %shift_right_logical3A_2570 = arith.constant 3 : i32
      %shift_right_logical3A_2571 = vector.broadcast %shift_right_logical3A_2570 : i32 to vector<16xi32>
      %shift_right_logical3A_2572 = arith.shrui %add3A_2562, %shift_right_logical3A_2571 : vector<16xi32>
      %add3A_2573 = vector.broadcast %mul3A_1471 : i32 to vector<16xi32>
      %add3A_2574 = arith.addi %shift_right_logical3A_2572, %add3A_2573 : vector<16xi32>
      %shift_right_logical3A_2575 = arith.constant 7 : i32
      %shift_right_logical3A_2576 = vector.broadcast %shift_right_logical3A_2575 : i32 to vector<16xi32>
      %shift_right_logical3A_2577 = arith.shrui %add3A_2574, %shift_right_logical3A_2576 : vector<16xi32>
      %and3A_2578 = arith.constant 7 : i32
      %and3A_2579 = vector.broadcast %and3A_2578 : i32 to vector<16xi32>
      %and3A_2580 = arith.andi %add3A_2562, %and3A_2579 : vector<16xi32>
      %and3A_2581 = arith.constant 127 : i32
      %and3A_2582 = vector.broadcast %and3A_2581 : i32 to vector<16xi32>
      %and3A_2583 = arith.andi %add3A_2574, %and3A_2582 : vector<16xi32>
      tpu.vector_store_idx %arg20[%shift_right_logical3A_2577, %and3A_2580, %and3A_2583], %mul3A_2569 : memref<4x8x128xf32, #tpu.memory_space<vmem>>[vector<16xi32>, vector<16xi32>, vector<16xi32>], vector<16xf32>,
    }
    %scan3A_103 = arith.constant 16 : i32
    %mul3A_104 = arith.constant 4 : i32
    %mul3A_105 = arith.muli %add3A, %mul3A_104 : i32
    %run_scoped3A = arith.constant 0 : i32
    %run_scoped3A_106 = arith.constant 0 : i32
    "tpu.region"() ({
      %run_scoped3A_117 = tpu.sem_alloc : memref<!tpu.dma_semaphore, #tpu.memory_space<semaphore_mem>>
      %dma_start3A_118 = arith.constant 0 : i32
      %dma_start3A_119 = arith.constant 0 : i32
      %dma_start3A_120 = arith.constant 0 : i32
      %dma_start3A_121 = tpu.memref_slice %arg18[%run_scoped3A, %dma_start3A_118, %dma_start3A_119, %dma_start3A_120] : memref<3x4x8x128xf32, #tpu.memory_space<vmem>> -> memref<1x4x8x128xf32, #tpu.memory_space<vmem>>
      %dma_start3A_122 = tpu.memref_squeeze %dma_start3A_121 : memref<1x4x8x128xf32, #tpu.memory_space<vmem>> -> memref<4x8x128xf32, #tpu.memory_space<vmem>>
      %dma_start3A_123 = arith.constant 0 : i32
      %dma_start3A_124 = arith.constant 0 : i32
      %dma_start3A_125 = tpu.memref_slice %arg10[%run_scoped3A_106, %mul3A_105, %dma_start3A_123, %dma_start3A_124] : memref<3x128x8x128xf32, #tpu.memory_space<hbm>> -> memref<1x4x8x128xf32, #tpu.memory_space<hbm>>
      %dma_start3A_126 = tpu.memref_squeeze %dma_start3A_125 : memref<1x4x8x128xf32, #tpu.memory_space<hbm>> -> memref<4x8x128xf32, #tpu.memory_space<hbm>>
      %dma_start3A_127 = arith.constant 0 : i32
      %dma_start3A_128 = arith.constant 0 : i32
      %dma_start3A_129 = tpu.memref_slice %arg10[%run_scoped3A_106, %mul3A_105, %dma_start3A_127, %dma_start3A_128] : memref<3x128x8x128xf32, #tpu.memory_space<hbm>> -> memref<1x4x8x128xf32, #tpu.memory_space<hbm>>
      %dma_start3A_130 = tpu.memref_squeeze %dma_start3A_129 : memref<1x4x8x128xf32, #tpu.memory_space<hbm>> -> memref<4x8x128xf32, #tpu.memory_space<hbm>>
      %dma_start3A_131 = arith.constant 0 : i32
      %dma_start3A_132 = arith.constant 0 : i32
      %dma_start3A_133 = arith.constant 0 : i32
      %dma_start3A_134 = tpu.memref_slice %arg18[%run_scoped3A, %dma_start3A_131, %dma_start3A_132, %dma_start3A_133] : memref<3x4x8x128xf32, #tpu.memory_space<vmem>> -> memref<1x4x8x128xf32, #tpu.memory_space<vmem>>
      %dma_start3A_135 = tpu.memref_squeeze %dma_start3A_134 : memref<1x4x8x128xf32, #tpu.memory_space<vmem>> -> memref<4x8x128xf32, #tpu.memory_space<vmem>>
      tpu.enqueue_dma source(%dma_start3A_135 : memref<4x8x128xf32, #tpu.memory_space<vmem>>) target(%dma_start3A_130 : memref<4x8x128xf32, #tpu.memory_space<hbm>>) target_semaphore(%run_scoped3A_117 : memref<!tpu.dma_semaphore, #tpu.memory_space<semaphore_mem>>)
      %dma_wait3A = arith.constant 0 : i32
      %dma_wait3A_136 = arith.constant 0 : i32
      %dma_wait3A_137 = arith.constant 0 : i32
      %dma_wait3A_138 = tpu.memref_slice %arg18[%run_scoped3A, %dma_wait3A, %dma_wait3A_136, %dma_wait3A_137] : memref<3x4x8x128xf32, #tpu.memory_space<vmem>> -> memref<1x4x8x128xf32, #tpu.memory_space<vmem>>
      %dma_wait3A_139 = tpu.memref_squeeze %dma_wait3A_138 : memref<1x4x8x128xf32, #tpu.memory_space<vmem>> -> memref<4x8x128xf32, #tpu.memory_space<vmem>>
      %dma_wait3A_140 = arith.constant 0 : i32
      %dma_wait3A_141 = arith.constant 0 : i32
      %dma_wait3A_142 = tpu.memref_slice %arg10[%run_scoped3A_106, %mul3A_105, %dma_wait3A_140, %dma_wait3A_141] : memref<3x128x8x128xf32, #tpu.memory_space<hbm>> -> memref<1x4x8x128xf32, #tpu.memory_space<hbm>>
      %dma_wait3A_143 = tpu.memref_squeeze %dma_wait3A_142 : memref<1x4x8x128xf32, #tpu.memory_space<hbm>> -> memref<4x8x128xf32, #tpu.memory_space<hbm>>
      %dma_wait3A_144 = arith.constant 0 : i32
      %dma_wait3A_145 = arith.constant 0 : i32
      %dma_wait3A_146 = tpu.memref_slice %arg10[%run_scoped3A_106, %mul3A_105, %dma_wait3A_144, %dma_wait3A_145] : memref<3x128x8x128xf32, #tpu.memory_space<hbm>> -> memref<1x4x8x128xf32, #tpu.memory_space<hbm>>
      %dma_wait3A_147 = tpu.memref_squeeze %dma_wait3A_146 : memref<1x4x8x128xf32, #tpu.memory_space<hbm>> -> memref<4x8x128xf32, #tpu.memory_space<hbm>>
      %dma_wait3A_148 = arith.constant 0 : i32
      %dma_wait3A_149 = arith.constant 0 : i32
      %dma_wait3A_150 = arith.constant 0 : i32
      %dma_wait3A_151 = tpu.memref_slice %arg18[%run_scoped3A, %dma_wait3A_148, %dma_wait3A_149, %dma_wait3A_150] : memref<3x4x8x128xf32, #tpu.memory_space<vmem>> -> memref<1x4x8x128xf32, #tpu.memory_space<vmem>>
      %dma_wait3A_152 = tpu.memref_squeeze %dma_wait3A_151 : memref<1x4x8x128xf32, #tpu.memory_space<vmem>> -> memref<4x8x128xf32, #tpu.memory_space<vmem>>
      tpu.wait_dma2 semaphore(%run_scoped3A_117 : memref<!tpu.dma_semaphore, #tpu.memory_space<semaphore_mem>>) src(%dma_wait3A_152 : memref<4x8x128xf32, #tpu.memory_space<vmem>>) dst(%dma_wait3A_147 : memref<4x8x128xf32, #tpu.memory_space<hbm>>)
      tpu.yield
    }) : () -> ()
    %run_scoped3A_107 = arith.constant 0 : i32
    %run_scoped3A_108 = arith.constant 0 : i32
    "tpu.region"() ({
      %run_scoped3A_117 = tpu.sem_alloc : memref<!tpu.dma_semaphore, #tpu.memory_space<semaphore_mem>>
      %dma_start3A_118 = arith.constant 0 : i32
      %dma_start3A_119 = arith.constant 0 : i32
      %dma_start3A_120 = arith.constant 0 : i32
      %dma_start3A_121 = tpu.memref_slice %arg19[%run_scoped3A_107, %dma_start3A_118, %dma_start3A_119, %dma_start3A_120] : memref<3x4x8x128xf32, #tpu.memory_space<vmem>> -> memref<1x4x8x128xf32, #tpu.memory_space<vmem>>
      %dma_start3A_122 = tpu.memref_squeeze %dma_start3A_121 : memref<1x4x8x128xf32, #tpu.memory_space<vmem>> -> memref<4x8x128xf32, #tpu.memory_space<vmem>>
      %dma_start3A_123 = arith.constant 0 : i32
      %dma_start3A_124 = arith.constant 0 : i32
      %dma_start3A_125 = tpu.memref_slice %arg11[%run_scoped3A_108, %mul3A_105, %dma_start3A_123, %dma_start3A_124] : memref<3x128x8x128xf32, #tpu.memory_space<hbm>> -> memref<1x4x8x128xf32, #tpu.memory_space<hbm>>
      %dma_start3A_126 = tpu.memref_squeeze %dma_start3A_125 : memref<1x4x8x128xf32, #tpu.memory_space<hbm>> -> memref<4x8x128xf32, #tpu.memory_space<hbm>>
      %dma_start3A_127 = arith.constant 0 : i32
      %dma_start3A_128 = arith.constant 0 : i32
      %dma_start3A_129 = tpu.memref_slice %arg11[%run_scoped3A_108, %mul3A_105, %dma_start3A_127, %dma_start3A_128] : memref<3x128x8x128xf32, #tpu.memory_space<hbm>> -> memref<1x4x8x128xf32, #tpu.memory_space<hbm>>
      %dma_start3A_130 = tpu.memref_squeeze %dma_start3A_129 : memref<1x4x8x128xf32, #tpu.memory_space<hbm>> -> memref<4x8x128xf32, #tpu.memory_space<hbm>>
      %dma_start3A_131 = arith.constant 0 : i32
      %dma_start3A_132 = arith.constant 0 : i32
      %dma_start3A_133 = arith.constant 0 : i32
      %dma_start3A_134 = tpu.memref_slice %arg19[%run_scoped3A_107, %dma_start3A_131, %dma_start3A_132, %dma_start3A_133] : memref<3x4x8x128xf32, #tpu.memory_space<vmem>> -> memref<1x4x8x128xf32, #tpu.memory_space<vmem>>
      %dma_start3A_135 = tpu.memref_squeeze %dma_start3A_134 : memref<1x4x8x128xf32, #tpu.memory_space<vmem>> -> memref<4x8x128xf32, #tpu.memory_space<vmem>>
      tpu.enqueue_dma source(%dma_start3A_135 : memref<4x8x128xf32, #tpu.memory_space<vmem>>) target(%dma_start3A_130 : memref<4x8x128xf32, #tpu.memory_space<hbm>>) target_semaphore(%run_scoped3A_117 : memref<!tpu.dma_semaphore, #tpu.memory_space<semaphore_mem>>)
      %dma_wait3A = arith.constant 0 : i32
      %dma_wait3A_136 = arith.constant 0 : i32
      %dma_wait3A_137 = arith.constant 0 : i32
      %dma_wait3A_138 = tpu.memref_slice %arg19[%run_scoped3A_107, %dma_wait3A, %dma_wait3A_136, %dma_wait3A_137] : memref<3x4x8x128xf32, #tpu.memory_space<vmem>> -> memref<1x4x8x128xf32, #tpu.memory_space<vmem>>
      %dma_wait3A_139 = tpu.memref_squeeze %dma_wait3A_138 : memref<1x4x8x128xf32, #tpu.memory_space<vmem>> -> memref<4x8x128xf32, #tpu.memory_space<vmem>>
      %dma_wait3A_140 = arith.constant 0 : i32
      %dma_wait3A_141 = arith.constant 0 : i32
      %dma_wait3A_142 = tpu.memref_slice %arg11[%run_scoped3A_108, %mul3A_105, %dma_wait3A_140, %dma_wait3A_141] : memref<3x128x8x128xf32, #tpu.memory_space<hbm>> -> memref<1x4x8x128xf32, #tpu.memory_space<hbm>>
      %dma_wait3A_143 = tpu.memref_squeeze %dma_wait3A_142 : memref<1x4x8x128xf32, #tpu.memory_space<hbm>> -> memref<4x8x128xf32, #tpu.memory_space<hbm>>
      %dma_wait3A_144 = arith.constant 0 : i32
      %dma_wait3A_145 = arith.constant 0 : i32
      %dma_wait3A_146 = tpu.memref_slice %arg11[%run_scoped3A_108, %mul3A_105, %dma_wait3A_144, %dma_wait3A_145] : memref<3x128x8x128xf32, #tpu.memory_space<hbm>> -> memref<1x4x8x128xf32, #tpu.memory_space<hbm>>
      %dma_wait3A_147 = tpu.memref_squeeze %dma_wait3A_146 : memref<1x4x8x128xf32, #tpu.memory_space<hbm>> -> memref<4x8x128xf32, #tpu.memory_space<hbm>>
      %dma_wait3A_148 = arith.constant 0 : i32
      %dma_wait3A_149 = arith.constant 0 : i32
      %dma_wait3A_150 = arith.constant 0 : i32
      %dma_wait3A_151 = tpu.memref_slice %arg19[%run_scoped3A_107, %dma_wait3A_148, %dma_wait3A_149, %dma_wait3A_150] : memref<3x4x8x128xf32, #tpu.memory_space<vmem>> -> memref<1x4x8x128xf32, #tpu.memory_space<vmem>>
      %dma_wait3A_152 = tpu.memref_squeeze %dma_wait3A_151 : memref<1x4x8x128xf32, #tpu.memory_space<vmem>> -> memref<4x8x128xf32, #tpu.memory_space<vmem>>
      tpu.wait_dma2 semaphore(%run_scoped3A_117 : memref<!tpu.dma_semaphore, #tpu.memory_space<semaphore_mem>>) src(%dma_wait3A_152 : memref<4x8x128xf32, #tpu.memory_space<vmem>>) dst(%dma_wait3A_147 : memref<4x8x128xf32, #tpu.memory_space<hbm>>)
      tpu.yield
    }) : () -> ()
    %run_scoped3A_109 = arith.constant 1 : i32
    %run_scoped3A_110 = arith.constant 1 : i32
    "tpu.region"() ({
      %run_scoped3A_117 = tpu.sem_alloc : memref<!tpu.dma_semaphore, #tpu.memory_space<semaphore_mem>>
      %dma_start3A_118 = arith.constant 0 : i32
      %dma_start3A_119 = arith.constant 0 : i32
      %dma_start3A_120 = arith.constant 0 : i32
      %dma_start3A_121 = tpu.memref_slice %arg18[%run_scoped3A_109, %dma_start3A_118, %dma_start3A_119, %dma_start3A_120] : memref<3x4x8x128xf32, #tpu.memory_space<vmem>> -> memref<1x4x8x128xf32, #tpu.memory_space<vmem>>
      %dma_start3A_122 = tpu.memref_squeeze %dma_start3A_121 : memref<1x4x8x128xf32, #tpu.memory_space<vmem>> -> memref<4x8x128xf32, #tpu.memory_space<vmem>>
      %dma_start3A_123 = arith.constant 0 : i32
      %dma_start3A_124 = arith.constant 0 : i32
      %dma_start3A_125 = tpu.memref_slice %arg10[%run_scoped3A_110, %mul3A_105, %dma_start3A_123, %dma_start3A_124] : memref<3x128x8x128xf32, #tpu.memory_space<hbm>> -> memref<1x4x8x128xf32, #tpu.memory_space<hbm>>
      %dma_start3A_126 = tpu.memref_squeeze %dma_start3A_125 : memref<1x4x8x128xf32, #tpu.memory_space<hbm>> -> memref<4x8x128xf32, #tpu.memory_space<hbm>>
      %dma_start3A_127 = arith.constant 0 : i32
      %dma_start3A_128 = arith.constant 0 : i32
      %dma_start3A_129 = tpu.memref_slice %arg10[%run_scoped3A_110, %mul3A_105, %dma_start3A_127, %dma_start3A_128] : memref<3x128x8x128xf32, #tpu.memory_space<hbm>> -> memref<1x4x8x128xf32, #tpu.memory_space<hbm>>
      %dma_start3A_130 = tpu.memref_squeeze %dma_start3A_129 : memref<1x4x8x128xf32, #tpu.memory_space<hbm>> -> memref<4x8x128xf32, #tpu.memory_space<hbm>>
      %dma_start3A_131 = arith.constant 0 : i32
      %dma_start3A_132 = arith.constant 0 : i32
      %dma_start3A_133 = arith.constant 0 : i32
      %dma_start3A_134 = tpu.memref_slice %arg18[%run_scoped3A_109, %dma_start3A_131, %dma_start3A_132, %dma_start3A_133] : memref<3x4x8x128xf32, #tpu.memory_space<vmem>> -> memref<1x4x8x128xf32, #tpu.memory_space<vmem>>
      %dma_start3A_135 = tpu.memref_squeeze %dma_start3A_134 : memref<1x4x8x128xf32, #tpu.memory_space<vmem>> -> memref<4x8x128xf32, #tpu.memory_space<vmem>>
      tpu.enqueue_dma source(%dma_start3A_135 : memref<4x8x128xf32, #tpu.memory_space<vmem>>) target(%dma_start3A_130 : memref<4x8x128xf32, #tpu.memory_space<hbm>>) target_semaphore(%run_scoped3A_117 : memref<!tpu.dma_semaphore, #tpu.memory_space<semaphore_mem>>)
      %dma_wait3A = arith.constant 0 : i32
      %dma_wait3A_136 = arith.constant 0 : i32
      %dma_wait3A_137 = arith.constant 0 : i32
      %dma_wait3A_138 = tpu.memref_slice %arg18[%run_scoped3A_109, %dma_wait3A, %dma_wait3A_136, %dma_wait3A_137] : memref<3x4x8x128xf32, #tpu.memory_space<vmem>> -> memref<1x4x8x128xf32, #tpu.memory_space<vmem>>
      %dma_wait3A_139 = tpu.memref_squeeze %dma_wait3A_138 : memref<1x4x8x128xf32, #tpu.memory_space<vmem>> -> memref<4x8x128xf32, #tpu.memory_space<vmem>>
      %dma_wait3A_140 = arith.constant 0 : i32
      %dma_wait3A_141 = arith.constant 0 : i32
      %dma_wait3A_142 = tpu.memref_slice %arg10[%run_scoped3A_110, %mul3A_105, %dma_wait3A_140, %dma_wait3A_141] : memref<3x128x8x128xf32, #tpu.memory_space<hbm>> -> memref<1x4x8x128xf32, #tpu.memory_space<hbm>>
      %dma_wait3A_143 = tpu.memref_squeeze %dma_wait3A_142 : memref<1x4x8x128xf32, #tpu.memory_space<hbm>> -> memref<4x8x128xf32, #tpu.memory_space<hbm>>
      %dma_wait3A_144 = arith.constant 0 : i32
      %dma_wait3A_145 = arith.constant 0 : i32
      %dma_wait3A_146 = tpu.memref_slice %arg10[%run_scoped3A_110, %mul3A_105, %dma_wait3A_144, %dma_wait3A_145] : memref<3x128x8x128xf32, #tpu.memory_space<hbm>> -> memref<1x4x8x128xf32, #tpu.memory_space<hbm>>
      %dma_wait3A_147 = tpu.memref_squeeze %dma_wait3A_146 : memref<1x4x8x128xf32, #tpu.memory_space<hbm>> -> memref<4x8x128xf32, #tpu.memory_space<hbm>>
      %dma_wait3A_148 = arith.constant 0 : i32
      %dma_wait3A_149 = arith.constant 0 : i32
      %dma_wait3A_150 = arith.constant 0 : i32
      %dma_wait3A_151 = tpu.memref_slice %arg18[%run_scoped3A_109, %dma_wait3A_148, %dma_wait3A_149, %dma_wait3A_150] : memref<3x4x8x128xf32, #tpu.memory_space<vmem>> -> memref<1x4x8x128xf32, #tpu.memory_space<vmem>>
      %dma_wait3A_152 = tpu.memref_squeeze %dma_wait3A_151 : memref<1x4x8x128xf32, #tpu.memory_space<vmem>> -> memref<4x8x128xf32, #tpu.memory_space<vmem>>
      tpu.wait_dma2 semaphore(%run_scoped3A_117 : memref<!tpu.dma_semaphore, #tpu.memory_space<semaphore_mem>>) src(%dma_wait3A_152 : memref<4x8x128xf32, #tpu.memory_space<vmem>>) dst(%dma_wait3A_147 : memref<4x8x128xf32, #tpu.memory_space<hbm>>)
      tpu.yield
    }) : () -> ()
    %run_scoped3A_111 = arith.constant 1 : i32
    %run_scoped3A_112 = arith.constant 1 : i32
    "tpu.region"() ({
      %run_scoped3A_117 = tpu.sem_alloc : memref<!tpu.dma_semaphore, #tpu.memory_space<semaphore_mem>>
      %dma_start3A_118 = arith.constant 0 : i32
      %dma_start3A_119 = arith.constant 0 : i32
      %dma_start3A_120 = arith.constant 0 : i32
      %dma_start3A_121 = tpu.memref_slice %arg19[%run_scoped3A_111, %dma_start3A_118, %dma_start3A_119, %dma_start3A_120] : memref<3x4x8x128xf32, #tpu.memory_space<vmem>> -> memref<1x4x8x128xf32, #tpu.memory_space<vmem>>
      %dma_start3A_122 = tpu.memref_squeeze %dma_start3A_121 : memref<1x4x8x128xf32, #tpu.memory_space<vmem>> -> memref<4x8x128xf32, #tpu.memory_space<vmem>>
      %dma_start3A_123 = arith.constant 0 : i32
      %dma_start3A_124 = arith.constant 0 : i32
      %dma_start3A_125 = tpu.memref_slice %arg11[%run_scoped3A_112, %mul3A_105, %dma_start3A_123, %dma_start3A_124] : memref<3x128x8x128xf32, #tpu.memory_space<hbm>> -> memref<1x4x8x128xf32, #tpu.memory_space<hbm>>
      %dma_start3A_126 = tpu.memref_squeeze %dma_start3A_125 : memref<1x4x8x128xf32, #tpu.memory_space<hbm>> -> memref<4x8x128xf32, #tpu.memory_space<hbm>>
      %dma_start3A_127 = arith.constant 0 : i32
      %dma_start3A_128 = arith.constant 0 : i32
      %dma_start3A_129 = tpu.memref_slice %arg11[%run_scoped3A_112, %mul3A_105, %dma_start3A_127, %dma_start3A_128] : memref<3x128x8x128xf32, #tpu.memory_space<hbm>> -> memref<1x4x8x128xf32, #tpu.memory_space<hbm>>
      %dma_start3A_130 = tpu.memref_squeeze %dma_start3A_129 : memref<1x4x8x128xf32, #tpu.memory_space<hbm>> -> memref<4x8x128xf32, #tpu.memory_space<hbm>>
      %dma_start3A_131 = arith.constant 0 : i32
      %dma_start3A_132 = arith.constant 0 : i32
      %dma_start3A_133 = arith.constant 0 : i32
      %dma_start3A_134 = tpu.memref_slice %arg19[%run_scoped3A_111, %dma_start3A_131, %dma_start3A_132, %dma_start3A_133] : memref<3x4x8x128xf32, #tpu.memory_space<vmem>> -> memref<1x4x8x128xf32, #tpu.memory_space<vmem>>
      %dma_start3A_135 = tpu.memref_squeeze %dma_start3A_134 : memref<1x4x8x128xf32, #tpu.memory_space<vmem>> -> memref<4x8x128xf32, #tpu.memory_space<vmem>>
      tpu.enqueue_dma source(%dma_start3A_135 : memref<4x8x128xf32, #tpu.memory_space<vmem>>) target(%dma_start3A_130 : memref<4x8x128xf32, #tpu.memory_space<hbm>>) target_semaphore(%run_scoped3A_117 : memref<!tpu.dma_semaphore, #tpu.memory_space<semaphore_mem>>)
      %dma_wait3A = arith.constant 0 : i32
      %dma_wait3A_136 = arith.constant 0 : i32
      %dma_wait3A_137 = arith.constant 0 : i32
      %dma_wait3A_138 = tpu.memref_slice %arg19[%run_scoped3A_111, %dma_wait3A, %dma_wait3A_136, %dma_wait3A_137] : memref<3x4x8x128xf32, #tpu.memory_space<vmem>> -> memref<1x4x8x128xf32, #tpu.memory_space<vmem>>
      %dma_wait3A_139 = tpu.memref_squeeze %dma_wait3A_138 : memref<1x4x8x128xf32, #tpu.memory_space<vmem>> -> memref<4x8x128xf32, #tpu.memory_space<vmem>>
      %dma_wait3A_140 = arith.constant 0 : i32
      %dma_wait3A_141 = arith.constant 0 : i32
      %dma_wait3A_142 = tpu.memref_slice %arg11[%run_scoped3A_112, %mul3A_105, %dma_wait3A_140, %dma_wait3A_141] : memref<3x128x8x128xf32, #tpu.memory_space<hbm>> -> memref<1x4x8x128xf32, #tpu.memory_space<hbm>>
      %dma_wait3A_143 = tpu.memref_squeeze %dma_wait3A_142 : memref<1x4x8x128xf32, #tpu.memory_space<hbm>> -> memref<4x8x128xf32, #tpu.memory_space<hbm>>
      %dma_wait3A_144 = arith.constant 0 : i32
      %dma_wait3A_145 = arith.constant 0 : i32
      %dma_wait3A_146 = tpu.memref_slice %arg11[%run_scoped3A_112, %mul3A_105, %dma_wait3A_144, %dma_wait3A_145] : memref<3x128x8x128xf32, #tpu.memory_space<hbm>> -> memref<1x4x8x128xf32, #tpu.memory_space<hbm>>
      %dma_wait3A_147 = tpu.memref_squeeze %dma_wait3A_146 : memref<1x4x8x128xf32, #tpu.memory_space<hbm>> -> memref<4x8x128xf32, #tpu.memory_space<hbm>>
      %dma_wait3A_148 = arith.constant 0 : i32
      %dma_wait3A_149 = arith.constant 0 : i32
      %dma_wait3A_150 = arith.constant 0 : i32
      %dma_wait3A_151 = tpu.memref_slice %arg19[%run_scoped3A_111, %dma_wait3A_148, %dma_wait3A_149, %dma_wait3A_150] : memref<3x4x8x128xf32, #tpu.memory_space<vmem>> -> memref<1x4x8x128xf32, #tpu.memory_space<vmem>>
      %dma_wait3A_152 = tpu.memref_squeeze %dma_wait3A_151 : memref<1x4x8x128xf32, #tpu.memory_space<vmem>> -> memref<4x8x128xf32, #tpu.memory_space<vmem>>
      tpu.wait_dma2 semaphore(%run_scoped3A_117 : memref<!tpu.dma_semaphore, #tpu.memory_space<semaphore_mem>>) src(%dma_wait3A_152 : memref<4x8x128xf32, #tpu.memory_space<vmem>>) dst(%dma_wait3A_147 : memref<4x8x128xf32, #tpu.memory_space<hbm>>)
      tpu.yield
    }) : () -> ()
    %run_scoped3A_113 = arith.constant 2 : i32
    %run_scoped3A_114 = arith.constant 2 : i32
    "tpu.region"() ({
      %run_scoped3A_117 = tpu.sem_alloc : memref<!tpu.dma_semaphore, #tpu.memory_space<semaphore_mem>>
      %dma_start3A_118 = arith.constant 0 : i32
      %dma_start3A_119 = arith.constant 0 : i32
      %dma_start3A_120 = arith.constant 0 : i32
      %dma_start3A_121 = tpu.memref_slice %arg18[%run_scoped3A_113, %dma_start3A_118, %dma_start3A_119, %dma_start3A_120] : memref<3x4x8x128xf32, #tpu.memory_space<vmem>> -> memref<1x4x8x128xf32, #tpu.memory_space<vmem>>
      %dma_start3A_122 = tpu.memref_squeeze %dma_start3A_121 : memref<1x4x8x128xf32, #tpu.memory_space<vmem>> -> memref<4x8x128xf32, #tpu.memory_space<vmem>>
      %dma_start3A_123 = arith.constant 0 : i32
      %dma_start3A_124 = arith.constant 0 : i32
      %dma_start3A_125 = tpu.memref_slice %arg10[%run_scoped3A_114, %mul3A_105, %dma_start3A_123, %dma_start3A_124] : memref<3x128x8x128xf32, #tpu.memory_space<hbm>> -> memref<1x4x8x128xf32, #tpu.memory_space<hbm>>
      %dma_start3A_126 = tpu.memref_squeeze %dma_start3A_125 : memref<1x4x8x128xf32, #tpu.memory_space<hbm>> -> memref<4x8x128xf32, #tpu.memory_space<hbm>>
      %dma_start3A_127 = arith.constant 0 : i32
      %dma_start3A_128 = arith.constant 0 : i32
      %dma_start3A_129 = tpu.memref_slice %arg10[%run_scoped3A_114, %mul3A_105, %dma_start3A_127, %dma_start3A_128] : memref<3x128x8x128xf32, #tpu.memory_space<hbm>> -> memref<1x4x8x128xf32, #tpu.memory_space<hbm>>
      %dma_start3A_130 = tpu.memref_squeeze %dma_start3A_129 : memref<1x4x8x128xf32, #tpu.memory_space<hbm>> -> memref<4x8x128xf32, #tpu.memory_space<hbm>>
      %dma_start3A_131 = arith.constant 0 : i32
      %dma_start3A_132 = arith.constant 0 : i32
      %dma_start3A_133 = arith.constant 0 : i32
      %dma_start3A_134 = tpu.memref_slice %arg18[%run_scoped3A_113, %dma_start3A_131, %dma_start3A_132, %dma_start3A_133] : memref<3x4x8x128xf32, #tpu.memory_space<vmem>> -> memref<1x4x8x128xf32, #tpu.memory_space<vmem>>
      %dma_start3A_135 = tpu.memref_squeeze %dma_start3A_134 : memref<1x4x8x128xf32, #tpu.memory_space<vmem>> -> memref<4x8x128xf32, #tpu.memory_space<vmem>>
      tpu.enqueue_dma source(%dma_start3A_135 : memref<4x8x128xf32, #tpu.memory_space<vmem>>) target(%dma_start3A_130 : memref<4x8x128xf32, #tpu.memory_space<hbm>>) target_semaphore(%run_scoped3A_117 : memref<!tpu.dma_semaphore, #tpu.memory_space<semaphore_mem>>)
      %dma_wait3A = arith.constant 0 : i32
      %dma_wait3A_136 = arith.constant 0 : i32
      %dma_wait3A_137 = arith.constant 0 : i32
      %dma_wait3A_138 = tpu.memref_slice %arg18[%run_scoped3A_113, %dma_wait3A, %dma_wait3A_136, %dma_wait3A_137] : memref<3x4x8x128xf32, #tpu.memory_space<vmem>> -> memref<1x4x8x128xf32, #tpu.memory_space<vmem>>
      %dma_wait3A_139 = tpu.memref_squeeze %dma_wait3A_138 : memref<1x4x8x128xf32, #tpu.memory_space<vmem>> -> memref<4x8x128xf32, #tpu.memory_space<vmem>>
      %dma_wait3A_140 = arith.constant 0 : i32
      %dma_wait3A_141 = arith.constant 0 : i32
      %dma_wait3A_142 = tpu.memref_slice %arg10[%run_scoped3A_114, %mul3A_105, %dma_wait3A_140, %dma_wait3A_141] : memref<3x128x8x128xf32, #tpu.memory_space<hbm>> -> memref<1x4x8x128xf32, #tpu.memory_space<hbm>>
      %dma_wait3A_143 = tpu.memref_squeeze %dma_wait3A_142 : memref<1x4x8x128xf32, #tpu.memory_space<hbm>> -> memref<4x8x128xf32, #tpu.memory_space<hbm>>
      %dma_wait3A_144 = arith.constant 0 : i32
      %dma_wait3A_145 = arith.constant 0 : i32
      %dma_wait3A_146 = tpu.memref_slice %arg10[%run_scoped3A_114, %mul3A_105, %dma_wait3A_144, %dma_wait3A_145] : memref<3x128x8x128xf32, #tpu.memory_space<hbm>> -> memref<1x4x8x128xf32, #tpu.memory_space<hbm>>
      %dma_wait3A_147 = tpu.memref_squeeze %dma_wait3A_146 : memref<1x4x8x128xf32, #tpu.memory_space<hbm>> -> memref<4x8x128xf32, #tpu.memory_space<hbm>>
      %dma_wait3A_148 = arith.constant 0 : i32
      %dma_wait3A_149 = arith.constant 0 : i32
      %dma_wait3A_150 = arith.constant 0 : i32
      %dma_wait3A_151 = tpu.memref_slice %arg18[%run_scoped3A_113, %dma_wait3A_148, %dma_wait3A_149, %dma_wait3A_150] : memref<3x4x8x128xf32, #tpu.memory_space<vmem>> -> memref<1x4x8x128xf32, #tpu.memory_space<vmem>>
      %dma_wait3A_152 = tpu.memref_squeeze %dma_wait3A_151 : memref<1x4x8x128xf32, #tpu.memory_space<vmem>> -> memref<4x8x128xf32, #tpu.memory_space<vmem>>
      tpu.wait_dma2 semaphore(%run_scoped3A_117 : memref<!tpu.dma_semaphore, #tpu.memory_space<semaphore_mem>>) src(%dma_wait3A_152 : memref<4x8x128xf32, #tpu.memory_space<vmem>>) dst(%dma_wait3A_147 : memref<4x8x128xf32, #tpu.memory_space<hbm>>)
      tpu.yield
    }) : () -> ()
    %run_scoped3A_115 = arith.constant 2 : i32
    %run_scoped3A_116 = arith.constant 2 : i32
    "tpu.region"() ({
      %run_scoped3A_117 = tpu.sem_alloc : memref<!tpu.dma_semaphore, #tpu.memory_space<semaphore_mem>>
      %dma_start3A_118 = arith.constant 0 : i32
      %dma_start3A_119 = arith.constant 0 : i32
      %dma_start3A_120 = arith.constant 0 : i32
      %dma_start3A_121 = tpu.memref_slice %arg19[%run_scoped3A_115, %dma_start3A_118, %dma_start3A_119, %dma_start3A_120] : memref<3x4x8x128xf32, #tpu.memory_space<vmem>> -> memref<1x4x8x128xf32, #tpu.memory_space<vmem>>
      %dma_start3A_122 = tpu.memref_squeeze %dma_start3A_121 : memref<1x4x8x128xf32, #tpu.memory_space<vmem>> -> memref<4x8x128xf32, #tpu.memory_space<vmem>>
      %dma_start3A_123 = arith.constant 0 : i32
      %dma_start3A_124 = arith.constant 0 : i32
      %dma_start3A_125 = tpu.memref_slice %arg11[%run_scoped3A_116, %mul3A_105, %dma_start3A_123, %dma_start3A_124] : memref<3x128x8x128xf32, #tpu.memory_space<hbm>> -> memref<1x4x8x128xf32, #tpu.memory_space<hbm>>
      %dma_start3A_126 = tpu.memref_squeeze %dma_start3A_125 : memref<1x4x8x128xf32, #tpu.memory_space<hbm>> -> memref<4x8x128xf32, #tpu.memory_space<hbm>>
      %dma_start3A_127 = arith.constant 0 : i32
      %dma_start3A_128 = arith.constant 0 : i32
      %dma_start3A_129 = tpu.memref_slice %arg11[%run_scoped3A_116, %mul3A_105, %dma_start3A_127, %dma_start3A_128] : memref<3x128x8x128xf32, #tpu.memory_space<hbm>> -> memref<1x4x8x128xf32, #tpu.memory_space<hbm>>
      %dma_start3A_130 = tpu.memref_squeeze %dma_start3A_129 : memref<1x4x8x128xf32, #tpu.memory_space<hbm>> -> memref<4x8x128xf32, #tpu.memory_space<hbm>>
      %dma_start3A_131 = arith.constant 0 : i32
      %dma_start3A_132 = arith.constant 0 : i32
      %dma_start3A_133 = arith.constant 0 : i32
      %dma_start3A_134 = tpu.memref_slice %arg19[%run_scoped3A_115, %dma_start3A_131, %dma_start3A_132, %dma_start3A_133] : memref<3x4x8x128xf32, #tpu.memory_space<vmem>> -> memref<1x4x8x128xf32, #tpu.memory_space<vmem>>
      %dma_start3A_135 = tpu.memref_squeeze %dma_start3A_134 : memref<1x4x8x128xf32, #tpu.memory_space<vmem>> -> memref<4x8x128xf32, #tpu.memory_space<vmem>>
      tpu.enqueue_dma source(%dma_start3A_135 : memref<4x8x128xf32, #tpu.memory_space<vmem>>) target(%dma_start3A_130 : memref<4x8x128xf32, #tpu.memory_space<hbm>>) target_semaphore(%run_scoped3A_117 : memref<!tpu.dma_semaphore, #tpu.memory_space<semaphore_mem>>)
      %dma_wait3A = arith.constant 0 : i32
      %dma_wait3A_136 = arith.constant 0 : i32
      %dma_wait3A_137 = arith.constant 0 : i32
      %dma_wait3A_138 = tpu.memref_slice %arg19[%run_scoped3A_115, %dma_wait3A, %dma_wait3A_136, %dma_wait3A_137] : memref<3x4x8x128xf32, #tpu.memory_space<vmem>> -> memref<1x4x8x128xf32, #tpu.memory_space<vmem>>
      %dma_wait3A_139 = tpu.memref_squeeze %dma_wait3A_138 : memref<1x4x8x128xf32, #tpu.memory_space<vmem>> -> memref<4x8x128xf32, #tpu.memory_space<vmem>>
      %dma_wait3A_140 = arith.constant 0 : i32
      %dma_wait3A_141 = arith.constant 0 : i32
      %dma_wait3A_142 = tpu.memref_slice %arg11[%run_scoped3A_116, %mul3A_105, %dma_wait3A_140, %dma_wait3A_141] : memref<3x128x8x128xf32, #tpu.memory_space<hbm>> -> memref<1x4x8x128xf32, #tpu.memory_space<hbm>>
      %dma_wait3A_143 = tpu.memref_squeeze %dma_wait3A_142 : memref<1x4x8x128xf32, #tpu.memory_space<hbm>> -> memref<4x8x128xf32, #tpu.memory_space<hbm>>
      %dma_wait3A_144 = arith.constant 0 : i32
      %dma_wait3A_145 = arith.constant 0 : i32
      %dma_wait3A_146 = tpu.memref_slice %arg11[%run_scoped3A_116, %mul3A_105, %dma_wait3A_144, %dma_wait3A_145] : memref<3x128x8x128xf32, #tpu.memory_space<hbm>> -> memref<1x4x8x128xf32, #tpu.memory_space<hbm>>
      %dma_wait3A_147 = tpu.memref_squeeze %dma_wait3A_146 : memref<1x4x8x128xf32, #tpu.memory_space<hbm>> -> memref<4x8x128xf32, #tpu.memory_space<hbm>>
      %dma_wait3A_148 = arith.constant 0 : i32
      %dma_wait3A_149 = arith.constant 0 : i32
      %dma_wait3A_150 = arith.constant 0 : i32
      %dma_wait3A_151 = tpu.memref_slice %arg19[%run_scoped3A_115, %dma_wait3A_148, %dma_wait3A_149, %dma_wait3A_150] : memref<3x4x8x128xf32, #tpu.memory_space<vmem>> -> memref<1x4x8x128xf32, #tpu.memory_space<vmem>>
      %dma_wait3A_152 = tpu.memref_squeeze %dma_wait3A_151 : memref<1x4x8x128xf32, #tpu.memory_space<vmem>> -> memref<4x8x128xf32, #tpu.memory_space<vmem>>
      tpu.wait_dma2 semaphore(%run_scoped3A_117 : memref<!tpu.dma_semaphore, #tpu.memory_space<semaphore_mem>>) src(%dma_wait3A_152 : memref<4x8x128xf32, #tpu.memory_space<vmem>>) dst(%dma_wait3A_147 : memref<4x8x128xf32, #tpu.memory_space<hbm>>)
      tpu.yield
    }) : () -> ()
    "tpu.region"() ({
      %run_scoped3A_117 = tpu.sem_alloc : memref<!tpu.dma_semaphore, #tpu.memory_space<semaphore_mem>>
      %dma_start3A_118 = arith.constant 0 : i32
      %dma_start3A_119 = arith.constant 0 : i32
      %dma_start3A_120 = tpu.memref_slice %arg12[%mul3A_105, %dma_start3A_118, %dma_start3A_119] : memref<128x8x128xf32, #tpu.memory_space<hbm>> -> memref<4x8x128xf32, #tpu.memory_space<hbm>>
      %dma_start3A_121 = arith.constant 0 : i32
      %dma_start3A_122 = arith.constant 0 : i32
      %dma_start3A_123 = tpu.memref_slice %arg12[%mul3A_105, %dma_start3A_121, %dma_start3A_122] : memref<128x8x128xf32, #tpu.memory_space<hbm>> -> memref<4x8x128xf32, #tpu.memory_space<hbm>>
      tpu.enqueue_dma source(%arg20 : memref<4x8x128xf32, #tpu.memory_space<vmem>>) target(%dma_start3A_123 : memref<4x8x128xf32, #tpu.memory_space<hbm>>) target_semaphore(%run_scoped3A_117 : memref<!tpu.dma_semaphore, #tpu.memory_space<semaphore_mem>>)
      %dma_wait3A = arith.constant 0 : i32
      %dma_wait3A_124 = arith.constant 0 : i32
      %dma_wait3A_125 = tpu.memref_slice %arg12[%mul3A_105, %dma_wait3A, %dma_wait3A_124] : memref<128x8x128xf32, #tpu.memory_space<hbm>> -> memref<4x8x128xf32, #tpu.memory_space<hbm>>
      %dma_wait3A_126 = arith.constant 0 : i32
      %dma_wait3A_127 = arith.constant 0 : i32
      %dma_wait3A_128 = tpu.memref_slice %arg12[%mul3A_105, %dma_wait3A_126, %dma_wait3A_127] : memref<128x8x128xf32, #tpu.memory_space<hbm>> -> memref<4x8x128xf32, #tpu.memory_space<hbm>>
      tpu.wait_dma2 semaphore(%run_scoped3A_117 : memref<!tpu.dma_semaphore, #tpu.memory_space<semaphore_mem>>) src(%arg20 : memref<4x8x128xf32, #tpu.memory_space<vmem>>) dst(%dma_wait3A_128 : memref<4x8x128xf32, #tpu.memory_space<hbm>>)
      tpu.yield
    }) : () -> ()
    return
  }
}

</mosaic_0001>

<sc_bundles>
// kernel: _sc_call.3.cloned.1.call-start
scs
__scs_entry_jumppad:
0x0: {  	(pc) =	sbr.rel $0x88, $3  }
0x1: {  	(tag) =	ssettag $0x0;
	lr =	simm.s32 $0x1  }
0x2: {  	[smem:$0x3F9F] =	sst lr;
	_ =	strace $0xD0000000  }
0x3: {  	_ = 	snop  }
0x4: {  	_ = 	snop  }
0x5: {  	_ = 	snop  }
0x6: {  	_ = 	snop  }
0x7: {  	_ = 	snop  }
__scs_overlays_trampoline_lowered:
0x8: {  	[smem:$0x3FAE] =	sst s0  }
0x9: {  	[smem:$0x3FAF] =	sst s1  }
0xa: {  	[smem:$0x3FB0] =	sst s2  }
0xb: {  	[smem:$0x3FB1] =	sst s3  }
0xc: {  	[smem:$0x3FB2] =	sst s4  }
0xd: {  	[smem:$0x3FB3] =	sst s5  }
0xe: {  	[smem:$0x3FB4] =	sst s6  }
0xf: {  	[smem:$0x3FB5] =	sst s7  }
0x10: {  	[smem:$0x3FB6] =	sst s8  }
0x11: {  	[smem:$0x3FB7] =	sst s9;
	s0 =	simm.s32 @!p0 $0x0  }
0x12: {  	s1 =	sld [smem:$0x3F9D];
	s0 =	simm.s32 @p0 $0x1  }
0x13: {  	[smem:$0x3FB8] =	sst s0;
	s0 =	simm.s32 @!p1 $0x0  }
0x14: {  	s2 =	sld [smem:$0x3F9C];
	s0 =	simm.s32 @p1 $0x1  }
0x15: {  	[smem:$0x3FB9] =	sst s0;
	s0 =	simm.s32 @!p2 $0x0  }
0x16: {  	s3 =	sld [smem:$0x3FDB];
	s0 =	simm.s32 @p2 $0x1  }
0x17: {  	s4 =	simm.s32 $0x1BF5;
	[smem:$0x3FBB] =	sst s0  }
0x18: {  	s0 =	sld [smem:$0x3F9E];
	_ =	swait.ge [sflag:s4], $0x0  }
0x19: {  	s7 =	sld [smem:$0x3F9F]  }
0x1a: {  	s8 =	sadd.s32 $0xFFFFE003, lr  }
0x1b: {  	s9 =	sadd.s32 $0xFFFFFEF7, lr;
	s5 =	simm.s32 $0xFFFFFFFF;
	p2 =	slt.u32 s8, $0xFFFFF086  }
0x1c: {  	p1 =	slt.u32 s9, $0xF7A;
	s5 =	simm.s32 @!p2 $0x0  }
0x1d: {  	s5 =	simm.s32 @p1 $0x1;
	p0 =	seq.s32 s7, s2  }
0x1e: {  	s7 =	smul.u32 @!p0 $0xF7A, s2;
	p2 =	seq.s32 @!p0 s5, $0x0  }
0x1f: {  	s9 =	smul.u32 $0xF7A, s1;
	s8 =	simm.s32 @!p0 $0x1BF5;
	p2 =	por !p2, p0  }
0x20: {  	[sflag:s8] =	ssyncset.s32 @!p0 $0xFFFFF086;
	s6 =	sadd.s32 @!p0 s3, s7;
	s7 =	simm.s32 @!p0 $0x108  }
0x21: {  	s3 =	sadd.s32 s3, s9;
	s6 =	sadd.s32 @!p0 $0x88, s6;
	s7 =	simm.s32 @p2 $0x1082  }
0x22: {  	[simem:s7], [sflag:s8] =	dma.local @!p0 [hbm:s6], $0xF7A  }
0x23: {  	s9 =	sor.u32 $0xD0000000, s2;
	s6 =	simm.s32 $0x108;
	_ =	swait.ge @!p0 [sflag:s8], $0x0  }
0x24: {  	s3 =	sadd.s32 $0x88, s3;
	s6 =	simm.s32 @!p1 $0x1082;
	[sflag:s4] =	ssyncset.s32 $0xFFFFF086  }
0x25: {  	[simem:s6], [sflag:s4] =	dma.local [hbm:s3], $0xF7A  }
0x26: {  	[smem:$0x3F9F] =	sst s1;
	(tag) =	ssettag s2;
	_ =	strace s9  }
0x27: {  	s1 =	sld [smem:$0x3FAF]  }
0x28: {  	s2 =	sld [smem:$0x3FB0]  }
0x29: {  	s4 =	sld [smem:$0x3FB2]  }
0x2a: {  	p0 =	seq.s32 s5, $0x0;
	s5 =	sld [smem:$0x3FB3]  }
0x2b: {  	s6 =	sld [smem:$0x3FB4]  }
0x2c: {  	s7 =	sld [smem:$0x3FB5]  }
0x2d: {  	s3 =	simm.s32 $0x108;
	s8 =	sld [smem:$0x3FB6]  }
0x2e: {  	s3 =	simm.s32 @!p0 $0x1082;
	s9 =	sld [smem:$0x3FB7]  }
0x2f: {  	lr =	sadd.s32 s0, s3;
	s0 =	sld [smem:$0x3FAE]  }
0x30: {  	s3 =	sld [smem:$0x3FB1]  }
0x31: {  	[smem:$0x3FBA] =	sst s10  }
0x32: {  	s10 =	sld [smem:$0x3FB8];
	_ =	sdelay $0x3  }
0x33: {  	p0 =	seq.s32 s10, $0x1;
	s10 =	sld [smem:$0x3FBA];
	_ =	sdelay $0x3  }
0x34: {  	[smem:$0x3FBA] =	sst s10  }
0x35: {  	s10 =	sld [smem:$0x3FB9];
	_ =	sdelay $0x3  }
0x36: {  	p1 =	seq.s32 s10, $0x1;
	s10 =	sld [smem:$0x3FBA];
	_ =	sdelay $0x3  }
0x37: {  	[smem:$0x3FBA] =	sst s10  }
0x38: {  	s10 =	sld [smem:$0x3FBB]  }
0x39: {  	_ = 	snop;
	(pc) =	sbr.ind lr, $3  }
0x3a: {  	_ = 	snop  }
0x3b: {  	_ = 	snop  }
0x3c: {  	p2 =	seq.s32 s10, $0x1;
	s10 =	sld [smem:$0x3FBA]  }
0x3d: {  	_ =	shalt  }
0x3e: {  	_ =	shalt  }
0x3f: {  	_ =	shalt  }
0x40: {  	_ =	shalt  }
0x41: {  	_ =	shalt  }
0x42: {  	_ =	shalt  }
0x43: {  	_ =	shalt  }
0x44: {  	_ =	shalt  }
0x45: {  	_ =	shalt  }
0x46: {  	_ =	shalt  }
0x47: {  	_ =	shalt  }
0x48: {  	_ =	shalt  }
0x49: {  	_ =	shalt  }
0x4a: {  	_ =	shalt  }
0x4b: {  	_ =	shalt  }
0x4c: {  	_ =	shalt  }
0x4d: {  	_ =	shalt  }
0x4e: {  	_ =	shalt  }
0x4f: {  	_ =	shalt  }
0x50: {  	_ =	shalt  }
0x51: {  	_ =	shalt  }
0x52: {  	_ =	shalt  }
0x53: {  	_ =	shalt  }
0x54: {  	_ =	shalt  }
0x55: {  	_ =	shalt  }
0x56: {  	_ =	shalt  }
0x57: {  	_ =	shalt  }
0x58: {  	_ =	shalt  }
0x59: {  	_ =	shalt  }
0x5a: {  	_ =	shalt  }
0x5b: {  	_ =	shalt  }
0x5c: {  	_ =	shalt  }
0x5d: {  	_ =	shalt  }
0x5e: {  	_ =	shalt  }
0x5f: {  	_ =	shalt  }
0x60: {  	_ =	shalt  }
0x61: {  	_ =	shalt  }
0x62: {  	_ =	shalt  }
0x63: {  	_ =	shalt  }
0x64: {  	_ =	shalt  }
0x65: {  	_ =	shalt  }
0x66: {  	_ =	shalt  }
0x67: {  	_ =	shalt  }
0x68: {  	_ =	shalt  }
0x69: {  	_ =	shalt  }
0x6a: {  	_ =	shalt  }
0x6b: {  	_ =	shalt  }
0x6c: {  	_ =	shalt  }
0x6d: {  	_ =	shalt  }
0x6e: {  	_ =	shalt  }
0x6f: {  	_ =	shalt  }
0x70: {  	_ =	shalt  }
0x71: {  	_ =	shalt  }
0x72: {  	_ =	shalt  }
0x73: {  	_ =	shalt  }
0x74: {  	_ =	shalt  }
0x75: {  	_ =	shalt  }
0x76: {  	_ =	shalt  }
0x77: {  	_ =	shalt  }
0x78: {  	_ =	shalt  }
0x79: {  	_ =	shalt  }
0x7a: {  	_ =	shalt  }
0x7b: {  	_ =	shalt  }
0x7c: {  	_ =	shalt  }
0x7d: {  	_ =	shalt  }
0x7e: {  	_ =	shalt  }
0x7f: {  	_ =	shalt  }
0x80: {  	_ =	shalt  }
0x81: {  	_ =	shalt  }
0x82: {  	_ =	shalt  }
0x83: {  	_ =	shalt  }
0x84: {  	_ =	shalt  }
0x85: {  	_ =	shalt  }
0x86: {  	_ =	shalt  }
0x87: {  	_ =	shalt  }
.Lfunc_end0:
.L_simem_size_0:
called_computation_lowered:
.L_overlay_start_0:
0x88: {  	s2 =	sld [smem:$0x3FD9]  }
0x89: {  	s3 =	sld [smem:$0x3FFE];
	_ =	sdelay $0x1  }
0x8a: {  	s1 =	srdreg.scid  }
0x8b: {  	s0 =	sand.u32 $0x1, s1  }
0x8c: {  	s14 =	sshll.u32 s0, $0xA;
	s2 =	sadd.s32 s3, s2  }
0x8d: {  	s2 =	sadd.s32 s2, s14  }
0x8e: {  	[smem:$0x3FC6] =	sst s2  }
0x8f: {  	_ = 	snop  }
0x90: {  	s2 =	sld [smem:$0x3FD0];
	_ =	sdelay $0x2  }
0x91: {  	s4 =	simm.s32 $0xA;
	s5 =	simm.s32 $0x10;
	s15 =	sld [smem:$0x3FC9]  }
0x92: {  	[smem:s5], [sflag:s4] =	dma.local [hbm:s2], $0x1  }
0x93: {  	_ =	swait.eq [sflag:s4], $0x1  }
0x94: {  	s16 =	sld [smem:$0x10];
	[sflag:s4] =	ssyncset.done $0x0  }
0x95: {  	s17 =	sld [smem:$0x11];
	[sflag:s4] =	ssyncadd.s32 $0xFFFFFFFF  }
0x96: {  	s18 =	sld [smem:$0x12];
	(tm) =	ssettm $0x1  }
0x97: {  	s6 =	sld [smem:$0x3FFB];
	_ =	sdelay $0x3  }
0x98: {  	_ =	strace s6  }
0x99: {  	s6 =	sld [smem:$0x3FFC];
	_ =	sdelay $0x3  }
0x9a: {  	_ =	strace s6  }
0x9b: {  	s6 =	sld [smem:$0x3FFD];
	_ =	sdelay $0x3  }
0x9c: {  	_ =	strace s6  }
0x9d: {  	_ =	strace $0x8FFFFFFF  }
0x9e: {  	s19 =	sld [smem:$0x3FDB];
	_ =	sdelay $0x1  }
0x9f: {  	s7 =	simm.s32 $_scs_section_size  }
0xa0: {  	s8 =	simm.s32 $_size__tile_overlayer_lowered;
	s9 =	simm.s32 $_tile_overlayer_lowered  }
0xa1: {  	s22 =	simm.s32 $0x1BFF;
	s21 =	sshll.u32 s9, $0x1;
	s6 =	sadd.s32 s7, s19  }
0xa2: {  	s10 =	simm.s32 $0x0;
	s20 =	sshll.u32 s8, $0x1;
	s8 =	sadd.s32 s21, s6  }
0xa3: {  	[timem:s10], [sflag:s22] =	dma.local [hbm:s8], s20  }
0xa4: {  	_ =	swait.ge [sflag:s22], s20  }
0xa5: {  	s7 =	ssub.s32 $0x0, s20;
	[sflag:s22] =	ssyncset.done $0x0  }
0xa6: {  	[sflag:s22] =	ssyncadd.s32 s7;
	_ =	sdelay $0x1  }
0xa7: {  	s23 =	simm.s32 $0x1B8B  }
0xa8: {  	_ =	swait.ge [sflag:s23], $0x1  }
0xa9: {  	[sflag:s23] =	ssyncset.done $0x0  }
0xaa: {  	s25 =	simm.s32 $0x1B8E;
	s24 =	sld [smem:$0x3FFE];
	[sflag:s23] =	ssyncadd.s32 $0xFFFFFFFF  }
0xab: {  	s26 =	simm.s32 $execute0_lowered;
	[smem:$0x3FD2] =	sst s25  }
0xac: {  	s8 =	sshll.u32 s26, $0x1;
	_ =	strace $0x80000046;
	[dreg:$0x1] =	wrdreg $0xFFFFFFFF  }
0xad: {  	s28 =	simm.s32 $_size_execute0_lowered;
	s6 =	sadd.s32 s6, s8;
	[dreg:$0x0] =	wrdreg $0x0  }
0xae: {  	s8 =	sshll.u32 s28, $0x1;
	[dreg:$0x2] =	wrdreg s6  }
0xaf: {  	[dreg:$0x3] =	wrdreg s8  }
0xb0: {  	[dreg:$0x4] =	wrdreg $0xC0  }
0xb1: {  	_ =	task [dreg:s10], $0x5FFFF  }
0xb2: {  	[dreg:$0x1] =	wrdreg $0xFFFFFFFF  }
0xb3: {  	[dreg:$0x0] =	wrdreg $0x60  }
0xb4: {  	[dreg:$0x2] =	wrdreg s15  }
0xb5: {  	[dreg:$0x3] =	wrdreg s24  }
0xb6: {  	[dreg:$0x4] =	wrdreg s16  }
0xb7: {  	[dreg:$0x5] =	wrdreg s17  }
0xb8: {  	[dreg:$0x6] =	wrdreg s18  }
0xb9: {  	[dreg:$0x7] =	wrdreg $0x9  }
0xba: {  	_ =	task.clear_ibuf [dreg:s10], $0x8FFFF;
	_ =	strace $0x90000046  }
0xbb: {  	s29 =	simm.s32 $0x9;
	_ =	strace $0x80000048  }
0xbc: {  	_ =	swait.ge [sflag:s29], $0x1  }
0xbd: {  	[sflag:s29] =	ssyncadd.s32 $0xFFFFFFFF  }
0xbe: {  	_ =	strace $0x90000048  }
0xbf: {  	_ =	sfence  }
0xc0: {  	s30 =	sld [smem:$0x0];
	_ =	sdelay $0x2  }
0xc1: {  	s31 =	sshll.u32 s1, $0xD;
	s1 =	sshrl.u32 s1, $0x2  }
0xc2: {  	s3 =	sand.u32 $0x4000, s31;
	s1 =	sadd.s32 s1, s30  }
0xc3: {  	s0 =	sor.u32 s3, s0;
	s1 =	sshll.u32 s1, $0x11  }
0xc4: {  	s0 =	sor.u32 s1, s0  }
0xc5: {  	s0 =	sadd.s32 $0x8F2B, s0  }
0xc6: {  	[sflag:s0] =	ssyncadd.remote.s32 $0x1  }
0xc7: {  	_ =	sfence.sel $0xFFFF  }
0xc8: {  	[dreg:$0x0] =	wrdreg $0xFFFFFFFF;
	(pc) =	sbr.abs _section_cstart, $3  }
0xc9: {  	[dreg:$0x1] =	wrdreg $0xFFFFFFFF  }
0xca: {  	_ =	task.clear_ibuf [dreg:s10], $0x2FFFF;
	_ =	strace $0x9FFFFFFF  }
0xcb: {  	(tm) =	ssettm $0x7FFFFFFF  }
tec
execute0_lowered:
.L_overlay_start_1:
0x0: {  	(tag) =	ssettag $0x1  }
0x1: {  	v0 =	vimm.s32 $0xFEA540;
	vm5 =	vcmask $0x300  }
0x2: {  	v2 =	vimm.s32 $0x77766655;
	vm0 =	vcmask $0x2F00;
	v3 =	vimm.s32 $0x28  }
0x3: {  	vm4 =	vcmask $0x3B30;
	vm3 =	vcmask $0x704;
	vm9 =	vcmask $0xB08  }
0x4: {  	vm1 =	vcmask $0x1F00;
	v6 =	vimm.s32 $0x12121111;
	vm2 =	vcmask $0xF00  }
0x5: {  	v7 =	vimm.s32 $0x13131312;
	vm6 =	vcmask $0x1F10;
	vm10 =	vcmask $0x2F20  }
0x6: {  	v9 =	vimm.s32 $0x33333332;
	v10 =	vimm.s32 $0x42424141;
	v11 =	vimm.s32 $0x43434342  }
0x7: {  	v12 =	vimm.s32 $0x71707070;
	v13 =	vimm.s32 $0x72727171;
	v14 =	vimm.s32 $0x63636362  }
0x8: {  	v15 =	vimm.s32 $0x73737372;
	vm11 =	vcmask $0x3730;
	vm12 =	vcmask $0xF0C  }
0x9: {  	vm13 =	vcmask $0x1310;
	v16 =	vimm.s32 $0x6D6C6C6C;
	v17 =	vimm.s32 $0x7D7C7C7C  }
0xa: {  	v20 =	vimm.s32 $0xCA8;
	v21 =	vimm.s32 $0x4D0;
	v22 =	vimm.s32 $0x10D0  }
0xb: {  	v23 =	vimm.s32 $0x8F8;
	v24 =	vimm.s32 $0x2383;
	v25 =	vimm.s32 $0x14F8  }
0xc: {  	v26 =	vimm.s32 $0x128;
	v27 =	vimm.s32 $0x284;
	v28 =	vimm.s32 $0xD28  }
0xd: {  	v29 =	vimm.s32 $0x550;
	v30 =	vimm.s32 $0x1150;
	v31 =	vimm.s32 $0x978  }
0xe: {  	v32 =	vimm.s32 $0x2385;
	v33 =	vimm.s32 $0x1578;
	v34 =	vimm.s32 $0x1A8  }
0xf: {  	v35 =	vimm.s32 $0x286;
	v36 =	vimm.s32 $0xDA8;
	v37 =	vimm.s32 $0x5D0  }
0x10: {  	v38 =	vimm.s32 $0x11D0;
	v39 =	vimm.s32 $0x9F8;
	v40 =	vimm.s32 $0x2387  }
0x11: {  	v41 =	vimm.s32 $0x15F8;
	v42 =	vimm.s32 $0x228;
	v43 =	vimm.s32 $0x288  }
0x12: {  	v44 =	vimm.s32 $0xE28;
	v45 =	vimm.s32 $0x650;
	v0 =	vunpack.c.l.s2.s4 v0  }
0x13: {  	v46 =	vimm.s32 $0x1250;
	v47 =	vimm.s32 $0xA78;
	v48 =	vimm.s32 $0x2389  }
0x14: {  	v49 =	vimm.s32 $0x1678;
	v50 =	vimm.s32 $0x2A8;
	v0 =	vunpack.c.l.s4.s8 v0  }
0x15: {  	v51 =	vimm.s32 $0x28A;
	v52 =	vimm.s32 $0xEA8;
	v53 =	vimm.s32 $0x6D0  }
0x16: {  	v54 =	vimm.s32 $0x12D0;
	v55 =	vimm.s32 $0xAF8;
	v1 =	vunpack.c.0.s8.s32 v0  }
0x17: {  	v56 =	vimm.s32 $0x238B;
	v57 =	vimm.s32 $0x16F8;
	v2 =	vunpack.c.l.s4.s8 v2  }
0x18: {  	v58 =	vimm.s32 $0x328;
	v59 =	vimm.s32 $0x28C;
	v1 =	vand.u32 $0x3, v1  }
0x19: {  	v4 =	vunpack.c.0.s8.s32 v2;
	v2 =	vimm.s32 $0xDCCCBBBA;
	v1 =	vnsel vm0, $0x5, v1  }
0x1a: {  	v60 =	vimm.s32 $0xF28;
	v5 =	vunpack.c.l.s4.s8 v2;
	v1 =	vsel vm4, $0x4, v1  }
0x1b: {  	v61 =	vimm.s32 $0x750;
	v3 =	vsel vm5, $0x0, v3;
	[tilespmem:$0x1F5C0] =	vst v1;
	v1 =	vand.u32 $0xF, v4  }
0x1c: {  	v4 =	vunpack.c.0.s8.s32 v5;
	v5 =	vnsel vm1, $0xA, v1;
	v1 =	vimm.s32 $0x11101010  }
0x1d: {  	v62 =	vimm.s32 $0x1350;
	v3 =	vsel vm3, $0x400, v3;
	v1 =	vunpack.c.0.s8.s32 v1  }
0x1e: {  	v6 =	vunpack.c.0.s8.s32 v6;
	v7 =	vunpack.c.0.s8.s32 v7;
	v2 =	vsel vm9, $0x800, v3  }
0x1f: {  	v3 =	vimm.s32 $0x9080808;
	v4 =	vand.u32 $0xF, v4;
	v8 =	vnsel vm2, $0x15, v1  }
0x20: {  	v3 =	vunpack.c.0.s8.s32 v3;
	v1 =	vnsel vm1, $0xF, v4;
	v4 =	vsel vm6, v6, v8  }
0x21: {  	v63 =	vimm.s32 $0xB78;
	v9 =	vunpack.c.0.s8.s32 v9;
	v4 =	vsel vm10, v7, v4  }
0x22: {  	v3 =	vsel vm10, v3, v5;
	v5 =	vimm.s32 $0x16161515;
	v4 =	vsel vm4, $0x14, v4  }
0x23: {  	v10 =	vunpack.c.0.s8.s32 v10;
	[tilespmem:$0x1F5D0] =	vst v4;
	v4 =	vunpack.c.0.s8.s32 v5;
	v5 =	vimm.s32 $0x21202020  }
0x24: {  	v12 =	vunpack.c.0.s8.s32 v12;
	v7 =	vimm.s32 $0x22222121;
	v5 =	vunpack.c.0.s8.s32 v5  }
0x25: {  	v13 =	vunpack.c.0.s8.s32 v13;
	v8 =	vimm.s32 $0x23232322;
	v7 =	vunpack.c.0.s8.s32 v7  }
0x26: {  	v6 =	vimm.s32 $0x17171716;
	v8 =	vunpack.c.0.s8.s32 v8;
	v5 =	vnsel vm2, $0x25, v5  }
0x27: {  	v14 =	vunpack.c.0.s8.s32 v14;
	v6 =	vunpack.c.0.s8.s32 v6;
	v5 =	vsel vm6, v7, v5  }
0x28: {  	v15 =	vunpack.c.0.s8.s32 v15;
	v4 =	vnsel vm2, $0x1A, v4;
	v5 =	vsel vm10, v8, v5  }
0x29: {  	v4 =	vsel vm6, v6, v4;
	v6 =	vimm.s32 $0x31303030;
	v5 =	vsel vm4, $0x24, v5  }
0x2a: {  	v16 =	vunpack.c.0.s8.s32 v16;
	v6 =	vunpack.c.0.s8.s32 v6;
	[tilespmem:$0x1F5E0] =	vst v5;
	v5 =	vimm.s32 $0x32323131  }
0x2b: {  	v12 =	vnsel vm2, $0x75, v12;
	v8 =	vimm.s32 $0x41404040;
	v5 =	vunpack.c.0.s8.s32 v5  }
0x2c: {  	v7 =	vimm.s32 $0x19181818;
	v6 =	vnsel vm2, $0x35, v6;
	v8 =	vunpack.c.0.s8.s32 v8  }
0x2d: {  	v0 =	vimm.s32 $0x0;
	v7 =	vunpack.c.0.s8.s32 v7;
	v5 =	vsel vm6, v5, v6  }
0x2e: {  	v6 =	vnsel vm2, $0x45, v8;
	v8 =	vunpack.c.0.s8.s32 v11;
	v5 =	vsel vm10, v9, v5  }
0x2f: {  	v2 =	vsel vm12, $0x8, v2;
	v6 =	vsel vm6, v10, v6;
	v5 =	vsel vm4, $0x34, v5  }
0x30: {  	v3 =	vsel vm11, $0x9, v3;
	v4 =	vsel vm10, v7, v4;
	[tilespmem:$0x1F5F0] =	vst v5;
	v5 =	vsel vm10, v8, v6  }
0x31: {  	v9 =	vimm.s32 $0x53535352;
	v6 =	vimm.s32 $0x51505050;
	v5 =	vsel vm4, $0x44, v5  }
0x32: {  	v8 =	vimm.s32 $0x52525151;
	[tilespmem:$0x1F600] =	vst v5;
	v5 =	vunpack.c.0.s8.s32 v6;
	v6 =	vimm.s32 $0x61606060  }
0x33: {  	v10 =	vimm.s32 $0x62626161;
	v8 =	vunpack.c.0.s8.s32 v8;
	v6 =	vunpack.c.0.s8.s32 v6  }
0x34: {  	v9 =	vunpack.c.0.s8.s32 v9;
	v10 =	vunpack.c.0.s8.s32 v10;
	v5 =	vnsel vm2, $0x55, v5  }
0x35: {  	[tilespmem:$0x1F640] =	vst v3;
	v3 =	vsel vm11, $0x19, v4;
	v6 =	vnsel vm2, $0x65, v6;
	v5 =	vsel vm6, v8, v5  }
0x36: {  	[tilespmem:$0x1F650] =	vst v3;
	v3 =	vimm.s32 $0x1B1B1B1A;
	v6 =	vsel vm6, v10, v6;
	v5 =	vsel vm10, v9, v5  }
0x37: {  	v8 =	vsel vm6, v13, v12;
	v6 =	vsel vm10, v14, v6;
	v5 =	vsel vm4, $0x54, v5  }
0x38: {  	v3 =	vunpack.c.0.s8.s32 v3;
	v8 =	vsel vm10, v15, v8;
	[tilespmem:$0x1F610] =	vst v5;
	v5 =	vsel vm4, $0x64, v6  }
0x39: {  	v7 =	vimm.s32 $0x36363535;
	v11 =	vimm.s32 $0x26262525;
	[tilespmem:$0x1F620] =	vst v5;
	v5 =	vsel vm4, $0x74, v8  }
0x3a: {  	v7 =	vunpack.c.0.s8.s32 v7;
	v3 =	vnsel vm2, $0x1F, v3;
	[tilespmem:$0x1F630] =	vst v5;
	v5 =	vunpack.c.0.s8.s32 v11  }
0x3b: {  	v12 =	vimm.s32 $0x2D2C2C2C;
	v13 =	vimm.s32 $0x3D3C3C3C;
	v9 =	vimm.s32 $0x77777776  }
0x3c: {  	v10 =	vimm.s32 $0x69686868;
	v4 =	vnsel vm2, $0x2A, v5;
	v5 =	vimm.s32 $0x27272726  }
0x3d: {  	v12 =	vunpack.c.0.s8.s32 v12;
	v6 =	vimm.s32 $0x29282828;
	v5 =	vunpack.c.0.s8.s32 v5  }
0x3e: {  	v13 =	vunpack.c.0.s8.s32 v13;
	v15 =	vimm.s32 $0x5D5C5C5C;
	v6 =	vunpack.c.0.s8.s32 v6  }
0x3f: {  	v9 =	vunpack.c.0.s8.s32 v9;
	v8 =	vimm.s32 $0x37373736;
	v4 =	vsel vm6, v5, v4  }
0x40: {  	v5 =	vunpack.c.0.s8.s32 v8;
	v8 =	vimm.s32 $0x39383838;
	v4 =	vsel vm10, v6, v4  }
0x41: {  	v6 =	vnsel vm2, $0x3A, v7;
	v7 =	vunpack.c.0.s8.s32 v8;
	v4 =	vsel vm11, $0x29, v4  }
0x42: {  	v10 =	vunpack.c.0.s8.s32 v10;
	v14 =	vimm.s32 $0x4D4C4C4C;
	[tilespmem:$0x1F660] =	vst v4;
	v4 =	vsel vm6, v5, v6  }
0x43: {  	v15 =	vunpack.c.0.s8.s32 v15;
	v5 =	vimm.s32 $0x46464545;
	v4 =	vsel vm10, v7, v4  }
0x44: {  	v6 =	vimm.s32 $0x47474746;
	v5 =	vunpack.c.0.s8.s32 v5;
	v4 =	vsel vm11, $0x39, v4  }
0x45: {  	v8 =	vimm.s32 $0x59585858;
	[tilespmem:$0x1F670] =	vst v4;
	v4 =	vunpack.c.0.s8.s32 v6;
	v6 =	vimm.s32 $0x49484848  }
0x46: {  	v7 =	vimm.s32 $0x56565555;
	v5 =	vnsel vm2, $0x4A, v5;
	v6 =	vunpack.c.0.s8.s32 v6  }
0x47: {  	v4 =	vsel vm6, v4, v5;
	v5 =	vunpack.c.0.s8.s32 v7;
	v7 =	vimm.s32 $0x57575756  }
0x48: {  	v4 =	vsel vm10, v6, v4;
	v6 =	vunpack.c.0.s8.s32 v7;
	v7 =	vimm.s32 $0x66666565  }
0x49: {  	v5 =	vnsel vm2, $0x5A, v5;
	v7 =	vunpack.c.0.s8.s32 v7;
	v4 =	vsel vm11, $0x49, v4  }
0x4a: {  	[tilespmem:$0x1F680] =	vst v4;
	v4 =	vsel vm6, v6, v5;
	v5 =	vunpack.c.0.s8.s32 v8;
	v8 =	vimm.s32 $0x76767575  }
0x4b: {  	v6 =	vnsel vm2, $0x6A, v7;
	v7 =	vimm.s32 $0x67676766;
	v8 =	vunpack.c.0.s8.s32 v8  }
0x4c: {  	v14 =	vunpack.c.0.s8.s32 v14;
	v11 =	vimm.s32 $0x79787878;
	v7 =	vunpack.c.0.s8.s32 v7  }
0x4d: {  	v11 =	vunpack.c.0.s8.s32 v11;
	v4 =	vsel vm10, v5, v4;
	v8 =	vnsel vm2, $0x7A, v8  }
0x4e: {  	v4 =	vsel vm11, $0x59, v4;
	v5 =	vsel vm6, v7, v6;
	v6 =	vsel vm6, v9, v8  }
0x4f: {  	v7 =	vimm.s32 $0x4B4B4B4A;
	v8 =	vimm.s32 $0x5B5B5B5A;
	v9 =	vimm.s32 $0x6B6B6B6A  }
0x50: {  	[tilespmem:$0x1F690] =	vst v4;
	v4 =	vsel vm10, v10, v5;
	v5 =	vsel vm10, v11, v6;
	v6 =	vimm.s32 $0x3B3B3B3A  }
0x51: {  	v7 =	vunpack.c.0.s8.s32 v7;
	v8 =	vunpack.c.0.s8.s32 v8;
	v9 =	vunpack.c.0.s8.s32 v9  }
0x52: {  	v10 =	vimm.s32 $0x7B7B7B7A;
	v11 =	vimm.s32 $0xE0E0D0D;
	v4 =	vsel vm11, $0x69, v4  }
0x53: {  	v6 =	vunpack.c.0.s8.s32 v6;
	v10 =	vunpack.c.0.s8.s32 v10;
	v11 =	vunpack.c.0.s8.s32 v11  }
0x54: {  	[tilespmem:$0x1F6A0] =	vst v4;
	v4 =	vsel vm11, $0x79, v5;
	v5 =	vimm.s32 $0x2B2B2B2A;
	v7 =	vnsel vm2, $0x4F, v7  }
0x55: {  	v8 =	vnsel vm2, $0x5F, v8;
	v9 =	vnsel vm2, $0x6F, v9;
	[tilespmem:$0x1F6B0] =	vst v4;
	v4 =	vimm.s32 $0x1D1C1C1C  }
0x56: {  	v5 =	vunpack.c.0.s8.s32 v5;
	v6 =	vnsel vm2, $0x3F, v6;
	v10 =	vnsel vm2, $0x7F, v10  }
0x57: {  	v14 =	vsel vm6, v14, v7;
	v15 =	vsel vm6, v15, v8;
	v4 =	vunpack.c.0.s8.s32 v4  }
0x58: {  	v9 =	vsel vm6, v16, v9;
	v16 =	vsel vm5, $0x3, v0;
	v0 =	vsel vm10, v11, v1  }
0x59: {  	v1 =	vimm.s32 $0x3E3E3D3D;
	v3 =	vsel vm6, v4, v3;
	v4 =	vimm.s32 $0x1E1E1D1D  }
0x5a: {  	v13 =	vsel vm6, v13, v6;
	v5 =	vnsel vm2, $0x2F, v5;
	v4 =	vunpack.c.0.s8.s32 v4  }
0x5b: {  	v6 =	vimm.s32 $0x7E7E7D7D;
	v12 =	vsel vm6, v12, v5;
	v5 =	vunpack.c.0.s8.s32 v17  }
0x5c: {  	[tilespmem:$0x1F9B0] =	vst v0;
	v1 =	vunpack.c.0.s8.s32 v1;
	v19 =	vunpack.c.0.s8.s32 v6;
	v0 =	vsel vm10, v4, v3  }
0x5d: {  	v17 =	vimm.s32 $0x280;
	v10 =	vsel vm6, v5, v10;
	[tilespmem:$0x1F9D0] =	vst v0;
	v0 =	vimm.s32 $0x2E2E2D2D  }
0x5e: {  	v5 =	vsel vm13, $0x408, v2;
	v2 =	vimm.s32 $0x4E4E4D4D;
	v0 =	vunpack.c.0.s8.s32 v0  }
0x5f: {  	v2 =	vunpack.c.0.s8.s32 v2;
	v3 =	vimm.s32 $0x5E5E5D5D;
	v4 =	vimm.s32 $0x6E6E6D6D  }
0x60: {  	v11 =	vunpack.c.0.s8.s32 v3;
	v18 =	vunpack.c.0.s8.s32 v4;
	v0 =	vsel vm10, v0, v12  }
0x61: {  	v4 =	vimm.s32 $0xFA8;
	v12 =	vimm.s32 $0x1100;
	[tilespmem:$0x1F9F0] =	vst v0;
	v0 =	vsel vm10, v1, v13  }
0x62: {  	v8 =	vsel vm5, $0x1280, v12;
	v13 =	vimm.s32 $0x1050;
	v1 =	vimm.s32 $0x1778  }
0x63: {  	[tilespmem:$0x1FA10] =	vst v0;
	v0 =	vsel vm10, v2, v14;
	v2 =	vsel vm5, $0x0, v17;
	v14 =	vimm.s32 $0x878  }
0x64: {  	v17 =	vimm.s32 $0x1478;
	[tilespmem:$0x1FA30] =	vst v0;
	v0 =	vsel vm10, v11, v15;
	v11 =	vimm.s32 $0x450  }
0x65: {  	v15 =	vimm.s32 $0x2381;
	[tilespmem:$0x1FA50] =	vst v0;
	v0 =	vsel vm10, v18, v9;
	v6 =	vsel vm5, $0x428, v11  }
0x66: {  	v9 =	vsel vm5, $0x1028, v13;
	v11 =	vsel vm5, $0x850, v14;
	v12 =	vsel vm5, $0x2101, v15  }
0x67: {  	v13 =	vsel vm5, $0x1450, v17;
	v18 =	vimm.s32 $0xA8;
	v17 =	vsel vm5, $0xC80, v20  }
0x68: {  	v20 =	vsel vm5, $0x8D0, v23;
	v23 =	vsel vm5, $0x100, v26;
	v26 =	vsel vm5, $0x528, v29  }
0x69: {  	v29 =	vsel vm5, $0x2105, v32;
	v32 =	vsel vm5, $0x6, v35;
	v35 =	vsel vm5, $0x11A8, v38  }
0x6a: {  	v38 =	vsel vm5, $0x15D0, v41;
	v41 =	vsel vm5, $0xE00, v44;
	v44 =	vsel vm5, $0xA50, v47  }
0x6b: {  	v47 =	vsel vm5, $0x280, v50;
	v50 =	vsel vm5, $0x6A8, v53;
	v53 =	vsel vm5, $0x210B, v56  }
0x6c: {  	v56 =	vsel vm5, $0xC, v59;
	v59 =	vsel vm5, $0x1328, v62;
	v62 =	vsel vm5, $0x1750, v1  }
0x6d: {  	v1 =	vimm.s32 $0x28E;
	[tilespmem:$0x1FA70] =	vst v0;
	v0 =	vsel vm10, v19, v10;
	v19 =	vimm.s32 $0x282  }
0x6e: {  	v14 =	vsel vm5, $0x80, v18;
	v18 =	vsel vm5, $0x4A8, v21;
	v21 =	vsel vm5, $0x2103, v24  }
0x6f: {  	v24 =	vsel vm5, $0x4, v27;
	v27 =	vsel vm5, $0x1128, v30;
	v30 =	vsel vm5, $0x1550, v33  }
0x70: {  	v33 =	vsel vm5, $0xD80, v36;
	v36 =	vsel vm5, $0x9D0, v39;
	v39 =	vsel vm5, $0x200, v42  }
0x71: {  	v42 =	vsel vm5, $0x628, v45;
	v45 =	vsel vm5, $0x2109, v48;
	v48 =	vsel vm5, $0xA, v51  }
0x72: {  	v51 =	vsel vm5, $0x12A8, v54;
	v54 =	vsel vm5, $0x16D0, v57;
	v57 =	vsel vm5, $0xF00, v60  }
0x73: {  	v15 =	vsel vm5, $0x2, v19;
	v19 =	vsel vm5, $0x10A8, v22;
	v22 =	vsel vm5, $0x14D0, v25  }
0x74: {  	v25 =	vsel vm5, $0xD00, v28;
	v28 =	vsel vm5, $0x950, v31;
	v31 =	vsel vm5, $0x180, v34  }
0x75: {  	v34 =	vsel vm5, $0x5A8, v37;
	v37 =	vsel vm5, $0x2107, v40;
	v40 =	vsel vm5, $0x8, v43  }
0x76: {  	v43 =	vsel vm5, $0x1228, v46;
	v46 =	vsel vm5, $0x1650, v49;
	v49 =	vsel vm5, $0xE80, v52  }
0x77: {  	[tilespmem:$0x1FA90] =	vst v0;
	v52 =	vsel vm5, $0xAD0, v55;
	v55 =	vsel vm5, $0x300, v58;
	v0 =	vimm.s32 $0x238D  }
0x78: {  	v58 =	vsel vm5, $0x728, v61;
	v61 =	vsel vm5, $0x210D, v0;
	v0 =	vimm.s32 $0x3A8  }
0x79: {  	v60 =	vsel vm5, $0xB50, v63;
	v63 =	vsel vm5, $0x380, v0;
	v0 =	vsel vm5, $0xE, v1  }
0x7a: {  	[tilespmem:$0x1F6C0] =	vst v0;
	v0 =	vsel vm5, $0xF80, v4  }
0x7b: {  	[tilespmem:$0x1F6D0] =	vst v0;
	v0 =	vimm.s32 $0x7D0  }
0x7c: {  	v1 =	vimm.s32 $0x13D0;
	v0 =	vsel vm5, $0x7A8, v0  }
0x7d: {  	v7 =	vimm.s32 $0xBF8;
	[tilespmem:$0x1F6E0] =	vst v0;
	v0 =	vsel vm5, $0x13A8, v1  }
0x7e: {  	[tilespmem:$0x1F6F0] =	vst v0;
	v0 =	vsel vm5, $0xBD0, v7  }
0x7f: {  	[tilespmem:$0x1F700] =	vst v0;
	v0 =	vimm.s32 $0x238F  }
0x80: {  	v1 =	vimm.s32 $0x17F8;
	v0 =	vsel vm5, $0x210F, v0  }
0x81: {  	[tilespmem:$0x1F710] =	vst v0;
	v0 =	vsel vm5, $0x17D0, v1  }
0x82: {  	vm14 =	vcmask $0x1714;
	[tilespmem:$0x1F720] =	vst v0;
	v0 =	vld [tilespmem:$0x1F6F0]  }
0x83: {  	vm15 =	vcmask $0x1B18;
	vm8 =	vcmask $0x1F1C;
	v10 =	vimm.s32 $0xC28  }
0x84: {  	v2 =	vsel vm3, $0x1000, v2;
	v3 =	vsel vm5, $0xC00, v10;
	v10 =	vimm.s32 $0x2380  }
0x85: {  	v2 =	vsel vm9, $0x2000, v2;
	v10 =	vsel vm5, $0x2100, v10;
	v3 =	vsel vm3, $0x1000, v3  }
0x86: {  	v10 =	vsel vm3, $0x180, v10;
	v3 =	vsel vm9, $0x1400, v3;
	v4 =	vsel vm3, $0x828, v6  }
0x87: {  	v6 =	vsel vm3, $0x1428, v9;
	v9 =	vsel vm3, $0xC58, v13;
	v0 =	vsel vm3, $0x17A8, v0  }
0x88: {  	v13 =	vsel vm3, $0x1080, v17;
	v17 =	vsel vm3, $0xD8, v20;
	v20 =	vsel vm3, $0x500, v23;
	[tilespmem:$0x1F730] =	vst v0;
	v0 =	vld [tilespmem:$0x1F700]  }
0x89: {  	v23 =	vsel vm3, $0x928, v26;
	v26 =	vsel vm3, $0x185, v29;
	v29 =	vsel vm3, $0x1006, v32  }
0x8a: {  	v32 =	vsel vm3, $0x15A8, v35;
	v35 =	vsel vm3, $0xDD8, v38;
	v38 =	vsel vm3, $0x1200, v41  }
0x8b: {  	v41 =	vsel vm3, $0x258, v44;
	v44 =	vsel vm3, $0x680, v47;
	v1 =	vsel vm14, $0x808, v5  }
0x8c: {  	v47 =	vsel vm3, $0xAA8, v50;
	v50 =	vsel vm3, $0x18B, v53;
	v1 =	vsel vm15, $0x10, v1  }
0x8d: {  	v53 =	vsel vm3, $0x100C, v56;
	v56 =	vsel vm3, $0x1728, v59;
	[tilespmem:$0x1F760] =	vst v1;
	v1 =	vld [tilespmem:$0x1F730];
	v0 =	vsel vm3, $0x3D8, v0  }
0x8e: {  	v59 =	vsel vm3, $0xF58, v62;
	v10 =	vsel vm9, $0x1180, v10;
	v4 =	vsel vm9, $0x30, v4;
	[tilespmem:$0x1F740] =	vst v0;
	v0 =	vld [tilespmem:$0x1F710]  }
0x8f: {  	v6 =	vsel vm9, $0xC30, v6;
	v9 =	vsel vm9, $0x1058, v9;
	v13 =	vsel vm9, $0x1480, v13  }
0x90: {  	v17 =	vsel vm9, $0x4D8, v17;
	v20 =	vsel vm9, $0x900, v20;
	v23 =	vsel vm9, $0x130, v23  }
0x91: {  	v26 =	vsel vm9, $0x1185, v26;
	v29 =	vsel vm9, $0x2006, v29;
	v32 =	vsel vm9, $0xDB0, v32  }
0x92: {  	v35 =	vsel vm9, $0x11D8, v35;
	v38 =	vsel vm9, $0x1600, v38;
	v1 =	vsel vm9, $0xFB0, v1  }
0x93: {  	v41 =	vsel vm9, $0x658, v41;
	v44 =	vsel vm9, $0xA80, v44;
	[tilespmem:$0x1F770] =	vst v1;
	v1 =	vld [tilespmem:$0x1F740];
	v0 =	vsel vm3, $0x18F, v0  }
0x94: {  	v47 =	vsel vm9, $0x2B0, v47;
	v50 =	vsel vm9, $0x118B, v50;
	v53 =	vsel vm9, $0x200C, v53;
	[tilespmem:$0x1F750] =	vst v0;
	v0 =	vld [tilespmem:$0x1F720]  }
0x95: {  	v56 =	vsel vm9, $0xF30, v56;
	v59 =	vsel vm9, $0x1358, v59;
	v7 =	vsel vm3, $0x58, v11  }
0x96: {  	v11 =	vsel vm3, $0x480, v14;
	v14 =	vsel vm3, $0x8A8, v18;
	v18 =	vsel vm3, $0x183, v21  }
0x97: {  	v21 =	vsel vm3, $0x1004, v24;
	v24 =	vsel vm3, $0x1528, v27;
	v27 =	vsel vm3, $0xD58, v30  }
0x98: {  	v30 =	vsel vm3, $0x1180, v33;
	v33 =	vsel vm3, $0x1D8, v36;
	v36 =	vsel vm3, $0x600, v39  }
0x99: {  	v39 =	vsel vm3, $0xA28, v42;
	v1 =	vsel vm9, $0x7D8, v1;
	v0 =	vsel vm3, $0xFD8, v0  }
0x9a: {  	v42 =	vsel vm3, $0x189, v45;
	v45 =	vsel vm3, $0x100A, v48;
	[tilespmem:$0x1F780] =	vst v1;
	v1 =	vld [tilespmem:$0x1F750];
	v0 =	vsel vm9, $0x13D8, v0  }
0x9b: {  	v48 =	vsel vm3, $0x16A8, v51;
	v51 =	vsel vm3, $0xED8, v54;
	v54 =	vsel vm3, $0x1300, v57;
	[tilespmem:$0x1F7A0] =	vst v0;
	v0 =	vld [tilespmem:$0x1F780]  }
0x9c: {  	v57 =	vsel vm3, $0x358, v60;
	v60 =	vsel vm3, $0x780, v63;
	v7 =	vsel vm9, $0x458, v7  }
0x9d: {  	v11 =	vsel vm9, $0x880, v11;
	v14 =	vsel vm9, $0xB0, v14;
	v18 =	vsel vm9, $0x1183, v18  }
0x9e: {  	v21 =	vsel vm9, $0x2004, v21;
	v24 =	vsel vm9, $0xD30, v24;
	v27 =	vsel vm9, $0x1158, v27  }
0x9f: {  	v30 =	vsel vm9, $0x1580, v30;
	v33 =	vsel vm9, $0x5D8, v33;
	v1 =	vsel vm9, $0x118F, v1  }
0xa0: {  	v36 =	vsel vm9, $0xA00, v36;
	v39 =	vsel vm9, $0x230, v39;
	[tilespmem:$0x1F790] =	vst v1;
	v0 =	vsel vm12, $0xBD8, v0  }
0xa1: {  	v42 =	vsel vm9, $0x1189, v42;
	v45 =	vsel vm9, $0x200A, v45;
	v48 =	vsel vm9, $0xEB0, v48;
	[tilespmem:$0x1F7C0] =	vst v0;
	v0 =	vld [tilespmem:$0x1F790]  }
0xa2: {  	v51 =	vsel vm9, $0x12D8, v51;
	v54 =	vsel vm9, $0x1700, v54;
	v57 =	vsel vm9, $0x758, v57  }
0xa3: {  	v60 =	vsel vm9, $0xB80, v60;
	v5 =	vsel vm3, $0x2280, v8;
	v8 =	vsel vm3, $0x181, v12  }
0xa4: {  	v62 =	vld [tilespmem:$0x1F6D0];
	v12 =	vsel vm3, $0x1002, v15;
	v15 =	vsel vm3, $0x14A8, v19;
	v19 =	vsel vm3, $0xCD8, v22  }
0xa5: {  	v22 =	vsel vm3, $0x1100, v25;
	v25 =	vsel vm3, $0x158, v28;
	v28 =	vsel vm3, $0x580, v31  }
0xa6: {  	v31 =	vsel vm3, $0x9A8, v34;
	v34 =	vsel vm3, $0x187, v37;
	v0 =	vsel vm12, $0x218F, v0  }
0xa7: {  	v37 =	vsel vm3, $0x1008, v40;
	v40 =	vsel vm3, $0x1628, v43;
	v43 =	vsel vm3, $0xE58, v46;
	[tilespmem:$0x1F7D0] =	vst v0;
	v0 =	vld [tilespmem:$0x1F7A0]  }
0xa8: {  	v46 =	vsel vm3, $0x1280, v49;
	v49 =	vsel vm3, $0x2D8, v52;
	v52 =	vsel vm3, $0x700, v55  }
0xa9: {  	v55 =	vsel vm3, $0xB28, v58;
	v58 =	vsel vm3, $0x18D, v61;
	v62 =	vsel vm3, $0x1380, v62  }
0xaa: {  	v63 =	vld [tilespmem:$0x1F6E0];
	v5 =	vsel vm9, $0x300, v5;
	v8 =	vsel vm9, $0x1181, v8;
	v12 =	vsel vm9, $0x2002, v12  }
0xab: {  	v61 =	vld [tilespmem:$0x1F6C0];
	v15 =	vsel vm9, $0xCB0, v15;
	v19 =	vsel vm9, $0x10D8, v19;
	v22 =	vsel vm9, $0x1500, v22  }
0xac: {  	[tilespmem:$0x1F7B0] =	vst v10;
	v25 =	vsel vm9, $0x558, v25;
	v28 =	vsel vm9, $0x980, v28;
	v1 =	vld [tilespmem:$0x1F760];
	v0 =	vsel vm12, $0x17D8, v0  }
0xad: {  	v31 =	vsel vm9, $0x1B0, v31;
	v34 =	vsel vm9, $0x1187, v34;
	v37 =	vsel vm9, $0x2008, v37;
	[tilespmem:$0x1F7E0] =	vst v0;
	v0 =	vld [tilespmem:$0x1F7B0]  }
0xae: {  	v40 =	vsel vm9, $0xE30, v40;
	v43 =	vsel vm9, $0x1258, v43;
	v46 =	vsel vm9, $0x1680, v46  }
0xaf: {  	v49 =	vsel vm9, $0x6D8, v49;
	v52 =	vsel vm9, $0xB00, v52;
	v55 =	vsel vm9, $0x330, v55  }
0xb0: {  	v58 =	vsel vm9, $0x118D, v58;
	v63 =	vsel vm3, $0xBA8, v63;
	v61 =	vsel vm3, $0x100E, v61  }
0xb1: {  	v62 =	vsel vm9, $0x1780, v62;
	v63 =	vsel vm9, $0x3B0, v63;
	v61 =	vsel vm9, $0x200E, v61  }
0xb2: {  	vm9 =	vcmask $0x2320;
	v1 =	vsel vm8, $0x410, v1;
	v0 =	vsel vm12, $0x2180, v0  }
0xb3: {  	v2 =	vsel vm12, $0x80, v2;
	[tilespmem:$0x1F7F0] =	vst v0;
	v0 =	vsel vm9, $0x810, v1  }
0xb4: {  	[tilespmem:$0x1F800] =	vst v0;
	v0 =	vsel vm13, $0x1080, v2  }
0xb5: {  	[tilespmem:$0x1F810] =	vst v0;
	v0 =	vld [tilespmem:$0x1F7C0];
	_ =	sdelay $0x4  }
0xb6: {  	v0 =	vsel vm13, $0x3E0, v0  }
0xb7: {  	[tilespmem:$0x1F820] =	vst v0;
	v0 =	vld [tilespmem:$0x1F7D0];
	_ =	sdelay $0x4  }
0xb8: {  	v0 =	vsel vm13, $0x20F, v0  }
0xb9: {  	[tilespmem:$0x1F830] =	vst v0;
	v0 =	vld [tilespmem:$0x1F7E0];
	_ =	sdelay $0x4  }
0xba: {  	v0 =	vsel vm13, $0xFE0, v0  }
0xbb: {  	[tilespmem:$0x1F840] =	vst v0;
	v0 =	vld [tilespmem:$0x1F7F0];
	_ =	sdelay $0x4  }
0xbc: {  	v1 =	vsel vm13, $0x200, v0;
	v0 =	vld [tilespmem:$0x1F820];
	_ =	sdelay $0x4  }
0xbd: {  	v0 =	vsel vm14, $0x7E0, v0  }
0xbe: {  	[tilespmem:$0x1F850] =	vst v0;
	v0 =	vld [tilespmem:$0x1F830];
	_ =	sdelay $0x4  }
0xbf: {  	v0 =	vsel vm14, $0x120F, v0  }
0xc0: {  	[tilespmem:$0x1F860] =	vst v0;
	v0 =	vld [tilespmem:$0x1F840];
	_ =	sdelay $0x4  }
0xc1: {  	v0 =	vsel vm14, $0x13E0, v0  }
0xc2: {  	[tilespmem:$0x1F870] =	vst v0;
	v0 =	vld [tilespmem:$0x1F850];
	_ =	sdelay $0x4  }
0xc3: {  	v0 =	vsel vm15, $0xBE0, v0  }
0xc4: {  	[tilespmem:$0x1F890] =	vst v0;
	v0 =	vld [tilespmem:$0x1F860];
	_ =	sdelay $0x4  }
0xc5: {  	v2 =	vld [tilespmem:$0x1F800];
	v0 =	vsel vm15, $0x220F, v0  }
0xc6: {  	[tilespmem:$0x1F8A0] =	vst v0;
	v0 =	vld [tilespmem:$0x1F870];
	_ =	sdelay $0x2  }
0xc7: {  	vm10 =	vcmask $0x2724  }
0xc8: {  	v2 =	vsel vm10, $0x18, v2  }
0xc9: {  	[tilespmem:$0x1F880] =	vst v2;
	v0 =	vsel vm15, $0x17E0, v0  }
0xca: {  	[tilespmem:$0x1F8B0] =	vst v0;
	v0 =	vld [tilespmem:$0x1F880];
	_ =	sdelay $0x3  }
0xcb: {  	vm11 =	vcmask $0x2B28  }
0xcc: {  	v0 =	vsel vm11, $0x418, v0  }
0xcd: {  	[tilespmem:$0x1F8F0] =	vst v0;
	v0 =	vld [tilespmem:$0x1F890];
	_ =	sdelay $0x4  }
0xce: {  	v0 =	vsel vm8, $0x3E8, v0  }
0xcf: {  	[tilespmem:$0x1F8C0] =	vst v0;
	v0 =	vld [tilespmem:$0x1F8A0];
	_ =	sdelay $0x4  }
0xd0: {  	v0 =	vsel vm8, $0x28F, v0  }
0xd1: {  	[tilespmem:$0x1F8D0] =	vst v0;
	v0 =	vld [tilespmem:$0x1F8B0];
	_ =	sdelay $0x4  }
0xd2: {  	v0 =	vsel vm8, $0xFE8, v0  }
0xd3: {  	[tilespmem:$0x1F8E0] =	vst v0;
	v0 =	vld [tilespmem:$0x1F8C0]  }
0xd4: {  	v3 =	vsel vm12, $0xC08, v3  }
0xd5: {  	v4 =	vsel vm12, $0x430, v4;
	v6 =	vsel vm12, $0x1030, v6;
	v9 =	vsel vm12, $0x1458, v9  }
0xd6: {  	v13 =	vsel vm12, $0xC88, v13;
	v17 =	vsel vm12, $0x8D8, v17;
	v20 =	vsel vm12, $0x108, v20  }
0xd7: {  	v23 =	vsel vm12, $0x530, v23;
	v26 =	vsel vm12, $0x2185, v26;
	v29 =	vsel vm12, $0x86, v29  }
0xd8: {  	v32 =	vsel vm12, $0x11B0, v32;
	v35 =	vsel vm12, $0x15D8, v35;
	v0 =	vsel vm9, $0x7E8, v0  }
0xd9: {  	v38 =	vsel vm12, $0xE08, v38;
	v41 =	vsel vm12, $0xA58, v41;
	v44 =	vsel vm12, $0x288, v44;
	[tilespmem:$0x1F900] =	vst v0;
	v0 =	vld [tilespmem:$0x1F8D0]  }
0xda: {  	v47 =	vsel vm12, $0x6B0, v47;
	v50 =	vsel vm12, $0x218B, v50;
	v53 =	vsel vm12, $0x8C, v53  }
0xdb: {  	v56 =	vsel vm12, $0x1330, v56;
	v59 =	vsel vm12, $0x1758, v59;
	v7 =	vsel vm12, $0x858, v7  }
0xdc: {  	v11 =	vsel vm12, $0x88, v11;
	v14 =	vsel vm12, $0x4B0, v14;
	v18 =	vsel vm12, $0x2183, v18  }
0xdd: {  	v21 =	vsel vm12, $0x84, v21;
	v24 =	vsel vm12, $0x1130, v24;
	v27 =	vsel vm12, $0x1558, v27  }
0xde: {  	v30 =	vsel vm12, $0xD88, v30;
	v33 =	vsel vm12, $0x9D8, v33;
	v0 =	vsel vm9, $0x128F, v0  }
0xdf: {  	v36 =	vsel vm12, $0x208, v36;
	v39 =	vsel vm12, $0x630, v39;
	v42 =	vsel vm12, $0x2189, v42;
	[tilespmem:$0x1F910] =	vst v0;
	v0 =	vld [tilespmem:$0x1F8E0]  }
0xe0: {  	v45 =	vsel vm12, $0x8A, v45;
	v48 =	vsel vm12, $0x12B0, v48;
	v51 =	vsel vm12, $0x16D8, v51  }
0xe1: {  	v54 =	vsel vm12, $0xF08, v54;
	v57 =	vsel vm12, $0xB58, v57;
	v60 =	vsel vm12, $0x388, v60  }
0xe2: {  	v5 =	vsel vm12, $0x1300, v5;
	v8 =	vsel vm12, $0x2181, v8;
	v12 =	vsel vm12, $0x82, v12  }
0xe3: {  	v15 =	vsel vm12, $0x10B0, v15;
	v19 =	vsel vm12, $0x14D8, v19;
	v22 =	vsel vm12, $0xD08, v22  }
0xe4: {  	v25 =	vsel vm12, $0x958, v25;
	v28 =	vsel vm12, $0x188, v28;
	v10 =	vld [tilespmem:$0x1F770];
	v0 =	vsel vm9, $0x13E8, v0  }
0xe5: {  	v31 =	vsel vm12, $0x5B0, v31;
	v34 =	vsel vm12, $0x2187, v34;
	v37 =	vsel vm12, $0x88, v37;
	[tilespmem:$0x1F920] =	vst v0;
	v0 =	vld [tilespmem:$0x1F8F0]  }
0xe6: {  	v40 =	vsel vm12, $0x1230, v40;
	v43 =	vsel vm12, $0x1658, v43;
	v46 =	vsel vm12, $0xE88, v46  }
0xe7: {  	v49 =	vsel vm12, $0xAD8, v49;
	v52 =	vsel vm12, $0x308, v52;
	v55 =	vsel vm12, $0x730, v55  }
0xe8: {  	v58 =	vsel vm12, $0x218D, v58;
	v62 =	vsel vm12, $0xF88, v62;
	v63 =	vsel vm12, $0x7B0, v63  }
0xe9: {  	v61 =	vsel vm12, $0x8E, v61;
	v10 =	vsel vm12, $0x13B0, v10;
	vm12 =	vcmask $0x2F2C  }
0xea: {  	v0 =	vsel vm12, $0x818, v0  }
0xeb: {  	[tilespmem:$0x1F960] =	vst v0;
	v0 =	vld [tilespmem:$0x1F900];
	_ =	sdelay $0x4  }
0xec: {  	v0 =	vsel vm10, $0xBE8, v0  }
0xed: {  	[tilespmem:$0x1F930] =	vst v0;
	v0 =	vld [tilespmem:$0x1F910];
	_ =	sdelay $0x2  }
0xee: {  	v3 =	vsel vm13, $0x1008, v3  }
0xef: {  	v3 =	vsel vm14, $0x1408, v3;
	v4 =	vsel vm13, $0x830, v4;
	v6 =	vsel vm13, $0x1430, v6  }
0xf0: {  	v9 =	vsel vm13, $0xC60, v9;
	v13 =	vsel vm13, $0x1088, v13;
	v0 =	vsel vm10, $0x228F, v0  }
0xf1: {  	v17 =	vsel vm13, $0xE0, v17;
	v20 =	vsel vm13, $0x508, v20;
	v23 =	vsel vm13, $0x930, v23;
	[tilespmem:$0x1F940] =	vst v0;
	v0 =	vld [tilespmem:$0x1F920]  }
0xf2: {  	v26 =	vsel vm13, $0x205, v26;
	v29 =	vsel vm13, $0x1086, v29;
	v32 =	vsel vm13, $0x15B0, v32  }
0xf3: {  	v35 =	vsel vm13, $0xDE0, v35;
	v38 =	vsel vm13, $0x1208, v38;
	v41 =	vsel vm13, $0x260, v41  }
0xf4: {  	v44 =	vsel vm13, $0x688, v44;
	v47 =	vsel vm13, $0xAB0, v47;
	v50 =	vsel vm13, $0x20B, v50  }
0xf5: {  	v53 =	vsel vm13, $0x108C, v53;
	v56 =	vsel vm13, $0x1730, v56;
	v59 =	vsel vm13, $0xF60, v59  }
0xf6: {  	v3 =	vsel vm15, $0xC10, v3;
	v4 =	vsel vm14, $0x38, v4;
	v0 =	vsel vm10, $0x17E8, v0  }
0xf7: {  	v6 =	vsel vm14, $0xC38, v6;
	v9 =	vsel vm14, $0x1060, v9;
	v13 =	vsel vm14, $0x1488, v13;
	[tilespmem:$0x1F950] =	vst v0;
	v0 =	vld [tilespmem:$0x1F930]  }
0xf8: {  	v17 =	vsel vm14, $0x4E0, v17;
	v20 =	vsel vm14, $0x908, v20;
	v23 =	vsel vm14, $0x138, v23  }
0xf9: {  	v26 =	vsel vm14, $0x1205, v26;
	v29 =	vsel vm14, $0x2086, v29;
	v32 =	vsel vm14, $0xDB8, v32  }
0xfa: {  	v35 =	vsel vm14, $0x11E0, v35;
	v38 =	vsel vm14, $0x1608, v38;
	v41 =	vsel vm14, $0x660, v41  }
0xfb: {  	v44 =	vsel vm14, $0xA88, v44;
	v47 =	vsel vm14, $0x2B8, v47;
	v50 =	vsel vm14, $0x120B, v50  }
0xfc: {  	v53 =	vsel vm14, $0x208C, v53;
	v56 =	vsel vm14, $0xF38, v56;
	v0 =	vsel vm11, $0x3F0, v0  }
0xfd: {  	v59 =	vsel vm14, $0x1360, v59;
	v3 =	vsel vm8, $0x1010, v3;
	v4 =	vsel vm15, $0x438, v4;
	[tilespmem:$0x1F970] =	vst v0;
	v0 =	vld [tilespmem:$0x1F940]  }
0xfe: {  	v6 =	vsel vm15, $0x1038, v6;
	v9 =	vsel vm15, $0x1460, v9;
	v13 =	vsel vm15, $0xC90, v13  }
0xff: {  	v17 =	vsel vm15, $0x8E0, v17;
	v20 =	vsel vm15, $0x110, v20;
	v7 =	vsel vm13, $0x60, v7  }
0x100: {  	v11 =	vsel vm13, $0x488, v11;
	v14 =	vsel vm13, $0x8B0, v14;
	v18 =	vsel vm13, $0x203, v18  }
0x101: {  	v21 =	vsel vm13, $0x1084, v21;
	v24 =	vsel vm13, $0x1530, v24;
	v27 =	vsel vm13, $0xD60, v27  }
0x102: {  	v30 =	vsel vm13, $0x1188, v30;
	v33 =	vsel vm13, $0x1E0, v33;
	v0 =	vsel vm11, $0x30F, v0  }
0x103: {  	v36 =	vsel vm13, $0x608, v36;
	v39 =	vsel vm13, $0xA30, v39;
	v42 =	vsel vm13, $0x209, v42;
	[tilespmem:$0x1F980] =	vst v0;
	v0 =	vld [tilespmem:$0x1F950]  }
0x104: {  	v45 =	vsel vm13, $0x108A, v45;
	v48 =	vsel vm13, $0x16B0, v48;
	v51 =	vsel vm13, $0xEE0, v51  }
0x105: {  	v54 =	vsel vm13, $0x1308, v54;
	v57 =	vsel vm13, $0x360, v57;
	v60 =	vsel vm13, $0x788, v60  }
0x106: {  	v5 =	vsel vm13, $0x2300, v5;
	v8 =	vsel vm13, $0x201, v8;
	v12 =	vsel vm13, $0x1082, v12  }
0x107: {  	v15 =	vsel vm13, $0x14B0, v15;
	v19 =	vsel vm13, $0xCE0, v19;
	v22 =	vsel vm13, $0x1108, v22  }
0x108: {  	v25 =	vsel vm13, $0x160, v25;
	v28 =	vsel vm13, $0x588, v28;
	v0 =	vsel vm11, $0xFF0, v0  }
0x109: {  	v31 =	vsel vm13, $0x9B0, v31;
	v34 =	vsel vm13, $0x207, v34;
	v37 =	vsel vm13, $0x1088, v37;
	[tilespmem:$0x1F990] =	vst v0;
	v0 =	vld [tilespmem:$0x1F960]  }
0x10a: {  	v40 =	vsel vm13, $0x1630, v40;
	v43 =	vsel vm13, $0xE60, v43;
	v46 =	vsel vm13, $0x1288, v46  }
0x10b: {  	v49 =	vsel vm13, $0x2E0, v49;
	v52 =	vsel vm13, $0x708, v52;
	v55 =	vsel vm13, $0xB30, v55  }
0x10c: {  	v58 =	vsel vm13, $0x20D, v58;
	v62 =	vsel vm13, $0x1388, v62;
	v63 =	vsel vm13, $0xBB0, v63  }
0x10d: {  	v61 =	vsel vm13, $0x108E, v61;
	v10 =	vsel vm13, $0x17B0, v10;
	vm13 =	vcmask $0x3330  }
0x10e: {  	v23 =	vsel vm15, $0x538, v23;
	v26 =	vsel vm15, $0x2205, v26;
	v0 =	vsel vm13, $0x20, v0  }
0x10f: {  	v29 =	vsel vm15, $0x106, v29;
	v32 =	vsel vm15, $0x11B8, v32;
	v35 =	vsel vm15, $0x15E0, v35;
	[tilespmem:$0x1F9A0] =	vst v0;
	v0 =	vld [tilespmem:$0x1F970]  }
0x110: {  	v4 =	vsel vm8, $0x838, v4;
	v6 =	vsel vm8, $0x1438, v6;
	v7 =	vsel vm14, $0x460, v7  }
0x111: {  	v11 =	vsel vm14, $0x888, v11;
	v14 =	vsel vm14, $0xB8, v14;
	v18 =	vsel vm14, $0x1203, v18  }
0x112: {  	v21 =	vsel vm14, $0x2084, v21;
	v24 =	vsel vm14, $0xD38, v24;
	v27 =	vsel vm14, $0x1160, v27  }
0x113: {  	v30 =	vsel vm14, $0x1588, v30;
	v33 =	vsel vm14, $0x5E0, v33;
	v36 =	vsel vm14, $0xA08, v36  }
0x114: {  	v39 =	vsel vm14, $0x238, v39;
	v42 =	vsel vm14, $0x1209, v42;
	v0 =	vsel vm12, $0x7F0, v0  }
0x115: {  	v45 =	vsel vm14, $0x208A, v45;
	v48 =	vsel vm14, $0xEB8, v48;
	v51 =	vsel vm14, $0x12E0, v51;
	[tilespmem:$0x1FAB0] =	vst v0;
	v0 =	vld [tilespmem:$0x1F980]  }
0x116: {  	v54 =	vsel vm14, $0x1708, v54;
	v57 =	vsel vm14, $0x760, v57;
	v60 =	vsel vm14, $0xB88, v60  }
0x117: {  	v5 =	vsel vm14, $0x380, v5;
	v8 =	vsel vm14, $0x1201, v8;
	v12 =	vsel vm14, $0x2082, v12  }
0x118: {  	v15 =	vsel vm14, $0xCB8, v15;
	v19 =	vsel vm14, $0x10E0, v19;
	v22 =	vsel vm14, $0x1508, v22  }
0x119: {  	v25 =	vsel vm14, $0x560, v25;
	v28 =	vsel vm14, $0x988, v28;
	v31 =	vsel vm14, $0x1B8, v31  }
0x11a: {  	v34 =	vsel vm14, $0x1207, v34;
	v37 =	vsel vm14, $0x2088, v37;
	v0 =	vsel vm12, $0x130F, v0  }
0x11b: {  	v40 =	vsel vm14, $0xE38, v40;
	v43 =	vsel vm14, $0x1260, v43;
	v1 =	vsel vm14, $0x1200, v1;
	[tilespmem:$0x1FAC0] =	vst v0;
	v0 =	vld [tilespmem:$0x1F990]  }
0x11c: {  	v46 =	vsel vm14, $0x1688, v46;
	v49 =	vsel vm14, $0x6E0, v49;
	v2 =	vld [tilespmem:$0x1F810];
	v1 =	vsel vm15, $0x2200, v1  }
0x11d: {  	v52 =	vsel vm14, $0xB08, v52;
	v55 =	vsel vm14, $0x338, v55;
	v1 =	vsel vm8, $0x280, v1  }
0x11e: {  	v58 =	vsel vm14, $0x120D, v58;
	v62 =	vsel vm14, $0x1788, v62;
	v1 =	vsel vm9, $0x1280, v1  }
0x11f: {  	v5 =	vsel vm15, $0x1380, v5;
	v63 =	vsel vm14, $0x3B8, v63;
	v1 =	vsel vm10, $0x2280, v1  }
0x120: {  	v5 =	vsel vm8, $0x2380, v5;
	v1 =	vsel vm11, $0x300, v1;
	v0 =	vsel vm12, $0x13F0, v0  }
0x121: {  	v61 =	vsel vm14, $0x208E, v61;
	v2 =	vsel vm14, $0x2080, v2;
	[tilespmem:$0x1FAD0] =	vst v0;
	v0 =	vsel vm12, $0x1300, v1  }
0x122: {  	v10 =	vsel vm14, $0xFB8, v10;
	v3 =	vsel vm9, $0x1410, v3;
	v2 =	vsel vm15, $0x100, v2;
	[tilespmem:$0x1FAE0] =	vst v0;
	v0 =	vld [tilespmem:$0x1F9A0]  }
0x123: {  	v4 =	vsel vm9, $0x40, v4;
	v5 =	vsel vm9, $0x0, v5;
	v2 =	vsel vm8, $0x1100, v2  }
0x124: {  	v6 =	vsel vm9, $0xC40, v6;
	v3 =	vsel vm10, $0xC18, v3;
	v2 =	vsel vm9, $0x2100, v2  }
0x125: {  	v4 =	vsel vm10, $0x440, v4;
	v5 =	vsel vm10, $0x1000, v5;
	v2 =	vsel vm10, $0x180, v2  }
0x126: {  	v6 =	vsel vm10, $0x1040, v6;
	v2 =	vsel vm11, $0x1180, v2;
	vm14 =	vcmask $0x3734  }
0x127: {  	v3 =	vsel vm11, $0x1018, v3;
	v2 =	vsel vm12, $0x2180, v2;
	v0 =	vsel vm14, $0x420, v0  }
0x128: {  	v4 =	vsel vm11, $0x840, v4;
	v3 =	vsel vm12, $0x1418, v3;
	[tilespmem:$0x1FB50] =	vst v0;
	v0 =	vsel vm13, $0x200, v2  }
0x129: {  	v5 =	vsel vm11, $0x2000, v5;
	v4 =	vsel vm12, $0x48, v4;
	[tilespmem:$0x1FAF0] =	vst v0;
	v0 =	vsel vm13, $0xC20, v3  }
0x12a: {  	v6 =	vsel vm11, $0x1440, v6;
	v5 =	vsel vm12, $0x80, v5;
	[tilespmem:$0x1FB00] =	vst v0;
	v0 =	vsel vm13, $0x448, v4  }
0x12b: {  	v38 =	vsel vm15, $0xE10, v38;
	v6 =	vsel vm12, $0xC48, v6;
	[tilespmem:$0x1FB10] =	vst v0;
	v0 =	vsel vm13, $0x1080, v5  }
0x12c: {  	v41 =	vsel vm15, $0xA60, v41;
	v44 =	vsel vm15, $0x290, v44;
	[tilespmem:$0x1FB20] =	vst v0;
	v0 =	vsel vm13, $0x1048, v6  }
0x12d: {  	v47 =	vsel vm15, $0x6B8, v47;
	v50 =	vsel vm15, $0x220B, v50;
	v7 =	vsel vm15, $0x860, v7;
	[tilespmem:$0x1FB30] =	vst v0;
	v0 =	vld [tilespmem:$0x1F9B0]  }
0x12e: {  	v53 =	vsel vm15, $0x10C, v53;
	v56 =	vsel vm15, $0x1338, v56;
	v7 =	vsel vm8, $0x68, v7  }
0x12f: {  	v59 =	vsel vm15, $0x1760, v59;
	v41 =	vsel vm8, $0x268, v41;
	v7 =	vsel vm9, $0x468, v7  }
0x130: {  	v44 =	vsel vm8, $0x690, v44;
	v47 =	vsel vm8, $0xAB8, v47;
	v7 =	vsel vm10, $0x868, v7  }
0x131: {  	v53 =	vsel vm8, $0x110C, v53;
	v56 =	vsel vm8, $0x1738, v56;
	v7 =	vsel vm11, $0x70, v7  }
0x132: {  	v59 =	vsel vm8, $0xF68, v59;
	v7 =	vsel vm12, $0x470, v7;
	v0 =	vsel vm13, $0xE, v0  }
0x133: {  	v11 =	vsel vm15, $0x90, v11;
	v14 =	vsel vm15, $0x4B8, v14;
	[tilespmem:$0x1F9C0] =	vst v0;
	v0 =	vsel vm13, $0x870, v7  }
0x134: {  	v18 =	vsel vm15, $0x2203, v18;
	v21 =	vsel vm15, $0x104, v21;
	v24 =	vsel vm15, $0x1138, v24;
	[tilespmem:$0x1FB40] =	vst v0;
	v0 =	vld [tilespmem:$0x1F9D0]  }
0x135: {  	v27 =	vsel vm15, $0x1560, v27;
	v30 =	vsel vm15, $0xD90, v30;
	v33 =	vsel vm15, $0x9E0, v33  }
0x136: {  	v36 =	vsel vm15, $0x210, v36;
	v39 =	vsel vm15, $0x638, v39;
	v42 =	vsel vm15, $0x2209, v42  }
0x137: {  	v45 =	vsel vm15, $0x10A, v45;
	v48 =	vsel vm15, $0x12B8, v48;
	v51 =	vsel vm15, $0x16E0, v51  }
0x138: {  	v54 =	vsel vm15, $0xF10, v54;
	v57 =	vsel vm15, $0xB60, v57;
	v60 =	vsel vm15, $0x390, v60  }
0x139: {  	v11 =	vsel vm8, $0x490, v11;
	v39 =	vsel vm8, $0xA38, v39;
	v0 =	vsel vm13, $0x1E, v0  }
0x13a: {  	v42 =	vsel vm8, $0x289, v42;
	v45 =	vsel vm8, $0x110A, v45;
	v48 =	vsel vm8, $0x16B8, v48;
	[tilespmem:$0x1F9E0] =	vst v0;
	v0 =	vld [tilespmem:$0x1F9F0]  }
0x13b: {  	v51 =	vsel vm8, $0xEE8, v51;
	v54 =	vsel vm8, $0x1310, v54;
	v57 =	vsel vm8, $0x368, v57  }
0x13c: {  	v60 =	vsel vm8, $0x790, v60;
	v8 =	vsel vm15, $0x2201, v8;
	v12 =	vsel vm15, $0x102, v12  }
0x13d: {  	v15 =	vsel vm15, $0x10B8, v15;
	v19 =	vsel vm15, $0x14E0, v19;
	v22 =	vsel vm15, $0xD10, v22  }
0x13e: {  	v25 =	vsel vm15, $0x960, v25;
	v28 =	vsel vm15, $0x190, v28;
	v31 =	vsel vm15, $0x5B8, v31  }
0x13f: {  	v34 =	vsel vm15, $0x2207, v34;
	v37 =	vsel vm15, $0x108, v37;
	v0 =	vsel vm13, $0x2E, v0  }
0x140: {  	v40 =	vsel vm15, $0x1238, v40;
	v43 =	vsel vm15, $0x1660, v43;
	v46 =	vsel vm15, $0xE90, v46;
	[tilespmem:$0x1FA00] =	vst v0;
	v0 =	vld [tilespmem:$0x1FA10]  }
0x141: {  	v49 =	vsel vm15, $0xAE0, v49;
	v52 =	vsel vm15, $0x310, v52;
	v55 =	vsel vm15, $0x738, v55  }
0x142: {  	v58 =	vsel vm15, $0x220D, v58;
	v62 =	vsel vm15, $0xF90, v62;
	v8 =	vsel vm8, $0x281, v8  }
0x143: {  	v46 =	vsel vm8, $0x1290, v46;
	v52 =	vsel vm8, $0x710, v52;
	v55 =	vsel vm8, $0xB38, v55  }
0x144: {  	v58 =	vsel vm8, $0x28D, v58;
	v62 =	vsel vm8, $0x1390, v62;
	v63 =	vsel vm15, $0x7B8, v63  }
0x145: {  	v61 =	vsel vm15, $0x10E, v61;
	v10 =	vsel vm15, $0x13B8, v10;
	v0 =	vsel vm13, $0x3E, v0  }
0x146: {  	v63 =	vsel vm8, $0xBB8, v63;
	v61 =	vsel vm8, $0x110E, v61;
	v10 =	vsel vm8, $0x17B8, v10;
	[tilespmem:$0x1FA20] =	vst v0;
	v0 =	vld [tilespmem:$0x1FA30]  }
0x147: {  	v8 =	vsel vm9, $0x1281, v8;
	v11 =	vsel vm9, $0x890, v11;
	v39 =	vsel vm9, $0x240, v39  }
0x148: {  	v41 =	vsel vm9, $0x668, v41;
	v42 =	vsel vm9, $0x1289, v42;
	v44 =	vsel vm9, $0xA90, v44  }
0x149: {  	v45 =	vsel vm9, $0x210A, v45;
	v46 =	vsel vm9, $0x1690, v46;
	v47 =	vsel vm9, $0x2C0, v47  }
0x14a: {  	v48 =	vsel vm9, $0xEC0, v48;
	v51 =	vsel vm9, $0x12E8, v51;
	v52 =	vsel vm9, $0xB10, v52  }
0x14b: {  	v53 =	vsel vm9, $0x210C, v53;
	v54 =	vsel vm9, $0x1710, v54;
	v0 =	vsel vm13, $0x4E, v0  }
0x14c: {  	v55 =	vsel vm9, $0x340, v55;
	v56 =	vsel vm9, $0xF40, v56;
	v57 =	vsel vm9, $0x768, v57;
	[tilespmem:$0x1FA40] =	vst v0;
	v0 =	vld [tilespmem:$0x1FA50]  }
0x14d: {  	v58 =	vsel vm9, $0x128D, v58;
	v59 =	vsel vm9, $0x1368, v59;
	v60 =	vsel vm9, $0xB90, v60  }
0x14e: {  	v61 =	vsel vm9, $0x210E, v61;
	v62 =	vsel vm9, $0x1790, v62;
	v63 =	vsel vm9, $0x3C0, v63  }
0x14f: {  	v10 =	vsel vm9, $0xFC0, v10;
	v8 =	vsel vm10, $0x2281, v8;
	v11 =	vsel vm10, $0x98, v11  }
0x150: {  	v39 =	vsel vm10, $0x640, v39;
	v41 =	vsel vm10, $0xA68, v41;
	v42 =	vsel vm10, $0x2289, v42;
	v5 =	vld [tilespmem:$0x1FB10]  }
0x151: {  	v44 =	vsel vm10, $0x298, v44;
	v45 =	vsel vm10, $0x18A, v45;
	v0 =	vsel vm13, $0x5E, v0  }
0x152: {  	v46 =	vsel vm10, $0xE98, v46;
	v47 =	vsel vm10, $0x6C0, v47;
	v48 =	vsel vm10, $0x12C0, v48;
	[tilespmem:$0x1FA60] =	vst v0;
	v0 =	vld [tilespmem:$0x1FA70]  }
0x153: {  	v51 =	vsel vm10, $0x16E8, v51;
	v52 =	vsel vm10, $0x318, v52;
	v53 =	vsel vm10, $0x18C, v53  }
0x154: {  	v54 =	vsel vm10, $0xF18, v54;
	v55 =	vsel vm10, $0x740, v55;
	v56 =	vsel vm10, $0x1340, v56  }
0x155: {  	v57 =	vsel vm10, $0xB68, v57;
	v58 =	vsel vm10, $0x228D, v58;
	v6 =	vsel vm14, $0x848, v5;
	v5 =	vld [tilespmem:$0x1FB20]  }
0x156: {  	v59 =	vsel vm10, $0x1768, v59;
	v60 =	vsel vm10, $0x398, v60;
	v61 =	vsel vm10, $0x18E, v61  }
0x157: {  	v62 =	vsel vm10, $0xF98, v62;
	v63 =	vsel vm10, $0x7C0, v63;
	v0 =	vsel vm13, $0x6E, v0  }
0x158: {  	v10 =	vsel vm10, $0x13C0, v10;
	v8 =	vsel vm11, $0x301, v8;
	v11 =	vsel vm11, $0x498, v11;
	[tilespmem:$0x1FA80] =	vst v0;
	v0 =	vld [tilespmem:$0x1FA90]  }
0x159: {  	v39 =	vsel vm11, $0xA40, v39;
	v41 =	vsel vm11, $0x270, v41;
	v42 =	vsel vm11, $0x309, v42  }
0x15a: {  	v44 =	vsel vm11, $0x698, v44;
	v45 =	vsel vm11, $0x118A, v45;
	v5 =	vsel vm14, $0x2080, v5  }
0x15b: {  	v46 =	vsel vm11, $0x1298, v46;
	v47 =	vsel vm11, $0xAC0, v47;
	v48 =	vsel vm11, $0x16C0, v48;
	[tilespmem:$0x1FB60] =	vst v5;
	v5 =	vld [tilespmem:$0x1FB30]  }
0x15c: {  	v51 =	vsel vm11, $0xEF0, v51;
	v52 =	vsel vm11, $0x718, v52;
	v53 =	vsel vm11, $0x118C, v53  }
0x15d: {  	v54 =	vsel vm11, $0x1318, v54;
	v55 =	vsel vm11, $0xB40, v55;
	v0 =	vsel vm13, $0x7E, v0  }
0x15e: {  	v56 =	vsel vm11, $0x1740, v56;
	v57 =	vsel vm11, $0x370, v57;
	v58 =	vsel vm11, $0x30D, v58;
	[tilespmem:$0x1FAA0] =	vst v0;
	v0 =	vld [tilespmem:$0x1FAB0]  }
0x15f: {  	v59 =	vsel vm11, $0xF70, v59;
	v60 =	vsel vm11, $0x798, v60;
	v61 =	vsel vm11, $0x118E, v61  }
0x160: {  	v62 =	vsel vm11, $0x1398, v62;
	v63 =	vsel vm11, $0xBC0, v63;
	v5 =	vsel vm14, $0x1448, v5  }
0x161: {  	v10 =	vsel vm11, $0x17C0, v10;
	v8 =	vsel vm12, $0x1301, v8;
	v11 =	vsel vm12, $0x898, v11;
	[tilespmem:$0x1FB70] =	vst v5;
	v5 =	vld [tilespmem:$0x1FB40]  }
0x162: {  	v39 =	vsel vm12, $0x248, v39;
	v41 =	vsel vm12, $0x670, v41;
	v42 =	vsel vm12, $0x1309, v42  }
0x163: {  	v44 =	vsel vm12, $0xA98, v44;
	v45 =	vsel vm12, $0x218A, v45;
	v0 =	vsel vm13, $0xBF0, v0  }
0x164: {  	v46 =	vsel vm12, $0x1698, v46;
	v47 =	vsel vm12, $0x2C8, v47;
	v0 =	vsel vm14, $0x3F8, v0  }
0x165: {  	v48 =	vsel vm12, $0xEC8, v48;
	v51 =	vsel vm12, $0x12F0, v51;
	v52 =	vsel vm12, $0xB18, v52;
	[tilespmem:$0x1FDD0] =	vst v0;
	v0 =	vld [tilespmem:$0x1FB50]  }
0x166: {  	v53 =	vsel vm12, $0x218C, v53;
	v8 =	vsel vm13, $0x2301, v8;
	v5 =	vsel vm14, $0x78, v5  }
0x167: {  	v54 =	vsel vm12, $0x1718, v54;
	v39 =	vsel vm13, $0x648, v39;
	[tilespmem:$0x1FB80] =	vst v5;
	v5 =	vsel vm14, $0x381, v8  }
0x168: {  	v55 =	vsel vm12, $0x348, v55;
	v41 =	vsel vm13, $0xA70, v41;
	[tilespmem:$0x1FB90] =	vst v5;
	v5 =	vsel vm14, $0xA48, v39  }
0x169: {  	v42 =	vsel vm13, $0x2309, v42;
	vm15 =	vcmask $0x3B38;
	[tilespmem:$0x1FBD0] =	vst v5;
	v5 =	vsel vm14, $0x278, v41  }
0x16a: {  	v44 =	vsel vm13, $0x2A0, v44;
	[tilespmem:$0x1FBE0] =	vst v5;
	v5 =	vsel vm14, $0x389, v42;
	v41 =	vsel vm15, $0x820, v0;
	v0 =	vld [tilespmem:$0x1FB60]  }
0x16b: {  	v56 =	vsel vm12, $0xF48, v56;
	v45 =	vsel vm13, $0x20A, v45;
	[tilespmem:$0x1FBF0] =	vst v5;
	v5 =	vsel vm14, $0x6A0, v44  }
0x16c: {  	v57 =	vsel vm12, $0x770, v57;
	v46 =	vsel vm13, $0xEA0, v46;
	[tilespmem:$0x1FC00] =	vst v5;
	v5 =	vsel vm14, $0x120A, v45  }
0x16d: {  	v58 =	vsel vm12, $0x130D, v58;
	v47 =	vsel vm13, $0x6C8, v47;
	[tilespmem:$0x1FC10] =	vst v5;
	v5 =	vsel vm14, $0x12A0, v46  }
0x16e: {  	v59 =	vsel vm12, $0x1370, v59;
	v48 =	vsel vm13, $0x12C8, v48;
	[tilespmem:$0x1FC20] =	vst v5;
	v5 =	vsel vm14, $0xAC8, v47  }
0x16f: {  	v51 =	vsel vm13, $0x16F0, v51;
	[tilespmem:$0x1FC30] =	vst v5;
	v5 =	vsel vm14, $0x16C8, v48;
	v46 =	vsel vm15, $0x100, v0;
	v0 =	vld [tilespmem:$0x1FB70]  }
0x170: {  	v60 =	vsel vm12, $0xB98, v60;
	v52 =	vsel vm13, $0x320, v52;
	[tilespmem:$0x1FC50] =	vst v5;
	v5 =	vsel vm14, $0xEF8, v51  }
0x171: {  	v61 =	vsel vm12, $0x218E, v61;
	v53 =	vsel vm13, $0x20C, v53;
	[tilespmem:$0x1FC60] =	vst v5;
	v5 =	vsel vm14, $0x720, v52  }
0x172: {  	v62 =	vsel vm12, $0x1798, v62;
	v54 =	vsel vm13, $0xF20, v54;
	v2 =	vld [tilespmem:$0x1FAD0];
	[tilespmem:$0x1FC70] =	vst v5;
	v5 =	vsel vm14, $0x120C, v53  }
0x173: {  	v63 =	vsel vm12, $0x3C8, v63;
	v55 =	vsel vm13, $0x748, v55;
	v3 =	vld [tilespmem:$0x1FAE0];
	[tilespmem:$0x1FC80] =	vst v5;
	v5 =	vsel vm14, $0x1320, v54  }
0x174: {  	v56 =	vsel vm13, $0x1348, v56;
	[tilespmem:$0x1FCA0] =	vst v5;
	v5 =	vsel vm14, $0xB48, v55;
	v55 =	vsel vm15, $0xC50, v0;
	v0 =	vld [tilespmem:$0x1FB80]  }
0x175: {  	v57 =	vsel vm13, $0xB70, v57;
	v58 =	vsel vm13, $0x230D, v58;
	[tilespmem:$0x1FCB0] =	vst v5;
	v5 =	vsel vm14, $0x1748, v56  }
0x176: {  	v59 =	vsel vm13, $0x1770, v59;
	v60 =	vsel vm13, $0x3A0, v60;
	v4 =	vld [tilespmem:$0x1FAF0];
	[tilespmem:$0x1FCD0] =	vst v5;
	v5 =	vsel vm14, $0x378, v57  }
0x177: {  	v61 =	vsel vm13, $0x20E, v61;
	v2 =	vsel vm13, $0x17F0, v2;
	[tilespmem:$0x1FCF0] =	vst v5;
	v5 =	vsel vm14, $0x38D, v58  }
0x178: {  	v3 =	vsel vm13, $0x2300, v3;
	[tilespmem:$0x1FD10] =	vst v5;
	v5 =	vsel vm14, $0xF78, v59;
	v59 =	vsel vm14, $0xFF8, v2  }
0x179: {  	v2 =	vsel vm14, $0x380, v3;
	[tilespmem:$0x1FD30] =	vst v5;
	v5 =	vsel vm14, $0x7A0, v60;
	v3 =	vsel vm15, $0x478, v0;
	v0 =	vld [tilespmem:$0x1FB90]  }
0x17a: {  	v10 =	vsel vm12, $0xFC8, v10;
	v62 =	vsel vm13, $0xFA0, v62;
	[tilespmem:$0x1FD50] =	vst v5;
	v5 =	vsel vm14, $0x120E, v61  }
0x17b: {  	s10 =	rddreg [dreg:$0x0];
	v63 =	vsel vm13, $0x7C8, v63;
	v7 =	vsel vm14, $0x1200, v4;
	v4 =	vld [tilespmem:$0x1FB00];
	[tilespmem:$0x1FD60] =	vst v5;
	v5 =	vsel vm14, $0x13A0, v62  }
0x17c: {  	s0 =	rddreg [dreg:$0x1];
	v11 =	vsel vm13, $0xA0, v11;
	v10 =	vsel vm13, $0x13C8, v10;
	[tilespmem:$0x1FD80] =	vst v5;
	v5 =	vsel vm14, $0xBC8, v63  }
0x17d: {  	s1 =	rddreg [dreg:$0x2];
	v8 =	vsel vm14, $0x4A0, v11;
	[tilespmem:$0x1FD90] =	vst v5;
	v5 =	vsel vm14, $0x17C8, v10  }
0x17e: {  	s11 =	rddreg [dreg:$0x3];
	s2 =	simm.s32 $0x0;
	[tilespmem:$0x1FDB0] =	vst v5;
	v51 =	vsel vm15, $0x1381, v0;
	v0 =	vsel vm15, $0x8A0, v8  }
0x17f: {  	[smem:$0x7FF] =	sst s2;
	[tilespmem:$0x1FBA0] =	vst v0  }
0x180: {  	s6 =	rddreg [dreg:$0x4];
	v1 =	vld [tilespmem:$0x1FAC0];
	v4 =	vsel vm14, $0x1020, v4;
	_ =	strace $0x80000047  }
0x181: {  	v10 =	vsel vm15, $0x1420, v4;
	v4 =	vsel vm15, $0x50, v6;
	v6 =	vld [tilespmem:$0x1FC30];
	_ =	sdelay $0x4  }
0x182: {  	v9 =	vsel vm8, $0xC68, v9;
	v6 =	vsel vm15, $0x2D0, v6  }
0x183: {  	v13 =	vsel vm8, $0x1090, v13;
	v17 =	vsel vm8, $0xE8, v17;
	v20 =	vsel vm8, $0x510, v20;
	[tilespmem:$0x1FC40] =	vst v6;
	v6 =	vld [tilespmem:$0x1FC50]  }
0x184: {  	v23 =	vsel vm8, $0x938, v23;
	v26 =	vsel vm8, $0x285, v26;
	v29 =	vsel vm8, $0x1106, v29  }
0x185: {  	v32 =	vsel vm8, $0x15B8, v32;
	v35 =	vsel vm8, $0xDE8, v35;
	v38 =	vsel vm8, $0x1210, v38  }
0x186: {  	v50 =	vsel vm8, $0x28B, v50;
	v14 =	vsel vm8, $0x8B8, v14;
	v49 =	vsel vm8, $0x2E8, v49  }
0x187: {  	v18 =	vsel vm8, $0x283, v18;
	v49 =	vsel vm9, $0x6E8, v49;
	v50 =	vsel vm9, $0x128B, v50  }
0x188: {  	v49 =	vsel vm10, $0xAE8, v49;
	v50 =	vsel vm10, $0x228B, v50;
	v8 =	vsel vm15, $0xED0, v6;
	v6 =	vld [tilespmem:$0x1FC60]  }
0x189: {  	v21 =	vsel vm8, $0x1104, v21;
	v49 =	vsel vm11, $0x2F0, v49;
	v50 =	vsel vm11, $0x30B, v50  }
0x18a: {  	v24 =	vsel vm8, $0x1538, v24;
	v49 =	vsel vm12, $0x6F0, v49;
	v50 =	vsel vm12, $0x130B, v50  }
0x18b: {  	v27 =	vsel vm8, $0xD68, v27;
	v49 =	vsel vm13, $0xAF0, v49;
	v50 =	vsel vm13, $0x230B, v50  }
0x18c: {  	v30 =	vsel vm8, $0x1190, v30;
	v47 =	vsel vm14, $0x2F8, v49;
	v49 =	vsel vm14, $0x38B, v50  }
0x18d: {  	v33 =	vsel vm8, $0x1E8, v33;
	v58 =	vsel vm15, $0x138B, v49;
	v49 =	vsel vm15, $0x12F8, v6;
	v6 =	vld [tilespmem:$0x1FC70]  }
0x18e: {  	v36 =	vsel vm8, $0x610, v36;
	v12 =	vsel vm8, $0x1102, v12;
	v15 =	vsel vm8, $0x14B8, v15  }
0x18f: {  	v19 =	vsel vm8, $0xCE8, v19;
	v22 =	vsel vm8, $0x1110, v22;
	v25 =	vsel vm8, $0x168, v25  }
0x190: {  	v28 =	vsel vm8, $0x590, v28;
	v31 =	vsel vm8, $0x9B8, v31;
	v34 =	vsel vm8, $0x287, v34  }
0x191: {  	v37 =	vsel vm8, $0x1108, v37;
	v40 =	vsel vm8, $0x1638, v40;
	v43 =	vsel vm8, $0xE68, v43  }
0x192: {  	v9 =	vsel vm9, $0x1068, v9;
	v12 =	vsel vm9, $0x2102, v12;
	v53 =	vsel vm15, $0xB20, v6;
	v6 =	vld [tilespmem:$0x1FC80]  }
0x193: {  	v13 =	vsel vm9, $0x1490, v13;
	v14 =	vsel vm9, $0xC0, v14;
	v15 =	vsel vm9, $0xCC0, v15  }
0x194: {  	v21 =	vsel vm9, $0x2104, v21;
	v22 =	vsel vm9, $0x1510, v22;
	v23 =	vsel vm9, $0x140, v23  }
0x195: {  	v25 =	vsel vm9, $0x568, v25;
	v26 =	vsel vm9, $0x1285, v26;
	v27 =	vsel vm9, $0x1168, v27  }
0x196: {  	v28 =	vsel vm9, $0x990, v28;
	v29 =	vsel vm9, $0x2106, v29;
	v30 =	vsel vm9, $0x1590, v30  }
0x197: {  	v31 =	vsel vm9, $0x1C0, v31;
	v32 =	vsel vm9, $0xDC0, v32;
	v6 =	vsel vm15, $0x220C, v6  }
0x198: {  	v33 =	vsel vm9, $0x5E8, v33;
	v34 =	vsel vm9, $0x1287, v34;
	v35 =	vsel vm9, $0x11E8, v35;
	[tilespmem:$0x1FC90] =	vst v6;
	v6 =	vld [tilespmem:$0x1FCA0]  }
0x199: {  	v36 =	vsel vm9, $0xA10, v36;
	v37 =	vsel vm9, $0x2108, v37;
	v38 =	vsel vm9, $0x1610, v38  }
0x19a: {  	v40 =	vsel vm9, $0xE40, v40;
	v43 =	vsel vm9, $0x1268, v43;
	v9 =	vsel vm10, $0x1468, v9  }
0x19b: {  	v12 =	vsel vm10, $0x182, v12;
	v13 =	vsel vm10, $0xC98, v13;
	v14 =	vsel vm10, $0x4C0, v14  }
0x19c: {  	v21 =	vsel vm10, $0x184, v21;
	v22 =	vsel vm10, $0xD18, v22;
	v23 =	vsel vm10, $0x540, v23  }
0x19d: {  	v25 =	vsel vm10, $0x968, v25;
	v26 =	vsel vm10, $0x2285, v26;
	v61 =	vsel vm15, $0x1720, v6;
	v6 =	vld [tilespmem:$0x1FCB0]  }
0x19e: {  	v27 =	vsel vm10, $0x1568, v27;
	v28 =	vsel vm10, $0x198, v28;
	v29 =	vsel vm10, $0x186, v29  }
0x19f: {  	v30 =	vsel vm10, $0xD98, v30;
	v31 =	vsel vm10, $0x5C0, v31;
	v32 =	vsel vm10, $0x11C0, v32  }
0x1a0: {  	v33 =	vsel vm10, $0x9E8, v33;
	v34 =	vsel vm10, $0x2287, v34;
	v35 =	vsel vm10, $0x15E8, v35  }
0x1a1: {  	v36 =	vsel vm10, $0x218, v36;
	v37 =	vsel vm10, $0x188, v37;
	v38 =	vsel vm10, $0xE18, v38  }
0x1a2: {  	v40 =	vsel vm10, $0x1240, v40;
	v43 =	vsel vm10, $0x1668, v43;
	v6 =	vsel vm15, $0x350, v6  }
0x1a3: {  	v9 =	vsel vm11, $0xC70, v9;
	v12 =	vsel vm11, $0x1182, v12;
	v13 =	vsel vm11, $0x1098, v13;
	[tilespmem:$0x1FCC0] =	vst v6;
	v6 =	vld [tilespmem:$0x1FCD0]  }
0x1a4: {  	v14 =	vsel vm11, $0x8C0, v14;
	v21 =	vsel vm11, $0x1184, v21;
	v22 =	vsel vm11, $0x1118, v22  }
0x1a5: {  	v23 =	vsel vm11, $0x940, v23;
	v25 =	vsel vm11, $0x170, v25;
	v26 =	vsel vm11, $0x305, v26  }
0x1a6: {  	v27 =	vsel vm11, $0xD70, v27;
	v28 =	vsel vm11, $0x598, v28;
	v29 =	vsel vm11, $0x1186, v29  }
0x1a7: {  	v30 =	vsel vm11, $0x1198, v30;
	v31 =	vsel vm11, $0x9C0, v31;
	v32 =	vsel vm11, $0x15C0, v32  }
0x1a8: {  	v33 =	vsel vm11, $0x1F0, v33;
	v34 =	vsel vm11, $0x307, v34;
	v6 =	vsel vm15, $0xF50, v6  }
0x1a9: {  	v35 =	vsel vm11, $0xDF0, v35;
	v36 =	vsel vm11, $0x618, v36;
	v37 =	vsel vm11, $0x1188, v37;
	[tilespmem:$0x1FCE0] =	vst v6;
	v6 =	vld [tilespmem:$0x1FCF0]  }
0x1aa: {  	v38 =	vsel vm11, $0x1218, v38;
	v40 =	vsel vm11, $0x1640, v40;
	v43 =	vsel vm11, $0xE70, v43  }
0x1ab: {  	v9 =	vsel vm12, $0x1070, v9;
	v12 =	vsel vm12, $0x2182, v12;
	v13 =	vsel vm12, $0x1498, v13  }
0x1ac: {  	v14 =	vsel vm12, $0xC8, v14;
	v21 =	vsel vm12, $0x2184, v21;
	v22 =	vsel vm12, $0x1518, v22  }
0x1ad: {  	v23 =	vsel vm12, $0x148, v23;
	v25 =	vsel vm12, $0x570, v25;
	v26 =	vsel vm12, $0x1305, v26  }
0x1ae: {  	v27 =	vsel vm12, $0x1170, v27;
	v28 =	vsel vm12, $0x998, v28;
	v6 =	vsel vm15, $0x778, v6  }
0x1af: {  	v29 =	vsel vm12, $0x2186, v29;
	v30 =	vsel vm12, $0x1598, v30;
	v31 =	vsel vm12, $0x1C8, v31;
	[tilespmem:$0x1FD00] =	vst v6;
	v6 =	vld [tilespmem:$0x1FD10]  }
0x1b0: {  	v32 =	vsel vm12, $0xDC8, v32;
	v33 =	vsel vm12, $0x5F0, v33;
	v34 =	vsel vm12, $0x1307, v34  }
0x1b1: {  	v35 =	vsel vm12, $0x11F0, v35;
	v36 =	vsel vm12, $0xA18, v36;
	v37 =	vsel vm12, $0x2188, v37  }
0x1b2: {  	v38 =	vsel vm12, $0x1618, v38;
	v40 =	vsel vm12, $0xE48, v40;
	v43 =	vsel vm12, $0x1270, v43  }
0x1b3: {  	v9 =	vsel vm13, $0x1470, v9;
	v12 =	vsel vm13, $0x202, v12;
	v13 =	vsel vm13, $0xCA0, v13  }
0x1b4: {  	v14 =	vsel vm13, $0x4C8, v14;
	v21 =	vsel vm13, $0x204, v21;
	v6 =	vsel vm15, $0x138D, v6  }
0x1b5: {  	v22 =	vsel vm13, $0xD20, v22;
	v26 =	vsel vm13, $0x2305, v26;
	v27 =	vsel vm13, $0x1570, v27;
	[tilespmem:$0x1FD20] =	vst v6;
	v6 =	vld [tilespmem:$0x1FD30]  }
0x1b6: {  	v28 =	vsel vm13, $0x1A0, v28;
	v29 =	vsel vm13, $0x206, v29;
	v30 =	vsel vm13, $0xDA0, v30  }
0x1b7: {  	v31 =	vsel vm13, $0x5C8, v31;
	v33 =	vsel vm13, $0x9F0, v33;
	v21 =	vsel vm14, $0x1204, v21  }
0x1b8: {  	v35 =	vsel vm13, $0x15F0, v35;
	v22 =	vsel vm14, $0x1120, v22;
	v0 =	vsel vm15, $0x2204, v21  }
0x1b9: {  	v36 =	vsel vm13, $0x220, v36;
	v1 =	vsel vm13, $0x230F, v1;
	[tilespmem:$0x1FBB0] =	vst v0;
	v0 =	vsel vm15, $0x1520, v22  }
0x1ba: {  	v13 =	vsel vm14, $0x10A0, v13;
	v44 =	vsel vm14, $0x38F, v1;
	[tilespmem:$0x1FBC0] =	vst v0;
	v0 =	vld [tilespmem:$0x1FBD0];
	v6 =	vsel vm15, $0x1378, v6  }
0x1bb: {  	v14 =	vsel vm14, $0x8C8, v14;
	v42 =	vsel vm15, $0x14A0, v13;
	v13 =	vsel vm15, $0x138F, v44;
	[tilespmem:$0x1FD40] =	vst v6;
	v6 =	vld [tilespmem:$0x1FD50]  }
0x1bc: {  	v12 =	vsel vm14, $0x1202, v12;
	v63 =	vsel vm15, $0xD0, v14;
	v14 =	vsel vm15, $0x1380, v2;
	[tilespmem:$0x1FDF0] =	vst v13  }
0x1bd: {  	v38 =	vsel vm13, $0xE20, v38;
	v9 =	vsel vm14, $0xC78, v9;
	v39 =	vsel vm15, $0x2202, v12;
	[tilespmem:$0x1FE10] =	vst v14  }
0x1be: {  	v26 =	vsel vm14, $0x385, v26;
	v33 =	vsel vm14, $0x1F8, v33;
	v36 =	vsel vm14, $0x620, v36;
	[tilespmem:$0x1FE30] =	vst v39  }
0x1bf: {  	v1 =	vsel vm15, $0x5F8, v33;
	v33 =	vsel vm15, $0xA20, v36;
	[tilespmem:$0x1FE40] =	vst v51;
	v36 =	vsel vm15, $0x250, v0;
	v0 =	vld [tilespmem:$0x1FBE0]  }
0x1c0: {  	v27 =	vsel vm14, $0xD78, v27;
	v26 =	vsel vm15, $0x1385, v26;
	[tilespmem:$0x1FE50] =	vst v41;
	v22 =	vsel vm15, $0xBA0, v6;
	v6 =	vld [tilespmem:$0x1FD60]  }
0x1c1: {  	v28 =	vsel vm14, $0x5A0, v28;
	v29 =	vsel vm14, $0x1206, v29;
	v27 =	vsel vm15, $0x1178, v27;
	[tilespmem:$0x1FE60] =	vst v26  }
0x1c2: {  	v30 =	vsel vm14, $0x11A0, v30;
	v31 =	vsel vm14, $0x9C8, v31;
	v28 =	vsel vm15, $0x9A0, v28;
	[tilespmem:$0x1FE70] =	vst v27  }
0x1c3: {  	v35 =	vsel vm14, $0xDF8, v35;
	v38 =	vsel vm14, $0x1220, v38;
	v29 =	vsel vm15, $0x2206, v29;
	[tilespmem:$0x1FE80] =	vst v28  }
0x1c4: {  	v30 =	vsel vm15, $0x15A0, v30;
	v11 =	vsel vm15, $0x1078, v9;
	v9 =	vsel vm15, $0x11F8, v35;
	[tilespmem:$0x1FE90] =	vst v29  }
0x1c5: {  	v35 =	vsel vm15, $0x1620, v38;
	[tilespmem:$0x1FEA0] =	vst v30;
	v38 =	vsel vm15, $0x678, v0;
	v0 =	vld [tilespmem:$0x1FBF0];
	v6 =	vsel vm15, $0x220E, v6  }
0x1c6: {  	v32 =	vsel vm13, $0x11C8, v32;
	v34 =	vsel vm13, $0x2307, v34;
	v31 =	vsel vm15, $0x1D0, v31;
	[tilespmem:$0x1FD70] =	vst v6;
	v6 =	vld [tilespmem:$0x1FD80]  }
0x1c7: {  	v23 =	vsel vm13, $0x548, v23;
	v32 =	vsel vm14, $0x15C8, v32;
	v34 =	vsel vm14, $0x387, v34;
	[tilespmem:$0x1FEB0] =	vst v31  }
0x1c8: {  	v25 =	vsel vm13, $0x970, v25;
	v62 =	vsel vm15, $0xDD0, v32;
	v32 =	vsel vm15, $0x1387, v34;
	[tilespmem:$0x1FEC0] =	vst v1  }
0x1c9: {  	v37 =	vsel vm13, $0x208, v37;
	v23 =	vsel vm14, $0x948, v23;
	v25 =	vsel vm14, $0x178, v25;
	[tilespmem:$0x1FED0] =	vst v32  }
0x1ca: {  	v37 =	vsel vm14, $0x1208, v37;
	v48 =	vsel vm15, $0x578, v25;
	[tilespmem:$0x1FEE0] =	vst v9;
	v57 =	vsel vm15, $0x1389, v0;
	v0 =	vld [tilespmem:$0x1FC00]  }
0x1cb: {  	v56 =	vsel vm15, $0x150, v23;
	v34 =	vsel vm15, $0x2208, v37;
	[tilespmem:$0x1FEF0] =	vst v48;
	v23 =	vsel vm15, $0x17A0, v6;
	v6 =	vld [tilespmem:$0x1FD90]  }
0x1cc: {  	v17 =	vsel vm9, $0x4E8, v17;
	v40 =	vsel vm13, $0x1248, v40;
	v43 =	vsel vm13, $0x1670, v43;
	[tilespmem:$0x1FF00] =	vst v34  }
0x1cd: {  	s22 =	simm.s32 $0x4200;
	v18 =	vsel vm9, $0x1283, v18;
	v40 =	vsel vm14, $0x1648, v40;
	v43 =	vsel vm14, $0xE78, v43;
	[tilespmem:$0x1FF10] =	vst v35  }
0x1ce: {  	s23 =	simm.s32 $0x4600;
	s24 =	simm.s32 $0x4A00;
	v19 =	vsel vm9, $0x10E8, v19;
	v37 =	vsel vm15, $0xE50, v40;
	v40 =	vsel vm15, $0x1278, v43;
	[tilespmem:$0x1FF20] =	vst v33  }
0x1cf: {  	s25 =	simm.s32 $0x4E00;
	s26 =	simm.s32 $0x5200;
	v20 =	vsel vm9, $0x910, v20;
	v24 =	vsel vm9, $0xD40, v24;
	v47 =	vsel vm15, $0x6F8, v47;
	[tilespmem:$0x1FF40] =	vst v40  }
0x1d0: {  	s8 =	srdreg.scid;
	s29 =	simm.s32 $0x5600;
	v15 =	vsel vm10, $0x10C0, v15;
	[tilespmem:$0x1FF80] =	vst v47;
	v43 =	vsel vm15, $0xAA0, v0;
	v0 =	vld [tilespmem:$0x1FC10];
	v6 =	vsel vm15, $0x3D0, v6  }
0x1d1: {  	s9 =	stileid.u32;
	s30 =	simm.s32 $0x3E00;
	s31 =	simm.s32 $0x1;
	v17 =	vsel vm10, $0x8E8, v17;
	v18 =	vsel vm10, $0x2283, v18;
	v19 =	vsel vm10, $0x14E8, v19;
	[tilespmem:$0x1FDA0] =	vst v6;
	v6 =	vld [tilespmem:$0x1FDB0]  }
0x1d2: {  	s3 =	sadd.s32 $0x93000, s0;
	s12 =	sand.u32 $0x1, s8;
	s14 =	sshll.u32 s9, $0x1;
	v20 =	vsel vm10, $0x118, v20;
	v24 =	vsel vm10, $0x1140, v24;
	v15 =	vsel vm11, $0x14C0, v15;
	[tilespmem:$0x1FF90] =	vst v58  }
0x1d3: {  	s4 =	sadd.s32 $0x7A800, s0;
	s13 =	ssub.s32 $0x2, s12;
	s12 =	sor.u32 s12, s14;
	v17 =	vsel vm11, $0xF0, v17;
	v18 =	vsel vm11, $0x303, v18;
	v13 =	vsel vm15, $0x13F8, v59;
	[tilespmem:$0x1FFF0] =	vst v11  }
0x1d4: {  	s5 =	sadd.s32 $0x62000, s0;
	s7 =	sadd.s32 $0x49800, s0;
	s14 =	sshll.u32 s12, $0x6;
	v19 =	vsel vm11, $0xCF0, v19;
	v20 =	vsel vm11, $0x518, v20;
	v24 =	vsel vm11, $0x1540, v24;
	[tilespmem:$0x1FE00] =	vst v13  }
0x1d5: {  	s28 =	simm.s32 $0x0;
	s12 =	sshll.u32 s12, $0x9;
	s10 =	sadd.s32 s10, s14;
	v15 =	vsel vm12, $0xCC8, v15;
	v17 =	vsel vm12, $0x4F0, v17;
	[tilespmem:$0x1FF30] =	vst v57;
	v60 =	vsel vm15, $0x220A, v0;
	v0 =	vld [tilespmem:$0x1FC20]  }
0x1d6: {  	s8 =	sadd.s32 $0x31000, s0;
	s18 =	sadd.s32 s1, s12;
	v18 =	vsel vm12, $0x1303, v18;
	v19 =	vsel vm12, $0x10F0, v19;
	[dreg:$0xc] =	wrdreg s10;
	[tilespmem:$0x1FFA0] =	vst v49;
	v6 =	vsel vm15, $0xFD0, v6  }
0x1d7: {  	s19 =	sor.u32 $0x4000, s12;
	s20 =	sadd.s32 s11, s12;
	v20 =	vsel vm12, $0x918, v20;
	v24 =	vsel vm12, $0xD48, v24;
	v15 =	vsel vm13, $0x10C8, v15;
	[dreg:$0xd] =	wrdreg s18;
	[tilespmem:$0x1FDC0] =	vst v6;
	v6 =	vld [tilespmem:$0x1FDD0]  }
0x1d8: {  	s15 =	sshrl.u32 s13, $0x1;
	s21 =	sadd.s32 s1, s19;
	v17 =	vsel vm13, $0x8F0, v17;
	v18 =	vsel vm13, $0x2303, v18;
	v19 =	vsel vm13, $0x14F0, v19;
	[dreg:$0xe] =	wrdreg s20;
	[tilespmem:$0x1FF50] =	vst v43  }
0x1d9: {  	s9 =	sadd.s32 $0x18800, s0;
	s13 =	ssub.s32 s13, s15;
	v20 =	vsel vm13, $0x120, v20;
	v24 =	vsel vm13, $0x1148, v24;
	v15 =	vsel vm14, $0x14C8, v15;
	[dreg:$0xf] =	wrdreg s21;
	[tilespmem:$0x1FFB0] =	vst v53  }
0x1da: {  	s16 =	sor.u32 $0x8000, s12;
	s17 =	sadd.s32 s6, s12;
	v17 =	vsel vm14, $0xF8, v17;
	v18 =	vsel vm14, $0x383, v18;
	[dreg:$0x6] =	wrdreg s22;
	[tilespmem:$0x1FF60] =	vst v60;
	v0 =	vsel vm15, $0x16A0, v0  }
0x1db: {  	s6 =	simm.s32 $0x5A00;
	s14 =	sadd.s32 s11, s19;
	v19 =	vsel vm14, $0xCF8, v19;
	v20 =	vsel vm14, $0x520, v20;
	v24 =	vsel vm14, $0x1548, v24;
	[dreg:$0x7] =	wrdreg s23;
	[tilespmem:$0x1FF70] =	vst v0  }
0x1dc: {  	s15 =	sadd.s32 s1, s16;
	s16 =	sadd.s32 s11, s16;
	v12 =	vsel vm15, $0x920, v20;
	v45 =	vsel vm15, $0xCD0, v15;
	[dreg:$0x8] =	wrdreg s24;
	[tilespmem:$0x1FFC0] =	vst v61;
	v6 =	vsel vm15, $0x7F8, v6  }
0x1dd: {  	s19 =	simm.s32 $0x3;
	s1 =	simm.s32 $0x1200;
	v50 =	vsel vm15, $0x4F8, v17;
	v52 =	vsel vm15, $0x10F8, v19;
	[dreg:$0x9] =	wrdreg s25;
	[tilespmem:$0x1FDE0] =	vst v6;
	v6 =	vlaneseq.u32  }
0x1de: {  	v54 =	vsel vm15, $0x1383, v18;
	v5 =	vsel vm15, $0x2200, v7;
	s18 =	smax.u32 s13, $0x1;
	s20 =	simm.s32 $0x80;
	[dreg:$0xa] =	wrdreg s26;
	[tilespmem:$0x1FFD0] =	vst v22;
	v13 =	vand.u32 $0x7, v6  }
0x1df: {  	v7 =	vsel vm15, $0xD50, v24;
	s21 =	simm.s32 $0x200;
	s22 =	simm.s32 $0x2200;
	[dreg:$0xb] =	wrdreg s29;
	[tilespmem:$0x1FFE0] =	vst v23;
	v15 =	vshrl.u32 v6, $0x3;
	v6 =	vmul.u32 $0x186A0, v13  }
0x1e0: {  	s23 =	simm.s32 $0x8A00;
	s24 =	simm.s32 $0xBA00;
	s25 =	simm.s32 $0x2;
	[tilespmem:$0x1FE20] =	vst v13;
	v13 =	vor.u32 $0x2, v15;
	v14 =	vor.u32 $0x4, v15;
	v17 =	vor.u32 $0x6, v15  }
.LBB2_1:
0x1e1: {  	s10 =	simm.s32 $0x0  }
0x1e2: {  	v18 =	vmov s10  }
0x1e3: {  	v18 =	vshrl.u32 v18, $0x3  }
0x1e4: {  	v18 =	vshll.u32 v18, v16  }
0x1e5: {  	v18 =	vbroadcast v18, $0x0;
	_ =	sdelay $0x1  }
0x1e6: {  	s11 =	rddreg [dreg:$0xc];
	v18 =	vor.u32 v15, v18  }
0x1e7: {  	[tilespmem:s2], [sflag:$0x3] =	stream.linear.gather [hbm4b:s11+s2], $0x200, $0x38;
	[tilespmem:$0xCA00] =	vst v63  }
0x1e8: {  	s12 =	simm.s32 $0x2;
	_ =	swait.ge [sflag:s19], $0x200  }
0x1e9: {  	v19 =	vmov s12;
	[sflag:s19] =	ssyncset.done $0x0  }
0x1ea: {  	v19 =	vshrl.u32 v19, $0x3;
	[sflag:s19] =	ssyncadd.s32 $0xFFFFFE00  }
0x1eb: {  	v19 =	vshll.u32 v19, v16;
	v18 =	vld.idx.msk [tilespmem:v18+s2+$0x0], $0xffff  }
0x1ec: {  	v19 =	vbroadcast v19, $0x0;
	_ =	sdelay $0x1  }
0x1ed: {  	v19 =	vor.u32 v13, v19;
	_ =	sdelay $0x1  }
0x1ee: {  	s11 =	simm.s32 $0x1240;
	s12 =	simm.s32 $0x4;
	v20 =	vadd.s32 v6, v18;
	v18 =	vand.u32 $0x7, v18  }
0x1ef: {  	s10 =	simm.s32 $0x240;
	[tilespmem:s11+$0xFFFFFFC0] =	vst v18;
	v18 =	vshrl.u32 v20, $0x3;
	v20 =	vmov s12  }
0x1f0: {  	[tilespmem:s10+$0xFFFFFFC0] =	vst v18;
	v18 =	vshrl.u32 v20, $0x3  }
0x1f1: {  	v19 =	vld.idx.msk [tilespmem:v19+s2+$0x0], $0xffff;
	v18 =	vshll.u32 v18, v16  }
0x1f2: {  	v18 =	vbroadcast v18, $0x0;
	_ =	sdelay $0x1  }
0x1f3: {  	v18 =	vor.u32 v14, v18;
	_ =	sdelay $0x1  }
0x1f4: {  	s13 =	simm.s32 $0x6;
	v20 =	vadd.s32 v6, v19;
	v19 =	vand.u32 $0x7, v19  }
0x1f5: {  	[tilespmem:s11+$0xFFFFFFD0] =	vst v19;
	v19 =	vshrl.u32 v20, $0x3;
	v20 =	vmov s13  }
0x1f6: {  	[tilespmem:s10+$0xFFFFFFD0] =	vst v19;
	v19 =	vshrl.u32 v20, $0x3  }
0x1f7: {  	v18 =	vld.idx.msk [tilespmem:v18+s2+$0x0], $0xffff;
	v19 =	vshll.u32 v19, v16  }
0x1f8: {  	v19 =	vbroadcast v19, $0x0;
	_ =	sdelay $0x1  }
0x1f9: {  	v19 =	vor.u32 v17, v19;
	_ =	sdelay $0x1  }
0x1fa: {  	s26 =	simm.s32 $0x8;
	v20 =	vadd.s32 v6, v18;
	v18 =	vand.u32 $0x7, v18  }
0x1fb: {  	[tilespmem:s11+$0xFFFFFFE0] =	vst v18;
	v18 =	vshrl.u32 v20, $0x3;
	v20 =	vmov s26  }
0x1fc: {  	[tilespmem:s10+$0xFFFFFFE0] =	vst v18;
	v18 =	vshrl.u32 v20, $0x3  }
0x1fd: {  	v19 =	vld.idx.msk [tilespmem:v19+s2+$0x0], $0xffff;
	v18 =	vshll.u32 v18, v16  }
0x1fe: {  	v18 =	vbroadcast v18, $0x0;
	_ =	sdelay $0x1  }
0x1ff: {  	v18 =	vor.u32 v15, v18;
	_ =	sdelay $0x1  }
0x200: {  	s13 =	simm.s32 $0xA;
	v20 =	vadd.s32 v6, v19;
	v19 =	vand.u32 $0x7, v19  }
0x201: {  	[tilespmem:s11+$0xFFFFFFF0] =	vst v19;
	v19 =	vshrl.u32 v20, $0x3;
	v20 =	vmov s13  }
0x202: {  	[tilespmem:s10+$0xFFFFFFF0] =	vst v19;
	v19 =	vshrl.u32 v20, $0x3  }
0x203: {  	v18 =	vld.idx.msk [tilespmem:v18+s2+$0x0], $0xffff;
	v19 =	vshll.u32 v19, v16  }
0x204: {  	v19 =	vbroadcast v19, $0x0;
	_ =	sdelay $0x1  }
0x205: {  	v19 =	vor.u32 v13, v19;
	_ =	sdelay $0x1  }
0x206: {  	s26 =	simm.s32 $0xC;
	v20 =	vadd.s32 v6, v18;
	v18 =	vand.u32 $0x7, v18  }
0x207: {  	[tilespmem:s11+$0x0] =	vst v18;
	v18 =	vshrl.u32 v20, $0x3;
	v20 =	vmov s26  }
0x208: {  	[tilespmem:s10+$0x0] =	vst v18;
	v18 =	vshrl.u32 v20, $0x3  }
0x209: {  	v19 =	vld.idx.msk [tilespmem:v19+s2+$0x0], $0xffff;
	v18 =	vshll.u32 v18, v16  }
0x20a: {  	v18 =	vbroadcast v18, $0x0;
	_ =	sdelay $0x1  }
0x20b: {  	v18 =	vor.u32 v14, v18;
	_ =	sdelay $0x1  }
0x20c: {  	s13 =	simm.s32 $0xE;
	v20 =	vadd.s32 v6, v19;
	v19 =	vand.u32 $0x7, v19  }
0x20d: {  	[tilespmem:s11+$0x10] =	vst v19;
	v19 =	vshrl.u32 v20, $0x3;
	v20 =	vmov s13  }
0x20e: {  	[tilespmem:s10+$0x10] =	vst v19;
	v19 =	vshrl.u32 v20, $0x3  }
0x20f: {  	v18 =	vld.idx.msk [tilespmem:v18+s2+$0x0], $0xffff;
	v19 =	vshll.u32 v19, v16  }
0x210: {  	v19 =	vbroadcast v19, $0x0;
	_ =	sdelay $0x1  }
0x211: {  	v19 =	vor.u32 v17, v19;
	_ =	sdelay $0x1  }
0x212: {  	v20 =	vadd.s32 v6, v18;
	v18 =	vand.u32 $0x7, v18  }
0x213: {  	[tilespmem:s11+$0x20] =	vst v18;
	v18 =	vshrl.u32 v20, $0x3  }
0x214: {  	s26 =	simm.s32 $0x10;
	[tilespmem:s10+$0x20] =	vst v18  }
0x215: {  	v18 =	vld.idx.msk [tilespmem:v19+s2+$0x0], $0xffff;
	v19 =	vmov s26  }
0x216: {  	v19 =	vshrl.u32 v19, $0x3  }
0x217: {  	v19 =	vshll.u32 v19, v16  }
0x218: {  	v19 =	vbroadcast v19, $0x0;
	_ =	sdelay $0x1  }
0x219: {  	v20 =	vadd.s32 v6, v18;
	v21 =	vand.u32 $0x7, v18;
	v18 =	vor.u32 v15, v19;
	_ =	sdelay $0x1  }
0x21a: {  	s29 =	simm.s32 $0x2E;
	s12 =	simm.s32 $0x12;
	s26 =	simm.s32 $0x1E;
	[tilespmem:s11+$0x30] =	vst v21;
	v19 =	vshrl.u32 v20, $0x3  }
.LBB2_2:
0x21b: {  	[tilespmem:s10+$0x30] =	vst v19;
	s10 =	sadd.s32 $0x80, s10  }
0x21c: {  	v20 =	vmov s12;
	s11 =	sadd.s32 $0x80, s11;
	s12 =	smov.u32 s29;
	s13 =	sadd.s32 $0x10, s29  }
0x21d: {  	p0 =	sne.s32 s29, $0x1FE;
	v18 =	vld.idx.msk [tilespmem:v18+s2+$0x0], $0xffff;
	v19 =	vshrl.u32 v20, $0x3  }
0x21e: {  	v19 =	vshll.u32 v19, v16  }
0x21f: {  	v19 =	vbroadcast v19, $0x0;
	_ =	sdelay $0x1  }
0x220: {  	v19 =	vor.u32 v13, v19;
	_ =	sdelay $0x1  }
0x221: {  	v20 =	vadd.s32 v6, v18;
	v18 =	vand.u32 $0x7, v18  }
0x222: {  	s29 =	sadd.s32 $0xFFFFFFF6, s26;
	[tilespmem:s11+$0xFFFFFFC0] =	vst v18;
	v18 =	vshrl.u32 v20, $0x3  }
0x223: {  	[tilespmem:s10+$0xFFFFFFC0] =	vst v18;
	v18 =	vmov s29  }
0x224: {  	v19 =	vld.idx.msk [tilespmem:v19+s2+$0x0], $0xffff;
	v18 =	vshrl.u32 v18, $0x3  }
0x225: {  	v18 =	vshll.u32 v18, v16  }
0x226: {  	v18 =	vbroadcast v18, $0x0;
	_ =	sdelay $0x1  }
0x227: {  	v18 =	vor.u32 v14, v18;
	_ =	sdelay $0x1  }
0x228: {  	v20 =	vadd.s32 v6, v19;
	v19 =	vand.u32 $0x7, v19  }
0x229: {  	s29 =	sadd.s32 $0xFFFFFFF8, s26;
	[tilespmem:s11+$0xFFFFFFD0] =	vst v19;
	v19 =	vshrl.u32 v20, $0x3  }
0x22a: {  	[tilespmem:s10+$0xFFFFFFD0] =	vst v19;
	v19 =	vmov s29  }
0x22b: {  	v18 =	vld.idx.msk [tilespmem:v18+s2+$0x0], $0xffff;
	v19 =	vshrl.u32 v19, $0x3  }
0x22c: {  	v19 =	vshll.u32 v19, v16  }
0x22d: {  	v19 =	vbroadcast v19, $0x0;
	_ =	sdelay $0x1  }
0x22e: {  	v19 =	vor.u32 v17, v19;
	_ =	sdelay $0x1  }
0x22f: {  	v20 =	vadd.s32 v6, v18;
	v18 =	vand.u32 $0x7, v18  }
0x230: {  	s29 =	sadd.s32 $0xFFFFFFFA, s26;
	[tilespmem:s11+$0xFFFFFFE0] =	vst v18;
	v18 =	vshrl.u32 v20, $0x3  }
0x231: {  	[tilespmem:s10+$0xFFFFFFE0] =	vst v18;
	v18 =	vmov s29  }
0x232: {  	v19 =	vld.idx.msk [tilespmem:v19+s2+$0x0], $0xffff;
	v18 =	vshrl.u32 v18, $0x3  }
0x233: {  	v18 =	vshll.u32 v18, v16  }
0x234: {  	v18 =	vbroadcast v18, $0x0;
	_ =	sdelay $0x1  }
0x235: {  	v18 =	vor.u32 v15, v18;
	_ =	sdelay $0x1  }
0x236: {  	v20 =	vadd.s32 v6, v19;
	v19 =	vand.u32 $0x7, v19  }
0x237: {  	s29 =	sadd.s32 $0xFFFFFFFC, s26;
	[tilespmem:s11+$0xFFFFFFF0] =	vst v19;
	v19 =	vshrl.u32 v20, $0x3  }
0x238: {  	[tilespmem:s10+$0xFFFFFFF0] =	vst v19;
	v19 =	vmov s29  }
0x239: {  	v18 =	vld.idx.msk [tilespmem:v18+s2+$0x0], $0xffff;
	v19 =	vshrl.u32 v19, $0x3  }
0x23a: {  	v19 =	vshll.u32 v19, v16  }
0x23b: {  	v19 =	vbroadcast v19, $0x0;
	_ =	sdelay $0x1  }
0x23c: {  	v19 =	vor.u32 v13, v19;
	_ =	sdelay $0x1  }
0x23d: {  	v20 =	vadd.s32 v6, v18;
	v18 =	vand.u32 $0x7, v18  }
0x23e: {  	s29 =	sadd.s32 $0xFFFFFFFE, s26;
	[tilespmem:s11+$0x0] =	vst v18;
	v18 =	vshrl.u32 v20, $0x3  }
0x23f: {  	[tilespmem:s10+$0x0] =	vst v18;
	v18 =	vmov s29  }
0x240: {  	v19 =	vld.idx.msk [tilespmem:v19+s2+$0x0], $0xffff;
	v18 =	vshrl.u32 v18, $0x3  }
0x241: {  	v18 =	vshll.u32 v18, v16  }
0x242: {  	v18 =	vbroadcast v18, $0x0;
	_ =	sdelay $0x1  }
0x243: {  	v18 =	vor.u32 v14, v18;
	_ =	sdelay $0x1  }
0x244: {  	v20 =	vadd.s32 v6, v19;
	v19 =	vand.u32 $0x7, v19  }
0x245: {  	[tilespmem:s11+$0x10] =	vst v19;
	v19 =	vshrl.u32 v20, $0x3  }
0x246: {  	[tilespmem:s10+$0x10] =	vst v19;
	v19 =	vmov s26;
	s26 =	smov.u32 s12  }
0x247: {  	v18 =	vld.idx.msk [tilespmem:v18+s2+$0x0], $0xffff;
	v19 =	vshrl.u32 v19, $0x3  }
0x248: {  	v19 =	vshll.u32 v19, v16  }
0x249: {  	v19 =	vbroadcast v19, $0x0;
	_ =	sdelay $0x1  }
0x24a: {  	v19 =	vor.u32 v17, v19;
	_ =	sdelay $0x1  }
0x24b: {  	v20 =	vadd.s32 v6, v18;
	v18 =	vand.u32 $0x7, v18  }
0x24c: {  	s12 =	sadd.s32 $0xFFFFFFF2, s26;
	[tilespmem:s11+$0x20] =	vst v18;
	v18 =	vshrl.u32 v20, $0x3  }
0x24d: {  	v20 =	vmov s12;
	[tilespmem:s10+$0x20] =	vst v18  }
0x24e: {  	v18 =	vshrl.u32 v20, $0x3;
	v19 =	vld.idx.msk [tilespmem:v19+s2+$0x0], $0xffff  }
0x24f: {  	v18 =	vshll.u32 v18, v16  }
0x250: {  	v18 =	vbroadcast v18, $0x0  }
.Ltmp0:
0x251: {  	(pc) =	sbr.rel @p0 .LBB2_2-.Ltmp0, $3  }
0x252: {  	v18 =	vor.u32 v15, v18;
	_ =	sdelay $0x1  }
0x253: {  	v20 =	vadd.s32 v6, v19;
	v19 =	vand.u32 $0x7, v19  }
0x254: {  	s29 =	smov.u32 s13;
	s12 =	sadd.s32 $0xFFFFFFF4, s26;
	[tilespmem:s11+$0x30] =	vst v19;
	v19 =	vshrl.u32 v20, $0x3  }
0x255: {  	_ =	sdelay $0x1  }
0x256: {  	v20 =	vmov s12  }
0x257: {  	[tilespmem:s10+$0x30] =	vst v19;
	v19 =	vshrl.u32 v20, $0x3  }
0x258: {  	v18 =	vld.idx.msk [tilespmem:v18+s2+$0x0], $0xffff;
	v19 =	vshll.u32 v19, v16  }
0x259: {  	v19 =	vbroadcast v19, $0x0;
	_ =	sdelay $0x1  }
0x25a: {  	v19 =	vor.u32 v13, v19;
	_ =	sdelay $0x1  }
0x25b: {  	s11 =	sadd.s32 $0x80, s11;
	s13 =	sadd.s32 $0xFFFFFFF6, s26;
	v47 =	vadd.s32 v6, v18;
	v18 =	vand.u32 $0x7, v18  }
0x25c: {  	s10 =	sadd.s32 $0x80, s10;
	v49 =	vmov s13;
	[tilespmem:s11+$0xFFFFFFC0] =	vst v18;
	v18 =	vshrl.u32 v47, $0x3  }
0x25d: {  	[tilespmem:s10+$0xFFFFFFC0] =	vst v18;
	v18 =	vshrl.u32 v49, $0x3  }
0x25e: {  	v18 =	vshll.u32 v18, v16;
	v19 =	vld.idx.msk [tilespmem:v19+s2+$0x0], $0xffff  }
0x25f: {  	v18 =	vbroadcast v18, $0x0;
	_ =	sdelay $0x1  }
0x260: {  	v18 =	vor.u32 v14, v18;
	_ =	sdelay $0x1  }
0x261: {  	s13 =	sadd.s32 $0xFFFFFFF8, s26;
	v53 =	vadd.s32 v6, v19;
	v19 =	vand.u32 $0x7, v19  }
0x262: {  	v59 =	vmov s13;
	[tilespmem:s11+$0xFFFFFFD0] =	vst v19;
	v19 =	vshrl.u32 v53, $0x3  }
0x263: {  	[tilespmem:s10+$0xFFFFFFD0] =	vst v19;
	v19 =	vshrl.u32 v59, $0x3  }
0x264: {  	v18 =	vld.idx.msk [tilespmem:v18+s2+$0x0], $0xffff;
	v19 =	vshll.u32 v19, v16  }
0x265: {  	v19 =	vbroadcast v19, $0x0;
	_ =	sdelay $0x1  }
0x266: {  	v19 =	vor.u32 v17, v19;
	_ =	sdelay $0x1  }
0x267: {  	s13 =	sadd.s32 $0xFFFFFFFA, s26;
	v61 =	vadd.s32 v6, v18;
	v18 =	vand.u32 $0x7, v18  }
0x268: {  	v35 =	vmov s13;
	[tilespmem:s11+$0xFFFFFFE0] =	vst v18;
	v18 =	vshrl.u32 v61, $0x3  }
0x269: {  	[tilespmem:s10+$0xFFFFFFE0] =	vst v18;
	v18 =	vshrl.u32 v35, $0x3  }
0x26a: {  	v19 =	vld.idx.msk [tilespmem:v19+s2+$0x0], $0xffff;
	v18 =	vshll.u32 v18, v16  }
0x26b: {  	v18 =	vbroadcast v18, $0x0;
	_ =	sdelay $0x1  }
0x26c: {  	v18 =	vor.u32 v15, v18;
	_ =	sdelay $0x1  }
0x26d: {  	s13 =	sadd.s32 $0xFFFFFFFC, s26;
	v40 =	vadd.s32 v6, v19;
	v19 =	vand.u32 $0x7, v19  }
0x26e: {  	v44 =	vmov s13;
	[tilespmem:s11+$0xFFFFFFF0] =	vst v19;
	v19 =	vshrl.u32 v40, $0x3  }
0x26f: {  	[tilespmem:s10+$0xFFFFFFF0] =	vst v19;
	v19 =	vshrl.u32 v44, $0x3  }
0x270: {  	v18 =	vld.idx.msk [tilespmem:v18+s2+$0x0], $0xffff;
	v19 =	vshll.u32 v19, v16  }
0x271: {  	v19 =	vbroadcast v19, $0x0;
	_ =	sdelay $0x1  }
0x272: {  	v19 =	vor.u32 v13, v19;
	_ =	sdelay $0x1  }
0x273: {  	s13 =	sadd.s32 $0xFFFFFFFE, s26;
	v47 =	vadd.s32 v6, v18;
	v18 =	vand.u32 $0x7, v18  }
0x274: {  	v49 =	vmov s13;
	[tilespmem:s11+$0x0] =	vst v18;
	v18 =	vshrl.u32 v47, $0x3  }
0x275: {  	[tilespmem:s10+$0x0] =	vst v18;
	v18 =	vshrl.u32 v49, $0x3  }
0x276: {  	v19 =	vld.idx.msk [tilespmem:v19+s2+$0x0], $0xffff;
	v18 =	vshll.u32 v18, v16  }
0x277: {  	v18 =	vbroadcast v18, $0x0;
	_ =	sdelay $0x1  }
0x278: {  	v18 =	vor.u32 v14, v18;
	_ =	sdelay $0x1  }
0x279: {  	v53 =	vadd.s32 v6, v19;
	v19 =	vand.u32 $0x7, v19  }
0x27a: {  	v59 =	vmov s26;
	[tilespmem:s11+$0x10] =	vst v19;
	v19 =	vshrl.u32 v53, $0x3  }
0x27b: {  	[tilespmem:s10+$0x10] =	vst v19;
	v19 =	vshrl.u32 v59, $0x3  }
0x27c: {  	v18 =	vld.idx.msk [tilespmem:v18+s2+$0x0], $0xffff;
	v19 =	vshll.u32 v19, v16  }
0x27d: {  	v19 =	vbroadcast v19, $0x0;
	_ =	sdelay $0x1  }
0x27e: {  	v19 =	vor.u32 v17, v19;
	_ =	sdelay $0x1  }
0x27f: {  	v61 =	vadd.s32 v6, v18;
	v18 =	vand.u32 $0x7, v18  }
0x280: {  	[tilespmem:s11+$0x20] =	vst v18;
	v18 =	vshrl.u32 v61, $0x3  }
0x281: {  	[tilespmem:s10+$0x20] =	vst v18  }
0x282: {  	v18 =	vld.idx.msk [tilespmem:v19+s2+$0x0], $0xffff;
	_ =	sdelay $0x4  }
0x283: {  	v19 =	vadd.s32 v6, v18;
	v18 =	vand.u32 $0x7, v18  }
0x284: {  	[tilespmem:s11+$0x30] =	vst v18;
	v18 =	vshrl.u32 v19, $0x3  }
0x285: {  	[tilespmem:s10+$0x30] =	vst v18  }
0x286: {  	[tilespmem:s22], [sflag:$0x1] =	stream.indirect.gather [hbm4b:s3+s20], $0x8, s21, s20, $0xb8;
	[tilespmem:$0xCA00] =	vst v63  }
0x287: {  	s13 =	simm.s32 $0x2600  }
0x288: {  	[tilespmem:s13], [sflag:$0x1] =	stream.indirect.gather [hbm4b:s4+s20], $0x8, s21, s20, $0xb8;
	[tilespmem:$0xCA00] =	vst v63  }
0x289: {  	s26 =	simm.s32 $0x2A00  }
0x28a: {  	[tilespmem:s26], [sflag:$0x1] =	stream.indirect.gather [hbm4b:s5+s20], $0x8, s21, s20, $0xb8;
	[tilespmem:$0xCA00] =	vst v63  }
0x28b: {  	s11 =	simm.s32 $0x2E00  }
0x28c: {  	[tilespmem:s11], [sflag:$0x1] =	stream.indirect.gather [hbm4b:s7+s20], $0x8, s21, s20, $0xb8;
	[tilespmem:$0xCA00] =	vst v63  }
0x28d: {  	s12 =	simm.s32 $0x3200  }
0x28e: {  	[tilespmem:s12], [sflag:$0x1] =	stream.indirect.gather [hbm4b:s8+s20], $0x8, s21, s20, $0xb8;
	[tilespmem:$0xCA00] =	vst v63  }
0x28f: {  	s13 =	simm.s32 $0x3600  }
0x290: {  	[tilespmem:s13], [sflag:$0x1] =	stream.indirect.gather [hbm4b:s9+s20], $0x8, s21, s20, $0xb8;
	[tilespmem:$0xCA00] =	vst v63  }
0x291: {  	s26 =	simm.s32 $0x3A00  }
0x292: {  	[tilespmem:s26], [sflag:$0x1] =	stream.indirect.gather [hbm4b:s0+s20], $0x8, s21, s20, $0xb8;
	[tilespmem:$0xCA00] =	vst v63  }
0x293: {  	s29 =	simm.s32 $0x300;
	s10 =	simm.s32 $0x0;
	s26 =	simm.s32 $0x0  }
.LBB2_4:
0x294: {  	s11 =	sadd.s32 $0xFFFFFF80, s29  }
0x295: {  	[tilespmem:s30], [sflag:$0x2] =	stream.indirect.gather [hbm4b:s3+s20], $0x8, s11, s20, $0xb8;
	[tilespmem:$0xCA00] =	vst v63  }
0x296: {  	s12 =	rddreg [dreg:$0x6]  }
0x297: {  	[tilespmem:s12], [sflag:$0x2] =	stream.indirect.gather [hbm4b:s4+s20], $0x8, s11, s20, $0xb8;
	[tilespmem:$0xCA00] =	vst v63  }
0x298: {  	s13 =	rddreg [dreg:$0x7]  }
0x299: {  	[tilespmem:s13], [sflag:$0x2] =	stream.indirect.gather [hbm4b:s5+s20], $0x8, s11, s20, $0xb8;
	[tilespmem:$0xCA00] =	vst v63  }
0x29a: {  	s12 =	rddreg [dreg:$0x8]  }
0x29b: {  	[tilespmem:s12], [sflag:$0x2] =	stream.indirect.gather [hbm4b:s7+s20], $0x8, s11, s20, $0xb8;
	[tilespmem:$0xCA00] =	vst v63  }
0x29c: {  	s13 =	rddreg [dreg:$0x9]  }
0x29d: {  	[tilespmem:s13], [sflag:$0x2] =	stream.indirect.gather [hbm4b:s8+s20], $0x8, s11, s20, $0xb8;
	[tilespmem:$0xCA00] =	vst v63  }
0x29e: {  	s12 =	rddreg [dreg:$0xa]  }
0x29f: {  	[tilespmem:s12], [sflag:$0x2] =	stream.indirect.gather [hbm4b:s9+s20], $0x8, s11, s20, $0xb8;
	[tilespmem:$0xCA00] =	vst v63  }
0x2a0: {  	s13 =	rddreg [dreg:$0xb]  }
0x2a1: {  	[tilespmem:s13], [sflag:$0x2] =	stream.indirect.gather [hbm4b:s0+s20], $0x8, s11, s20, $0xb8;
	[tilespmem:$0xCA00] =	vst v63  }
0x2a2: {  	_ =	swait.ge [sflag:s31], $0x400  }
0x2a3: {  	[sflag:s31] =	ssyncset.done $0x0  }
0x2a4: {  	[sflag:s31] =	ssyncadd.s32 $0xFFFFFC00  }
0x2a5: {  	_ =	swait.ge [sflag:s31], $0x400  }
0x2a6: {  	[sflag:s31] =	ssyncset.done $0x0  }
0x2a7: {  	[sflag:s31] =	ssyncadd.s32 $0xFFFFFC00  }
0x2a8: {  	_ =	swait.ge [sflag:s31], $0x400  }
0x2a9: {  	[sflag:s31] =	ssyncset.done $0x0  }
0x2aa: {  	[sflag:s31] =	ssyncadd.s32 $0xFFFFFC00  }
0x2ab: {  	_ =	swait.ge [sflag:s31], $0x400  }
0x2ac: {  	[sflag:s31] =	ssyncset.done $0x0  }
0x2ad: {  	[sflag:s31] =	ssyncadd.s32 $0xFFFFFC00  }
0x2ae: {  	_ =	swait.ge [sflag:s31], $0x400  }
0x2af: {  	[sflag:s31] =	ssyncset.done $0x0  }
0x2b0: {  	[sflag:s31] =	ssyncadd.s32 $0xFFFFFC00  }
0x2b1: {  	_ =	swait.ge [sflag:s31], $0x400  }
0x2b2: {  	v44 =	vld [tilespmem:$0x1F5C0];
	_ =	sdelay $0x4  }
0x2b3: {  	[sflag:s31] =	ssyncset.done $0x0;
	v18 =	vor.u32 s10, v44  }
0x2b4: {  	[sflag:s31] =	ssyncadd.s32 $0xFFFFFC00  }
0x2b5: {  	_ =	swait.ge [sflag:s31], $0x400  }
0x2b6: {  	[sflag:s31] =	ssyncset.done $0x0  }
0x2b7: {  	[sflag:s31] =	ssyncadd.s32 $0xFFFFFC00  }
0x2b8: {  	v19 =	vld.idx.msk [tilespmem:v18+s1+$0x0], $0xffff;
	_ =	sdelay $0x4  }
0x2b9: {  	v22 =	vadd.s32 v41, v19  }
0x2ba: {  	v18 =	vmov s26  }
0x2bb: {  	v21 =	vshll.u32 v18, $0x3  }
0x2bc: {  	v20 =	vand.u32 $0x60, v18;
	v21 =	vand.u32 $0xC00, v21  }
0x2bd: {  	v18 =	vor.u32 v20, v21  }
0x2be: {  	v23 =	vor.u32 v5, v18;
	v22 =	vld.idx.msk [tilespmem:v22+s22+$0x0], $0xffff  }
0x2bf: {  	v19 =	vadd.s32 v10, v19;
	_ =	sdelay $0x2  }
0x2c0: {  	v1 =	vld [tilespmem:$0x1F640]  }
0x2c1: {  	[tilespmem:v23+s6+$0x0] =	vst.idx.msk $0xffff, v22  }
0x2c2: {  	v19 =	vld.idx.msk [tilespmem:v19+s22+$0x0], $0xffff;
	_ =	sdelay $0x2  }
0x2c3: {  	v53 =	vor.u32 s10, v1;
	_ =	sdelay $0x1  }
0x2c4: {  	v19 =	vmul.f32 $1.000000000e+01, v19;
	_ =	sdelay $0x1  }
0x2c5: {  	[tilespmem:v23+s23+$0x0] =	vst.idx.msk $0xffff, v19  }
0x2c6: {  	v19 =	vld.idx.msk [tilespmem:v53+s1+$0x0], $0xffff;
	_ =	sdelay $0x4  }
0x2c7: {  	v22 =	vadd.s32 v4, v19;
	_ =	sdelay $0x2  }
0x2c8: {  	v23 =	vor.u32 v46, v21  }
0x2c9: {  	v24 =	vor.u32 v20, v23  }
0x2ca: {  	v25 =	vor.u32 v15, v24;
	v22 =	vld.idx.msk [tilespmem:v22+s22+$0x0], $0xffff  }
0x2cb: {  	v19 =	vadd.s32 v55, v19;
	_ =	sdelay $0x2  }
0x2cc: {  	v2 =	vld [tilespmem:$0x1F9C0]  }
0x2cd: {  	[tilespmem:v25+s6+$0x0] =	vst.idx.msk $0xffff, v22  }
0x2ce: {  	v19 =	vld.idx.msk [tilespmem:v19+s22+$0x0], $0xffff;
	_ =	sdelay $0x2  }
0x2cf: {  	v53 =	vmov v55;
	v55 =	vor.u32 s10, v2;
	_ =	sdelay $0x1  }
0x2d0: {  	v19 =	vmul.f32 $1.000000000e+01, v19;
	_ =	sdelay $0x1  }
0x2d1: {  	[tilespmem:v25+s23+$0x0] =	vst.idx.msk $0xffff, v19  }
0x2d2: {  	v19 =	vld.idx.msk [tilespmem:v55+s1+$0x0], $0xffff;
	_ =	sdelay $0x4  }
0x2d3: {  	v22 =	vadd.s32 v3, v19;
	_ =	sdelay $0x4  }
0x2d4: {  	v25 =	vor.u32 v51, v18;
	v22 =	vld.idx.msk [tilespmem:v22+s22+$0x0], $0xffff  }
0x2d5: {  	v19 =	vadd.s32 v11, v19;
	_ =	sdelay $0x2  }
0x2d6: {  	v2 =	vld [tilespmem:$0x1F5D0]  }
0x2d7: {  	[tilespmem:v25+s6+$0x0] =	vst.idx.msk $0xffff, v22  }
0x2d8: {  	v19 =	vld.idx.msk [tilespmem:v19+s22+$0x0], $0xffff;
	_ =	sdelay $0x2  }
0x2d9: {  	v59 =	vor.u32 s10, v2;
	_ =	sdelay $0x1  }
0x2da: {  	v19 =	vmul.f32 $1.000000000e+01, v19;
	_ =	sdelay $0x1  }
0x2db: {  	v11 =	vld [tilespmem:$0x1FBA0];
	[tilespmem:v25+s23+$0x0] =	vst.idx.msk $0xffff, v19  }
0x2dc: {  	v19 =	vld.idx.msk [tilespmem:v59+s1+$0x0], $0xffff;
	_ =	sdelay $0x4  }
0x2dd: {  	v22 =	vadd.s32 v11, v19;
	_ =	sdelay $0x4  }
0x2de: {  	v25 =	vor.u32 v39, v18;
	v22 =	vld.idx.msk [tilespmem:v22+s22+$0x0], $0xffff  }
0x2df: {  	v19 =	vadd.s32 v42, v19;
	_ =	sdelay $0x2  }
0x2e0: {  	v2 =	vld [tilespmem:$0x1F650]  }
0x2e1: {  	[tilespmem:v25+s6+$0x0] =	vst.idx.msk $0xffff, v22  }
0x2e2: {  	v19 =	vld.idx.msk [tilespmem:v19+s22+$0x0], $0xffff;
	_ =	sdelay $0x2  }
0x2e3: {  	v61 =	vor.u32 s10, v2;
	_ =	sdelay $0x1  }
0x2e4: {  	v19 =	vmul.f32 $1.000000000e+01, v19;
	_ =	sdelay $0x1  }
0x2e5: {  	[tilespmem:v25+s23+$0x0] =	vst.idx.msk $0xffff, v19  }
0x2e6: {  	v19 =	vld.idx.msk [tilespmem:v61+s1+$0x0], $0xffff;
	_ =	sdelay $0x4  }
0x2e7: {  	v22 =	vadd.s32 v63, v19;
	_ =	sdelay $0x4  }
0x2e8: {  	v25 =	vor.u32 v13, v24;
	v22 =	vld.idx.msk [tilespmem:v22+s22+$0x0], $0xffff  }
0x2e9: {  	v19 =	vadd.s32 v45, v19;
	_ =	sdelay $0x2  }
0x2ea: {  	v2 =	vld [tilespmem:$0x1F9E0]  }
0x2eb: {  	[tilespmem:v25+s6+$0x0] =	vst.idx.msk $0xffff, v22  }
0x2ec: {  	v19 =	vld.idx.msk [tilespmem:v19+s22+$0x0], $0xffff;
	_ =	sdelay $0x2  }
0x2ed: {  	v35 =	vor.u32 s10, v2;
	_ =	sdelay $0x1  }
0x2ee: {  	v19 =	vmul.f32 $1.000000000e+01, v19;
	_ =	sdelay $0x1  }
0x2ef: {  	[tilespmem:v25+s23+$0x0] =	vst.idx.msk $0xffff, v19  }
0x2f0: {  	v19 =	vld.idx.msk [tilespmem:v35+s1+$0x0], $0xffff;
	_ =	sdelay $0x4  }
0x2f1: {  	v22 =	vadd.s32 v50, v19;
	_ =	sdelay $0x4  }
0x2f2: {  	v25 =	vor.u32 v54, v18;
	v22 =	vld.idx.msk [tilespmem:v22+s22+$0x0], $0xffff  }
0x2f3: {  	v19 =	vadd.s32 v52, v19;
	_ =	sdelay $0x2  }
0x2f4: {  	v2 =	vld [tilespmem:$0x1F5E0]  }
0x2f5: {  	[tilespmem:v25+s6+$0x0] =	vst.idx.msk $0xffff, v22  }
0x2f6: {  	v19 =	vld.idx.msk [tilespmem:v19+s22+$0x0], $0xffff;
	_ =	sdelay $0x2  }
0x2f7: {  	v39 =	vor.u32 s10, v2;
	_ =	sdelay $0x1  }
0x2f8: {  	v19 =	vmul.f32 $1.000000000e+01, v19;
	_ =	sdelay $0x1  }
0x2f9: {  	[tilespmem:v25+s23+$0x0] =	vst.idx.msk $0xffff, v19  }
0x2fa: {  	v19 =	vld.idx.msk [tilespmem:v39+s1+$0x0], $0xffff;
	_ =	sdelay $0x4  }
0x2fb: {  	v49 =	vmov v5;
	v5 =	vld [tilespmem:$0x1FBB0];
	v22 =	vadd.s32 v12, v19  }
0x2fc: {  	v61 =	vld [tilespmem:$0x1FBC0];
	_ =	sdelay $0x3  }
0x2fd: {  	v25 =	vor.u32 v5, v18;
	v22 =	vld.idx.msk [tilespmem:v22+s22+$0x0], $0xffff  }
0x2fe: {  	v19 =	vadd.s32 v61, v19;
	_ =	sdelay $0x2  }
0x2ff: {  	v2 =	vld [tilespmem:$0x1F660]  }
0x300: {  	[tilespmem:v25+s6+$0x0] =	vst.idx.msk $0xffff, v22  }
0x301: {  	v19 =	vld.idx.msk [tilespmem:v19+s22+$0x0], $0xffff;
	_ =	sdelay $0x2  }
0x302: {  	v40 =	vor.u32 s10, v2;
	_ =	sdelay $0x1  }
0x303: {  	v19 =	vmul.f32 $1.000000000e+01, v19;
	_ =	sdelay $0x1  }
0x304: {  	[tilespmem:v25+s23+$0x0] =	vst.idx.msk $0xffff, v19  }
0x305: {  	v19 =	vld.idx.msk [tilespmem:v40+s1+$0x0], $0xffff;
	_ =	sdelay $0x4  }
0x306: {  	v22 =	vadd.s32 v56, v19;
	_ =	sdelay $0x4  }
0x307: {  	v25 =	vor.u32 v14, v24;
	v22 =	vld.idx.msk [tilespmem:v22+s22+$0x0], $0xffff  }
0x308: {  	v19 =	vadd.s32 v7, v19;
	_ =	sdelay $0x2  }
0x309: {  	v2 =	vld [tilespmem:$0x1FA00]  }
0x30a: {  	[tilespmem:v25+s6+$0x0] =	vst.idx.msk $0xffff, v22  }
0x30b: {  	v19 =	vld.idx.msk [tilespmem:v19+s22+$0x0], $0xffff;
	_ =	sdelay $0x2  }
0x30c: {  	v51 =	vmov v45;
	v45 =	vor.u32 s10, v2;
	_ =	sdelay $0x1  }
0x30d: {  	v19 =	vmul.f32 $1.000000000e+01, v19;
	_ =	sdelay $0x1  }
0x30e: {  	[tilespmem:v25+s23+$0x0] =	vst.idx.msk $0xffff, v19  }
0x30f: {  	v19 =	vld.idx.msk [tilespmem:v45+s1+$0x0], $0xffff;
	_ =	sdelay $0x4  }
0x310: {  	v22 =	vadd.s32 v48, v19;
	_ =	sdelay $0x4  }
0x311: {  	v25 =	vor.u32 v26, v18;
	v22 =	vld.idx.msk [tilespmem:v22+s22+$0x0], $0xffff  }
0x312: {  	v19 =	vadd.s32 v27, v19;
	_ =	sdelay $0x2  }
0x313: {  	v2 =	vld [tilespmem:$0x1F5F0]  }
0x314: {  	[tilespmem:v25+s6+$0x0] =	vst.idx.msk $0xffff, v22  }
0x315: {  	v19 =	vld.idx.msk [tilespmem:v19+s22+$0x0], $0xffff;
	_ =	sdelay $0x2  }
0x316: {  	v1 =	vmov v46;
	v46 =	vor.u32 s10, v2;
	_ =	sdelay $0x1  }
0x317: {  	v19 =	vmul.f32 $1.000000000e+01, v19;
	_ =	sdelay $0x1  }
0x318: {  	[tilespmem:v25+s23+$0x0] =	vst.idx.msk $0xffff, v19  }
0x319: {  	v19 =	vld.idx.msk [tilespmem:v46+s1+$0x0], $0xffff;
	_ =	sdelay $0x4  }
0x31a: {  	v22 =	vadd.s32 v28, v19;
	_ =	sdelay $0x4  }
0x31b: {  	v25 =	vor.u32 v29, v18;
	v22 =	vld.idx.msk [tilespmem:v22+s22+$0x0], $0xffff  }
0x31c: {  	v19 =	vadd.s32 v30, v19;
	_ =	sdelay $0x2  }
0x31d: {  	v9 =	vmov v3;
	v3 =	vmov v54;
	v54 =	vld [tilespmem:$0x1F670]  }
0x31e: {  	[tilespmem:v25+s6+$0x0] =	vst.idx.msk $0xffff, v22  }
0x31f: {  	v19 =	vld.idx.msk [tilespmem:v19+s22+$0x0], $0xffff;
	_ =	sdelay $0x2  }
0x320: {  	v48 =	vor.u32 s10, v54;
	_ =	sdelay $0x1  }
0x321: {  	v19 =	vmul.f32 $1.000000000e+01, v19;
	_ =	sdelay $0x1  }
0x322: {  	[tilespmem:v25+s23+$0x0] =	vst.idx.msk $0xffff, v19  }
0x323: {  	v19 =	vld.idx.msk [tilespmem:v48+s1+$0x0], $0xffff;
	_ =	sdelay $0x4  }
0x324: {  	v22 =	vadd.s32 v31, v19;
	_ =	sdelay $0x4  }
0x325: {  	v24 =	vor.u32 v17, v24;
	v22 =	vld.idx.msk [tilespmem:v22+s22+$0x0], $0xffff  }
0x326: {  	v19 =	vadd.s32 v62, v19;
	_ =	sdelay $0x2  }
0x327: {  	v35 =	vld [tilespmem:$0x1FA20]  }
0x328: {  	[tilespmem:v24+s6+$0x0] =	vst.idx.msk $0xffff, v22  }
0x329: {  	v19 =	vld.idx.msk [tilespmem:v19+s22+$0x0], $0xffff;
	_ =	sdelay $0x2  }
0x32a: {  	v55 =	vor.u32 s10, v35;
	_ =	sdelay $0x1  }
0x32b: {  	v19 =	vmul.f32 $1.000000000e+01, v19;
	_ =	sdelay $0x1  }
0x32c: {  	v59 =	vmov v7;
	v7 =	vld [tilespmem:$0x1FEC0];
	[tilespmem:v24+s23+$0x0] =	vst.idx.msk $0xffff, v19  }
0x32d: {  	v19 =	vld.idx.msk [tilespmem:v55+s1+$0x0], $0xffff;
	_ =	sdelay $0x4  }
0x32e: {  	v22 =	vadd.s32 v7, v19  }
0x32f: {  	v7 =	vld [tilespmem:$0x1FEE0];
	_ =	sdelay $0x3  }
0x330: {  	v24 =	vor.u32 v32, v18;
	v22 =	vld.idx.msk [tilespmem:v22+s22+$0x0], $0xffff  }
0x331: {  	v19 =	vadd.s32 v7, v19;
	_ =	sdelay $0x2  }
0x332: {  	v55 =	vld [tilespmem:$0x1F600]  }
0x333: {  	[tilespmem:v24+s6+$0x0] =	vst.idx.msk $0xffff, v22  }
0x334: {  	v19 =	vld.idx.msk [tilespmem:v19+s22+$0x0], $0xffff;
	_ =	sdelay $0x2  }
0x335: {  	v32 =	vor.u32 s10, v55;
	_ =	sdelay $0x1  }
0x336: {  	v19 =	vmul.f32 $1.000000000e+01, v19;
	_ =	sdelay $0x1  }
0x337: {  	[tilespmem:v24+s23+$0x0] =	vst.idx.msk $0xffff, v19  }
0x338: {  	v19 =	vld.idx.msk [tilespmem:v32+s1+$0x0], $0xffff;
	_ =	sdelay $0x4  }
0x339: {  	v22 =	vadd.s32 v33, v19  }
0x33a: {  	v7 =	vld [tilespmem:$0x1FF10];
	_ =	sdelay $0x3  }
0x33b: {  	v24 =	vor.u32 v34, v18;
	v22 =	vld.idx.msk [tilespmem:v22+s22+$0x0], $0xffff  }
0x33c: {  	v19 =	vadd.s32 v7, v19;
	_ =	sdelay $0x2  }
0x33d: {  	v40 =	vld [tilespmem:$0x1F680]  }
0x33e: {  	[tilespmem:v24+s6+$0x0] =	vst.idx.msk $0xffff, v22  }
0x33f: {  	v19 =	vld.idx.msk [tilespmem:v19+s22+$0x0], $0xffff;
	_ =	sdelay $0x2  }
0x340: {  	v34 =	vor.u32 s10, v40;
	_ =	sdelay $0x1  }
0x341: {  	v19 =	vmul.f32 $1.000000000e+01, v19;
	_ =	sdelay $0x1  }
0x342: {  	[tilespmem:v24+s23+$0x0] =	vst.idx.msk $0xffff, v19  }
0x343: {  	v19 =	vld.idx.msk [tilespmem:v34+s1+$0x0], $0xffff;
	_ =	sdelay $0x4  }
0x344: {  	v22 =	vadd.s32 v36, v19;
	_ =	sdelay $0x2  }
0x345: {  	v28 =	vor.u32 $0x8, v20  }
0x346: {  	v23 =	vor.u32 v28, v23  }
0x347: {  	v24 =	vor.u32 v15, v23;
	v22 =	vld.idx.msk [tilespmem:v22+s22+$0x0], $0xffff  }
0x348: {  	v19 =	vadd.s32 v37, v19;
	_ =	sdelay $0x2  }
0x349: {  	v32 =	vld [tilespmem:$0x1FA40]  }
0x34a: {  	[tilespmem:v24+s6+$0x0] =	vst.idx.msk $0xffff, v22  }
0x34b: {  	v19 =	vld.idx.msk [tilespmem:v19+s22+$0x0], $0xffff;
	_ =	sdelay $0x2  }
0x34c: {  	v39 =	vor.u32 s10, v32;
	_ =	sdelay $0x1  }
0x34d: {  	v19 =	vmul.f32 $1.000000000e+01, v19;
	_ =	sdelay $0x1  }
0x34e: {  	[tilespmem:v24+s23+$0x0] =	vst.idx.msk $0xffff, v19  }
0x34f: {  	v19 =	vld.idx.msk [tilespmem:v39+s1+$0x0], $0xffff;
	_ =	sdelay $0x4  }
0x350: {  	v22 =	vadd.s32 v38, v19  }
0x351: {  	v7 =	vld [tilespmem:$0x1FF40];
	_ =	sdelay $0x3  }
0x352: {  	v24 =	vor.u32 v57, v18;
	v22 =	vld.idx.msk [tilespmem:v22+s22+$0x0], $0xffff  }
0x353: {  	v19 =	vadd.s32 v7, v19;
	_ =	sdelay $0x2  }
0x354: {  	v57 =	vld [tilespmem:$0x1F610]  }
0x355: {  	[tilespmem:v24+s6+$0x0] =	vst.idx.msk $0xffff, v22  }
0x356: {  	v19 =	vld.idx.msk [tilespmem:v19+s22+$0x0], $0xffff;
	_ =	sdelay $0x2  }
0x357: {  	v45 =	vor.u32 s10, v57;
	_ =	sdelay $0x1  }
0x358: {  	v19 =	vmul.f32 $1.000000000e+01, v19;
	_ =	sdelay $0x1  }
0x359: {  	[tilespmem:v24+s23+$0x0] =	vst.idx.msk $0xffff, v19  }
0x35a: {  	v19 =	vld.idx.msk [tilespmem:v45+s1+$0x0], $0xffff;
	_ =	sdelay $0x4  }
0x35b: {  	v22 =	vadd.s32 v43, v19;
	_ =	sdelay $0x4  }
0x35c: {  	v24 =	vor.u32 v60, v18;
	v22 =	vld.idx.msk [tilespmem:v22+s22+$0x0], $0xffff  }
0x35d: {  	v19 =	vadd.s32 v0, v19;
	_ =	sdelay $0x2  }
0x35e: {  	v0 =	vld [tilespmem:$0x1F690]  }
0x35f: {  	[tilespmem:v24+s6+$0x0] =	vst.idx.msk $0xffff, v22  }
0x360: {  	v19 =	vld.idx.msk [tilespmem:v19+s22+$0x0], $0xffff;
	_ =	sdelay $0x2  }
0x361: {  	v46 =	vor.u32 s10, v0;
	_ =	sdelay $0x1  }
0x362: {  	v19 =	vmul.f32 $1.000000000e+01, v19;
	_ =	sdelay $0x1  }
0x363: {  	v45 =	vld [tilespmem:$0x1FC40];
	[tilespmem:v24+s23+$0x0] =	vst.idx.msk $0xffff, v19  }
0x364: {  	v19 =	vld.idx.msk [tilespmem:v46+s1+$0x0], $0xffff;
	_ =	sdelay $0x4  }
0x365: {  	v22 =	vadd.s32 v45, v19;
	_ =	sdelay $0x4  }
0x366: {  	v24 =	vor.u32 v13, v23;
	v22 =	vld.idx.msk [tilespmem:v22+s22+$0x0], $0xffff  }
0x367: {  	v19 =	vadd.s32 v8, v19;
	_ =	sdelay $0x2  }
0x368: {  	v43 =	vld [tilespmem:$0x1FA60]  }
0x369: {  	[tilespmem:v24+s6+$0x0] =	vst.idx.msk $0xffff, v22  }
0x36a: {  	v19 =	vld.idx.msk [tilespmem:v19+s22+$0x0], $0xffff;
	_ =	sdelay $0x2  }
0x36b: {  	v48 =	vor.u32 s10, v43;
	_ =	sdelay $0x1  }
0x36c: {  	v19 =	vmul.f32 $1.000000000e+01, v19;
	_ =	sdelay $0x1  }
0x36d: {  	v5 =	vld [tilespmem:$0x1FF80];
	[tilespmem:v24+s23+$0x0] =	vst.idx.msk $0xffff, v19  }
0x36e: {  	v19 =	vld.idx.msk [tilespmem:v48+s1+$0x0], $0xffff;
	_ =	sdelay $0x4  }
0x36f: {  	v22 =	vadd.s32 v5, v19  }
0x370: {  	v5 =	vld [tilespmem:$0x1FFA0];
	_ =	sdelay $0x3  }
0x371: {  	v24 =	vor.u32 v58, v18;
	v22 =	vld.idx.msk [tilespmem:v22+s22+$0x0], $0xffff  }
0x372: {  	v19 =	vadd.s32 v5, v19;
	_ =	sdelay $0x2  }
0x373: {  	v58 =	vld [tilespmem:$0x1F620]  }
0x374: {  	[tilespmem:v24+s6+$0x0] =	vst.idx.msk $0xffff, v22  }
0x375: {  	v19 =	vld.idx.msk [tilespmem:v19+s22+$0x0], $0xffff;
	_ =	sdelay $0x2  }
0x376: {  	v60 =	vor.u32 s10, v58;
	_ =	sdelay $0x1  }
0x377: {  	v19 =	vmul.f32 $1.000000000e+01, v19;
	_ =	sdelay $0x1  }
0x378: {  	v5 =	vld [tilespmem:$0x1FFB0];
	[tilespmem:v24+s23+$0x0] =	vst.idx.msk $0xffff, v19  }
0x379: {  	v19 =	vld.idx.msk [tilespmem:v60+s1+$0x0], $0xffff;
	_ =	sdelay $0x4  }
0x37a: {  	v22 =	vadd.s32 v5, v19;
	v5 =	vld [tilespmem:$0x1FC90];
	_ =	sdelay $0x4  }
0x37b: {  	v24 =	vor.u32 v5, v18;
	v5 =	vld [tilespmem:$0x1FFC0];
	_ =	sdelay $0x3  }
0x37c: {  	v22 =	vld.idx.msk [tilespmem:v22+s22+$0x0], $0xffff  }
0x37d: {  	v19 =	vadd.s32 v5, v19;
	_ =	sdelay $0x2  }
0x37e: {  	v48 =	vld [tilespmem:$0x1F6A0]  }
0x37f: {  	[tilespmem:v24+s6+$0x0] =	vst.idx.msk $0xffff, v22  }
0x380: {  	v19 =	vld.idx.msk [tilespmem:v19+s22+$0x0], $0xffff;
	_ =	sdelay $0x2  }
0x381: {  	v33 =	vor.u32 s10, v48;
	_ =	sdelay $0x1  }
0x382: {  	v19 =	vmul.f32 $1.000000000e+01, v19;
	_ =	sdelay $0x1  }
0x383: {  	v2 =	vld [tilespmem:$0x1FCC0];
	[tilespmem:v24+s23+$0x0] =	vst.idx.msk $0xffff, v19  }
0x384: {  	v19 =	vld.idx.msk [tilespmem:v33+s1+$0x0], $0xffff;
	_ =	sdelay $0x4  }
0x385: {  	v22 =	vadd.s32 v2, v19  }
0x386: {  	v2 =	vld [tilespmem:$0x1FCE0];
	_ =	sdelay $0x3  }
0x387: {  	v24 =	vor.u32 v14, v23;
	v22 =	vld.idx.msk [tilespmem:v22+s22+$0x0], $0xffff  }
0x388: {  	v19 =	vadd.s32 v2, v19;
	_ =	sdelay $0x2  }
0x389: {  	v5 =	vld [tilespmem:$0x1FA80]  }
0x38a: {  	[tilespmem:v24+s6+$0x0] =	vst.idx.msk $0xffff, v22  }
0x38b: {  	v19 =	vld.idx.msk [tilespmem:v19+s22+$0x0], $0xffff;
	_ =	sdelay $0x2  }
0x38c: {  	v34 =	vor.u32 s10, v5;
	_ =	sdelay $0x1  }
0x38d: {  	v19 =	vmul.f32 $1.000000000e+01, v19;
	_ =	sdelay $0x1  }
0x38e: {  	v2 =	vld [tilespmem:$0x1FD00];
	[tilespmem:v24+s23+$0x0] =	vst.idx.msk $0xffff, v19  }
0x38f: {  	v19 =	vld.idx.msk [tilespmem:v34+s1+$0x0], $0xffff;
	_ =	sdelay $0x4  }
0x390: {  	v7 =	vld [tilespmem:$0x1FD20];
	v22 =	vadd.s32 v2, v19  }
0x391: {  	v2 =	vld [tilespmem:$0x1FD40];
	_ =	sdelay $0x3  }
0x392: {  	v24 =	vor.u32 v7, v18;
	v22 =	vld.idx.msk [tilespmem:v22+s22+$0x0], $0xffff  }
0x393: {  	v19 =	vadd.s32 v2, v19;
	_ =	sdelay $0x2  }
0x394: {  	v60 =	vld [tilespmem:$0x1F630]  }
0x395: {  	[tilespmem:v24+s6+$0x0] =	vst.idx.msk $0xffff, v22  }
0x396: {  	v19 =	vld.idx.msk [tilespmem:v19+s22+$0x0], $0xffff;
	_ =	sdelay $0x2  }
0x397: {  	v39 =	vor.u32 s10, v60;
	_ =	sdelay $0x1  }
0x398: {  	v19 =	vmul.f32 $1.000000000e+01, v19;
	_ =	sdelay $0x1  }
0x399: {  	v7 =	vld [tilespmem:$0x1FFD0];
	[tilespmem:v24+s23+$0x0] =	vst.idx.msk $0xffff, v19  }
0x39a: {  	v19 =	vld.idx.msk [tilespmem:v39+s1+$0x0], $0xffff;
	_ =	sdelay $0x4  }
0x39b: {  	v22 =	vadd.s32 v7, v19;
	v7 =	vld [tilespmem:$0x1FD70];
	_ =	sdelay $0x4  }
0x39c: {  	v24 =	vor.u32 v7, v18;
	v7 =	vld [tilespmem:$0x1FFE0];
	_ =	sdelay $0x3  }
0x39d: {  	v22 =	vld.idx.msk [tilespmem:v22+s22+$0x0], $0xffff  }
0x39e: {  	v19 =	vadd.s32 v7, v19;
	_ =	sdelay $0x2  }
0x39f: {  	v47 =	vmov v10;
	v10 =	vld [tilespmem:$0x1F6B0]  }
0x3a0: {  	[tilespmem:v24+s6+$0x0] =	vst.idx.msk $0xffff, v22  }
0x3a1: {  	v19 =	vld.idx.msk [tilespmem:v19+s22+$0x0], $0xffff;
	_ =	sdelay $0x2  }
0x3a2: {  	v46 =	vor.u32 s10, v10;
	_ =	sdelay $0x1  }
0x3a3: {  	v19 =	vmul.f32 $1.000000000e+01, v19;
	_ =	sdelay $0x1  }
0x3a4: {  	v2 =	vld [tilespmem:$0x1FDA0];
	[tilespmem:v24+s23+$0x0] =	vst.idx.msk $0xffff, v19  }
0x3a5: {  	v19 =	vld.idx.msk [tilespmem:v46+s1+$0x0], $0xffff;
	_ =	sdelay $0x4  }
0x3a6: {  	v22 =	vadd.s32 v2, v19  }
0x3a7: {  	v2 =	vld [tilespmem:$0x1FDC0];
	_ =	sdelay $0x3  }
0x3a8: {  	v23 =	vor.u32 v17, v23;
	v22 =	vld.idx.msk [tilespmem:v22+s22+$0x0], $0xffff  }
0x3a9: {  	v19 =	vadd.s32 v2, v19;
	_ =	sdelay $0x2  }
0x3aa: {  	v46 =	vld [tilespmem:$0x1FAA0]  }
0x3ab: {  	[tilespmem:v23+s6+$0x0] =	vst.idx.msk $0xffff, v22  }
0x3ac: {  	v19 =	vld.idx.msk [tilespmem:v19+s22+$0x0], $0xffff;
	_ =	sdelay $0x2  }
0x3ad: {  	v33 =	vor.u32 s10, v46;
	_ =	sdelay $0x1  }
0x3ae: {  	v19 =	vmul.f32 $1.000000000e+01, v19;
	_ =	sdelay $0x1  }
0x3af: {  	v2 =	vld [tilespmem:$0x1FDE0];
	[tilespmem:v23+s23+$0x0] =	vst.idx.msk $0xffff, v19  }
0x3b0: {  	v19 =	vld.idx.msk [tilespmem:v33+s1+$0x0], $0xffff;
	_ =	sdelay $0x4  }
0x3b1: {  	v22 =	vadd.s32 v2, v19;
	v2 =	vld [tilespmem:$0x1FDF0];
	_ =	sdelay $0x4  }
0x3b2: {  	v18 =	vor.u32 v2, v18;
	v2 =	vld [tilespmem:$0x1FE00];
	_ =	sdelay $0x3  }
0x3b3: {  	v22 =	vld.idx.msk [tilespmem:v22+s22+$0x0], $0xffff  }
0x3b4: {  	v19 =	vadd.s32 v2, v19;
	_ =	sdelay $0x3  }
0x3b5: {  	[tilespmem:v18+s6+$0x0] =	vst.idx.msk $0xffff, v22  }
0x3b6: {  	v19 =	vld.idx.msk [tilespmem:v19+s22+$0x0], $0xffff;
	_ =	sdelay $0x1  }
0x3b7: {  	v2 =	vlaneseq.u32  }
0x3b8: {  	v34 =	vor.u32 s10, v2;
	_ =	sdelay $0x1  }
0x3b9: {  	v19 =	vmul.f32 $1.000000000e+01, v19;
	_ =	sdelay $0x1  }
0x3ba: {  	[tilespmem:v18+s23+$0x0] =	vst.idx.msk $0xffff, v19  }
0x3bb: {  	v19 =	vld.idx.msk [tilespmem:v34+s1+$0x0], $0xffff;
	_ =	sdelay $0x1  }
0x3bc: {  	v34 =	vmul.u32 $0x8, v2;
	_ =	sdelay $0x1  }
0x3bd: {  	v7 =	vor.u32 $0x1800, v34  }
0x3be: {  	[tilespmem:$0x1F520] =	vst v7;
	v22 =	vadd.s32 v7, v19;
	v7 =	vld [tilespmem:$0x1FE20];
	_ =	sdelay $0x4  }
0x3bf: {  	v7 =	vmul.u32 $0x80, v7;
	_ =	sdelay $0x1  }
0x3c0: {  	v22 =	vld.idx.msk [tilespmem:v22+s22+$0x0], $0xffff;
	v29 =	vor.u32 v7, v21  }
0x3c1: {  	v26 =	vor.u32 v20, v29  }
0x3c2: {  	[tilespmem:$0x1F530] =	vst v7;
	v7 =	vor.u32 $0x10, v2;
	v39 =	vor.u32 v15, v26  }
0x3c3: {  	v33 =	vor.u32 s10, v7;
	_ =	sdelay $0x1  }
0x3c4: {  	v22 =	vmul.f32 $1.000000000e+03, v22;
	_ =	sdelay $0x1  }
0x3c5: {  	[tilespmem:v39+s24+$0x0] =	vst.idx.msk $0xffff, v22  }
0x3c6: {  	v22 =	vld.idx.msk [tilespmem:v33+s1+$0x0], $0xffff;
	_ =	sdelay $0x3  }
0x3c7: {  	[tilespmem:$0x1F540] =	vst v7;
	v7 =	vor.u32 $0x1880, v34  }
0x3c8: {  	v22 =	vadd.s32 v7, v22;
	_ =	sdelay $0x4  }
0x3c9: {  	v39 =	vld.idx.msk [tilespmem:v22+s22+$0x0], $0xffff;
	_ =	sdelay $0x1  }
0x3ca: {  	[tilespmem:$0x1F550] =	vst v7;
	v24 =	vor.u32 v13, v26;
	v7 =	vor.u32 $0x20, v2  }
0x3cb: {  	v25 =	vor.u32 s10, v7;
	_ =	sdelay $0x1  }
0x3cc: {  	v23 =	vmul.f32 $1.000000000e+03, v39;
	_ =	sdelay $0x1  }
0x3cd: {  	[tilespmem:v24+s24+$0x0] =	vst.idx.msk $0xffff, v23  }
0x3ce: {  	v24 =	vld.idx.msk [tilespmem:v25+s1+$0x0], $0xffff;
	_ =	sdelay $0x3  }
0x3cf: {  	[tilespmem:$0x1F560] =	vst v7;
	v7 =	vor.u32 $0x1900, v34  }
0x3d0: {  	v24 =	vadd.s32 v7, v24;
	_ =	sdelay $0x4  }
0x3d1: {  	v25 =	vld.idx.msk [tilespmem:v24+s22+$0x0], $0xffff;
	_ =	sdelay $0x1  }
0x3d2: {  	v27 =	vor.u32 v14, v26;
	[tilespmem:$0x1F570] =	vst v7;
	v7 =	vor.u32 $0x30, v2  }
0x3d3: {  	v30 =	vor.u32 s10, v7;
	_ =	sdelay $0x1  }
0x3d4: {  	v25 =	vmul.f32 $1.000000000e+03, v25;
	_ =	sdelay $0x1  }
0x3d5: {  	[tilespmem:v27+s24+$0x0] =	vst.idx.msk $0xffff, v25  }
0x3d6: {  	v27 =	vld.idx.msk [tilespmem:v30+s1+$0x0], $0xffff;
	_ =	sdelay $0x3  }
0x3d7: {  	[tilespmem:$0x1F580] =	vst v7;
	v7 =	vor.u32 $0x1980, v34  }
0x3d8: {  	v27 =	vadd.s32 v7, v27;
	_ =	sdelay $0x4  }
0x3d9: {  	v27 =	vld.idx.msk [tilespmem:v27+s22+$0x0], $0xffff;
	_ =	sdelay $0x1  }
0x3da: {  	[tilespmem:$0x1F590] =	vst v7;
	v30 =	vor.u32 v17, v26;
	v7 =	vor.u32 $0x40, v2  }
0x3db: {  	v31 =	vor.u32 s10, v7;
	_ =	sdelay $0x1  }
0x3dc: {  	v27 =	vmul.f32 $1.000000000e+03, v27;
	_ =	sdelay $0x1  }
0x3dd: {  	[tilespmem:v30+s24+$0x0] =	vst.idx.msk $0xffff, v27  }
0x3de: {  	v30 =	vld.idx.msk [tilespmem:v31+s1+$0x0], $0xffff;
	_ =	sdelay $0x3  }
0x3df: {  	[tilespmem:$0x1F5A0] =	vst v7;
	v7 =	vor.u32 $0x1A00, v34  }
0x3e0: {  	v30 =	vadd.s32 v7, v30;
	_ =	sdelay $0x4  }
0x3e1: {  	v30 =	vld.idx.msk [tilespmem:v30+s22+$0x0], $0xffff  }
0x3e2: {  	v26 =	vmov v36;
	v36 =	vor.u32 v28, v29  }
0x3e3: {  	v28 =	vor.u32 $0x50, v2;
	v29 =	vor.u32 v15, v36  }
0x3e4: {  	v31 =	vor.u32 s10, v28;
	_ =	sdelay $0x1  }
0x3e5: {  	v30 =	vmul.f32 $1.000000000e+03, v30;
	_ =	sdelay $0x1  }
0x3e6: {  	[tilespmem:v29+s24+$0x0] =	vst.idx.msk $0xffff, v30  }
0x3e7: {  	v30 =	vld.idx.msk [tilespmem:v31+s1+$0x0], $0xffff;
	_ =	sdelay $0x3  }
0x3e8: {  	v29 =	vor.u32 $0x1A80, v34  }
0x3e9: {  	v30 =	vadd.s32 v29, v30;
	_ =	sdelay $0x4  }
0x3ea: {  	v31 =	vld.idx.msk [tilespmem:v30+s22+$0x0], $0xffff;
	_ =	sdelay $0x1  }
0x3eb: {  	v20 =	vor.u32 v13, v36;
	v30 =	vor.u32 $0x60, v2  }
0x3ec: {  	v21 =	vor.u32 s10, v30;
	_ =	sdelay $0x1  }
0x3ed: {  	v31 =	vmul.f32 $1.000000000e+03, v31;
	_ =	sdelay $0x1  }
0x3ee: {  	[tilespmem:v20+s24+$0x0] =	vst.idx.msk $0xffff, v31  }
0x3ef: {  	v33 =	vld.idx.msk [tilespmem:v21+s1+$0x0], $0xffff;
	_ =	sdelay $0x3  }
0x3f0: {  	v31 =	vor.u32 $0x1B00, v34  }
0x3f1: {  	v33 =	vadd.s32 v31, v33;
	_ =	sdelay $0x4  }
0x3f2: {  	v22 =	vld.idx.msk [tilespmem:v33+s22+$0x0], $0xffff;
	_ =	sdelay $0x1  }
0x3f3: {  	v23 =	vor.u32 v14, v36;
	v33 =	vor.u32 $0x70, v2  }
0x3f4: {  	v20 =	vor.u32 s10, v33;
	_ =	sdelay $0x1  }
0x3f5: {  	v24 =	vmov v37;
	v37 =	vmul.f32 $1.000000000e+03, v22;
	_ =	sdelay $0x1  }
0x3f6: {  	[tilespmem:v23+s24+$0x0] =	vst.idx.msk $0xffff, v37  }
0x3f7: {  	v37 =	vld.idx.msk [tilespmem:v20+s1+$0x0], $0xffff;
	_ =	sdelay $0x3  }
0x3f8: {  	v34 =	vor.u32 $0x1B80, v34  }
0x3f9: {  	v37 =	vadd.s32 v34, v37;
	_ =	sdelay $0x4  }
0x3fa: {  	v37 =	vld.idx.msk [tilespmem:v37+s22+$0x0], $0xffff;
	_ =	sdelay $0x1  }
0x3fb: {  	v36 =	vor.u32 v17, v36;
	_ =	sdelay $0x2  }
0x3fc: {  	v37 =	vmul.f32 $1.000000000e+03, v37  }
0x3fd: {  	p0 =	seq.s32 s10, $0xF00  }
0x3fe: {  	s12 =	simm.s32 @!p0 $0x2200;
	s11 =	simm.s32 @!p0 $0x80;
	[tilespmem:v36+s24+$0x0] =	vst.idx.msk $0xffff, v37  }
0x3ff: {  	[tilespmem:s12], [sflag:$0x1] =	stream.indirect.gather @!p0 [hbm4b:s3+s11], $0x8, s29, s11, $0xb8;
	[tilespmem:$0xCA00] =	vst v63  }
0x400: {  	s12 =	simm.s32 @!p0 $0x2600  }
0x401: {  	[tilespmem:s12], [sflag:$0x1] =	stream.indirect.gather @!p0 [hbm4b:s4+s11], $0x8, s29, s11, $0xb8;
	[tilespmem:$0xCA00] =	vst v63  }
0x402: {  	s12 =	simm.s32 @!p0 $0x2A00  }
0x403: {  	[tilespmem:s12], [sflag:$0x1] =	stream.indirect.gather @!p0 [hbm4b:s5+s11], $0x8, s29, s11, $0xb8;
	[tilespmem:$0xCA00] =	vst v63  }
0x404: {  	s12 =	simm.s32 @!p0 $0x2E00  }
0x405: {  	[tilespmem:s12], [sflag:$0x1] =	stream.indirect.gather @!p0 [hbm4b:s7+s11], $0x8, s29, s11, $0xb8;
	[tilespmem:$0xCA00] =	vst v63  }
0x406: {  	s12 =	simm.s32 @!p0 $0x3200  }
0x407: {  	[tilespmem:s12], [sflag:$0x1] =	stream.indirect.gather @!p0 [hbm4b:s8+s11], $0x8, s29, s11, $0xb8;
	[tilespmem:$0xCA00] =	vst v63  }
0x408: {  	s12 =	simm.s32 @!p0 $0x3600  }
0x409: {  	[tilespmem:s12], [sflag:$0x1] =	stream.indirect.gather @!p0 [hbm4b:s9+s11], $0x8, s29, s11, $0xb8;
	[tilespmem:$0xCA00] =	vst v63  }
0x40a: {  	[tilespmem:$0x1F5B0] =	vst v7;
	s12 =	simm.s32 @!p0 $0x3A00  }
0x40b: {  	[tilespmem:s12], [sflag:$0x1] =	stream.indirect.gather @!p0 [hbm4b:s0+s11], $0x8, s29, s11, $0xb8;
	[tilespmem:$0xCA00] =	vst v63  }
0x40c: {  	_ =	swait.ge [sflag:s25], $0x400  }
0x40d: {  	[sflag:s25] =	ssyncset.done $0x0  }
0x40e: {  	[sflag:s25] =	ssyncadd.s32 $0xFFFFFC00  }
0x40f: {  	_ =	swait.ge [sflag:s25], $0x400  }
0x410: {  	[sflag:s25] =	ssyncset.done $0x0  }
0x411: {  	[sflag:s25] =	ssyncadd.s32 $0xFFFFFC00  }
0x412: {  	_ =	swait.ge [sflag:s25], $0x400  }
0x413: {  	[sflag:s25] =	ssyncset.done $0x0  }
0x414: {  	[sflag:s25] =	ssyncadd.s32 $0xFFFFFC00  }
0x415: {  	_ =	swait.ge [sflag:s25], $0x400  }
0x416: {  	[sflag:s25] =	ssyncset.done $0x0  }
0x417: {  	[sflag:s25] =	ssyncadd.s32 $0xFFFFFC00  }
0x418: {  	_ =	swait.ge [sflag:s25], $0x400  }
0x419: {  	[sflag:s25] =	ssyncset.done $0x0  }
0x41a: {  	[sflag:s25] =	ssyncadd.s32 $0xFFFFFC00  }
0x41b: {  	s11 =	sadd.s32 $0x80, s10;
	_ =	swait.ge [sflag:s25], $0x400  }
0x41c: {  	v21 =	vor.u32 s11, v44;
	[sflag:s25] =	ssyncset.done $0x0  }
0x41d: {  	[sflag:s25] =	ssyncadd.s32 $0xFFFFFC00  }
0x41e: {  	_ =	swait.ge [sflag:s25], $0x400  }
0x41f: {  	[sflag:s25] =	ssyncset.done $0x0  }
0x420: {  	[sflag:s25] =	ssyncadd.s32 $0xFFFFFC00  }
0x421: {  	v22 =	vld.idx.msk [tilespmem:v21+s1+$0x0], $0xffff;
	_ =	sdelay $0x4  }
0x422: {  	s13 =	sadd.s32 $0x10, s26;
	v23 =	vadd.s32 v41, v22  }
0x423: {  	v41 =	vmov s13  }
0x424: {  	v44 =	vshll.u32 v41, $0x3  }
0x425: {  	v37 =	vand.u32 $0x7FFFFC00, v44  }
0x426: {  	v36 =	vand.u32 $0x70, v41;
	v41 =	vadd.s32 v49, v37  }
0x427: {  	v19 =	vmovc v12;
	v12 =	vmovc v8;
	v8 =	vmov v62;
	v62 =	vmov v42;
	v42 =	vor.u32 v36, v41;
	v39 =	vld.idx.msk [tilespmem:v23+s30+$0x0], $0xffff  }
0x428: {  	v25 =	vmov v38;
	v38 =	vadd.s32 v47, v22;
	_ =	sdelay $0x2  }
0x429: {  	v7 =	vld [tilespmem:$0x1F640]  }
0x42a: {  	[tilespmem:v42+s6+$0x0] =	vst.idx.msk $0xffff, v39  }
0x42b: {  	v38 =	vld.idx.msk [tilespmem:v38+s30+$0x0], $0xffff;
	_ =	sdelay $0x2  }
0x42c: {  	v20 =	vor.u32 s11, v7;
	_ =	sdelay $0x1  }
0x42d: {  	v38 =	vmul.f32 $1.000000000e+01, v38;
	_ =	sdelay $0x1  }
0x42e: {  	[tilespmem:v42+s23+$0x0] =	vst.idx.msk $0xffff, v38  }
0x42f: {  	v38 =	vld.idx.msk [tilespmem:v20+s1+$0x0], $0xffff;
	_ =	sdelay $0x4  }
0x430: {  	v39 =	vadd.s32 v4, v38;
	_ =	sdelay $0x2  }
0x431: {  	v44 =	vadd.s32 v1, v37  }
0x432: {  	v7 =	vmov v45;
	v45 =	vor.u32 v36, v44  }
0x433: {  	v21 =	vor.u32 v15, v45;
	v39 =	vld.idx.msk [tilespmem:v39+s30+$0x0], $0xffff  }
0x434: {  	v38 =	vadd.s32 v53, v38;
	_ =	sdelay $0x2  }
0x435: {  	v23 =	vmov v1;
	v1 =	vld [tilespmem:$0x1F9C0]  }
0x436: {  	[tilespmem:v21+s6+$0x0] =	vst.idx.msk $0xffff, v39  }
0x437: {  	v38 =	vld.idx.msk [tilespmem:v38+s30+$0x0], $0xffff;
	_ =	sdelay $0x2  }
0x438: {  	v20 =	vmov v49;
	v49 =	vor.u32 s11, v1;
	_ =	sdelay $0x1  }
0x439: {  	v38 =	vmul.f32 $1.000000000e+01, v38;
	_ =	sdelay $0x1  }
0x43a: {  	[tilespmem:v21+s23+$0x0] =	vst.idx.msk $0xffff, v38  }
0x43b: {  	v38 =	vld.idx.msk [tilespmem:v49+s1+$0x0], $0xffff;
	_ =	sdelay $0x2  }
0x43c: {  	v1 =	vld [tilespmem:$0x1FE10];
	_ =	sdelay $0x1  }
0x43d: {  	v39 =	vadd.s32 v9, v38;
	_ =	sdelay $0x1  }
0x43e: {  	v27 =	vmov v3;
	v3 =	vmov v9;
	v9 =	vld [tilespmem:$0x1FFF0]  }
0x43f: {  	v18 =	vmov v46;
	v46 =	vadd.s32 v1, v37  }
0x440: {  	v22 =	vmov v47;
	v47 =	vor.u32 v36, v46  }
0x441: {  	v49 =	vor.u32 $0x1, v47;
	v39 =	vld.idx.msk [tilespmem:v39+s30+$0x0], $0xffff;
	_ =	sdelay $0x1  }
0x442: {  	v38 =	vadd.s32 v9, v38;
	_ =	sdelay $0x2  }
0x443: {  	[tilespmem:v49+s6+$0x0] =	vst.idx.msk $0xffff, v39;
	v39 =	vld [tilespmem:$0x1F5D0];
	_ =	sdelay $0x1  }
0x444: {  	v38 =	vld.idx.msk [tilespmem:v38+s30+$0x0], $0xffff;
	_ =	sdelay $0x2  }
0x445: {  	v39 =	vor.u32 s11, v39;
	_ =	sdelay $0x1  }
0x446: {  	v38 =	vmul.f32 $1.000000000e+01, v38;
	_ =	sdelay $0x1  }
0x447: {  	[tilespmem:v49+s23+$0x0] =	vst.idx.msk $0xffff, v38  }
0x448: {  	v38 =	vld.idx.msk [tilespmem:v39+s1+$0x0], $0xffff;
	_ =	sdelay $0x4  }
0x449: {  	v39 =	vadd.s32 v11, v38;
	_ =	sdelay $0x4  }
0x44a: {  	v49 =	vor.u32 $0x2, v42;
	v39 =	vld.idx.msk [tilespmem:v39+s30+$0x0], $0xffff  }
0x44b: {  	v38 =	vadd.s32 v62, v38;
	_ =	sdelay $0x2  }
0x44c: {  	v11 =	vld [tilespmem:$0x1F650]  }
0x44d: {  	[tilespmem:v49+s6+$0x0] =	vst.idx.msk $0xffff, v39  }
0x44e: {  	v38 =	vld.idx.msk [tilespmem:v38+s30+$0x0], $0xffff;
	_ =	sdelay $0x2  }
0x44f: {  	v39 =	vor.u32 s11, v11;
	_ =	sdelay $0x1  }
0x450: {  	v38 =	vmul.f32 $1.000000000e+01, v38;
	_ =	sdelay $0x1  }
0x451: {  	[tilespmem:v49+s23+$0x0] =	vst.idx.msk $0xffff, v38  }
0x452: {  	v38 =	vld.idx.msk [tilespmem:v39+s1+$0x0], $0xffff;
	_ =	sdelay $0x4  }
0x453: {  	v39 =	vadd.s32 v63, v38;
	_ =	sdelay $0x4  }
0x454: {  	v49 =	vor.u32 v13, v45;
	v39 =	vld.idx.msk [tilespmem:v39+s30+$0x0], $0xffff  }
0x455: {  	v38 =	vadd.s32 v51, v38;
	_ =	sdelay $0x2  }
0x456: {  	v11 =	vld [tilespmem:$0x1F9E0]  }
0x457: {  	[tilespmem:v49+s6+$0x0] =	vst.idx.msk $0xffff, v39  }
0x458: {  	v38 =	vld.idx.msk [tilespmem:v38+s30+$0x0], $0xffff;
	_ =	sdelay $0x2  }
0x459: {  	v39 =	vor.u32 s11, v11;
	_ =	sdelay $0x1  }
0x45a: {  	v38 =	vmul.f32 $1.000000000e+01, v38;
	_ =	sdelay $0x1  }
0x45b: {  	[tilespmem:v49+s23+$0x0] =	vst.idx.msk $0xffff, v38  }
0x45c: {  	v38 =	vld.idx.msk [tilespmem:v39+s1+$0x0], $0xffff;
	_ =	sdelay $0x4  }
0x45d: {  	v39 =	vadd.s32 v50, v38;
	_ =	sdelay $0x4  }
0x45e: {  	v49 =	vor.u32 $0x3, v47;
	v39 =	vld.idx.msk [tilespmem:v39+s30+$0x0], $0xffff  }
0x45f: {  	v38 =	vadd.s32 v52, v38;
	_ =	sdelay $0x2  }
0x460: {  	v11 =	vld [tilespmem:$0x1F5E0]  }
0x461: {  	[tilespmem:v49+s6+$0x0] =	vst.idx.msk $0xffff, v39  }
0x462: {  	v38 =	vld.idx.msk [tilespmem:v38+s30+$0x0], $0xffff;
	_ =	sdelay $0x2  }
0x463: {  	v39 =	vor.u32 s11, v11;
	_ =	sdelay $0x1  }
0x464: {  	v38 =	vmul.f32 $1.000000000e+01, v38;
	_ =	sdelay $0x1  }
0x465: {  	[tilespmem:v49+s23+$0x0] =	vst.idx.msk $0xffff, v38  }
0x466: {  	v38 =	vld.idx.msk [tilespmem:v39+s1+$0x0], $0xffff;
	_ =	sdelay $0x4  }
0x467: {  	v39 =	vadd.s32 v19, v38;
	_ =	sdelay $0x4  }
0x468: {  	v21 =	vmov v61;
	v49 =	vor.u32 $0x4, v42;
	v39 =	vld.idx.msk [tilespmem:v39+s30+$0x0], $0xffff  }
0x469: {  	v38 =	vadd.s32 v21, v38;
	_ =	sdelay $0x2  }
0x46a: {  	v11 =	vld [tilespmem:$0x1F660]  }
0x46b: {  	[tilespmem:v49+s6+$0x0] =	vst.idx.msk $0xffff, v39  }
0x46c: {  	v38 =	vld.idx.msk [tilespmem:v38+s30+$0x0], $0xffff;
	_ =	sdelay $0x2  }
0x46d: {  	v21 =	vor.u32 s11, v11;
	_ =	sdelay $0x1  }
0x46e: {  	v38 =	vmul.f32 $1.000000000e+01, v38;
	_ =	sdelay $0x1  }
0x46f: {  	[tilespmem:v49+s23+$0x0] =	vst.idx.msk $0xffff, v38  }
0x470: {  	v38 =	vld.idx.msk [tilespmem:v21+s1+$0x0], $0xffff;
	_ =	sdelay $0x4  }
0x471: {  	v39 =	vadd.s32 v56, v38;
	_ =	sdelay $0x4  }
0x472: {  	v49 =	vor.u32 v14, v45;
	v39 =	vld.idx.msk [tilespmem:v39+s30+$0x0], $0xffff  }
0x473: {  	v38 =	vadd.s32 v59, v38;
	_ =	sdelay $0x2  }
0x474: {  	v11 =	vld [tilespmem:$0x1FA00]  }
0x475: {  	[tilespmem:v49+s6+$0x0] =	vst.idx.msk $0xffff, v39  }
0x476: {  	v38 =	vld.idx.msk [tilespmem:v38+s30+$0x0], $0xffff;
	_ =	sdelay $0x2  }
0x477: {  	v21 =	vor.u32 s11, v11;
	_ =	sdelay $0x1  }
0x478: {  	v38 =	vmul.f32 $1.000000000e+01, v38;
	_ =	sdelay $0x1  }
0x479: {  	[tilespmem:v49+s23+$0x0] =	vst.idx.msk $0xffff, v38;
	v49 =	vld [tilespmem:$0x1FEF0]  }
0x47a: {  	v38 =	vld.idx.msk [tilespmem:v21+s1+$0x0], $0xffff;
	_ =	sdelay $0x4  }
0x47b: {  	v39 =	vadd.s32 v49, v38  }
0x47c: {  	v21 =	vld [tilespmem:$0x1FE70];
	_ =	sdelay $0x3  }
0x47d: {  	v49 =	vor.u32 $0x5, v47;
	v39 =	vld.idx.msk [tilespmem:v39+s30+$0x0], $0xffff  }
0x47e: {  	v38 =	vadd.s32 v21, v38;
	_ =	sdelay $0x2  }
0x47f: {  	v11 =	vld [tilespmem:$0x1F5F0]  }
0x480: {  	[tilespmem:v49+s6+$0x0] =	vst.idx.msk $0xffff, v39  }
0x481: {  	v38 =	vld.idx.msk [tilespmem:v38+s30+$0x0], $0xffff;
	_ =	sdelay $0x2  }
0x482: {  	v39 =	vor.u32 s11, v11;
	_ =	sdelay $0x1  }
0x483: {  	v38 =	vmul.f32 $1.000000000e+01, v38;
	_ =	sdelay $0x1  }
0x484: {  	v1 =	vld [tilespmem:$0x1FE80];
	[tilespmem:v49+s23+$0x0] =	vst.idx.msk $0xffff, v38  }
0x485: {  	v38 =	vld.idx.msk [tilespmem:v39+s1+$0x0], $0xffff;
	_ =	sdelay $0x4  }
0x486: {  	v39 =	vadd.s32 v1, v38  }
0x487: {  	v1 =	vld [tilespmem:$0x1FEA0];
	_ =	sdelay $0x3  }
0x488: {  	v42 =	vor.u32 $0x6, v42;
	v39 =	vld.idx.msk [tilespmem:v39+s30+$0x0], $0xffff  }
0x489: {  	v38 =	vadd.s32 v1, v38;
	_ =	sdelay $0x3  }
0x48a: {  	[tilespmem:v42+s6+$0x0] =	vst.idx.msk $0xffff, v39  }
0x48b: {  	v38 =	vld.idx.msk [tilespmem:v38+s30+$0x0], $0xffff;
	_ =	sdelay $0x2  }
0x48c: {  	v54 =	vor.u32 s11, v54;
	_ =	sdelay $0x1  }
0x48d: {  	v38 =	vmul.f32 $1.000000000e+01, v38;
	_ =	sdelay $0x1  }
0x48e: {  	v1 =	vld [tilespmem:$0x1FEB0];
	[tilespmem:v42+s23+$0x0] =	vst.idx.msk $0xffff, v38  }
0x48f: {  	v38 =	vld.idx.msk [tilespmem:v54+s1+$0x0], $0xffff;
	_ =	sdelay $0x4  }
0x490: {  	v39 =	vadd.s32 v1, v38;
	_ =	sdelay $0x4  }
0x491: {  	v54 =	vor.u32 v17, v45;
	v39 =	vld.idx.msk [tilespmem:v39+s30+$0x0], $0xffff  }
0x492: {  	v38 =	vadd.s32 v8, v38;
	_ =	sdelay $0x3  }
0x493: {  	[tilespmem:v54+s6+$0x0] =	vst.idx.msk $0xffff, v39  }
0x494: {  	v38 =	vld.idx.msk [tilespmem:v38+s30+$0x0], $0xffff;
	_ =	sdelay $0x1  }
0x495: {  	v21 =	vmov v35  }
0x496: {  	v21 =	vor.u32 s11, v21;
	_ =	sdelay $0x1  }
0x497: {  	v38 =	vmul.f32 $1.000000000e+01, v38;
	_ =	sdelay $0x1  }
0x498: {  	v1 =	vld [tilespmem:$0x1FEC0];
	[tilespmem:v54+s23+$0x0] =	vst.idx.msk $0xffff, v38  }
0x499: {  	v38 =	vld.idx.msk [tilespmem:v21+s1+$0x0], $0xffff;
	_ =	sdelay $0x4  }
0x49a: {  	v39 =	vadd.s32 v1, v38  }
0x49b: {  	v11 =	vmov v9;
	v9 =	vld [tilespmem:$0x1FEE0];
	_ =	sdelay $0x3  }
0x49c: {  	v42 =	vor.u32 $0x7, v47;
	v39 =	vld.idx.msk [tilespmem:v39+s30+$0x0], $0xffff  }
0x49d: {  	v38 =	vadd.s32 v9, v38;
	_ =	sdelay $0x3  }
0x49e: {  	[tilespmem:v42+s6+$0x0] =	vst.idx.msk $0xffff, v39  }
0x49f: {  	v38 =	vld.idx.msk [tilespmem:v38+s30+$0x0], $0xffff;
	_ =	sdelay $0x1  }
0x4a0: {  	v45 =	vmov v55  }
0x4a1: {  	v45 =	vor.u32 s11, v45;
	_ =	sdelay $0x1  }
0x4a2: {  	v38 =	vmul.f32 $1.000000000e+01, v38;
	_ =	sdelay $0x1  }
0x4a3: {  	v54 =	vld [tilespmem:$0x1FF20];
	[tilespmem:v42+s23+$0x0] =	vst.idx.msk $0xffff, v38  }
0x4a4: {  	v39 =	vld.idx.msk [tilespmem:v45+s1+$0x0], $0xffff;
	_ =	sdelay $0x4  }
0x4a5: {  	v21 =	vadd.s32 v54, v39  }
0x4a6: {  	v35 =	vld [tilespmem:$0x1FF10];
	_ =	sdelay $0x2  }
0x4a7: {  	v38 =	vor.u32 $0x8, v36  }
0x4a8: {  	v41 =	vor.u32 v38, v41;
	v42 =	vld.idx.msk [tilespmem:v21+s30+$0x0], $0xffff  }
0x4a9: {  	v39 =	vadd.s32 v35, v39;
	_ =	sdelay $0x3  }
0x4aa: {  	[tilespmem:v41+s6+$0x0] =	vst.idx.msk $0xffff, v42  }
0x4ab: {  	v39 =	vld.idx.msk [tilespmem:v39+s30+$0x0], $0xffff;
	_ =	sdelay $0x2  }
0x4ac: {  	v45 =	vor.u32 s11, v40;
	_ =	sdelay $0x1  }
0x4ad: {  	v39 =	vmul.f32 $1.000000000e+01, v39;
	_ =	sdelay $0x1  }
0x4ae: {  	[tilespmem:v41+s23+$0x0] =	vst.idx.msk $0xffff, v39  }
0x4af: {  	v39 =	vld.idx.msk [tilespmem:v45+s1+$0x0], $0xffff;
	_ =	sdelay $0x4  }
0x4b0: {  	v42 =	vadd.s32 v26, v39;
	_ =	sdelay $0x3  }
0x4b1: {  	v44 =	vor.u32 v38, v44  }
0x4b2: {  	v54 =	vor.u32 v15, v44;
	v42 =	vld.idx.msk [tilespmem:v42+s30+$0x0], $0xffff  }
0x4b3: {  	v39 =	vadd.s32 v24, v39;
	_ =	sdelay $0x3  }
0x4b4: {  	[tilespmem:v54+s6+$0x0] =	vst.idx.msk $0xffff, v42  }
0x4b5: {  	v39 =	vld.idx.msk [tilespmem:v39+s30+$0x0], $0xffff;
	_ =	sdelay $0x2  }
0x4b6: {  	v21 =	vor.u32 s11, v32;
	_ =	sdelay $0x1  }
0x4b7: {  	v39 =	vmul.f32 $1.000000000e+01, v39;
	_ =	sdelay $0x1  }
0x4b8: {  	[tilespmem:v54+s23+$0x0] =	vst.idx.msk $0xffff, v39  }
0x4b9: {  	v39 =	vld.idx.msk [tilespmem:v21+s1+$0x0], $0xffff;
	_ =	sdelay $0x4  }
0x4ba: {  	v42 =	vadd.s32 v25, v39  }
0x4bb: {  	v40 =	vld [tilespmem:$0x1FF40];
	_ =	sdelay $0x2  }
0x4bc: {  	v45 =	vor.u32 v38, v46  }
0x4bd: {  	v46 =	vor.u32 $0x1, v45;
	v42 =	vld.idx.msk [tilespmem:v42+s30+$0x0], $0xffff  }
0x4be: {  	v39 =	vadd.s32 v40, v39;
	_ =	sdelay $0x3  }
0x4bf: {  	[tilespmem:v46+s6+$0x0] =	vst.idx.msk $0xffff, v42  }
0x4c0: {  	v39 =	vld.idx.msk [tilespmem:v39+s30+$0x0], $0xffff;
	_ =	sdelay $0x2  }
0x4c1: {  	v35 =	vor.u32 s11, v57;
	_ =	sdelay $0x1  }
0x4c2: {  	v39 =	vmul.f32 $1.000000000e+01, v39;
	_ =	sdelay $0x1  }
0x4c3: {  	[tilespmem:v46+s23+$0x0] =	vst.idx.msk $0xffff, v39;
	v46 =	vld [tilespmem:$0x1FF50]  }
0x4c4: {  	v39 =	vld.idx.msk [tilespmem:v35+s1+$0x0], $0xffff;
	_ =	sdelay $0x4  }
0x4c5: {  	v42 =	vadd.s32 v46, v39  }
0x4c6: {  	v54 =	vld [tilespmem:$0x1FF70];
	_ =	sdelay $0x3  }
0x4c7: {  	v46 =	vor.u32 $0x2, v41;
	v42 =	vld.idx.msk [tilespmem:v42+s30+$0x0], $0xffff  }
0x4c8: {  	v39 =	vadd.s32 v54, v39;
	_ =	sdelay $0x3  }
0x4c9: {  	[tilespmem:v46+s6+$0x0] =	vst.idx.msk $0xffff, v42  }
0x4ca: {  	v39 =	vld.idx.msk [tilespmem:v39+s30+$0x0], $0xffff;
	_ =	sdelay $0x2  }
0x4cb: {  	v35 =	vor.u32 s11, v0;
	_ =	sdelay $0x1  }
0x4cc: {  	v39 =	vmul.f32 $1.000000000e+01, v39;
	_ =	sdelay $0x1  }
0x4cd: {  	[tilespmem:v46+s23+$0x0] =	vst.idx.msk $0xffff, v39  }
0x4ce: {  	v39 =	vld.idx.msk [tilespmem:v35+s1+$0x0], $0xffff;
	_ =	sdelay $0x4  }
0x4cf: {  	v42 =	vadd.s32 v7, v39;
	_ =	sdelay $0x4  }
0x4d0: {  	v54 =	vor.u32 v13, v44;
	v42 =	vld.idx.msk [tilespmem:v42+s30+$0x0], $0xffff  }
0x4d1: {  	v39 =	vadd.s32 v12, v39;
	_ =	sdelay $0x3  }
0x4d2: {  	[tilespmem:v54+s6+$0x0] =	vst.idx.msk $0xffff, v42  }
0x4d3: {  	v39 =	vld.idx.msk [tilespmem:v39+s30+$0x0], $0xffff;
	_ =	sdelay $0x2  }
0x4d4: {  	v21 =	vor.u32 s11, v43;
	_ =	sdelay $0x1  }
0x4d5: {  	v39 =	vmul.f32 $1.000000000e+01, v39;
	_ =	sdelay $0x1  }
0x4d6: {  	v47 =	vld [tilespmem:$0x1FF80];
	[tilespmem:v54+s23+$0x0] =	vst.idx.msk $0xffff, v39  }
0x4d7: {  	v39 =	vld.idx.msk [tilespmem:v21+s1+$0x0], $0xffff;
	_ =	sdelay $0x4  }
0x4d8: {  	v42 =	vadd.s32 v47, v39  }
0x4d9: {  	v49 =	vld [tilespmem:$0x1FFA0];
	_ =	sdelay $0x3  }
0x4da: {  	v35 =	vor.u32 $0x3, v45;
	v42 =	vld.idx.msk [tilespmem:v42+s30+$0x0], $0xffff  }
0x4db: {  	v39 =	vadd.s32 v49, v39;
	_ =	sdelay $0x3  }
0x4dc: {  	[tilespmem:v35+s6+$0x0] =	vst.idx.msk $0xffff, v42  }
0x4dd: {  	v39 =	vld.idx.msk [tilespmem:v39+s30+$0x0], $0xffff;
	_ =	sdelay $0x2  }
0x4de: {  	v49 =	vor.u32 s11, v58;
	_ =	sdelay $0x1  }
0x4df: {  	v39 =	vmul.f32 $1.000000000e+01, v39;
	_ =	sdelay $0x1  }
0x4e0: {  	v55 =	vmov v53;
	v53 =	vld [tilespmem:$0x1FFB0];
	[tilespmem:v35+s23+$0x0] =	vst.idx.msk $0xffff, v39  }
0x4e1: {  	v39 =	vld.idx.msk [tilespmem:v49+s1+$0x0], $0xffff;
	_ =	sdelay $0x4  }
0x4e2: {  	v42 =	vadd.s32 v53, v39  }
0x4e3: {  	v61 =	vld [tilespmem:$0x1FFC0];
	_ =	sdelay $0x3  }
0x4e4: {  	v54 =	vor.u32 $0x4, v41;
	v42 =	vld.idx.msk [tilespmem:v42+s30+$0x0], $0xffff  }
0x4e5: {  	v39 =	vadd.s32 v61, v39;
	_ =	sdelay $0x3  }
0x4e6: {  	[tilespmem:v54+s6+$0x0] =	vst.idx.msk $0xffff, v42  }
0x4e7: {  	v39 =	vld.idx.msk [tilespmem:v39+s30+$0x0], $0xffff;
	_ =	sdelay $0x2  }
0x4e8: {  	v21 =	vor.u32 s11, v48;
	_ =	sdelay $0x1  }
0x4e9: {  	v39 =	vmul.f32 $1.000000000e+01, v39;
	_ =	sdelay $0x1  }
0x4ea: {  	v0 =	vld [tilespmem:$0x1FCC0];
	[tilespmem:v54+s23+$0x0] =	vst.idx.msk $0xffff, v39  }
0x4eb: {  	v39 =	vld.idx.msk [tilespmem:v21+s1+$0x0], $0xffff;
	_ =	sdelay $0x4  }
0x4ec: {  	v42 =	vadd.s32 v0, v39  }
0x4ed: {  	v0 =	vld [tilespmem:$0x1FCE0];
	_ =	sdelay $0x3  }
0x4ee: {  	v35 =	vor.u32 v14, v44;
	v42 =	vld.idx.msk [tilespmem:v42+s30+$0x0], $0xffff  }
0x4ef: {  	v39 =	vadd.s32 v0, v39;
	_ =	sdelay $0x3  }
0x4f0: {  	[tilespmem:v35+s6+$0x0] =	vst.idx.msk $0xffff, v42  }
0x4f1: {  	v39 =	vld.idx.msk [tilespmem:v39+s30+$0x0], $0xffff;
	_ =	sdelay $0x2  }
0x4f2: {  	v47 =	vor.u32 s11, v5;
	_ =	sdelay $0x1  }
0x4f3: {  	v39 =	vmul.f32 $1.000000000e+01, v39;
	_ =	sdelay $0x1  }
0x4f4: {  	v0 =	vld [tilespmem:$0x1FD00];
	[tilespmem:v35+s23+$0x0] =	vst.idx.msk $0xffff, v39  }
0x4f5: {  	v39 =	vld.idx.msk [tilespmem:v47+s1+$0x0], $0xffff;
	_ =	sdelay $0x4  }
0x4f6: {  	v42 =	vadd.s32 v0, v39  }
0x4f7: {  	v0 =	vld [tilespmem:$0x1FD40];
	_ =	sdelay $0x3  }
0x4f8: {  	v48 =	vor.u32 $0x5, v45;
	v42 =	vld.idx.msk [tilespmem:v42+s30+$0x0], $0xffff  }
0x4f9: {  	v39 =	vadd.s32 v0, v39;
	_ =	sdelay $0x3  }
0x4fa: {  	[tilespmem:v48+s6+$0x0] =	vst.idx.msk $0xffff, v42  }
0x4fb: {  	v39 =	vld.idx.msk [tilespmem:v39+s30+$0x0], $0xffff;
	_ =	sdelay $0x2  }
0x4fc: {  	v49 =	vor.u32 s11, v60;
	_ =	sdelay $0x1  }
0x4fd: {  	v39 =	vmul.f32 $1.000000000e+01, v39;
	_ =	sdelay $0x1  }
0x4fe: {  	v53 =	vld [tilespmem:$0x1FFD0];
	[tilespmem:v48+s23+$0x0] =	vst.idx.msk $0xffff, v39  }
0x4ff: {  	v39 =	vld.idx.msk [tilespmem:v49+s1+$0x0], $0xffff;
	_ =	sdelay $0x4  }
0x500: {  	v42 =	vadd.s32 v53, v39  }
0x501: {  	v54 =	vld [tilespmem:$0x1FFE0];
	_ =	sdelay $0x3  }
0x502: {  	v41 =	vor.u32 $0x6, v41;
	v42 =	vld.idx.msk [tilespmem:v42+s30+$0x0], $0xffff  }
0x503: {  	v39 =	vadd.s32 v54, v39;
	_ =	sdelay $0x3  }
0x504: {  	[tilespmem:v41+s6+$0x0] =	vst.idx.msk $0xffff, v42  }
0x505: {  	v39 =	vld.idx.msk [tilespmem:v39+s30+$0x0], $0xffff;
	_ =	sdelay $0x1  }
0x506: {  	v0 =	vmov v10  }
0x507: {  	v61 =	vor.u32 s11, v0;
	_ =	sdelay $0x1  }
0x508: {  	v39 =	vmul.f32 $1.000000000e+01, v39;
	_ =	sdelay $0x1  }
0x509: {  	v0 =	vld [tilespmem:$0x1FDA0];
	[tilespmem:v41+s23+$0x0] =	vst.idx.msk $0xffff, v39  }
0x50a: {  	v39 =	vld.idx.msk [tilespmem:v61+s1+$0x0], $0xffff;
	_ =	sdelay $0x4  }
0x50b: {  	v5 =	vmov v20;
	v20 =	vadd.s32 v0, v39  }
0x50c: {  	v0 =	vld [tilespmem:$0x1FDC0];
	_ =	sdelay $0x3  }
0x50d: {  	v21 =	vor.u32 v17, v44;
	v41 =	vld.idx.msk [tilespmem:v20+s30+$0x0], $0xffff  }
0x50e: {  	v39 =	vadd.s32 v0, v39;
	_ =	sdelay $0x3  }
0x50f: {  	[tilespmem:v21+s6+$0x0] =	vst.idx.msk $0xffff, v41  }
0x510: {  	v39 =	vld.idx.msk [tilespmem:v39+s30+$0x0], $0xffff;
	_ =	sdelay $0x2  }
0x511: {  	v10 =	vmov v22;
	v22 =	vor.u32 s11, v18;
	_ =	sdelay $0x1  }
0x512: {  	v39 =	vmul.f32 $1.000000000e+01, v39;
	_ =	sdelay $0x1  }
0x513: {  	v0 =	vld [tilespmem:$0x1FDE0];
	[tilespmem:v21+s23+$0x0] =	vst.idx.msk $0xffff, v39  }
0x514: {  	v39 =	vld.idx.msk [tilespmem:v22+s1+$0x0], $0xffff;
	_ =	sdelay $0x4  }
0x515: {  	v41 =	vadd.s32 v0, v39  }
0x516: {  	v0 =	vld [tilespmem:$0x1FE00];
	_ =	sdelay $0x3  }
0x517: {  	v46 =	vmov v23;
	v23 =	vor.u32 $0x7, v45;
	v41 =	vld.idx.msk [tilespmem:v41+s30+$0x0], $0xffff  }
0x518: {  	v39 =	vadd.s32 v0, v39;
	_ =	sdelay $0x3  }
0x519: {  	[tilespmem:v23+s6+$0x0] =	vst.idx.msk $0xffff, v41  }
0x51a: {  	v39 =	vld.idx.msk [tilespmem:v39+s30+$0x0], $0xffff;
	_ =	sdelay $0x2  }
0x51b: {  	v35 =	vor.u32 s11, v2;
	_ =	sdelay $0x1  }
0x51c: {  	v39 =	vmul.f32 $1.000000000e+01, v39;
	_ =	sdelay $0x1  }
0x51d: {  	v0 =	vld [tilespmem:$0x1F520];
	[tilespmem:v23+s23+$0x0] =	vst.idx.msk $0xffff, v39  }
0x51e: {  	v39 =	vld.idx.msk [tilespmem:v35+s1+$0x0], $0xffff;
	_ =	sdelay $0x4  }
0x51f: {  	v18 =	vadd.s32 v0, v39;
	v0 =	vld [tilespmem:$0x1F530];
	_ =	sdelay $0x4  }
0x520: {  	v42 =	vmovc v62;
	v62 =	vmovc v8;
	v8 =	vmov v12;
	v12 =	vmov v19;
	v19 =	vor.u32 v0, v37;
	v0 =	vld [tilespmem:$0x1F540];
	_ =	sdelay $0x1  }
0x521: {  	v18 =	vld.idx.msk [tilespmem:v18+s30+$0x0], $0xffff  }
0x522: {  	v36 =	vor.u32 v36, v19  }
0x523: {  	v44 =	vor.u32 v15, v36  }
0x524: {  	v47 =	vor.u32 s11, v0;
	_ =	sdelay $0x1  }
0x525: {  	v18 =	vmul.f32 $1.000000000e+03, v18;
	_ =	sdelay $0x1  }
0x526: {  	v0 =	vld [tilespmem:$0x1F550];
	[tilespmem:v44+s24+$0x0] =	vst.idx.msk $0xffff, v18  }
0x527: {  	v18 =	vld.idx.msk [tilespmem:v47+s1+$0x0], $0xffff;
	_ =	sdelay $0x4  }
0x528: {  	v18 =	vadd.s32 v0, v18;
	_ =	sdelay $0x2  }
0x529: {  	v0 =	vld [tilespmem:$0x1F560];
	_ =	sdelay $0x1  }
0x52a: {  	v18 =	vld.idx.msk [tilespmem:v18+s30+$0x0], $0xffff;
	_ =	sdelay $0x1  }
0x52b: {  	v49 =	vor.u32 v13, v36  }
0x52c: {  	v53 =	vor.u32 s11, v0;
	_ =	sdelay $0x1  }
0x52d: {  	v18 =	vmul.f32 $1.000000000e+03, v18;
	_ =	sdelay $0x1  }
0x52e: {  	v0 =	vld [tilespmem:$0x1F570];
	[tilespmem:v49+s24+$0x0] =	vst.idx.msk $0xffff, v18  }
0x52f: {  	v18 =	vld.idx.msk [tilespmem:v53+s1+$0x0], $0xffff;
	_ =	sdelay $0x4  }
0x530: {  	v18 =	vadd.s32 v0, v18;
	_ =	sdelay $0x2  }
0x531: {  	v0 =	vld [tilespmem:$0x1F580];
	_ =	sdelay $0x1  }
0x532: {  	v18 =	vld.idx.msk [tilespmem:v18+s30+$0x0], $0xffff;
	_ =	sdelay $0x1  }
0x533: {  	v7 =	vmov v59;
	v59 =	vor.u32 v14, v36  }
0x534: {  	v61 =	vor.u32 s11, v0;
	_ =	sdelay $0x1  }
0x535: {  	v18 =	vmul.f32 $1.000000000e+03, v18;
	_ =	sdelay $0x1  }
0x536: {  	v0 =	vld [tilespmem:$0x1F590];
	[tilespmem:v59+s24+$0x0] =	vst.idx.msk $0xffff, v18  }
0x537: {  	v18 =	vld.idx.msk [tilespmem:v61+s1+$0x0], $0xffff;
	_ =	sdelay $0x4  }
0x538: {  	v18 =	vadd.s32 v0, v18;
	_ =	sdelay $0x2  }
0x539: {  	v2 =	vld [tilespmem:$0x1F5A0];
	_ =	sdelay $0x1  }
0x53a: {  	v18 =	vld.idx.msk [tilespmem:v18+s30+$0x0], $0xffff;
	_ =	sdelay $0x1  }
0x53b: {  	v35 =	vor.u32 v17, v36  }
0x53c: {  	v40 =	vor.u32 s11, v2;
	_ =	sdelay $0x1  }
0x53d: {  	v18 =	vmul.f32 $1.000000000e+03, v18;
	_ =	sdelay $0x1  }
0x53e: {  	v2 =	vld [tilespmem:$0x1F5B0];
	[tilespmem:v35+s24+$0x0] =	vst.idx.msk $0xffff, v18  }
0x53f: {  	v18 =	vld.idx.msk [tilespmem:v40+s1+$0x0], $0xffff;
	_ =	sdelay $0x4  }
0x540: {  	v18 =	vadd.s32 v2, v18;
	_ =	sdelay $0x4  }
0x541: {  	v18 =	vld.idx.msk [tilespmem:v18+s30+$0x0], $0xffff  }
0x542: {  	v19 =	vor.u32 v38, v19  }
0x543: {  	v44 =	vor.u32 v15, v19  }
0x544: {  	v47 =	vor.u32 s11, v28;
	_ =	sdelay $0x1  }
0x545: {  	v18 =	vmul.f32 $1.000000000e+03, v18;
	_ =	sdelay $0x1  }
0x546: {  	[tilespmem:v44+s24+$0x0] =	vst.idx.msk $0xffff, v18  }
0x547: {  	v18 =	vld.idx.msk [tilespmem:v47+s1+$0x0], $0xffff;
	_ =	sdelay $0x4  }
0x548: {  	v18 =	vadd.s32 v29, v18;
	_ =	sdelay $0x4  }
0x549: {  	v18 =	vld.idx.msk [tilespmem:v18+s30+$0x0], $0xffff;
	_ =	sdelay $0x1  }
0x54a: {  	v49 =	vor.u32 v13, v19  }
0x54b: {  	v53 =	vor.u32 s11, v30;
	_ =	sdelay $0x1  }
0x54c: {  	v18 =	vmul.f32 $1.000000000e+03, v18;
	_ =	sdelay $0x1  }
0x54d: {  	[tilespmem:v49+s24+$0x0] =	vst.idx.msk $0xffff, v18  }
0x54e: {  	v18 =	vld.idx.msk [tilespmem:v53+s1+$0x0], $0xffff;
	_ =	sdelay $0x4  }
0x54f: {  	v18 =	vadd.s32 v31, v18;
	_ =	sdelay $0x4  }
0x550: {  	v18 =	vld.idx.msk [tilespmem:v18+s30+$0x0], $0xffff;
	_ =	sdelay $0x1  }
0x551: {  	v59 =	vor.u32 v14, v19  }
0x552: {  	v61 =	vor.u32 s11, v33;
	_ =	sdelay $0x1  }
0x553: {  	v18 =	vmul.f32 $1.000000000e+03, v18  }
0x554: {  	v57 =	vld [tilespmem:$0x1FF30]  }
0x555: {  	v32 =	vld [tilespmem:$0x1FED0];
	[tilespmem:v59+s24+$0x0] =	vst.idx.msk $0xffff, v18  }
0x556: {  	v18 =	vld.idx.msk [tilespmem:v61+s1+$0x0], $0xffff  }
0x557: {  	v43 =	vld [tilespmem:$0x1FF50]  }
0x558: {  	v45 =	vmov v51;
	v51 =	vld [tilespmem:$0x1FE40]  }
0x559: {  	v58 =	vld [tilespmem:$0x1FF90]  }
0x55a: {  	v60 =	vld [tilespmem:$0x1FF60]  }
0x55b: {  	v48 =	vld [tilespmem:$0x1FEF0];
	v18 =	vadd.s32 v34, v18  }
0x55c: {  	v54 =	vmov v27;
	v27 =	vld [tilespmem:$0x1FE70]  }
0x55d: {  	v41 =	vld [tilespmem:$0x1FE50]  }
0x55e: {  	v39 =	vld [tilespmem:$0x1FE30]  }
0x55f: {  	v36 =	vmov v26;
	v26 =	vld [tilespmem:$0x1FE60]  }
0x560: {  	v18 =	vld.idx.msk [tilespmem:v18+s30+$0x0], $0xffff  }
0x561: {  	s10 =	sadd.s32 $0x100, s10;
	v28 =	vld [tilespmem:$0x1FE80]  }
0x562: {  	p0 =	sne.s32 s10, $0x1000;
	v30 =	vld [tilespmem:$0x1FEA0];
	v19 =	vor.u32 v17, v19  }
.Ltmp1:
0x563: {  	v33 =	vld [tilespmem:$0x1FF20];
	(pc) =	sbr.rel @p0 .LBB2_4-.Ltmp1, $4  }
0x564: {  	v0 =	vld [tilespmem:$0x1FF70]  }
0x565: {  	v29 =	vld [tilespmem:$0x1FE90];
	v18 =	vmul.f32 $1.000000000e+03, v18  }
0x566: {  	v31 =	vld [tilespmem:$0x1FEB0]  }
0x567: {  	s26 =	sadd.s32 $0x20, s26;
	s29 =	sadd.s32 $0x100, s29;
	v37 =	vmov v24;
	v38 =	vmov v25;
	v34 =	vld [tilespmem:$0x1FF00];
	[tilespmem:v19+s24+$0x0] =	vst.idx.msk $0xffff, v18  }
0x568: {  	s10 =	rddreg [dreg:$0xd]  }
0x569: {  	[hbm4b:s10+s2] =	stream.linear.scatter [tilespmem:s6], [sflag:$0x3], $0x1000, $0x38;
	[tilespmem:$0xCA00] =	vst v63  }
0x56a: {  	_ =	swait.ge [sflag:s19], $0x1000  }
0x56b: {  	[sflag:s19] =	ssyncset.done $0x0  }
0x56c: {  	s11 =	rddreg [dreg:$0xe];
	[sflag:s19] =	ssyncadd.s32 $0xFFFFF000  }
0x56d: {  	[hbm4b:s11+s2] =	stream.linear.scatter [tilespmem:s23], [sflag:$0x3], $0x1000, $0x38;
	[tilespmem:$0xCA00] =	vst v63  }
0x56e: {  	_ =	swait.ge [sflag:s19], $0x1000  }
0x56f: {  	[sflag:s19] =	ssyncset.done $0x0  }
0x570: {  	s11 =	simm.s32 $0x6A00;
	s12 =	rddreg [dreg:$0xf];
	[sflag:s19] =	ssyncadd.s32 $0xFFFFF000  }
0x571: {  	[hbm4b:s12+s2] =	stream.linear.scatter [tilespmem:s11], [sflag:$0x3], $0x1000, $0x38;
	[tilespmem:$0xCA00] =	vst v63  }
0x572: {  	_ =	swait.ge [sflag:s19], $0x1000  }
0x573: {  	[sflag:s19] =	ssyncset.done $0x0  }
0x574: {  	s13 =	simm.s32 $0x9A00;
	[sflag:s19] =	ssyncadd.s32 $0xFFFFF000  }
0x575: {  	[hbm4b:s14+s2] =	stream.linear.scatter [tilespmem:s13], [sflag:$0x3], $0x1000, $0x38;
	[tilespmem:$0xCA00] =	vst v63  }
0x576: {  	_ =	swait.ge [sflag:s19], $0x1000  }
0x577: {  	[sflag:s19] =	ssyncset.done $0x0  }
0x578: {  	s26 =	simm.s32 $0x7A00;
	[sflag:s19] =	ssyncadd.s32 $0xFFFFF000  }
0x579: {  	[hbm4b:s15+s2] =	stream.linear.scatter [tilespmem:s26], [sflag:$0x3], $0x1000, $0x38;
	[tilespmem:$0xCA00] =	vst v63  }
0x57a: {  	_ =	swait.ge [sflag:s19], $0x1000  }
0x57b: {  	[sflag:s19] =	ssyncset.done $0x0  }
0x57c: {  	s29 =	simm.s32 $0xAA00;
	[sflag:s19] =	ssyncadd.s32 $0xFFFFF000  }
0x57d: {  	[hbm4b:s16+s2] =	stream.linear.scatter [tilespmem:s29], [sflag:$0x3], $0x1000, $0x38;
	[tilespmem:$0xCA00] =	vst v63  }
0x57e: {  	s28 =	sadd.s32 $0x1, s28;
	_ =	swait.ge [sflag:s19], $0x1000  }
0x57f: {  	p0 =	sne.s32 s28, s18;
	[sflag:s19] =	ssyncset.done $0x0  }
.Ltmp2:
0x580: {  	[sflag:s19] =	ssyncadd.s32 $0xFFFFF000;
	(pc) =	sbr.rel @p0 .LBB2_1-.Ltmp2, $4  }
0x581: {  	[hbm4b:s17+s2] =	stream.linear.scatter [tilespmem:s24], [sflag:$0x3], $0x1000, $0x38;
	[tilespmem:$0xCA00] =	vst v63  }
0x582: {  	_ =	swait.ge [sflag:s19], $0x1000  }
0x583: {  	[sflag:s19] =	ssyncset.done $0x0  }
0x584: {  	[sflag:s19] =	ssyncadd.s32 $0xFFFFF000  }
0x585: {  	_ =	sfence.sel $0x180000  }
0x586: {  	[bflag:$0x0] =	sbarrier.arrive $0xFFFF  }
0x587: {  	_ =	strace $0x90000047  }
0x588: {  	s0 =	stileid.u32;
	[bflag:$0x2] =	sbarrier.arrive $0xFFFF  }
0x589: {  	p0 =	sne.s32 s0, $0x0;
	s0 =	rddreg [dreg:$0x5]  }
0x58a: {  	s0 =	sadd.s32 @!p0 $0x100000, s0  }
0x58b: {  	[sflag:s0] =	ssyncadd.tile.s32 @!p0 $0x1;
	_ =	shalt  }
.Lfunc_end2:
_tile_overlayer_lowered:
.L_overlay_start_2:
0x58c: {  	(tag) =	ssettag $0x2  }
0x58d: {  	s0 =	rddreg [dreg:$0x0];
	s2 =	stileid.u32  }
0x58e: {  	s1 =	rddreg [dreg:$0x1];
	p0 =	sne.s32 s2, $0x0  }
0x58f: {  	s3 =	rddreg [dreg:$0x2];
	[bflag:$0x3] =	sbarrier.arrive $0xFFFF;
	s2 =	simm.s32 @!p0 $0x1C03  }
0x590: {  	[timem:s3], [sflag:s2] =	dma.local @!p0 [hbm:s0], s1  }
0x591: {  	s0 =	simm.s32 @!p0 $0x3  }
0x592: {  	_ =	swait.ge @!p0 [sflag:s0], s1  }
0x593: {  	s1 =	ssub.s32 @!p0 $0x0, s1;
	[sflag:s0] =	ssyncset.done @!p0 $0x0  }
0x594: {  	[sflag:s0] =	ssyncadd.s32 @!p0 s1  }
0x595: {  	[bflag:$0x3] =	sbarrier.arrive $0xFFFF  }
0x596: {  	_ =	shalt  }

</sc_bundles>
